<compile_context>
chip_gen: v7x
topology: tpu7x:2x2x1
jax: 0.10.2.dev20260603
libtpu: 0.0.44.dev20260713+nightly
codegen_flags: <defaults>
</compile_context>

<pallas_src>
import jax
import jax.numpy as jnp
from jax import lax
from jax.experimental import pallas as pl
from jax.experimental.pallas import tpu as pltpu
from jax.experimental.pallas import tpu_sc as plsc

N = 10000
E = 320000
D = 128
H = 8
DH = 16
N1 = N + 1
NPAD = 10240
NACC = 10112
AW = 144
NC = 2
NS = 16
NW = NC * NS
C = 48
NBLK0 = 206
NBLK1 = 212
EPW0 = NBLK0 * C
EPW1 = NBLK1 * C
MPAD = NS * (EPW0 + EPW1)
ROWS_PER_SUB = NACC // NS

_POS = [2 * (((h & 1) << 2) | (h & 2) | ((h >> 2) & 1)) for h in range(H)]


def _proj_body(h_ref, wqt_ref, wkt_ref, wvt_ref, bq_ref, bk_ref, bv_ref,
               q_ref, kv_ref):
    hb = h_ref[...]
    qf = jnp.dot(hb, wqt_ref[...],
                 preferred_element_type=jnp.float32) + bq_ref[...]
    kf = jnp.dot(hb, wkt_ref[...],
                 preferred_element_type=jnp.float32) + bk_ref[...]
    vf = jnp.dot(hb, wvt_ref[...],
                 preferred_element_type=jnp.float32) + bv_ref[...]
    q_ref[...] = qf.astype(jnp.bfloat16)
    kv_ref[:, :D] = kf.astype(jnp.bfloat16)
    kv_ref[:, D:] = vf.astype(jnp.bfloat16)


def _project(x, wqt, wkt, wvt, bq, bk, bv):
    R = 512
    grid = (NPAD // R,)
    blk = pl.BlockSpec((R, D), lambda i: (i, 0))
    kvblk = pl.BlockSpec((R, 2 * D), lambda i: (i, 0))
    full = pl.BlockSpec((D, D), lambda i: (0, 0))
    brow = pl.BlockSpec((1, D), lambda i: (0, 0))
    return pl.pallas_call(
        _proj_body,
        grid=grid,
        in_specs=[blk, full, full, full, brow, brow, brow],
        out_specs=[blk, kvblk],
        out_shape=[jax.ShapeDtypeStruct((NPAD, D), jnp.bfloat16),
                   jax.ShapeDtypeStruct((NPAD, 2 * D), jnp.bfloat16)],
    )(x, wqt, wkt, wvt, bq, bk, bv)


def _edge_body(q_hbm, kv_hbm, src_hbm, dst_hbm, acc_hbm,
               srcv0, srcv1, dstv0, dstv1, sdst0, sdst1,
               kvb0, kvb1, qbb0, qbb1, msgb0, msgb1,
               acc_sh, gsem0, gsem1, ssem0, ssem1, isem0, isem1):
    srcv = (srcv0, srcv1)
    dstv = (dstv0, dstv1)
    sdst = (sdst0, sdst1)
    kvb = (kvb0, kvb1)
    qbb = (qbb0, qbb1)
    msgb = (msgb0, msgb1)
    gsem = (gsem0, gsem1)
    ssem = (ssem0, ssem1)
    isem = (isem0, isem1)

    cid = lax.axis_index("c")
    sid = lax.axis_index("s")
    nblk = jnp.where(cid == 0, NBLK0, NBLK1)
    ebase = jnp.where(cid == 0, sid * EPW0, NS * EPW0 + sid * EPW1)

    lane = lax.iota(jnp.int32, 16)
    lt8 = lane < 8
    lm4 = (lane & 4) == 0
    lm2 = (lane & 2) == 0
    lx4 = lane ^ 4
    lx2 = lane ^ 2
    lx1 = lane ^ 1
    perm = (((lane & 1) << 2) | (lane & 2) | ((lane >> 2) & 1)) << 1
    pairpos = [jnp.where(lane < 8, _POS[2 * h2], _POS[2 * h2 + 1])
               for h2 in range(H // 2)]

    gdn = lax.GatherDimensionNumbers(
        offset_dims=(), collapsed_slice_dims=(0,), start_index_map=(0,))

    def shuf(x, idx):
        return lax.gather(x, idx[:, None], gdn, (1,),
                          mode=lax.GatherScatterMode.PROMISE_IN_BOUNDS)

    def zero_row(e, _):
        for j in range(AW // 16):
            msgb0[e, pl.ds(j * 16, 16)] = jnp.zeros((16,), jnp.float32)
        return 0
    lax.fori_loop(0, C, zero_row, 0)

    rbase = sid * ROWS_PER_SUB

    def zero_acc(i, _):
        pltpu.sync_copy(msgb0, acc_sh.at[pl.ds(rbase + i * C, C)])
        return 0
    lax.fori_loop(0, ROWS_PER_SUB // C, zero_acc, 0)
    rem = ROWS_PER_SUB % C
    if rem:
        pltpu.sync_copy(
            msgb0.at[pl.ds(0, rem)],
            acc_sh.at[pl.ds(rbase + (ROWS_PER_SUB // C) * C, rem)])
    plsc.subcore_barrier()

    pltpu.sync_copy(src_hbm.at[pl.ds(ebase, C)], srcv[0])
    pltpu.sync_copy(dst_hbm.at[pl.ds(ebase, C)], dstv[0])
    pltpu.async_copy(kv_hbm.at[srcv[0]], kvb[0], gsem[0])
    pltpu.async_copy(q_hbm.at[dstv[0]], qbb[0], gsem[0])
    pltpu.async_copy(src_hbm.at[pl.ds(ebase + C, C)], srcv[1], isem[1])
    pltpu.async_copy(dst_hbm.at[pl.ds(ebase + C, C)], dstv[1], isem[1])

    def run_block(b, p, q):
        pltpu.make_async_copy(kv_hbm.at[srcv[p]], kvb[p], gsem[p]).wait()
        pltpu.make_async_copy(q_hbm.at[dstv[p]], qbb[p], gsem[p]).wait()
        for j in range(C // 16):
            sdst[p][pl.ds(j * 16, 16)] = dstv[p][pl.ds(j * 16, 16)]

        @pl.when(b >= 1)
        def _():
            pltpu.make_async_copy(msgb[q], acc_sh.at[sdst[q]],
                                  ssem[q]).wait()

        @pl.when(b + 1 < nblk)
        def _():
            pltpu.make_async_copy(
                src_hbm.at[pl.ds(ebase, C)], srcv[q], isem[q]).wait()
            pltpu.make_async_copy(
                dst_hbm.at[pl.ds(ebase, C)], dstv[q], isem[q]).wait()
            pltpu.async_copy(kv_hbm.at[srcv[q]], kvb[q], gsem[q])
            pltpu.async_copy(q_hbm.at[dstv[q]], qbb[q], gsem[q])

        @pl.when(b + 2 < nblk)
        def _():
            base2 = ebase + (b + 2) * C
            pltpu.async_copy(src_hbm.at[pl.ds(base2, C)], srcv[p], isem[p])
            pltpu.async_copy(dst_hbm.at[pl.ds(base2, C)], dstv[p], isem[p])

        kv = kvb[p]
        qb = qbb[p]
        msg = msgb[p]

        @plsc.parallel_loop(0, C, unroll=4)
        def edge_body(e):
            m = []
            for h2 in range(H // 2):
                k32 = kv[e, pl.ds(h2 * 32, 32)]
                q32 = qb[e, pl.ds(h2 * 32, 32)]
                ka, kb = plsc.unpack(k32, format=plsc.PackFormat.INTERLEAVED,
                                     preferred_element_type=jnp.float32)
                qa, qq = plsc.unpack(q32, format=plsc.PackFormat.INTERLEAVED,
                                     preferred_element_type=jnp.float32)
                m.append(ka * qa + kb * qq)
            u = [a + shuf(a, lx4) for a in m]
            w = [jnp.where(lm4, u[0], u[1]), jnp.where(lm4, u[2], u[3])]
            vv = [a + shuf(a, lx2) for a in w]
            x = jnp.where(lm2, vv[0], vv[1])
            y = x + shuf(x, lx1)
            scv = jnp.exp(jnp.clip(y * 0.25, -5.0, 5.0))
            for h2 in range(H // 2):
                v32 = kv[e, pl.ds(D + h2 * 32, 32)]
                va, vb = plsc.unpack(v32, format=plsc.PackFormat.INTERLEAVED,
                                     preferred_element_type=jnp.float32)
                sa = shuf(scv, pairpos[h2])
                msg[e, pl.ds(h2 * 32, 16)] = va * sa
                msg[e, pl.ds(h2 * 32 + 16, 16)] = vb * sa
            msg[e, pl.ds(D, 16)] = jnp.where(lt8, shuf(scv, perm), 0.0)

        pltpu.async_copy(msgb[p], acc_sh.at[sdst[p]], ssem[p], add=True)

    def outer_body(i2, _):
        run_block(i2 * 2, 0, 1)
        run_block(i2 * 2 + 1, 1, 0)
        return 0
    lax.fori_loop(0, nblk // 2, outer_body, 0)

    pltpu.make_async_copy(msgb[1], acc_sh.at[sdst[1]], ssem[1]).wait()

    plsc.subcore_barrier()
    pltpu.sync_copy(acc_sh.at[pl.ds(rbase, ROWS_PER_SUB)],
                    acc_hbm.at[cid, pl.ds(rbase, ROWS_PER_SUB)])


def _edge_phase(q, kv, src, dst):
    mesh = plsc.VectorSubcoreMesh(core_axis_name="c", subcore_axis_name="s")
    f = pl.kernel(
        _edge_body,
        out_type=jax.ShapeDtypeStruct((NC, NACC, AW), jnp.float32),
        mesh=mesh,
        compiler_params=pltpu.CompilerParams(use_tc_tiling_on_sc=False,
                                             needs_layout_passes=False),
        scratch_types=[
            pltpu.VMEM((C,), jnp.int32),
            pltpu.VMEM((C,), jnp.int32),
            pltpu.VMEM((C,), jnp.int32),
            pltpu.VMEM((C,), jnp.int32),
            pltpu.VMEM((C,), jnp.int32),
            pltpu.VMEM((C,), jnp.int32),
            pltpu.VMEM((C, 2 * D), jnp.bfloat16),
            pltpu.VMEM((C, 2 * D), jnp.bfloat16),
            pltpu.VMEM((C, D), jnp.bfloat16),
            pltpu.VMEM((C, D), jnp.bfloat16),
            pltpu.VMEM((C, AW), jnp.float32),
            pltpu.VMEM((C, AW), jnp.float32),
            pltpu.VMEM_SHARED((NACC, AW), jnp.float32),
            pltpu.SemaphoreType.DMA,
            pltpu.SemaphoreType.DMA,
            pltpu.SemaphoreType.DMA,
            pltpu.SemaphoreType.DMA,
            pltpu.SemaphoreType.DMA,
            pltpu.SemaphoreType.DMA,
        ],
    )
    return f(q, kv, src, dst)


def _merge_body(a0_ref, a1_ref, q_ref, k0_ref, v0_ref, o_ref):
    a0 = a0_ref[0]
    a1 = a1_ref[0]
    qb = q_ref[...].astype(jnp.float32)
    k0 = k0_ref[...]
    v0 = v0_ref[...]
    rowd = lax.broadcasted_iota(jnp.int32, (D, H), 0) // DH
    colh = lax.broadcasted_iota(jnp.int32, (D, H), 1)
    selT = (rowd == colh).astype(jnp.float32)
    s = jnp.dot(qb * k0, selT, preferred_element_type=jnp.float32)
    cls = jnp.exp(jnp.clip(s * 0.25, -5.0, 5.0))
    col = lax.broadcasted_iota(jnp.int32, (H, D), 1) // DH
    row = lax.broadcasted_iota(jnp.int32, (H, D), 0)
    sel = (col == row).astype(jnp.float32)
    clsx = jnp.dot(cls, sel, preferred_element_type=jnp.float32)
    si = lax.broadcasted_iota(jnp.int32, (D, D), 0)
    ni = lax.broadcasted_iota(jnp.int32, (D, D), 1)
    nat = (si // 32) * 32 + (si % 16) * 2 + (si // 16) % 2
    pmat = (ni == nat).astype(jnp.float32)
    wvs = a0[:, :D] + a1[:, :D]
    wv = jnp.dot(wvs, pmat, preferred_element_type=jnp.float32) + clsx * v0
    z = a0[:, D:D + H] + a1[:, D:D + H] + cls + 1e-6
    zx = jnp.dot(z, sel, preferred_element_type=jnp.float32)
    o_ref[...] = wv / zx


def _merge(acc, q, k0, v0, n_out):
    R = 400
    grid = (n_out // R,)
    a0blk = pl.BlockSpec((1, R, AW), lambda i: (0, i, 0))
    a1blk = pl.BlockSpec((1, R, AW), lambda i: (1, i, 0))
    qblk = pl.BlockSpec((R, D), lambda i: (i, 0))
    vrow = pl.BlockSpec((1, D), lambda i: (0, 0))
    oblk = pl.BlockSpec((R, D), lambda i: (i, 0))
    return pl.pallas_call(
        _merge_body,
        grid=grid,
        in_specs=[a0blk, a1blk, qblk, vrow, vrow],
        out_specs=oblk,
        out_shape=jax.ShapeDtypeStruct((n_out, D), jnp.float32),
    )(acc, acc, q, k0, v0)


def kernel(x, edge_index, batch, Wq, bq, Wk, bk, Wv, bv):
    num_node = batch.shape[0]
    q, kv = _project(x, Wq.T, Wk.T, Wv.T,
                     bq.reshape(1, D), bk.reshape(1, D), bv.reshape(1, D))

    idt = edge_index.dtype
    m = edge_index.shape[1]
    npad = MPAD - m
    pad_dst = (jnp.arange(npad, dtype=idt) % (NACC - num_node) + num_node)
    src = jnp.concatenate([edge_index[0], jnp.zeros((npad,), idt)])
    dst = jnp.concatenate([edge_index[1], pad_dst])

    acc = _edge_phase(q, kv, src, dst)
    return _merge(acc, q, bk.reshape(1, D), bv.reshape(1, D), num_node)

# --- scband reference (transcript-rebuilt; emitter-appended) ---
"""Pipeline reference for scband-gpptans-attention-38843684225059 (READ-ONLY COPY).

The authoritative reference and input builder live on the scoring server;
editing this copy changes nothing except your own understanding.
"""

import jax, jax.numpy as jnp
import numpy as np

N = 10000
E = 320000
D = 128
H = 8
DH = D // H  # 16


def setup_inputs(seed: int = 0) -> dict:
    key = jax.random.key(seed)
    ks = jax.random.split(key, 10)
    x = jax.random.normal(ks[0], (N, D), dtype=jnp.float32)
    edge_index = jax.random.randint(ks[1], (2, E), 0, N, dtype=jnp.int32)
    batch = jnp.zeros((N,), dtype=jnp.int32)
    Wq = jax.random.normal(ks[2], (D, D), dtype=jnp.float32) * 0.05
    bq = jnp.zeros((D,), dtype=jnp.float32)
    Wk = jax.random.normal(ks[3], (D, D), dtype=jnp.float32) * 0.05
    bk = jnp.zeros((D,), dtype=jnp.float32)
    Wv = jax.random.normal(ks[4], (D, D), dtype=jnp.float32) * 0.05
    bv = jnp.zeros((D,), dtype=jnp.float32)
    return {"x": x, "edge_index": edge_index, "batch": batch,
            "Wq": Wq, "bq": bq, "Wk": Wk, "bk": bk, "Wv": Wv, "bv": bv}


def reference(x, edge_index, batch, Wq, bq, Wk, bk, Wv, bv):
    num_node = batch.shape[0]
    d = x.shape[1]
    # prepend CLS token node
    cls_token = jnp.zeros((1, d), dtype=x.dtype)
    h = jnp.concatenate([cls_token, x], axis=0)  # [N+1, D]
    # cls -> all nodes edges; shift original edges by +1
    idt = edge_index.dtype
    cls_to_nodes = jnp.stack([
        jnp.zeros((num_node,), dtype=idt),
        jnp.arange(1, num_node + 1, dtype=idt)
    ], axis=0)
    ei = jnp.concatenate([cls_to_nodes, edge_index + 1], axis=1)  # [2, N+E]
    # projections
    Q_h = (h @ Wq.T + bq).reshape(-1, H, DH)
    K_h = (h @ Wk.T + bk).reshape(-1, H, DH)
    V_h = (h @ Wv.T + bv).reshape(-1, H, DH)
    # propagate attention
    src = K_h[ei[0]]    # gather [M, H, DH]
    dest = Q_h[ei[1]]   # gather [M, H, DH]
    score = (src * dest) / np.sqrt(DH)
    score = jnp.exp(jnp.clip(jnp.sum(score, axis=-1, keepdims=True), -5.0, 5.0))  # [M, H, 1]
    msg = V_h[ei[0]] * score  # [M, H, DH]
    wV = jnp.zeros_like(V_h).at[ei[1]].add(msg)                           # scatter-add
    Z = jnp.zeros((V_h.shape[0], H, 1), dtype=score.dtype).at[ei[1]].add(score)  # scatter-add
    h_out = wV / (Z + 1e-06)
    h_out = h_out.reshape(-1, H * DH)
    # drop CLS token row; (virt node slice h_out[num_node+1:] is empty here)
    return h_out[1:num_node + 1]

if __name__ == "__main__":
    import jax
    _d = setup_inputs()
    print(jax.jit(kernel)(*tuple(_d.values())))

</pallas_src>

<mosaic_0001>
#map = affine_map<(d0, d1) -> (0, 0)>
#map1 = affine_map<(d0, d1) -> (0)>
#map2 = affine_map<(d0, d1) -> (0, 0, 0)>
module attributes {stable_mosaic.version = 14 : i64} {
  func.func @_edge_body(%arg0: i32, %arg1: i32, %arg2: memref<10240x128xbf16, #tpu.memory_space<hbm>>, %arg3: memref<10240x256xbf16, #tpu.memory_space<hbm>>, %arg4: memref<321024xi32, #tpu.memory_space<hbm>>, %arg5: memref<321024xi32, #tpu.memory_space<hbm>>, %arg6: memref<2x10112x144xf32, #tpu.memory_space<hbm>>, %arg7: memref<48xi32, #tpu.memory_space<vmem>>, %arg8: memref<48xi32, #tpu.memory_space<vmem>>, %arg9: memref<48xi32, #tpu.memory_space<vmem>>, %arg10: memref<48xi32, #tpu.memory_space<vmem>>, %arg11: memref<48xi32, #tpu.memory_space<vmem>>, %arg12: memref<48xi32, #tpu.memory_space<vmem>>, %arg13: memref<48x256xbf16, #tpu.memory_space<vmem>>, %arg14: memref<48x256xbf16, #tpu.memory_space<vmem>>, %arg15: memref<48x128xbf16, #tpu.memory_space<vmem>>, %arg16: memref<48x128xbf16, #tpu.memory_space<vmem>>, %arg17: memref<48x144xf32, #tpu.memory_space<vmem>>, %arg18: memref<48x144xf32, #tpu.memory_space<vmem>>, %arg19: memref<10112x144xf32, #tpu.memory_space<vmem_shared>>, %arg20: memref<!tpu.dma_semaphore, #tpu.memory_space<semaphore_mem>>, %arg21: memref<!tpu.dma_semaphore, #tpu.memory_space<semaphore_mem>>, %arg22: memref<!tpu.dma_semaphore, #tpu.memory_space<semaphore_mem>>, %arg23: memref<!tpu.dma_semaphore, #tpu.memory_space<semaphore_mem>>, %arg24: memref<!tpu.dma_semaphore, #tpu.memory_space<semaphore_mem>>, %arg25: memref<!tpu.dma_semaphore, #tpu.memory_space<semaphore_mem>>) attributes {dimension_semantics = [#tpu.dimension_semantics<core_parallel>, #tpu.dimension_semantics<subcore_parallel>], iteration_bounds = array<i64: 2, 16>, scalar_prefetch = 0 : i64, scratch_operands = 19 : i64, tpu.core_type = #tpu.core_type<sc_vector_subcore>, window_params = [{transform_indices = #map}, {transform_indices = #map}, {transform_indices = #map1}, {transform_indices = #map1}, {transform_indices = #map2}]} {
    %eq3A = arith.constant 0 : i32
    %eq3A_0 = arith.cmpi eq, %arg0, %eq3A : i32
    %jit3A = arith.constant 206 : i32
    %jit3A_1 = arith.constant 212 : i32
    %select_n3A = arith.select %eq3A_0, %jit3A, %jit3A_1 : i32
    %eq3A_2 = arith.constant 0 : i32
    %eq3A_3 = arith.cmpi eq, %arg0, %eq3A_2 : i32
    %mul3A = arith.constant 9888 : i32
    %mul3A_4 = arith.muli %arg1, %mul3A : i32
    %mul3A_5 = arith.constant 10176 : i32
    %mul3A_6 = arith.muli %arg1, %mul3A_5 : i32
    %add3A = arith.constant 158208 : i32
    %add3A_7 = arith.addi %add3A, %mul3A_6 : i32
    %select_n3A_8 = arith.select %eq3A_3, %mul3A_4, %add3A_7 : i32
    %iota3A = tpu.iota {dimensions = array<i32: 0>} : vector<16xi32>
    %lt3A = arith.constant 8 : i32
    %lt3A_9 = vector.broadcast %lt3A : i32 to vector<16xi32>
    %lt3A_10 = arith.cmpi slt, %iota3A, %lt3A_9 : vector<16xi32>
    %and3A = arith.constant 4 : i32
    %and3A_11 = vector.broadcast %and3A : i32 to vector<16xi32>
    %and3A_12 = arith.andi %iota3A, %and3A_11 : vector<16xi32>
    %eq3A_13 = arith.constant 0 : i32
    %eq3A_14 = vector.broadcast %eq3A_13 : i32 to vector<16xi32>
    %eq3A_15 = arith.cmpi eq, %and3A_12, %eq3A_14 : vector<16xi32>
    %and3A_16 = arith.constant 2 : i32
    %and3A_17 = vector.broadcast %and3A_16 : i32 to vector<16xi32>
    %and3A_18 = arith.andi %iota3A, %and3A_17 : vector<16xi32>
    %eq3A_19 = arith.constant 0 : i32
    %eq3A_20 = vector.broadcast %eq3A_19 : i32 to vector<16xi32>
    %eq3A_21 = arith.cmpi eq, %and3A_18, %eq3A_20 : vector<16xi32>
    %xor3A = arith.constant 4 : i32
    %xor3A_22 = vector.broadcast %xor3A : i32 to vector<16xi32>
    %xor3A_23 = arith.xori %iota3A, %xor3A_22 : vector<16xi32>
    %xor3A_24 = arith.constant 2 : i32
    %xor3A_25 = vector.broadcast %xor3A_24 : i32 to vector<16xi32>
    %xor3A_26 = arith.xori %iota3A, %xor3A_25 : vector<16xi32>
    %xor3A_27 = arith.constant 1 : i32
    %xor3A_28 = vector.broadcast %xor3A_27 : i32 to vector<16xi32>
    %xor3A_29 = arith.xori %iota3A, %xor3A_28 : vector<16xi32>
    %and3A_30 = arith.constant 1 : i32
    %and3A_31 = vector.broadcast %and3A_30 : i32 to vector<16xi32>
    %and3A_32 = arith.andi %iota3A, %and3A_31 : vector<16xi32>
    %shift_left3A = arith.constant 2 : i32
    %shift_left3A_33 = vector.broadcast %shift_left3A : i32 to vector<16xi32>
    %shift_left3A_34 = arith.shli %and3A_32, %shift_left3A_33 : vector<16xi32>
    %and3A_35 = arith.constant 2 : i32
    %and3A_36 = vector.broadcast %and3A_35 : i32 to vector<16xi32>
    %and3A_37 = arith.andi %iota3A, %and3A_36 : vector<16xi32>
    %or3A = arith.ori %shift_left3A_34, %and3A_37 : vector<16xi32>
    %shift_right_arithmetic3A = arith.constant 2 : i32
    %shift_right_arithmetic3A_38 = vector.broadcast %shift_right_arithmetic3A : i32 to vector<16xi32>
    %shift_right_arithmetic3A_39 = arith.shrsi %iota3A, %shift_right_arithmetic3A_38 : vector<16xi32>
    %and3A_40 = arith.constant 1 : i32
    %and3A_41 = vector.broadcast %and3A_40 : i32 to vector<16xi32>
    %and3A_42 = arith.andi %shift_right_arithmetic3A_39, %and3A_41 : vector<16xi32>
    %or3A_43 = arith.ori %or3A, %and3A_42 : vector<16xi32>
    %shift_left3A_44 = arith.constant 1 : i32
    %shift_left3A_45 = vector.broadcast %shift_left3A_44 : i32 to vector<16xi32>
    %shift_left3A_46 = arith.shli %or3A_43, %shift_left3A_45 : vector<16xi32>
    %lt3A_47 = arith.constant 8 : i32
    %lt3A_48 = vector.broadcast %lt3A_47 : i32 to vector<16xi32>
    %lt3A_49 = arith.cmpi slt, %iota3A, %lt3A_48 : vector<16xi32>
    %jit3A_50 = arith.constant 0 : i32
    %jit3A_51 = arith.constant 8 : i32
    %broadcast_in_dim3A = vector.broadcast %jit3A_50 : i32 to vector<16xi32>
    %broadcast_in_dim3A_52 = vector.broadcast %jit3A_51 : i32 to vector<16xi32>
    %select_n3A_53 = arith.select %lt3A_49, %broadcast_in_dim3A, %broadcast_in_dim3A_52 : vector<16xi1>, vector<16xi32>
    %lt3A_54 = arith.constant 8 : i32
    %lt3A_55 = vector.broadcast %lt3A_54 : i32 to vector<16xi32>
    %lt3A_56 = arith.cmpi slt, %iota3A, %lt3A_55 : vector<16xi32>
    %jit3A_57 = arith.constant 4 : i32
    %jit3A_58 = arith.constant 12 : i32
    %broadcast_in_dim3A_59 = vector.broadcast %jit3A_57 : i32 to vector<16xi32>
    %broadcast_in_dim3A_60 = vector.broadcast %jit3A_58 : i32 to vector<16xi32>
    %select_n3A_61 = arith.select %lt3A_56, %broadcast_in_dim3A_59, %broadcast_in_dim3A_60 : vector<16xi1>, vector<16xi32>
    %lt3A_62 = arith.constant 8 : i32
    %lt3A_63 = vector.broadcast %lt3A_62 : i32 to vector<16xi32>
    %lt3A_64 = arith.cmpi slt, %iota3A, %lt3A_63 : vector<16xi32>
    %jit3A_65 = arith.constant 2 : i32
    %jit3A_66 = arith.constant 10 : i32
    %broadcast_in_dim3A_67 = vector.broadcast %jit3A_65 : i32 to vector<16xi32>
    %broadcast_in_dim3A_68 = vector.broadcast %jit3A_66 : i32 to vector<16xi32>
    %select_n3A_69 = arith.select %lt3A_64, %broadcast_in_dim3A_67, %broadcast_in_dim3A_68 : vector<16xi1>, vector<16xi32>
    %lt3A_70 = arith.constant 8 : i32
    %lt3A_71 = vector.broadcast %lt3A_70 : i32 to vector<16xi32>
    %lt3A_72 = arith.cmpi slt, %iota3A, %lt3A_71 : vector<16xi32>
    %jit3A_73 = arith.constant 6 : i32
    %jit3A_74 = arith.constant 14 : i32
    %broadcast_in_dim3A_75 = vector.broadcast %jit3A_73 : i32 to vector<16xi32>
    %broadcast_in_dim3A_76 = vector.broadcast %jit3A_74 : i32 to vector<16xi32>
    %select_n3A_77 = arith.select %lt3A_72, %broadcast_in_dim3A_75, %broadcast_in_dim3A_76 : vector<16xi1>, vector<16xi32>
    %scan3A = arith.constant 0 : i32
    %scan3A_78 = arith.constant 0 : i32
    %scan3A_79 = arith.constant 48 : i32
    %scan3A_80 = arith.addi %scan3A_78, %scan3A_79 : i32
    %scan3A_81 = arith.constant 1 : i32
    %scan3A_82 = scf.for %scan3A_141 = %scan3A_78 to %scan3A_80 step %scan3A_81 iter_args(%scan3A_142 = %scan3A) -> (i32)  : i32 {
      %broadcast_in_dim3A_143 = arith.constant 0.000000e+00 : f32
      %broadcast_in_dim3A_144 = vector.broadcast %broadcast_in_dim3A_143 : f32 to vector<16xf32>
      %swap3A = arith.index_cast %scan3A_141 : i32 to index
      %swap3A_145 = arith.constant 0 : index
      %swap3A_146 = tpu.vector_load %arg17[%swap3A, %swap3A_145] {strides = array<i32>} : memref<48x144xf32, #tpu.memory_space<vmem>>, vector<16xf32>,
      tpu.vector_store %arg17[%swap3A, %swap3A_145], %broadcast_in_dim3A_144 {strides = array<i32>} : memref<48x144xf32, #tpu.memory_space<vmem>>, vector<16xf32>,
      %broadcast_in_dim3A_147 = arith.constant 0.000000e+00 : f32
      %broadcast_in_dim3A_148 = vector.broadcast %broadcast_in_dim3A_147 : f32 to vector<16xf32>
      %swap3A_149 = arith.index_cast %scan3A_141 : i32 to index
      %swap3A_150 = arith.constant 16 : index
      %swap3A_151 = tpu.vector_load %arg17[%swap3A_149, %swap3A_150] {strides = array<i32>} : memref<48x144xf32, #tpu.memory_space<vmem>>, vector<16xf32>,
      tpu.vector_store %arg17[%swap3A_149, %swap3A_150], %broadcast_in_dim3A_148 {strides = array<i32>} : memref<48x144xf32, #tpu.memory_space<vmem>>, vector<16xf32>,
      %broadcast_in_dim3A_152 = arith.constant 0.000000e+00 : f32
      %broadcast_in_dim3A_153 = vector.broadcast %broadcast_in_dim3A_152 : f32 to vector<16xf32>
      %swap3A_154 = arith.index_cast %scan3A_141 : i32 to index
      %swap3A_155 = arith.constant 32 : index
      %swap3A_156 = tpu.vector_load %arg17[%swap3A_154, %swap3A_155] {strides = array<i32>} : memref<48x144xf32, #tpu.memory_space<vmem>>, vector<16xf32>,
      tpu.vector_store %arg17[%swap3A_154, %swap3A_155], %broadcast_in_dim3A_153 {strides = array<i32>} : memref<48x144xf32, #tpu.memory_space<vmem>>, vector<16xf32>,
      %broadcast_in_dim3A_157 = arith.constant 0.000000e+00 : f32
      %broadcast_in_dim3A_158 = vector.broadcast %broadcast_in_dim3A_157 : f32 to vector<16xf32>
      %swap3A_159 = arith.index_cast %scan3A_141 : i32 to index
      %swap3A_160 = arith.constant 48 : index
      %swap3A_161 = tpu.vector_load %arg17[%swap3A_159, %swap3A_160] {strides = array<i32>} : memref<48x144xf32, #tpu.memory_space<vmem>>, vector<16xf32>,
      tpu.vector_store %arg17[%swap3A_159, %swap3A_160], %broadcast_in_dim3A_158 {strides = array<i32>} : memref<48x144xf32, #tpu.memory_space<vmem>>, vector<16xf32>,
      %broadcast_in_dim3A_162 = arith.constant 0.000000e+00 : f32
      %broadcast_in_dim3A_163 = vector.broadcast %broadcast_in_dim3A_162 : f32 to vector<16xf32>
      %swap3A_164 = arith.index_cast %scan3A_141 : i32 to index
      %swap3A_165 = arith.constant 64 : index
      %swap3A_166 = tpu.vector_load %arg17[%swap3A_164, %swap3A_165] {strides = array<i32>} : memref<48x144xf32, #tpu.memory_space<vmem>>, vector<16xf32>,
      tpu.vector_store %arg17[%swap3A_164, %swap3A_165], %broadcast_in_dim3A_163 {strides = array<i32>} : memref<48x144xf32, #tpu.memory_space<vmem>>, vector<16xf32>,
      %broadcast_in_dim3A_167 = arith.constant 0.000000e+00 : f32
      %broadcast_in_dim3A_168 = vector.broadcast %broadcast_in_dim3A_167 : f32 to vector<16xf32>
      %swap3A_169 = arith.index_cast %scan3A_141 : i32 to index
      %swap3A_170 = arith.constant 80 : index
      %swap3A_171 = tpu.vector_load %arg17[%swap3A_169, %swap3A_170] {strides = array<i32>} : memref<48x144xf32, #tpu.memory_space<vmem>>, vector<16xf32>,
      tpu.vector_store %arg17[%swap3A_169, %swap3A_170], %broadcast_in_dim3A_168 {strides = array<i32>} : memref<48x144xf32, #tpu.memory_space<vmem>>, vector<16xf32>,
      %broadcast_in_dim3A_172 = arith.constant 0.000000e+00 : f32
      %broadcast_in_dim3A_173 = vector.broadcast %broadcast_in_dim3A_172 : f32 to vector<16xf32>
      %swap3A_174 = arith.index_cast %scan3A_141 : i32 to index
      %swap3A_175 = arith.constant 96 : index
      %swap3A_176 = tpu.vector_load %arg17[%swap3A_174, %swap3A_175] {strides = array<i32>} : memref<48x144xf32, #tpu.memory_space<vmem>>, vector<16xf32>,
      tpu.vector_store %arg17[%swap3A_174, %swap3A_175], %broadcast_in_dim3A_173 {strides = array<i32>} : memref<48x144xf32, #tpu.memory_space<vmem>>, vector<16xf32>,
      %broadcast_in_dim3A_177 = arith.constant 0.000000e+00 : f32
      %broadcast_in_dim3A_178 = vector.broadcast %broadcast_in_dim3A_177 : f32 to vector<16xf32>
      %swap3A_179 = arith.index_cast %scan3A_141 : i32 to index
      %swap3A_180 = arith.constant 112 : index
      %swap3A_181 = tpu.vector_load %arg17[%swap3A_179, %swap3A_180] {strides = array<i32>} : memref<48x144xf32, #tpu.memory_space<vmem>>, vector<16xf32>,
      tpu.vector_store %arg17[%swap3A_179, %swap3A_180], %broadcast_in_dim3A_178 {strides = array<i32>} : memref<48x144xf32, #tpu.memory_space<vmem>>, vector<16xf32>,
      %broadcast_in_dim3A_182 = arith.constant 0.000000e+00 : f32
      %broadcast_in_dim3A_183 = vector.broadcast %broadcast_in_dim3A_182 : f32 to vector<16xf32>
      %swap3A_184 = arith.index_cast %scan3A_141 : i32 to index
      %swap3A_185 = arith.constant 128 : index
      %swap3A_186 = tpu.vector_load %arg17[%swap3A_184, %swap3A_185] {strides = array<i32>} : memref<48x144xf32, #tpu.memory_space<vmem>>, vector<16xf32>,
      tpu.vector_store %arg17[%swap3A_184, %swap3A_185], %broadcast_in_dim3A_183 {strides = array<i32>} : memref<48x144xf32, #tpu.memory_space<vmem>>, vector<16xf32>,
      %scan3A_187 = arith.constant 0 : i32
      scf.yield %scan3A_187 : i32
    }
    %scan3A_83 = arith.constant 48 : i32
    %mul3A_84 = arith.constant 632 : i32
    %mul3A_85 = arith.muli %arg1, %mul3A_84 : i32
    %scan3A_86 = arith.constant 0 : i32
    %scan3A_87 = arith.constant 0 : i32
    %scan3A_88 = arith.constant 13 : i32
    %scan3A_89 = arith.addi %scan3A_87, %scan3A_88 : i32
    %scan3A_90 = arith.constant 1 : i32
    %scan3A_91 = scf.for %scan3A_141 = %scan3A_87 to %scan3A_89 step %scan3A_90 iter_args(%scan3A_142 = %scan3A_86) -> (i32)  : i32 {
      %mul3A_143 = arith.constant 48 : i32
      %mul3A_144 = arith.muli %scan3A_141, %mul3A_143 : i32
      %add3A_145 = arith.addi %mul3A_85, %mul3A_144 : i32
      "tpu.region"() ({
        %run_scoped3A = tpu.sem_alloc : memref<!tpu.dma_semaphore, #tpu.memory_space<semaphore_mem>>
        %dma_start3A_147 = arith.constant 0 : i32
        %dma_start3A_148 = tpu.memref_slice %arg19[%add3A_145, %dma_start3A_147] : memref<10112x144xf32, #tpu.memory_space<vmem_shared>> -> memref<48x144xf32, #tpu.memory_space<vmem_shared>>
        %dma_start3A_149 = arith.constant 0 : i32
        %dma_start3A_150 = tpu.memref_slice %arg19[%add3A_145, %dma_start3A_149] : memref<10112x144xf32, #tpu.memory_space<vmem_shared>> -> memref<48x144xf32, #tpu.memory_space<vmem_shared>>
        tpu.enqueue_dma source(%arg17 : memref<48x144xf32, #tpu.memory_space<vmem>>) target(%dma_start3A_150 : memref<48x144xf32, #tpu.memory_space<vmem_shared>>) target_semaphore(%run_scoped3A : memref<!tpu.dma_semaphore, #tpu.memory_space<semaphore_mem>>)
        %dma_wait3A_151 = arith.constant 0 : i32
        %dma_wait3A_152 = tpu.memref_slice %arg19[%add3A_145, %dma_wait3A_151] : memref<10112x144xf32, #tpu.memory_space<vmem_shared>> -> memref<48x144xf32, #tpu.memory_space<vmem_shared>>
        %dma_wait3A_153 = arith.constant 0 : i32
        %dma_wait3A_154 = tpu.memref_slice %arg19[%add3A_145, %dma_wait3A_153] : memref<10112x144xf32, #tpu.memory_space<vmem_shared>> -> memref<48x144xf32, #tpu.memory_space<vmem_shared>>
        tpu.wait_dma2 semaphore(%run_scoped3A : memref<!tpu.dma_semaphore, #tpu.memory_space<semaphore_mem>>) src(%arg17 : memref<48x144xf32, #tpu.memory_space<vmem>>) dst(%dma_wait3A_154 : memref<48x144xf32, #tpu.memory_space<vmem_shared>>)
        tpu.yield
      }) : () -> ()
      %scan3A_146 = arith.constant 0 : i32
      scf.yield %scan3A_146 : i32
    }
    %scan3A_92 = arith.constant 13 : i32
    %add3A_93 = arith.constant 624 : i32
    %add3A_94 = arith.addi %mul3A_85, %add3A_93 : i32
    "tpu.region"() ({
      %run_scoped3A = tpu.sem_alloc : memref<!tpu.dma_semaphore, #tpu.memory_space<semaphore_mem>>
      %dma_start3A_141 = arith.constant 0 : i32
      %dma_start3A_142 = arith.constant 0 : i32
      %dma_start3A_143 = tpu.memref_slice %arg17[%dma_start3A_141, %dma_start3A_142] : memref<48x144xf32, #tpu.memory_space<vmem>> -> memref<8x144xf32, #tpu.memory_space<vmem>>
      %dma_start3A_144 = arith.constant 0 : i32
      %dma_start3A_145 = tpu.memref_slice %arg19[%add3A_94, %dma_start3A_144] : memref<10112x144xf32, #tpu.memory_space<vmem_shared>> -> memref<8x144xf32, #tpu.memory_space<vmem_shared>>
      %dma_start3A_146 = arith.constant 0 : i32
      %dma_start3A_147 = tpu.memref_slice %arg19[%add3A_94, %dma_start3A_146] : memref<10112x144xf32, #tpu.memory_space<vmem_shared>> -> memref<8x144xf32, #tpu.memory_space<vmem_shared>>
      %dma_start3A_148 = arith.constant 0 : i32
      %dma_start3A_149 = arith.constant 0 : i32
      %dma_start3A_150 = tpu.memref_slice %arg17[%dma_start3A_148, %dma_start3A_149] : memref<48x144xf32, #tpu.memory_space<vmem>> -> memref<8x144xf32, #tpu.memory_space<vmem>>
      tpu.enqueue_dma source(%dma_start3A_150 : memref<8x144xf32, #tpu.memory_space<vmem>>) target(%dma_start3A_147 : memref<8x144xf32, #tpu.memory_space<vmem_shared>>) target_semaphore(%run_scoped3A : memref<!tpu.dma_semaphore, #tpu.memory_space<semaphore_mem>>)
      %dma_wait3A_151 = arith.constant 0 : i32
      %dma_wait3A_152 = arith.constant 0 : i32
      %dma_wait3A_153 = tpu.memref_slice %arg17[%dma_wait3A_151, %dma_wait3A_152] : memref<48x144xf32, #tpu.memory_space<vmem>> -> memref<8x144xf32, #tpu.memory_space<vmem>>
      %dma_wait3A_154 = arith.constant 0 : i32
      %dma_wait3A_155 = tpu.memref_slice %arg19[%add3A_94, %dma_wait3A_154] : memref<10112x144xf32, #tpu.memory_space<vmem_shared>> -> memref<8x144xf32, #tpu.memory_space<vmem_shared>>
      %dma_wait3A_156 = arith.constant 0 : i32
      %dma_wait3A_157 = tpu.memref_slice %arg19[%add3A_94, %dma_wait3A_156] : memref<10112x144xf32, #tpu.memory_space<vmem_shared>> -> memref<8x144xf32, #tpu.memory_space<vmem_shared>>
      %dma_wait3A_158 = arith.constant 0 : i32
      %dma_wait3A_159 = arith.constant 0 : i32
      %dma_wait3A_160 = tpu.memref_slice %arg17[%dma_wait3A_158, %dma_wait3A_159] : memref<48x144xf32, #tpu.memory_space<vmem>> -> memref<8x144xf32, #tpu.memory_space<vmem>>
      tpu.wait_dma2 semaphore(%run_scoped3A : memref<!tpu.dma_semaphore, #tpu.memory_space<semaphore_mem>>) src(%dma_wait3A_160 : memref<8x144xf32, #tpu.memory_space<vmem>>) dst(%dma_wait3A_157 : memref<8x144xf32, #tpu.memory_space<vmem_shared>>)
      tpu.yield
    }) : () -> ()
    %barrier3A = arith.constant 0 : index
    tpu.barrier barrier_id(%barrier3A)
    "tpu.region"() ({
      %run_scoped3A = tpu.sem_alloc : memref<!tpu.dma_semaphore, #tpu.memory_space<semaphore_mem>>
      %dma_start3A_141 = tpu.memref_slice %arg4[%select_n3A_8] : memref<321024xi32, #tpu.memory_space<hbm>> -> memref<48xi32, #tpu.memory_space<hbm>>
      %dma_start3A_142 = tpu.memref_slice %arg4[%select_n3A_8] : memref<321024xi32, #tpu.memory_space<hbm>> -> memref<48xi32, #tpu.memory_space<hbm>>
      tpu.enqueue_dma source(%dma_start3A_142 : memref<48xi32, #tpu.memory_space<hbm>>) target(%arg7 : memref<48xi32, #tpu.memory_space<vmem>>) target_semaphore(%run_scoped3A : memref<!tpu.dma_semaphore, #tpu.memory_space<semaphore_mem>>)
      %dma_wait3A_143 = tpu.memref_slice %arg4[%select_n3A_8] : memref<321024xi32, #tpu.memory_space<hbm>> -> memref<48xi32, #tpu.memory_space<hbm>>
      %dma_wait3A_144 = tpu.memref_slice %arg4[%select_n3A_8] : memref<321024xi32, #tpu.memory_space<hbm>> -> memref<48xi32, #tpu.memory_space<hbm>>
      tpu.wait_dma2 semaphore(%run_scoped3A : memref<!tpu.dma_semaphore, #tpu.memory_space<semaphore_mem>>) src(%dma_wait3A_144 : memref<48xi32, #tpu.memory_space<hbm>>) dst(%arg7 : memref<48xi32, #tpu.memory_space<vmem>>)
      tpu.yield
    }) : () -> ()
    "tpu.region"() ({
      %run_scoped3A = tpu.sem_alloc : memref<!tpu.dma_semaphore, #tpu.memory_space<semaphore_mem>>
      %dma_start3A_141 = tpu.memref_slice %arg5[%select_n3A_8] : memref<321024xi32, #tpu.memory_space<hbm>> -> memref<48xi32, #tpu.memory_space<hbm>>
      %dma_start3A_142 = tpu.memref_slice %arg5[%select_n3A_8] : memref<321024xi32, #tpu.memory_space<hbm>> -> memref<48xi32, #tpu.memory_space<hbm>>
      tpu.enqueue_dma source(%dma_start3A_142 : memref<48xi32, #tpu.memory_space<hbm>>) target(%arg9 : memref<48xi32, #tpu.memory_space<vmem>>) target_semaphore(%run_scoped3A : memref<!tpu.dma_semaphore, #tpu.memory_space<semaphore_mem>>)
      %dma_wait3A_143 = tpu.memref_slice %arg5[%select_n3A_8] : memref<321024xi32, #tpu.memory_space<hbm>> -> memref<48xi32, #tpu.memory_space<hbm>>
      %dma_wait3A_144 = tpu.memref_slice %arg5[%select_n3A_8] : memref<321024xi32, #tpu.memory_space<hbm>> -> memref<48xi32, #tpu.memory_space<hbm>>
      tpu.wait_dma2 semaphore(%run_scoped3A : memref<!tpu.dma_semaphore, #tpu.memory_space<semaphore_mem>>) src(%dma_wait3A_144 : memref<48xi32, #tpu.memory_space<hbm>>) dst(%arg9 : memref<48xi32, #tpu.memory_space<vmem>>)
      tpu.yield
    }) : () -> ()
    %dma_start3A = arith.constant 0 : i32
    %dma_start3A_95 = arith.constant 0 : i32
    %dma_start3A_96 = tpu.memref_slice %arg3[%dma_start3A, %dma_start3A_95] : memref<10240x256xbf16, #tpu.memory_space<hbm>> -> memref<10240x256xbf16, #tpu.memory_space<hbm>>
    tpu.enqueue_indirect_dma source(%dma_start3A_96 : memref<10240x256xbf16, #tpu.memory_space<hbm>>) target(%arg13 : memref<48x256xbf16, #tpu.memory_space<vmem>>) offsets(%arg7 : memref<48xi32, #tpu.memory_space<vmem>>) semaphore(%arg20 : memref<!tpu.dma_semaphore, #tpu.memory_space<semaphore_mem>>)
    %dma_start3A_97 = arith.constant 0 : i32
    %dma_start3A_98 = arith.constant 0 : i32
    %dma_start3A_99 = tpu.memref_slice %arg2[%dma_start3A_97, %dma_start3A_98] : memref<10240x128xbf16, #tpu.memory_space<hbm>> -> memref<10240x128xbf16, #tpu.memory_space<hbm>>
    tpu.enqueue_indirect_dma source(%dma_start3A_99 : memref<10240x128xbf16, #tpu.memory_space<hbm>>) target(%arg15 : memref<48x128xbf16, #tpu.memory_space<vmem>>) offsets(%arg9 : memref<48xi32, #tpu.memory_space<vmem>>) semaphore(%arg20 : memref<!tpu.dma_semaphore, #tpu.memory_space<semaphore_mem>>)
    %add3A_100 = arith.constant 48 : i32
    %add3A_101 = arith.addi %select_n3A_8, %add3A_100 : i32
    %dma_start3A_102 = tpu.memref_slice %arg4[%add3A_101] : memref<321024xi32, #tpu.memory_space<hbm>> -> memref<48xi32, #tpu.memory_space<hbm>>
    %dma_start3A_103 = tpu.memref_slice %arg4[%add3A_101] : memref<321024xi32, #tpu.memory_space<hbm>> -> memref<48xi32, #tpu.memory_space<hbm>>
    tpu.enqueue_dma source(%dma_start3A_103 : memref<48xi32, #tpu.memory_space<hbm>>) target(%arg8 : memref<48xi32, #tpu.memory_space<vmem>>) target_semaphore(%arg25 : memref<!tpu.dma_semaphore, #tpu.memory_space<semaphore_mem>>)
    %add3A_104 = arith.constant 48 : i32
    %add3A_105 = arith.addi %select_n3A_8, %add3A_104 : i32
    %dma_start3A_106 = tpu.memref_slice %arg5[%add3A_105] : memref<321024xi32, #tpu.memory_space<hbm>> -> memref<48xi32, #tpu.memory_space<hbm>>
    %dma_start3A_107 = tpu.memref_slice %arg5[%add3A_105] : memref<321024xi32, #tpu.memory_space<hbm>> -> memref<48xi32, #tpu.memory_space<hbm>>
    tpu.enqueue_dma source(%dma_start3A_107 : memref<48xi32, #tpu.memory_space<hbm>>) target(%arg10 : memref<48xi32, #tpu.memory_space<vmem>>) target_semaphore(%arg25 : memref<!tpu.dma_semaphore, #tpu.memory_space<semaphore_mem>>)
    %jit3A_108 = arith.constant 2 : i32
    %div3A = arith.divsi %select_n3A, %jit3A_108 : i32
    %sign3A = arith.constant 0 : i32
    %sign3A_109 = arith.cmpi sgt, %select_n3A, %sign3A : i32
    %sign3A_110 = arith.extui %sign3A_109 : i1 to i32
    %sign3A_111 = arith.constant 0 : i32
    %sign3A_112 = arith.cmpi slt, %select_n3A, %sign3A_111 : i32
    %sign3A_113 = arith.extui %sign3A_112 : i1 to i32
    %sign3A_114 = arith.subi %sign3A_110, %sign3A_113 : i32
    %sign3A_115 = arith.constant 0 : i32
    %sign3A_116 = arith.cmpi sgt, %jit3A_108, %sign3A_115 : i32
    %sign3A_117 = arith.extui %sign3A_116 : i1 to i32
    %sign3A_118 = arith.constant 0 : i32
    %sign3A_119 = arith.cmpi slt, %jit3A_108, %sign3A_118 : i32
    %sign3A_120 = arith.extui %sign3A_119 : i1 to i32
    %sign3A_121 = arith.subi %sign3A_117, %sign3A_120 : i32
    %ne3A = arith.cmpi ne, %sign3A_114, %sign3A_121 : i32
    %rem3A = arith.remsi %select_n3A, %jit3A_108 : i32
    %ne3A_122 = arith.constant 0 : i32
    %ne3A_123 = arith.cmpi ne, %rem3A, %ne3A_122 : i32
    %and3A_124 = arith.andi %ne3A, %ne3A_123 : i1
    %sub3A = arith.constant 1 : i32
    %sub3A_125 = arith.subi %div3A, %sub3A : i32
    %select_n3A_126 = arith.select %and3A_124, %sub3A_125, %div3A : i32
    %while3A = arith.constant 0 : i32
    %while3A_127 = arith.constant 0 : i32
    %while3A_128 = arith.subi %select_n3A_126, %while3A : i32
    %while3A_129 = arith.addi %while3A, %while3A_128 : i32
    %while3A_130 = arith.constant 1 : i32
    %while3A_131 = arith.divsi %while3A_128, %while3A_130 : i32
    %while3A_132 = arith.muli %while3A_131, %while3A_130 : i32
    %while3A_133 = arith.addi %while3A, %while3A_132 : i32
    %while3A_134 = arith.constant 1 : i32
    %while3A_135 = scf.for %while3A_141 = %while3A to %while3A_133 step %while3A_134 iter_args(%while3A_142 = %while3A_127) -> (i32)  : i32 {
      %mul3A_143 = arith.constant 2 : i32
      %mul3A_144 = arith.muli %while3A_141, %mul3A_143 : i32
      %dma_wait3A_145 = arith.constant 0 : i32
      %dma_wait3A_146 = arith.constant 0 : i32
      %dma_wait3A_147 = tpu.memref_slice %arg3[%dma_wait3A_145, %dma_wait3A_146] : memref<10240x256xbf16, #tpu.memory_space<hbm>> -> memref<10240x256xbf16, #tpu.memory_space<hbm>>
      tpu.wait_indirect_dma semaphore(%arg20 : memref<!tpu.dma_semaphore, #tpu.memory_space<semaphore_mem>>) src(%dma_wait3A_147 : memref<10240x256xbf16, #tpu.memory_space<hbm>>) dst(%arg13 : memref<48x256xbf16, #tpu.memory_space<vmem>>)
      %dma_wait3A_148 = arith.constant 0 : i32
      %dma_wait3A_149 = arith.constant 0 : i32
      %dma_wait3A_150 = tpu.memref_slice %arg2[%dma_wait3A_148, %dma_wait3A_149] : memref<10240x128xbf16, #tpu.memory_space<hbm>> -> memref<10240x128xbf16, #tpu.memory_space<hbm>>
      tpu.wait_indirect_dma semaphore(%arg20 : memref<!tpu.dma_semaphore, #tpu.memory_space<semaphore_mem>>) src(%dma_wait3A_150 : memref<10240x128xbf16, #tpu.memory_space<hbm>>) dst(%arg15 : memref<48x128xbf16, #tpu.memory_space<vmem>>)
      %get3A = arith.constant 0 : index
      %get3A_151 = tpu.vector_load %arg9[%get3A] {strides = array<i32>} : memref<48xi32, #tpu.memory_space<vmem>>, vector<16xi32>,
      %swap3A = arith.constant 0 : index
      %swap3A_152 = tpu.vector_load %arg11[%swap3A] {strides = array<i32>} : memref<48xi32, #tpu.memory_space<vmem>>, vector<16xi32>,
      tpu.vector_store %arg11[%swap3A], %get3A_151 {strides = array<i32>} : memref<48xi32, #tpu.memory_space<vmem>>, vector<16xi32>,
      %get3A_153 = arith.constant 16 : index
      %get3A_154 = tpu.vector_load %arg9[%get3A_153] {strides = array<i32>} : memref<48xi32, #tpu.memory_space<vmem>>, vector<16xi32>,
      %swap3A_155 = arith.constant 16 : index
      %swap3A_156 = tpu.vector_load %arg11[%swap3A_155] {strides = array<i32>} : memref<48xi32, #tpu.memory_space<vmem>>, vector<16xi32>,
      tpu.vector_store %arg11[%swap3A_155], %get3A_154 {strides = array<i32>} : memref<48xi32, #tpu.memory_space<vmem>>, vector<16xi32>,
      %get3A_157 = arith.constant 32 : index
      %get3A_158 = tpu.vector_load %arg9[%get3A_157] {strides = array<i32>} : memref<48xi32, #tpu.memory_space<vmem>>, vector<16xi32>,
      %swap3A_159 = arith.constant 32 : index
      %swap3A_160 = tpu.vector_load %arg11[%swap3A_159] {strides = array<i32>} : memref<48xi32, #tpu.memory_space<vmem>>, vector<16xi32>,
      tpu.vector_store %arg11[%swap3A_159], %get3A_158 {strides = array<i32>} : memref<48xi32, #tpu.memory_space<vmem>>, vector<16xi32>,
      %ge3A = arith.constant 1 : i32
      %ge3A_161 = arith.cmpi sge, %mul3A_144, %ge3A : i32
      %convert_element_type3A = arith.extui %ge3A_161 : i1 to i32
      %cond3A = arith.constant 0 : i32
      %cond3A_162 = arith.cmpi ne, %convert_element_type3A, %cond3A : i32
      scf.if %cond3A_162 {
        %dma_wait3A_226 = arith.constant 0 : i32
        %dma_wait3A_227 = arith.constant 0 : i32
        %dma_wait3A_228 = tpu.memref_slice %arg19[%dma_wait3A_226, %dma_wait3A_227] : memref<10112x144xf32, #tpu.memory_space<vmem_shared>> -> memref<10112x144xf32, #tpu.memory_space<vmem_shared>>
        tpu.wait_indirect_dma semaphore(%arg23 : memref<!tpu.dma_semaphore, #tpu.memory_space<semaphore_mem>>) src(%arg18 : memref<48x144xf32, #tpu.memory_space<vmem>>) dst(%dma_wait3A_228 : memref<10112x144xf32, #tpu.memory_space<vmem_shared>>)
      } else {
      }
      %add3A_163 = arith.constant 1 : i32
      %add3A_164 = arith.addi %mul3A_144, %add3A_163 : i32
      %lt3A_165 = arith.cmpi slt, %add3A_164, %select_n3A : i32
      %convert_element_type3A_166 = arith.extui %lt3A_165 : i1 to i32
      %cond3A_167 = arith.constant 0 : i32
      %cond3A_168 = arith.cmpi ne, %convert_element_type3A_166, %cond3A_167 : i32
      scf.if %cond3A_168 {
        %dma_wait3A_226 = tpu.memref_slice %arg4[%select_n3A_8] : memref<321024xi32, #tpu.memory_space<hbm>> -> memref<48xi32, #tpu.memory_space<hbm>>
        %dma_wait3A_227 = tpu.memref_slice %arg4[%select_n3A_8] : memref<321024xi32, #tpu.memory_space<hbm>> -> memref<48xi32, #tpu.memory_space<hbm>>
        tpu.wait_dma2 semaphore(%arg25 : memref<!tpu.dma_semaphore, #tpu.memory_space<semaphore_mem>>) src(%dma_wait3A_227 : memref<48xi32, #tpu.memory_space<hbm>>) dst(%arg8 : memref<48xi32, #tpu.memory_space<vmem>>)
        %dma_wait3A_228 = tpu.memref_slice %arg5[%select_n3A_8] : memref<321024xi32, #tpu.memory_space<hbm>> -> memref<48xi32, #tpu.memory_space<hbm>>
        %dma_wait3A_229 = tpu.memref_slice %arg5[%select_n3A_8] : memref<321024xi32, #tpu.memory_space<hbm>> -> memref<48xi32, #tpu.memory_space<hbm>>
        tpu.wait_dma2 semaphore(%arg25 : memref<!tpu.dma_semaphore, #tpu.memory_space<semaphore_mem>>) src(%dma_wait3A_229 : memref<48xi32, #tpu.memory_space<hbm>>) dst(%arg10 : memref<48xi32, #tpu.memory_space<vmem>>)
        %dma_start3A_230 = arith.constant 0 : i32
        %dma_start3A_231 = arith.constant 0 : i32
        %dma_start3A_232 = tpu.memref_slice %arg3[%dma_start3A_230, %dma_start3A_231] : memref<10240x256xbf16, #tpu.memory_space<hbm>> -> memref<10240x256xbf16, #tpu.memory_space<hbm>>
        tpu.enqueue_indirect_dma source(%dma_start3A_232 : memref<10240x256xbf16, #tpu.memory_space<hbm>>) target(%arg14 : memref<48x256xbf16, #tpu.memory_space<vmem>>) offsets(%arg8 : memref<48xi32, #tpu.memory_space<vmem>>) semaphore(%arg21 : memref<!tpu.dma_semaphore, #tpu.memory_space<semaphore_mem>>)
        %dma_start3A_233 = arith.constant 0 : i32
        %dma_start3A_234 = arith.constant 0 : i32
        %dma_start3A_235 = tpu.memref_slice %arg2[%dma_start3A_233, %dma_start3A_234] : memref<10240x128xbf16, #tpu.memory_space<hbm>> -> memref<10240x128xbf16, #tpu.memory_space<hbm>>
        tpu.enqueue_indirect_dma source(%dma_start3A_235 : memref<10240x128xbf16, #tpu.memory_space<hbm>>) target(%arg16 : memref<48x128xbf16, #tpu.memory_space<vmem>>) offsets(%arg10 : memref<48xi32, #tpu.memory_space<vmem>>) semaphore(%arg21 : memref<!tpu.dma_semaphore, #tpu.memory_space<semaphore_mem>>)
      } else {
      }
      %add3A_169 = arith.constant 2 : i32
      %add3A_170 = arith.addi %mul3A_144, %add3A_169 : i32
      %lt3A_171 = arith.cmpi slt, %add3A_170, %select_n3A : i32
      %convert_element_type3A_172 = arith.extui %lt3A_171 : i1 to i32
      %cond3A_173 = arith.constant 0 : i32
      %cond3A_174 = arith.cmpi ne, %convert_element_type3A_172, %cond3A_173 : i32
      scf.if %cond3A_174 {
        %add3A_226 = arith.constant 2 : i32
        %add3A_227 = arith.addi %mul3A_144, %add3A_226 : i32
        %mul3A_228 = arith.constant 48 : i32
        %mul3A_229 = arith.muli %add3A_227, %mul3A_228 : i32
        %add3A_230 = arith.addi %select_n3A_8, %mul3A_229 : i32
        %dma_start3A_231 = tpu.memref_slice %arg4[%add3A_230] : memref<321024xi32, #tpu.memory_space<hbm>> -> memref<48xi32, #tpu.memory_space<hbm>>
        %dma_start3A_232 = tpu.memref_slice %arg4[%add3A_230] : memref<321024xi32, #tpu.memory_space<hbm>> -> memref<48xi32, #tpu.memory_space<hbm>>
        tpu.enqueue_dma source(%dma_start3A_232 : memref<48xi32, #tpu.memory_space<hbm>>) target(%arg7 : memref<48xi32, #tpu.memory_space<vmem>>) target_semaphore(%arg24 : memref<!tpu.dma_semaphore, #tpu.memory_space<semaphore_mem>>)
        %dma_start3A_233 = tpu.memref_slice %arg5[%add3A_230] : memref<321024xi32, #tpu.memory_space<hbm>> -> memref<48xi32, #tpu.memory_space<hbm>>
        %dma_start3A_234 = tpu.memref_slice %arg5[%add3A_230] : memref<321024xi32, #tpu.memory_space<hbm>> -> memref<48xi32, #tpu.memory_space<hbm>>
        tpu.enqueue_dma source(%dma_start3A_234 : memref<48xi32, #tpu.memory_space<hbm>>) target(%arg9 : memref<48xi32, #tpu.memory_space<vmem>>) target_semaphore(%arg24 : memref<!tpu.dma_semaphore, #tpu.memory_space<semaphore_mem>>)
      } else {
      }
      %parallel_loop3A = arith.constant 0 : i32
      %parallel_loop3A_175 = arith.constant 48 : i32
      %parallel_loop3A_176 = arith.constant 1 : i32
      scf.for %parallel_loop3A_226 = %parallel_loop3A to %parallel_loop3A_175 step %parallel_loop3A_176  : i32 {
        %parallel_loop3A_227 = arith.index_cast %parallel_loop3A_226 : i32 to index
        %parallel_loop3A_228 = arith.constant 0 : index
        %parallel_loop3A_229 = tpu.vector_load %arg13[%parallel_loop3A_227, %parallel_loop3A_228] {strides = array<i32>} : memref<48x256xbf16, #tpu.memory_space<vmem>>, vector<32xbf16>,
        %parallel_loop3A_230 = arith.index_cast %parallel_loop3A_226 : i32 to index
        %parallel_loop3A_231 = arith.constant 0 : index
        %parallel_loop3A_232 = tpu.vector_load %arg15[%parallel_loop3A_230, %parallel_loop3A_231] {strides = array<i32>} : memref<48x128xbf16, #tpu.memory_space<vmem>>, vector<32xbf16>,
        %parallel_loop3A_233 = tpu.unpack_subelements %parallel_loop3A_229, 0 {pack_format = #tpu.pack_format<interleaved>} : vector<32xbf16> -> vector<16xf32>
        %parallel_loop3A_234 = tpu.unpack_subelements %parallel_loop3A_229, 1 {pack_format = #tpu.pack_format<interleaved>} : vector<32xbf16> -> vector<16xf32>
        %parallel_loop3A_235 = tpu.unpack_subelements %parallel_loop3A_232, 0 {pack_format = #tpu.pack_format<interleaved>} : vector<32xbf16> -> vector<16xf32>
        %parallel_loop3A_236 = tpu.unpack_subelements %parallel_loop3A_232, 1 {pack_format = #tpu.pack_format<interleaved>} : vector<32xbf16> -> vector<16xf32>
        %parallel_loop3A_237 = arith.mulf %parallel_loop3A_233, %parallel_loop3A_235 : vector<16xf32>
        %parallel_loop3A_238 = arith.mulf %parallel_loop3A_234, %parallel_loop3A_236 : vector<16xf32>
        %parallel_loop3A_239 = arith.addf %parallel_loop3A_237, %parallel_loop3A_238 : vector<16xf32>
        %parallel_loop3A_240 = arith.index_cast %parallel_loop3A_226 : i32 to index
        %parallel_loop3A_241 = arith.constant 32 : index
        %parallel_loop3A_242 = tpu.vector_load %arg13[%parallel_loop3A_240, %parallel_loop3A_241] {strides = array<i32>} : memref<48x256xbf16, #tpu.memory_space<vmem>>, vector<32xbf16>,
        %parallel_loop3A_243 = arith.index_cast %parallel_loop3A_226 : i32 to index
        %parallel_loop3A_244 = arith.constant 32 : index
        %parallel_loop3A_245 = tpu.vector_load %arg15[%parallel_loop3A_243, %parallel_loop3A_244] {strides = array<i32>} : memref<48x128xbf16, #tpu.memory_space<vmem>>, vector<32xbf16>,
        %parallel_loop3A_246 = tpu.unpack_subelements %parallel_loop3A_242, 0 {pack_format = #tpu.pack_format<interleaved>} : vector<32xbf16> -> vector<16xf32>
        %parallel_loop3A_247 = tpu.unpack_subelements %parallel_loop3A_242, 1 {pack_format = #tpu.pack_format<interleaved>} : vector<32xbf16> -> vector<16xf32>
        %parallel_loop3A_248 = tpu.unpack_subelements %parallel_loop3A_245, 0 {pack_format = #tpu.pack_format<interleaved>} : vector<32xbf16> -> vector<16xf32>
        %parallel_loop3A_249 = tpu.unpack_subelements %parallel_loop3A_245, 1 {pack_format = #tpu.pack_format<interleaved>} : vector<32xbf16> -> vector<16xf32>
        %parallel_loop3A_250 = arith.mulf %parallel_loop3A_246, %parallel_loop3A_248 : vector<16xf32>
        %parallel_loop3A_251 = arith.mulf %parallel_loop3A_247, %parallel_loop3A_249 : vector<16xf32>
        %parallel_loop3A_252 = arith.addf %parallel_loop3A_250, %parallel_loop3A_251 : vector<16xf32>
        %parallel_loop3A_253 = arith.index_cast %parallel_loop3A_226 : i32 to index
        %parallel_loop3A_254 = arith.constant 64 : index
        %parallel_loop3A_255 = tpu.vector_load %arg13[%parallel_loop3A_253, %parallel_loop3A_254] {strides = array<i32>} : memref<48x256xbf16, #tpu.memory_space<vmem>>, vector<32xbf16>,
        %parallel_loop3A_256 = arith.index_cast %parallel_loop3A_226 : i32 to index
        %parallel_loop3A_257 = arith.constant 64 : index
        %parallel_loop3A_258 = tpu.vector_load %arg15[%parallel_loop3A_256, %parallel_loop3A_257] {strides = array<i32>} : memref<48x128xbf16, #tpu.memory_space<vmem>>, vector<32xbf16>,
        %parallel_loop3A_259 = tpu.unpack_subelements %parallel_loop3A_255, 0 {pack_format = #tpu.pack_format<interleaved>} : vector<32xbf16> -> vector<16xf32>
        %parallel_loop3A_260 = tpu.unpack_subelements %parallel_loop3A_255, 1 {pack_format = #tpu.pack_format<interleaved>} : vector<32xbf16> -> vector<16xf32>
        %parallel_loop3A_261 = tpu.unpack_subelements %parallel_loop3A_258, 0 {pack_format = #tpu.pack_format<interleaved>} : vector<32xbf16> -> vector<16xf32>
        %parallel_loop3A_262 = tpu.unpack_subelements %parallel_loop3A_258, 1 {pack_format = #tpu.pack_format<interleaved>} : vector<32xbf16> -> vector<16xf32>
        %parallel_loop3A_263 = arith.mulf %parallel_loop3A_259, %parallel_loop3A_261 : vector<16xf32>
        %parallel_loop3A_264 = arith.mulf %parallel_loop3A_260, %parallel_loop3A_262 : vector<16xf32>
        %parallel_loop3A_265 = arith.addf %parallel_loop3A_263, %parallel_loop3A_264 : vector<16xf32>
        %parallel_loop3A_266 = arith.index_cast %parallel_loop3A_226 : i32 to index
        %parallel_loop3A_267 = arith.constant 96 : index
        %parallel_loop3A_268 = tpu.vector_load %arg13[%parallel_loop3A_266, %parallel_loop3A_267] {strides = array<i32>} : memref<48x256xbf16, #tpu.memory_space<vmem>>, vector<32xbf16>,
        %parallel_loop3A_269 = arith.index_cast %parallel_loop3A_226 : i32 to index
        %parallel_loop3A_270 = arith.constant 96 : index
        %parallel_loop3A_271 = tpu.vector_load %arg15[%parallel_loop3A_269, %parallel_loop3A_270] {strides = array<i32>} : memref<48x128xbf16, #tpu.memory_space<vmem>>, vector<32xbf16>,
        %parallel_loop3A_272 = tpu.unpack_subelements %parallel_loop3A_268, 0 {pack_format = #tpu.pack_format<interleaved>} : vector<32xbf16> -> vector<16xf32>
        %parallel_loop3A_273 = tpu.unpack_subelements %parallel_loop3A_268, 1 {pack_format = #tpu.pack_format<interleaved>} : vector<32xbf16> -> vector<16xf32>
        %parallel_loop3A_274 = tpu.unpack_subelements %parallel_loop3A_271, 0 {pack_format = #tpu.pack_format<interleaved>} : vector<32xbf16> -> vector<16xf32>
        %parallel_loop3A_275 = tpu.unpack_subelements %parallel_loop3A_271, 1 {pack_format = #tpu.pack_format<interleaved>} : vector<32xbf16> -> vector<16xf32>
        %parallel_loop3A_276 = arith.mulf %parallel_loop3A_272, %parallel_loop3A_274 : vector<16xf32>
        %parallel_loop3A_277 = arith.mulf %parallel_loop3A_273, %parallel_loop3A_275 : vector<16xf32>
        %parallel_loop3A_278 = arith.addf %parallel_loop3A_276, %parallel_loop3A_277 : vector<16xf32>
        %parallel_loop3A_279 = vector.shape_cast %xor3A_23 : vector<16xi32> to vector<16x1xi32>
        %parallel_loop3A_280 = vector.shape_cast %parallel_loop3A_279 : vector<16x1xi32> to vector<16xi32>
        %parallel_loop3A_281 = tpu.dynamic_gather %parallel_loop3A_239[%parallel_loop3A_280] in [0] : vector<16xf32>, vector<16xi32> -> vector<16xf32>
        %parallel_loop3A_282 = arith.addf %parallel_loop3A_239, %parallel_loop3A_281 : vector<16xf32>
        %parallel_loop3A_283 = vector.shape_cast %xor3A_23 : vector<16xi32> to vector<16x1xi32>
        %parallel_loop3A_284 = vector.shape_cast %parallel_loop3A_283 : vector<16x1xi32> to vector<16xi32>
        %parallel_loop3A_285 = tpu.dynamic_gather %parallel_loop3A_252[%parallel_loop3A_284] in [0] : vector<16xf32>, vector<16xi32> -> vector<16xf32>
        %parallel_loop3A_286 = arith.addf %parallel_loop3A_252, %parallel_loop3A_285 : vector<16xf32>
        %parallel_loop3A_287 = vector.shape_cast %xor3A_23 : vector<16xi32> to vector<16x1xi32>
        %parallel_loop3A_288 = vector.shape_cast %parallel_loop3A_287 : vector<16x1xi32> to vector<16xi32>
        %parallel_loop3A_289 = tpu.dynamic_gather %parallel_loop3A_265[%parallel_loop3A_288] in [0] : vector<16xf32>, vector<16xi32> -> vector<16xf32>
        %parallel_loop3A_290 = arith.addf %parallel_loop3A_265, %parallel_loop3A_289 : vector<16xf32>
        %parallel_loop3A_291 = vector.shape_cast %xor3A_23 : vector<16xi32> to vector<16x1xi32>
        %parallel_loop3A_292 = vector.shape_cast %parallel_loop3A_291 : vector<16x1xi32> to vector<16xi32>
        %parallel_loop3A_293 = tpu.dynamic_gather %parallel_loop3A_278[%parallel_loop3A_292] in [0] : vector<16xf32>, vector<16xi32> -> vector<16xf32>
        %parallel_loop3A_294 = arith.addf %parallel_loop3A_278, %parallel_loop3A_293 : vector<16xf32>
        %parallel_loop3A_295 = arith.select %eq3A_15, %parallel_loop3A_282, %parallel_loop3A_286 : vector<16xi1>, vector<16xf32>
        %parallel_loop3A_296 = arith.select %eq3A_15, %parallel_loop3A_290, %parallel_loop3A_294 : vector<16xi1>, vector<16xf32>
        %parallel_loop3A_297 = vector.shape_cast %xor3A_26 : vector<16xi32> to vector<16x1xi32>
        %parallel_loop3A_298 = vector.shape_cast %parallel_loop3A_297 : vector<16x1xi32> to vector<16xi32>
        %parallel_loop3A_299 = tpu.dynamic_gather %parallel_loop3A_295[%parallel_loop3A_298] in [0] : vector<16xf32>, vector<16xi32> -> vector<16xf32>
        %parallel_loop3A_300 = arith.addf %parallel_loop3A_295, %parallel_loop3A_299 : vector<16xf32>
        %parallel_loop3A_301 = vector.shape_cast %xor3A_26 : vector<16xi32> to vector<16x1xi32>
        %parallel_loop3A_302 = vector.shape_cast %parallel_loop3A_301 : vector<16x1xi32> to vector<16xi32>
        %parallel_loop3A_303 = tpu.dynamic_gather %parallel_loop3A_296[%parallel_loop3A_302] in [0] : vector<16xf32>, vector<16xi32> -> vector<16xf32>
        %parallel_loop3A_304 = arith.addf %parallel_loop3A_296, %parallel_loop3A_303 : vector<16xf32>
        %parallel_loop3A_305 = arith.select %eq3A_21, %parallel_loop3A_300, %parallel_loop3A_304 : vector<16xi1>, vector<16xf32>
        %parallel_loop3A_306 = vector.shape_cast %xor3A_29 : vector<16xi32> to vector<16x1xi32>
        %parallel_loop3A_307 = vector.shape_cast %parallel_loop3A_306 : vector<16x1xi32> to vector<16xi32>
        %parallel_loop3A_308 = tpu.dynamic_gather %parallel_loop3A_305[%parallel_loop3A_307] in [0] : vector<16xf32>, vector<16xi32> -> vector<16xf32>
        %parallel_loop3A_309 = arith.addf %parallel_loop3A_305, %parallel_loop3A_308 : vector<16xf32>
        %parallel_loop3A_310 = arith.constant 2.500000e-01 : f32
        %parallel_loop3A_311 = vector.broadcast %parallel_loop3A_310 : f32 to vector<16xf32>
        %parallel_loop3A_312 = arith.mulf %parallel_loop3A_309, %parallel_loop3A_311 : vector<16xf32>
        %parallel_loop3A_313 = arith.constant -5.000000e+00 : f32
        %parallel_loop3A_314 = arith.constant 5.000000e+00 : f32
        %parallel_loop3A_315 = vector.broadcast %parallel_loop3A_313 : f32 to vector<16xf32>
        %parallel_loop3A_316 = arith.maximumf %parallel_loop3A_315, %parallel_loop3A_312 : vector<16xf32>
        %parallel_loop3A_317 = vector.broadcast %parallel_loop3A_314 : f32 to vector<16xf32>
        %parallel_loop3A_318 = arith.minimumf %parallel_loop3A_317, %parallel_loop3A_316 : vector<16xf32>
        %parallel_loop3A_319 = math.exp %parallel_loop3A_318 : vector<16xf32>
        %parallel_loop3A_320 = arith.index_cast %parallel_loop3A_226 : i32 to index
        %parallel_loop3A_321 = arith.constant 128 : index
        %parallel_loop3A_322 = tpu.vector_load %arg13[%parallel_loop3A_320, %parallel_loop3A_321] {strides = array<i32>} : memref<48x256xbf16, #tpu.memory_space<vmem>>, vector<32xbf16>,
        %parallel_loop3A_323 = tpu.unpack_subelements %parallel_loop3A_322, 0 {pack_format = #tpu.pack_format<interleaved>} : vector<32xbf16> -> vector<16xf32>
        %parallel_loop3A_324 = tpu.unpack_subelements %parallel_loop3A_322, 1 {pack_format = #tpu.pack_format<interleaved>} : vector<32xbf16> -> vector<16xf32>
        %parallel_loop3A_325 = vector.shape_cast %select_n3A_53 : vector<16xi32> to vector<16x1xi32>
        %parallel_loop3A_326 = vector.shape_cast %parallel_loop3A_325 : vector<16x1xi32> to vector<16xi32>
        %parallel_loop3A_327 = tpu.dynamic_gather %parallel_loop3A_319[%parallel_loop3A_326] in [0] : vector<16xf32>, vector<16xi32> -> vector<16xf32>
        %parallel_loop3A_328 = arith.mulf %parallel_loop3A_323, %parallel_loop3A_327 : vector<16xf32>
        %parallel_loop3A_329 = arith.index_cast %parallel_loop3A_226 : i32 to index
        %parallel_loop3A_330 = arith.constant 0 : index
        %parallel_loop3A_331 = tpu.vector_load %arg17[%parallel_loop3A_329, %parallel_loop3A_330] {strides = array<i32>} : memref<48x144xf32, #tpu.memory_space<vmem>>, vector<16xf32>,
        tpu.vector_store %arg17[%parallel_loop3A_329, %parallel_loop3A_330], %parallel_loop3A_328 {strides = array<i32>} : memref<48x144xf32, #tpu.memory_space<vmem>>, vector<16xf32>,
        %parallel_loop3A_332 = arith.mulf %parallel_loop3A_324, %parallel_loop3A_327 : vector<16xf32>
        %parallel_loop3A_333 = arith.index_cast %parallel_loop3A_226 : i32 to index
        %parallel_loop3A_334 = arith.constant 16 : index
        %parallel_loop3A_335 = tpu.vector_load %arg17[%parallel_loop3A_333, %parallel_loop3A_334] {strides = array<i32>} : memref<48x144xf32, #tpu.memory_space<vmem>>, vector<16xf32>,
        tpu.vector_store %arg17[%parallel_loop3A_333, %parallel_loop3A_334], %parallel_loop3A_332 {strides = array<i32>} : memref<48x144xf32, #tpu.memory_space<vmem>>, vector<16xf32>,
        %parallel_loop3A_336 = arith.index_cast %parallel_loop3A_226 : i32 to index
        %parallel_loop3A_337 = arith.constant 160 : index
        %parallel_loop3A_338 = tpu.vector_load %arg13[%parallel_loop3A_336, %parallel_loop3A_337] {strides = array<i32>} : memref<48x256xbf16, #tpu.memory_space<vmem>>, vector<32xbf16>,
        %parallel_loop3A_339 = tpu.unpack_subelements %parallel_loop3A_338, 0 {pack_format = #tpu.pack_format<interleaved>} : vector<32xbf16> -> vector<16xf32>
        %parallel_loop3A_340 = tpu.unpack_subelements %parallel_loop3A_338, 1 {pack_format = #tpu.pack_format<interleaved>} : vector<32xbf16> -> vector<16xf32>
        %parallel_loop3A_341 = vector.shape_cast %select_n3A_61 : vector<16xi32> to vector<16x1xi32>
        %parallel_loop3A_342 = vector.shape_cast %parallel_loop3A_341 : vector<16x1xi32> to vector<16xi32>
        %parallel_loop3A_343 = tpu.dynamic_gather %parallel_loop3A_319[%parallel_loop3A_342] in [0] : vector<16xf32>, vector<16xi32> -> vector<16xf32>
        %parallel_loop3A_344 = arith.mulf %parallel_loop3A_339, %parallel_loop3A_343 : vector<16xf32>
        %parallel_loop3A_345 = arith.index_cast %parallel_loop3A_226 : i32 to index
        %parallel_loop3A_346 = arith.constant 32 : index
        %parallel_loop3A_347 = tpu.vector_load %arg17[%parallel_loop3A_345, %parallel_loop3A_346] {strides = array<i32>} : memref<48x144xf32, #tpu.memory_space<vmem>>, vector<16xf32>,
        tpu.vector_store %arg17[%parallel_loop3A_345, %parallel_loop3A_346], %parallel_loop3A_344 {strides = array<i32>} : memref<48x144xf32, #tpu.memory_space<vmem>>, vector<16xf32>,
        %parallel_loop3A_348 = arith.mulf %parallel_loop3A_340, %parallel_loop3A_343 : vector<16xf32>
        %parallel_loop3A_349 = arith.index_cast %parallel_loop3A_226 : i32 to index
        %parallel_loop3A_350 = arith.constant 48 : index
        %parallel_loop3A_351 = tpu.vector_load %arg17[%parallel_loop3A_349, %parallel_loop3A_350] {strides = array<i32>} : memref<48x144xf32, #tpu.memory_space<vmem>>, vector<16xf32>,
        tpu.vector_store %arg17[%parallel_loop3A_349, %parallel_loop3A_350], %parallel_loop3A_348 {strides = array<i32>} : memref<48x144xf32, #tpu.memory_space<vmem>>, vector<16xf32>,
        %parallel_loop3A_352 = arith.index_cast %parallel_loop3A_226 : i32 to index
        %parallel_loop3A_353 = arith.constant 192 : index
        %parallel_loop3A_354 = tpu.vector_load %arg13[%parallel_loop3A_352, %parallel_loop3A_353] {strides = array<i32>} : memref<48x256xbf16, #tpu.memory_space<vmem>>, vector<32xbf16>,
        %parallel_loop3A_355 = tpu.unpack_subelements %parallel_loop3A_354, 0 {pack_format = #tpu.pack_format<interleaved>} : vector<32xbf16> -> vector<16xf32>
        %parallel_loop3A_356 = tpu.unpack_subelements %parallel_loop3A_354, 1 {pack_format = #tpu.pack_format<interleaved>} : vector<32xbf16> -> vector<16xf32>
        %parallel_loop3A_357 = vector.shape_cast %select_n3A_69 : vector<16xi32> to vector<16x1xi32>
        %parallel_loop3A_358 = vector.shape_cast %parallel_loop3A_357 : vector<16x1xi32> to vector<16xi32>
        %parallel_loop3A_359 = tpu.dynamic_gather %parallel_loop3A_319[%parallel_loop3A_358] in [0] : vector<16xf32>, vector<16xi32> -> vector<16xf32>
        %parallel_loop3A_360 = arith.mulf %parallel_loop3A_355, %parallel_loop3A_359 : vector<16xf32>
        %parallel_loop3A_361 = arith.index_cast %parallel_loop3A_226 : i32 to index
        %parallel_loop3A_362 = arith.constant 64 : index
        %parallel_loop3A_363 = tpu.vector_load %arg17[%parallel_loop3A_361, %parallel_loop3A_362] {strides = array<i32>} : memref<48x144xf32, #tpu.memory_space<vmem>>, vector<16xf32>,
        tpu.vector_store %arg17[%parallel_loop3A_361, %parallel_loop3A_362], %parallel_loop3A_360 {strides = array<i32>} : memref<48x144xf32, #tpu.memory_space<vmem>>, vector<16xf32>,
        %parallel_loop3A_364 = arith.mulf %parallel_loop3A_356, %parallel_loop3A_359 : vector<16xf32>
        %parallel_loop3A_365 = arith.index_cast %parallel_loop3A_226 : i32 to index
        %parallel_loop3A_366 = arith.constant 80 : index
        %parallel_loop3A_367 = tpu.vector_load %arg17[%parallel_loop3A_365, %parallel_loop3A_366] {strides = array<i32>} : memref<48x144xf32, #tpu.memory_space<vmem>>, vector<16xf32>,
        tpu.vector_store %arg17[%parallel_loop3A_365, %parallel_loop3A_366], %parallel_loop3A_364 {strides = array<i32>} : memref<48x144xf32, #tpu.memory_space<vmem>>, vector<16xf32>,
        %parallel_loop3A_368 = arith.index_cast %parallel_loop3A_226 : i32 to index
        %parallel_loop3A_369 = arith.constant 224 : index
        %parallel_loop3A_370 = tpu.vector_load %arg13[%parallel_loop3A_368, %parallel_loop3A_369] {strides = array<i32>} : memref<48x256xbf16, #tpu.memory_space<vmem>>, vector<32xbf16>,
        %parallel_loop3A_371 = tpu.unpack_subelements %parallel_loop3A_370, 0 {pack_format = #tpu.pack_format<interleaved>} : vector<32xbf16> -> vector<16xf32>
        %parallel_loop3A_372 = tpu.unpack_subelements %parallel_loop3A_370, 1 {pack_format = #tpu.pack_format<interleaved>} : vector<32xbf16> -> vector<16xf32>
        %parallel_loop3A_373 = vector.shape_cast %select_n3A_77 : vector<16xi32> to vector<16x1xi32>
        %parallel_loop3A_374 = vector.shape_cast %parallel_loop3A_373 : vector<16x1xi32> to vector<16xi32>
        %parallel_loop3A_375 = tpu.dynamic_gather %parallel_loop3A_319[%parallel_loop3A_374] in [0] : vector<16xf32>, vector<16xi32> -> vector<16xf32>
        %parallel_loop3A_376 = arith.mulf %parallel_loop3A_371, %parallel_loop3A_375 : vector<16xf32>
        %parallel_loop3A_377 = arith.index_cast %parallel_loop3A_226 : i32 to index
        %parallel_loop3A_378 = arith.constant 96 : index
        %parallel_loop3A_379 = tpu.vector_load %arg17[%parallel_loop3A_377, %parallel_loop3A_378] {strides = array<i32>} : memref<48x144xf32, #tpu.memory_space<vmem>>, vector<16xf32>,
        tpu.vector_store %arg17[%parallel_loop3A_377, %parallel_loop3A_378], %parallel_loop3A_376 {strides = array<i32>} : memref<48x144xf32, #tpu.memory_space<vmem>>, vector<16xf32>,
        %parallel_loop3A_380 = arith.mulf %parallel_loop3A_372, %parallel_loop3A_375 : vector<16xf32>
        %parallel_loop3A_381 = arith.index_cast %parallel_loop3A_226 : i32 to index
        %parallel_loop3A_382 = arith.constant 112 : index
        %parallel_loop3A_383 = tpu.vector_load %arg17[%parallel_loop3A_381, %parallel_loop3A_382] {strides = array<i32>} : memref<48x144xf32, #tpu.memory_space<vmem>>, vector<16xf32>,
        tpu.vector_store %arg17[%parallel_loop3A_381, %parallel_loop3A_382], %parallel_loop3A_380 {strides = array<i32>} : memref<48x144xf32, #tpu.memory_space<vmem>>, vector<16xf32>,
        %parallel_loop3A_384 = vector.shape_cast %shift_left3A_46 : vector<16xi32> to vector<16x1xi32>
        %parallel_loop3A_385 = vector.shape_cast %parallel_loop3A_384 : vector<16x1xi32> to vector<16xi32>
        %parallel_loop3A_386 = tpu.dynamic_gather %parallel_loop3A_319[%parallel_loop3A_385] in [0] : vector<16xf32>, vector<16xi32> -> vector<16xf32>
        %parallel_loop3A_387 = arith.constant 0.000000e+00 : f32
        %parallel_loop3A_388 = vector.broadcast %parallel_loop3A_387 : f32 to vector<16xf32>
        %parallel_loop3A_389 = arith.select %lt3A_10, %parallel_loop3A_386, %parallel_loop3A_388 : vector<16xi1>, vector<16xf32>
        %parallel_loop3A_390 = arith.index_cast %parallel_loop3A_226 : i32 to index
        %parallel_loop3A_391 = arith.constant 128 : index
        %parallel_loop3A_392 = tpu.vector_load %arg17[%parallel_loop3A_390, %parallel_loop3A_391] {strides = array<i32>} : memref<48x144xf32, #tpu.memory_space<vmem>>, vector<16xf32>,
        tpu.vector_store %arg17[%parallel_loop3A_390, %parallel_loop3A_391], %parallel_loop3A_389 {strides = array<i32>} : memref<48x144xf32, #tpu.memory_space<vmem>>, vector<16xf32>,
      } {sc.loop_unroll_factor = 4 : i64, sc.parallel_access}
      %dma_start3A_177 = arith.constant 0 : i32
      %dma_start3A_178 = arith.constant 0 : i32
      %dma_start3A_179 = tpu.memref_slice %arg19[%dma_start3A_177, %dma_start3A_178] : memref<10112x144xf32, #tpu.memory_space<vmem_shared>> -> memref<10112x144xf32, #tpu.memory_space<vmem_shared>>
      tpu.enqueue_indirect_dma source(%arg17 : memref<48x144xf32, #tpu.memory_space<vmem>>) target(%dma_start3A_179 : memref<10112x144xf32, #tpu.memory_space<vmem_shared>>) offsets(%arg11 : memref<48xi32, #tpu.memory_space<vmem>>) semaphore(%arg22 : memref<!tpu.dma_semaphore, #tpu.memory_space<semaphore_mem>>) {add = true}
      %mul3A_180 = arith.constant 2 : i32
      %mul3A_181 = arith.muli %while3A_141, %mul3A_180 : i32
      %add3A_182 = arith.constant 1 : i32
      %add3A_183 = arith.addi %mul3A_181, %add3A_182 : i32
      %dma_wait3A_184 = arith.constant 0 : i32
      %dma_wait3A_185 = arith.constant 0 : i32
      %dma_wait3A_186 = tpu.memref_slice %arg3[%dma_wait3A_184, %dma_wait3A_185] : memref<10240x256xbf16, #tpu.memory_space<hbm>> -> memref<10240x256xbf16, #tpu.memory_space<hbm>>
      tpu.wait_indirect_dma semaphore(%arg21 : memref<!tpu.dma_semaphore, #tpu.memory_space<semaphore_mem>>) src(%dma_wait3A_186 : memref<10240x256xbf16, #tpu.memory_space<hbm>>) dst(%arg14 : memref<48x256xbf16, #tpu.memory_space<vmem>>)
      %dma_wait3A_187 = arith.constant 0 : i32
      %dma_wait3A_188 = arith.constant 0 : i32
      %dma_wait3A_189 = tpu.memref_slice %arg2[%dma_wait3A_187, %dma_wait3A_188] : memref<10240x128xbf16, #tpu.memory_space<hbm>> -> memref<10240x128xbf16, #tpu.memory_space<hbm>>
      tpu.wait_indirect_dma semaphore(%arg21 : memref<!tpu.dma_semaphore, #tpu.memory_space<semaphore_mem>>) src(%dma_wait3A_189 : memref<10240x128xbf16, #tpu.memory_space<hbm>>) dst(%arg16 : memref<48x128xbf16, #tpu.memory_space<vmem>>)
      %get3A_190 = arith.constant 0 : index
      %get3A_191 = tpu.vector_load %arg10[%get3A_190] {strides = array<i32>} : memref<48xi32, #tpu.memory_space<vmem>>, vector<16xi32>,
      %swap3A_192 = arith.constant 0 : index
      %swap3A_193 = tpu.vector_load %arg12[%swap3A_192] {strides = array<i32>} : memref<48xi32, #tpu.memory_space<vmem>>, vector<16xi32>,
      tpu.vector_store %arg12[%swap3A_192], %get3A_191 {strides = array<i32>} : memref<48xi32, #tpu.memory_space<vmem>>, vector<16xi32>,
      %get3A_194 = arith.constant 16 : index
      %get3A_195 = tpu.vector_load %arg10[%get3A_194] {strides = array<i32>} : memref<48xi32, #tpu.memory_space<vmem>>, vector<16xi32>,
      %swap3A_196 = arith.constant 16 : index
      %swap3A_197 = tpu.vector_load %arg12[%swap3A_196] {strides = array<i32>} : memref<48xi32, #tpu.memory_space<vmem>>, vector<16xi32>,
      tpu.vector_store %arg12[%swap3A_196], %get3A_195 {strides = array<i32>} : memref<48xi32, #tpu.memory_space<vmem>>, vector<16xi32>,
      %get3A_198 = arith.constant 32 : index
      %get3A_199 = tpu.vector_load %arg10[%get3A_198] {strides = array<i32>} : memref<48xi32, #tpu.memory_space<vmem>>, vector<16xi32>,
      %swap3A_200 = arith.constant 32 : index
      %swap3A_201 = tpu.vector_load %arg12[%swap3A_200] {strides = array<i32>} : memref<48xi32, #tpu.memory_space<vmem>>, vector<16xi32>,
      tpu.vector_store %arg12[%swap3A_200], %get3A_199 {strides = array<i32>} : memref<48xi32, #tpu.memory_space<vmem>>, vector<16xi32>,
      %ge3A_202 = arith.constant 1 : i32
      %ge3A_203 = arith.cmpi sge, %add3A_183, %ge3A_202 : i32
      %convert_element_type3A_204 = arith.extui %ge3A_203 : i1 to i32
      %cond3A_205 = arith.constant 0 : i32
      %cond3A_206 = arith.cmpi ne, %convert_element_type3A_204, %cond3A_205 : i32
      scf.if %cond3A_206 {
        %dma_wait3A_226 = arith.constant 0 : i32
        %dma_wait3A_227 = arith.constant 0 : i32
        %dma_wait3A_228 = tpu.memref_slice %arg19[%dma_wait3A_226, %dma_wait3A_227] : memref<10112x144xf32, #tpu.memory_space<vmem_shared>> -> memref<10112x144xf32, #tpu.memory_space<vmem_shared>>
        tpu.wait_indirect_dma semaphore(%arg22 : memref<!tpu.dma_semaphore, #tpu.memory_space<semaphore_mem>>) src(%arg17 : memref<48x144xf32, #tpu.memory_space<vmem>>) dst(%dma_wait3A_228 : memref<10112x144xf32, #tpu.memory_space<vmem_shared>>)
      } else {
      }
      %add3A_207 = arith.constant 1 : i32
      %add3A_208 = arith.addi %add3A_183, %add3A_207 : i32
      %lt3A_209 = arith.cmpi slt, %add3A_208, %select_n3A : i32
      %convert_element_type3A_210 = arith.extui %lt3A_209 : i1 to i32
      %cond3A_211 = arith.constant 0 : i32
      %cond3A_212 = arith.cmpi ne, %convert_element_type3A_210, %cond3A_211 : i32
      scf.if %cond3A_212 {
        %dma_wait3A_226 = tpu.memref_slice %arg4[%select_n3A_8] : memref<321024xi32, #tpu.memory_space<hbm>> -> memref<48xi32, #tpu.memory_space<hbm>>
        %dma_wait3A_227 = tpu.memref_slice %arg4[%select_n3A_8] : memref<321024xi32, #tpu.memory_space<hbm>> -> memref<48xi32, #tpu.memory_space<hbm>>
        tpu.wait_dma2 semaphore(%arg24 : memref<!tpu.dma_semaphore, #tpu.memory_space<semaphore_mem>>) src(%dma_wait3A_227 : memref<48xi32, #tpu.memory_space<hbm>>) dst(%arg7 : memref<48xi32, #tpu.memory_space<vmem>>)
        %dma_wait3A_228 = tpu.memref_slice %arg5[%select_n3A_8] : memref<321024xi32, #tpu.memory_space<hbm>> -> memref<48xi32, #tpu.memory_space<hbm>>
        %dma_wait3A_229 = tpu.memref_slice %arg5[%select_n3A_8] : memref<321024xi32, #tpu.memory_space<hbm>> -> memref<48xi32, #tpu.memory_space<hbm>>
        tpu.wait_dma2 semaphore(%arg24 : memref<!tpu.dma_semaphore, #tpu.memory_space<semaphore_mem>>) src(%dma_wait3A_229 : memref<48xi32, #tpu.memory_space<hbm>>) dst(%arg9 : memref<48xi32, #tpu.memory_space<vmem>>)
        %dma_start3A_230 = arith.constant 0 : i32
        %dma_start3A_231 = arith.constant 0 : i32
        %dma_start3A_232 = tpu.memref_slice %arg3[%dma_start3A_230, %dma_start3A_231] : memref<10240x256xbf16, #tpu.memory_space<hbm>> -> memref<10240x256xbf16, #tpu.memory_space<hbm>>
        tpu.enqueue_indirect_dma source(%dma_start3A_232 : memref<10240x256xbf16, #tpu.memory_space<hbm>>) target(%arg13 : memref<48x256xbf16, #tpu.memory_space<vmem>>) offsets(%arg7 : memref<48xi32, #tpu.memory_space<vmem>>) semaphore(%arg20 : memref<!tpu.dma_semaphore, #tpu.memory_space<semaphore_mem>>)
        %dma_start3A_233 = arith.constant 0 : i32
        %dma_start3A_234 = arith.constant 0 : i32
        %dma_start3A_235 = tpu.memref_slice %arg2[%dma_start3A_233, %dma_start3A_234] : memref<10240x128xbf16, #tpu.memory_space<hbm>> -> memref<10240x128xbf16, #tpu.memory_space<hbm>>
        tpu.enqueue_indirect_dma source(%dma_start3A_235 : memref<10240x128xbf16, #tpu.memory_space<hbm>>) target(%arg15 : memref<48x128xbf16, #tpu.memory_space<vmem>>) offsets(%arg9 : memref<48xi32, #tpu.memory_space<vmem>>) semaphore(%arg20 : memref<!tpu.dma_semaphore, #tpu.memory_space<semaphore_mem>>)
      } else {
      }
      %add3A_213 = arith.constant 2 : i32
      %add3A_214 = arith.addi %add3A_183, %add3A_213 : i32
      %lt3A_215 = arith.cmpi slt, %add3A_214, %select_n3A : i32
      %convert_element_type3A_216 = arith.extui %lt3A_215 : i1 to i32
      %cond3A_217 = arith.constant 0 : i32
      %cond3A_218 = arith.cmpi ne, %convert_element_type3A_216, %cond3A_217 : i32
      scf.if %cond3A_218 {
        %add3A_226 = arith.constant 2 : i32
        %add3A_227 = arith.addi %add3A_183, %add3A_226 : i32
        %mul3A_228 = arith.constant 48 : i32
        %mul3A_229 = arith.muli %add3A_227, %mul3A_228 : i32
        %add3A_230 = arith.addi %select_n3A_8, %mul3A_229 : i32
        %dma_start3A_231 = tpu.memref_slice %arg4[%add3A_230] : memref<321024xi32, #tpu.memory_space<hbm>> -> memref<48xi32, #tpu.memory_space<hbm>>
        %dma_start3A_232 = tpu.memref_slice %arg4[%add3A_230] : memref<321024xi32, #tpu.memory_space<hbm>> -> memref<48xi32, #tpu.memory_space<hbm>>
        tpu.enqueue_dma source(%dma_start3A_232 : memref<48xi32, #tpu.memory_space<hbm>>) target(%arg8 : memref<48xi32, #tpu.memory_space<vmem>>) target_semaphore(%arg25 : memref<!tpu.dma_semaphore, #tpu.memory_space<semaphore_mem>>)
        %dma_start3A_233 = tpu.memref_slice %arg5[%add3A_230] : memref<321024xi32, #tpu.memory_space<hbm>> -> memref<48xi32, #tpu.memory_space<hbm>>
        %dma_start3A_234 = tpu.memref_slice %arg5[%add3A_230] : memref<321024xi32, #tpu.memory_space<hbm>> -> memref<48xi32, #tpu.memory_space<hbm>>
        tpu.enqueue_dma source(%dma_start3A_234 : memref<48xi32, #tpu.memory_space<hbm>>) target(%arg10 : memref<48xi32, #tpu.memory_space<vmem>>) target_semaphore(%arg25 : memref<!tpu.dma_semaphore, #tpu.memory_space<semaphore_mem>>)
      } else {
      }
      %parallel_loop3A_219 = arith.constant 0 : i32
      %parallel_loop3A_220 = arith.constant 48 : i32
      %parallel_loop3A_221 = arith.constant 1 : i32
      scf.for %parallel_loop3A_226 = %parallel_loop3A_219 to %parallel_loop3A_220 step %parallel_loop3A_221  : i32 {
        %parallel_loop3A_227 = arith.index_cast %parallel_loop3A_226 : i32 to index
        %parallel_loop3A_228 = arith.constant 0 : index
        %parallel_loop3A_229 = tpu.vector_load %arg14[%parallel_loop3A_227, %parallel_loop3A_228] {strides = array<i32>} : memref<48x256xbf16, #tpu.memory_space<vmem>>, vector<32xbf16>,
        %parallel_loop3A_230 = arith.index_cast %parallel_loop3A_226 : i32 to index
        %parallel_loop3A_231 = arith.constant 0 : index
        %parallel_loop3A_232 = tpu.vector_load %arg16[%parallel_loop3A_230, %parallel_loop3A_231] {strides = array<i32>} : memref<48x128xbf16, #tpu.memory_space<vmem>>, vector<32xbf16>,
        %parallel_loop3A_233 = tpu.unpack_subelements %parallel_loop3A_229, 0 {pack_format = #tpu.pack_format<interleaved>} : vector<32xbf16> -> vector<16xf32>
        %parallel_loop3A_234 = tpu.unpack_subelements %parallel_loop3A_229, 1 {pack_format = #tpu.pack_format<interleaved>} : vector<32xbf16> -> vector<16xf32>
        %parallel_loop3A_235 = tpu.unpack_subelements %parallel_loop3A_232, 0 {pack_format = #tpu.pack_format<interleaved>} : vector<32xbf16> -> vector<16xf32>
        %parallel_loop3A_236 = tpu.unpack_subelements %parallel_loop3A_232, 1 {pack_format = #tpu.pack_format<interleaved>} : vector<32xbf16> -> vector<16xf32>
        %parallel_loop3A_237 = arith.mulf %parallel_loop3A_233, %parallel_loop3A_235 : vector<16xf32>
        %parallel_loop3A_238 = arith.mulf %parallel_loop3A_234, %parallel_loop3A_236 : vector<16xf32>
        %parallel_loop3A_239 = arith.addf %parallel_loop3A_237, %parallel_loop3A_238 : vector<16xf32>
        %parallel_loop3A_240 = arith.index_cast %parallel_loop3A_226 : i32 to index
        %parallel_loop3A_241 = arith.constant 32 : index
        %parallel_loop3A_242 = tpu.vector_load %arg14[%parallel_loop3A_240, %parallel_loop3A_241] {strides = array<i32>} : memref<48x256xbf16, #tpu.memory_space<vmem>>, vector<32xbf16>,
        %parallel_loop3A_243 = arith.index_cast %parallel_loop3A_226 : i32 to index
        %parallel_loop3A_244 = arith.constant 32 : index
        %parallel_loop3A_245 = tpu.vector_load %arg16[%parallel_loop3A_243, %parallel_loop3A_244] {strides = array<i32>} : memref<48x128xbf16, #tpu.memory_space<vmem>>, vector<32xbf16>,
        %parallel_loop3A_246 = tpu.unpack_subelements %parallel_loop3A_242, 0 {pack_format = #tpu.pack_format<interleaved>} : vector<32xbf16> -> vector<16xf32>
        %parallel_loop3A_247 = tpu.unpack_subelements %parallel_loop3A_242, 1 {pack_format = #tpu.pack_format<interleaved>} : vector<32xbf16> -> vector<16xf32>
        %parallel_loop3A_248 = tpu.unpack_subelements %parallel_loop3A_245, 0 {pack_format = #tpu.pack_format<interleaved>} : vector<32xbf16> -> vector<16xf32>
        %parallel_loop3A_249 = tpu.unpack_subelements %parallel_loop3A_245, 1 {pack_format = #tpu.pack_format<interleaved>} : vector<32xbf16> -> vector<16xf32>
        %parallel_loop3A_250 = arith.mulf %parallel_loop3A_246, %parallel_loop3A_248 : vector<16xf32>
        %parallel_loop3A_251 = arith.mulf %parallel_loop3A_247, %parallel_loop3A_249 : vector<16xf32>
        %parallel_loop3A_252 = arith.addf %parallel_loop3A_250, %parallel_loop3A_251 : vector<16xf32>
        %parallel_loop3A_253 = arith.index_cast %parallel_loop3A_226 : i32 to index
        %parallel_loop3A_254 = arith.constant 64 : index
        %parallel_loop3A_255 = tpu.vector_load %arg14[%parallel_loop3A_253, %parallel_loop3A_254] {strides = array<i32>} : memref<48x256xbf16, #tpu.memory_space<vmem>>, vector<32xbf16>,
        %parallel_loop3A_256 = arith.index_cast %parallel_loop3A_226 : i32 to index
        %parallel_loop3A_257 = arith.constant 64 : index
        %parallel_loop3A_258 = tpu.vector_load %arg16[%parallel_loop3A_256, %parallel_loop3A_257] {strides = array<i32>} : memref<48x128xbf16, #tpu.memory_space<vmem>>, vector<32xbf16>,
        %parallel_loop3A_259 = tpu.unpack_subelements %parallel_loop3A_255, 0 {pack_format = #tpu.pack_format<interleaved>} : vector<32xbf16> -> vector<16xf32>
        %parallel_loop3A_260 = tpu.unpack_subelements %parallel_loop3A_255, 1 {pack_format = #tpu.pack_format<interleaved>} : vector<32xbf16> -> vector<16xf32>
        %parallel_loop3A_261 = tpu.unpack_subelements %parallel_loop3A_258, 0 {pack_format = #tpu.pack_format<interleaved>} : vector<32xbf16> -> vector<16xf32>
        %parallel_loop3A_262 = tpu.unpack_subelements %parallel_loop3A_258, 1 {pack_format = #tpu.pack_format<interleaved>} : vector<32xbf16> -> vector<16xf32>
        %parallel_loop3A_263 = arith.mulf %parallel_loop3A_259, %parallel_loop3A_261 : vector<16xf32>
        %parallel_loop3A_264 = arith.mulf %parallel_loop3A_260, %parallel_loop3A_262 : vector<16xf32>
        %parallel_loop3A_265 = arith.addf %parallel_loop3A_263, %parallel_loop3A_264 : vector<16xf32>
        %parallel_loop3A_266 = arith.index_cast %parallel_loop3A_226 : i32 to index
        %parallel_loop3A_267 = arith.constant 96 : index
        %parallel_loop3A_268 = tpu.vector_load %arg14[%parallel_loop3A_266, %parallel_loop3A_267] {strides = array<i32>} : memref<48x256xbf16, #tpu.memory_space<vmem>>, vector<32xbf16>,
        %parallel_loop3A_269 = arith.index_cast %parallel_loop3A_226 : i32 to index
        %parallel_loop3A_270 = arith.constant 96 : index
        %parallel_loop3A_271 = tpu.vector_load %arg16[%parallel_loop3A_269, %parallel_loop3A_270] {strides = array<i32>} : memref<48x128xbf16, #tpu.memory_space<vmem>>, vector<32xbf16>,
        %parallel_loop3A_272 = tpu.unpack_subelements %parallel_loop3A_268, 0 {pack_format = #tpu.pack_format<interleaved>} : vector<32xbf16> -> vector<16xf32>
        %parallel_loop3A_273 = tpu.unpack_subelements %parallel_loop3A_268, 1 {pack_format = #tpu.pack_format<interleaved>} : vector<32xbf16> -> vector<16xf32>
        %parallel_loop3A_274 = tpu.unpack_subelements %parallel_loop3A_271, 0 {pack_format = #tpu.pack_format<interleaved>} : vector<32xbf16> -> vector<16xf32>
        %parallel_loop3A_275 = tpu.unpack_subelements %parallel_loop3A_271, 1 {pack_format = #tpu.pack_format<interleaved>} : vector<32xbf16> -> vector<16xf32>
        %parallel_loop3A_276 = arith.mulf %parallel_loop3A_272, %parallel_loop3A_274 : vector<16xf32>
        %parallel_loop3A_277 = arith.mulf %parallel_loop3A_273, %parallel_loop3A_275 : vector<16xf32>
        %parallel_loop3A_278 = arith.addf %parallel_loop3A_276, %parallel_loop3A_277 : vector<16xf32>
        %parallel_loop3A_279 = vector.shape_cast %xor3A_23 : vector<16xi32> to vector<16x1xi32>
        %parallel_loop3A_280 = vector.shape_cast %parallel_loop3A_279 : vector<16x1xi32> to vector<16xi32>
        %parallel_loop3A_281 = tpu.dynamic_gather %parallel_loop3A_239[%parallel_loop3A_280] in [0] : vector<16xf32>, vector<16xi32> -> vector<16xf32>
        %parallel_loop3A_282 = arith.addf %parallel_loop3A_239, %parallel_loop3A_281 : vector<16xf32>
        %parallel_loop3A_283 = vector.shape_cast %xor3A_23 : vector<16xi32> to vector<16x1xi32>
        %parallel_loop3A_284 = vector.shape_cast %parallel_loop3A_283 : vector<16x1xi32> to vector<16xi32>
        %parallel_loop3A_285 = tpu.dynamic_gather %parallel_loop3A_252[%parallel_loop3A_284] in [0] : vector<16xf32>, vector<16xi32> -> vector<16xf32>
        %parallel_loop3A_286 = arith.addf %parallel_loop3A_252, %parallel_loop3A_285 : vector<16xf32>
        %parallel_loop3A_287 = vector.shape_cast %xor3A_23 : vector<16xi32> to vector<16x1xi32>
        %parallel_loop3A_288 = vector.shape_cast %parallel_loop3A_287 : vector<16x1xi32> to vector<16xi32>
        %parallel_loop3A_289 = tpu.dynamic_gather %parallel_loop3A_265[%parallel_loop3A_288] in [0] : vector<16xf32>, vector<16xi32> -> vector<16xf32>
        %parallel_loop3A_290 = arith.addf %parallel_loop3A_265, %parallel_loop3A_289 : vector<16xf32>
        %parallel_loop3A_291 = vector.shape_cast %xor3A_23 : vector<16xi32> to vector<16x1xi32>
        %parallel_loop3A_292 = vector.shape_cast %parallel_loop3A_291 : vector<16x1xi32> to vector<16xi32>
        %parallel_loop3A_293 = tpu.dynamic_gather %parallel_loop3A_278[%parallel_loop3A_292] in [0] : vector<16xf32>, vector<16xi32> -> vector<16xf32>
        %parallel_loop3A_294 = arith.addf %parallel_loop3A_278, %parallel_loop3A_293 : vector<16xf32>
        %parallel_loop3A_295 = arith.select %eq3A_15, %parallel_loop3A_282, %parallel_loop3A_286 : vector<16xi1>, vector<16xf32>
        %parallel_loop3A_296 = arith.select %eq3A_15, %parallel_loop3A_290, %parallel_loop3A_294 : vector<16xi1>, vector<16xf32>
        %parallel_loop3A_297 = vector.shape_cast %xor3A_26 : vector<16xi32> to vector<16x1xi32>
        %parallel_loop3A_298 = vector.shape_cast %parallel_loop3A_297 : vector<16x1xi32> to vector<16xi32>
        %parallel_loop3A_299 = tpu.dynamic_gather %parallel_loop3A_295[%parallel_loop3A_298] in [0] : vector<16xf32>, vector<16xi32> -> vector<16xf32>
        %parallel_loop3A_300 = arith.addf %parallel_loop3A_295, %parallel_loop3A_299 : vector<16xf32>
        %parallel_loop3A_301 = vector.shape_cast %xor3A_26 : vector<16xi32> to vector<16x1xi32>
        %parallel_loop3A_302 = vector.shape_cast %parallel_loop3A_301 : vector<16x1xi32> to vector<16xi32>
        %parallel_loop3A_303 = tpu.dynamic_gather %parallel_loop3A_296[%parallel_loop3A_302] in [0] : vector<16xf32>, vector<16xi32> -> vector<16xf32>
        %parallel_loop3A_304 = arith.addf %parallel_loop3A_296, %parallel_loop3A_303 : vector<16xf32>
        %parallel_loop3A_305 = arith.select %eq3A_21, %parallel_loop3A_300, %parallel_loop3A_304 : vector<16xi1>, vector<16xf32>
        %parallel_loop3A_306 = vector.shape_cast %xor3A_29 : vector<16xi32> to vector<16x1xi32>
        %parallel_loop3A_307 = vector.shape_cast %parallel_loop3A_306 : vector<16x1xi32> to vector<16xi32>
        %parallel_loop3A_308 = tpu.dynamic_gather %parallel_loop3A_305[%parallel_loop3A_307] in [0] : vector<16xf32>, vector<16xi32> -> vector<16xf32>
        %parallel_loop3A_309 = arith.addf %parallel_loop3A_305, %parallel_loop3A_308 : vector<16xf32>
        %parallel_loop3A_310 = arith.constant 2.500000e-01 : f32
        %parallel_loop3A_311 = vector.broadcast %parallel_loop3A_310 : f32 to vector<16xf32>
        %parallel_loop3A_312 = arith.mulf %parallel_loop3A_309, %parallel_loop3A_311 : vector<16xf32>
        %parallel_loop3A_313 = arith.constant -5.000000e+00 : f32
        %parallel_loop3A_314 = arith.constant 5.000000e+00 : f32
        %parallel_loop3A_315 = vector.broadcast %parallel_loop3A_313 : f32 to vector<16xf32>
        %parallel_loop3A_316 = arith.maximumf %parallel_loop3A_315, %parallel_loop3A_312 : vector<16xf32>
        %parallel_loop3A_317 = vector.broadcast %parallel_loop3A_314 : f32 to vector<16xf32>
        %parallel_loop3A_318 = arith.minimumf %parallel_loop3A_317, %parallel_loop3A_316 : vector<16xf32>
        %parallel_loop3A_319 = math.exp %parallel_loop3A_318 : vector<16xf32>
        %parallel_loop3A_320 = arith.index_cast %parallel_loop3A_226 : i32 to index
        %parallel_loop3A_321 = arith.constant 128 : index
        %parallel_loop3A_322 = tpu.vector_load %arg14[%parallel_loop3A_320, %parallel_loop3A_321] {strides = array<i32>} : memref<48x256xbf16, #tpu.memory_space<vmem>>, vector<32xbf16>,
        %parallel_loop3A_323 = tpu.unpack_subelements %parallel_loop3A_322, 0 {pack_format = #tpu.pack_format<interleaved>} : vector<32xbf16> -> vector<16xf32>
        %parallel_loop3A_324 = tpu.unpack_subelements %parallel_loop3A_322, 1 {pack_format = #tpu.pack_format<interleaved>} : vector<32xbf16> -> vector<16xf32>
        %parallel_loop3A_325 = vector.shape_cast %select_n3A_53 : vector<16xi32> to vector<16x1xi32>
        %parallel_loop3A_326 = vector.shape_cast %parallel_loop3A_325 : vector<16x1xi32> to vector<16xi32>
        %parallel_loop3A_327 = tpu.dynamic_gather %parallel_loop3A_319[%parallel_loop3A_326] in [0] : vector<16xf32>, vector<16xi32> -> vector<16xf32>
        %parallel_loop3A_328 = arith.mulf %parallel_loop3A_323, %parallel_loop3A_327 : vector<16xf32>
        %parallel_loop3A_329 = arith.index_cast %parallel_loop3A_226 : i32 to index
        %parallel_loop3A_330 = arith.constant 0 : index
        %parallel_loop3A_331 = tpu.vector_load %arg18[%parallel_loop3A_329, %parallel_loop3A_330] {strides = array<i32>} : memref<48x144xf32, #tpu.memory_space<vmem>>, vector<16xf32>,
        tpu.vector_store %arg18[%parallel_loop3A_329, %parallel_loop3A_330], %parallel_loop3A_328 {strides = array<i32>} : memref<48x144xf32, #tpu.memory_space<vmem>>, vector<16xf32>,
        %parallel_loop3A_332 = arith.mulf %parallel_loop3A_324, %parallel_loop3A_327 : vector<16xf32>
        %parallel_loop3A_333 = arith.index_cast %parallel_loop3A_226 : i32 to index
        %parallel_loop3A_334 = arith.constant 16 : index
        %parallel_loop3A_335 = tpu.vector_load %arg18[%parallel_loop3A_333, %parallel_loop3A_334] {strides = array<i32>} : memref<48x144xf32, #tpu.memory_space<vmem>>, vector<16xf32>,
        tpu.vector_store %arg18[%parallel_loop3A_333, %parallel_loop3A_334], %parallel_loop3A_332 {strides = array<i32>} : memref<48x144xf32, #tpu.memory_space<vmem>>, vector<16xf32>,
        %parallel_loop3A_336 = arith.index_cast %parallel_loop3A_226 : i32 to index
        %parallel_loop3A_337 = arith.constant 160 : index
        %parallel_loop3A_338 = tpu.vector_load %arg14[%parallel_loop3A_336, %parallel_loop3A_337] {strides = array<i32>} : memref<48x256xbf16, #tpu.memory_space<vmem>>, vector<32xbf16>,
        %parallel_loop3A_339 = tpu.unpack_subelements %parallel_loop3A_338, 0 {pack_format = #tpu.pack_format<interleaved>} : vector<32xbf16> -> vector<16xf32>
        %parallel_loop3A_340 = tpu.unpack_subelements %parallel_loop3A_338, 1 {pack_format = #tpu.pack_format<interleaved>} : vector<32xbf16> -> vector<16xf32>
        %parallel_loop3A_341 = vector.shape_cast %select_n3A_61 : vector<16xi32> to vector<16x1xi32>
        %parallel_loop3A_342 = vector.shape_cast %parallel_loop3A_341 : vector<16x1xi32> to vector<16xi32>
        %parallel_loop3A_343 = tpu.dynamic_gather %parallel_loop3A_319[%parallel_loop3A_342] in [0] : vector<16xf32>, vector<16xi32> -> vector<16xf32>
        %parallel_loop3A_344 = arith.mulf %parallel_loop3A_339, %parallel_loop3A_343 : vector<16xf32>
        %parallel_loop3A_345 = arith.index_cast %parallel_loop3A_226 : i32 to index
        %parallel_loop3A_346 = arith.constant 32 : index
        %parallel_loop3A_347 = tpu.vector_load %arg18[%parallel_loop3A_345, %parallel_loop3A_346] {strides = array<i32>} : memref<48x144xf32, #tpu.memory_space<vmem>>, vector<16xf32>,
        tpu.vector_store %arg18[%parallel_loop3A_345, %parallel_loop3A_346], %parallel_loop3A_344 {strides = array<i32>} : memref<48x144xf32, #tpu.memory_space<vmem>>, vector<16xf32>,
        %parallel_loop3A_348 = arith.mulf %parallel_loop3A_340, %parallel_loop3A_343 : vector<16xf32>
        %parallel_loop3A_349 = arith.index_cast %parallel_loop3A_226 : i32 to index
        %parallel_loop3A_350 = arith.constant 48 : index
        %parallel_loop3A_351 = tpu.vector_load %arg18[%parallel_loop3A_349, %parallel_loop3A_350] {strides = array<i32>} : memref<48x144xf32, #tpu.memory_space<vmem>>, vector<16xf32>,
        tpu.vector_store %arg18[%parallel_loop3A_349, %parallel_loop3A_350], %parallel_loop3A_348 {strides = array<i32>} : memref<48x144xf32, #tpu.memory_space<vmem>>, vector<16xf32>,
        %parallel_loop3A_352 = arith.index_cast %parallel_loop3A_226 : i32 to index
        %parallel_loop3A_353 = arith.constant 192 : index
        %parallel_loop3A_354 = tpu.vector_load %arg14[%parallel_loop3A_352, %parallel_loop3A_353] {strides = array<i32>} : memref<48x256xbf16, #tpu.memory_space<vmem>>, vector<32xbf16>,
        %parallel_loop3A_355 = tpu.unpack_subelements %parallel_loop3A_354, 0 {pack_format = #tpu.pack_format<interleaved>} : vector<32xbf16> -> vector<16xf32>
        %parallel_loop3A_356 = tpu.unpack_subelements %parallel_loop3A_354, 1 {pack_format = #tpu.pack_format<interleaved>} : vector<32xbf16> -> vector<16xf32>
        %parallel_loop3A_357 = vector.shape_cast %select_n3A_69 : vector<16xi32> to vector<16x1xi32>
        %parallel_loop3A_358 = vector.shape_cast %parallel_loop3A_357 : vector<16x1xi32> to vector<16xi32>
        %parallel_loop3A_359 = tpu.dynamic_gather %parallel_loop3A_319[%parallel_loop3A_358] in [0] : vector<16xf32>, vector<16xi32> -> vector<16xf32>
        %parallel_loop3A_360 = arith.mulf %parallel_loop3A_355, %parallel_loop3A_359 : vector<16xf32>
        %parallel_loop3A_361 = arith.index_cast %parallel_loop3A_226 : i32 to index
        %parallel_loop3A_362 = arith.constant 64 : index
        %parallel_loop3A_363 = tpu.vector_load %arg18[%parallel_loop3A_361, %parallel_loop3A_362] {strides = array<i32>} : memref<48x144xf32, #tpu.memory_space<vmem>>, vector<16xf32>,
        tpu.vector_store %arg18[%parallel_loop3A_361, %parallel_loop3A_362], %parallel_loop3A_360 {strides = array<i32>} : memref<48x144xf32, #tpu.memory_space<vmem>>, vector<16xf32>,
        %parallel_loop3A_364 = arith.mulf %parallel_loop3A_356, %parallel_loop3A_359 : vector<16xf32>
        %parallel_loop3A_365 = arith.index_cast %parallel_loop3A_226 : i32 to index
        %parallel_loop3A_366 = arith.constant 80 : index
        %parallel_loop3A_367 = tpu.vector_load %arg18[%parallel_loop3A_365, %parallel_loop3A_366] {strides = array<i32>} : memref<48x144xf32, #tpu.memory_space<vmem>>, vector<16xf32>,
        tpu.vector_store %arg18[%parallel_loop3A_365, %parallel_loop3A_366], %parallel_loop3A_364 {strides = array<i32>} : memref<48x144xf32, #tpu.memory_space<vmem>>, vector<16xf32>,
        %parallel_loop3A_368 = arith.index_cast %parallel_loop3A_226 : i32 to index
        %parallel_loop3A_369 = arith.constant 224 : index
        %parallel_loop3A_370 = tpu.vector_load %arg14[%parallel_loop3A_368, %parallel_loop3A_369] {strides = array<i32>} : memref<48x256xbf16, #tpu.memory_space<vmem>>, vector<32xbf16>,
        %parallel_loop3A_371 = tpu.unpack_subelements %parallel_loop3A_370, 0 {pack_format = #tpu.pack_format<interleaved>} : vector<32xbf16> -> vector<16xf32>
        %parallel_loop3A_372 = tpu.unpack_subelements %parallel_loop3A_370, 1 {pack_format = #tpu.pack_format<interleaved>} : vector<32xbf16> -> vector<16xf32>
        %parallel_loop3A_373 = vector.shape_cast %select_n3A_77 : vector<16xi32> to vector<16x1xi32>
        %parallel_loop3A_374 = vector.shape_cast %parallel_loop3A_373 : vector<16x1xi32> to vector<16xi32>
        %parallel_loop3A_375 = tpu.dynamic_gather %parallel_loop3A_319[%parallel_loop3A_374] in [0] : vector<16xf32>, vector<16xi32> -> vector<16xf32>
        %parallel_loop3A_376 = arith.mulf %parallel_loop3A_371, %parallel_loop3A_375 : vector<16xf32>
        %parallel_loop3A_377 = arith.index_cast %parallel_loop3A_226 : i32 to index
        %parallel_loop3A_378 = arith.constant 96 : index
        %parallel_loop3A_379 = tpu.vector_load %arg18[%parallel_loop3A_377, %parallel_loop3A_378] {strides = array<i32>} : memref<48x144xf32, #tpu.memory_space<vmem>>, vector<16xf32>,
        tpu.vector_store %arg18[%parallel_loop3A_377, %parallel_loop3A_378], %parallel_loop3A_376 {strides = array<i32>} : memref<48x144xf32, #tpu.memory_space<vmem>>, vector<16xf32>,
        %parallel_loop3A_380 = arith.mulf %parallel_loop3A_372, %parallel_loop3A_375 : vector<16xf32>
        %parallel_loop3A_381 = arith.index_cast %parallel_loop3A_226 : i32 to index
        %parallel_loop3A_382 = arith.constant 112 : index
        %parallel_loop3A_383 = tpu.vector_load %arg18[%parallel_loop3A_381, %parallel_loop3A_382] {strides = array<i32>} : memref<48x144xf32, #tpu.memory_space<vmem>>, vector<16xf32>,
        tpu.vector_store %arg18[%parallel_loop3A_381, %parallel_loop3A_382], %parallel_loop3A_380 {strides = array<i32>} : memref<48x144xf32, #tpu.memory_space<vmem>>, vector<16xf32>,
        %parallel_loop3A_384 = vector.shape_cast %shift_left3A_46 : vector<16xi32> to vector<16x1xi32>
        %parallel_loop3A_385 = vector.shape_cast %parallel_loop3A_384 : vector<16x1xi32> to vector<16xi32>
        %parallel_loop3A_386 = tpu.dynamic_gather %parallel_loop3A_319[%parallel_loop3A_385] in [0] : vector<16xf32>, vector<16xi32> -> vector<16xf32>
        %parallel_loop3A_387 = arith.constant 0.000000e+00 : f32
        %parallel_loop3A_388 = vector.broadcast %parallel_loop3A_387 : f32 to vector<16xf32>
        %parallel_loop3A_389 = arith.select %lt3A_10, %parallel_loop3A_386, %parallel_loop3A_388 : vector<16xi1>, vector<16xf32>
        %parallel_loop3A_390 = arith.index_cast %parallel_loop3A_226 : i32 to index
        %parallel_loop3A_391 = arith.constant 128 : index
        %parallel_loop3A_392 = tpu.vector_load %arg18[%parallel_loop3A_390, %parallel_loop3A_391] {strides = array<i32>} : memref<48x144xf32, #tpu.memory_space<vmem>>, vector<16xf32>,
        tpu.vector_store %arg18[%parallel_loop3A_390, %parallel_loop3A_391], %parallel_loop3A_389 {strides = array<i32>} : memref<48x144xf32, #tpu.memory_space<vmem>>, vector<16xf32>,
      } {sc.loop_unroll_factor = 4 : i64, sc.parallel_access}
      %dma_start3A_222 = arith.constant 0 : i32
      %dma_start3A_223 = arith.constant 0 : i32
      %dma_start3A_224 = tpu.memref_slice %arg19[%dma_start3A_222, %dma_start3A_223] : memref<10112x144xf32, #tpu.memory_space<vmem_shared>> -> memref<10112x144xf32, #tpu.memory_space<vmem_shared>>
      tpu.enqueue_indirect_dma source(%arg18 : memref<48x144xf32, #tpu.memory_space<vmem>>) target(%dma_start3A_224 : memref<10112x144xf32, #tpu.memory_space<vmem_shared>>) offsets(%arg12 : memref<48xi32, #tpu.memory_space<vmem>>) semaphore(%arg23 : memref<!tpu.dma_semaphore, #tpu.memory_space<semaphore_mem>>) {add = true}
      %while3A_225 = arith.constant 0 : i32
      scf.yield %while3A_225 : i32
    }
    %while3A_136 = arith.constant 1 : i32
    %while3A_137 = scf.for %while3A_141 = %while3A_133 to %while3A_129 step %while3A_136 iter_args(%while3A_142 = %while3A_135) -> (i32)  : i32 {
      %mul3A_143 = arith.constant 2 : i32
      %mul3A_144 = arith.muli %while3A_141, %mul3A_143 : i32
      %dma_wait3A_145 = arith.constant 0 : i32
      %dma_wait3A_146 = arith.constant 0 : i32
      %dma_wait3A_147 = tpu.memref_slice %arg3[%dma_wait3A_145, %dma_wait3A_146] : memref<10240x256xbf16, #tpu.memory_space<hbm>> -> memref<10240x256xbf16, #tpu.memory_space<hbm>>
      tpu.wait_indirect_dma semaphore(%arg20 : memref<!tpu.dma_semaphore, #tpu.memory_space<semaphore_mem>>) src(%dma_wait3A_147 : memref<10240x256xbf16, #tpu.memory_space<hbm>>) dst(%arg13 : memref<48x256xbf16, #tpu.memory_space<vmem>>)
      %dma_wait3A_148 = arith.constant 0 : i32
      %dma_wait3A_149 = arith.constant 0 : i32
      %dma_wait3A_150 = tpu.memref_slice %arg2[%dma_wait3A_148, %dma_wait3A_149] : memref<10240x128xbf16, #tpu.memory_space<hbm>> -> memref<10240x128xbf16, #tpu.memory_space<hbm>>
      tpu.wait_indirect_dma semaphore(%arg20 : memref<!tpu.dma_semaphore, #tpu.memory_space<semaphore_mem>>) src(%dma_wait3A_150 : memref<10240x128xbf16, #tpu.memory_space<hbm>>) dst(%arg15 : memref<48x128xbf16, #tpu.memory_space<vmem>>)
      %get3A = arith.constant 0 : index
      %get3A_151 = tpu.vector_load %arg9[%get3A] {strides = array<i32>} : memref<48xi32, #tpu.memory_space<vmem>>, vector<16xi32>,
      %swap3A = arith.constant 0 : index
      %swap3A_152 = tpu.vector_load %arg11[%swap3A] {strides = array<i32>} : memref<48xi32, #tpu.memory_space<vmem>>, vector<16xi32>,
      tpu.vector_store %arg11[%swap3A], %get3A_151 {strides = array<i32>} : memref<48xi32, #tpu.memory_space<vmem>>, vector<16xi32>,
      %get3A_153 = arith.constant 16 : index
      %get3A_154 = tpu.vector_load %arg9[%get3A_153] {strides = array<i32>} : memref<48xi32, #tpu.memory_space<vmem>>, vector<16xi32>,
      %swap3A_155 = arith.constant 16 : index
      %swap3A_156 = tpu.vector_load %arg11[%swap3A_155] {strides = array<i32>} : memref<48xi32, #tpu.memory_space<vmem>>, vector<16xi32>,
      tpu.vector_store %arg11[%swap3A_155], %get3A_154 {strides = array<i32>} : memref<48xi32, #tpu.memory_space<vmem>>, vector<16xi32>,
      %get3A_157 = arith.constant 32 : index
      %get3A_158 = tpu.vector_load %arg9[%get3A_157] {strides = array<i32>} : memref<48xi32, #tpu.memory_space<vmem>>, vector<16xi32>,
      %swap3A_159 = arith.constant 32 : index
      %swap3A_160 = tpu.vector_load %arg11[%swap3A_159] {strides = array<i32>} : memref<48xi32, #tpu.memory_space<vmem>>, vector<16xi32>,
      tpu.vector_store %arg11[%swap3A_159], %get3A_158 {strides = array<i32>} : memref<48xi32, #tpu.memory_space<vmem>>, vector<16xi32>,
      %ge3A = arith.constant 1 : i32
      %ge3A_161 = arith.cmpi sge, %mul3A_144, %ge3A : i32
      %convert_element_type3A = arith.extui %ge3A_161 : i1 to i32
      %cond3A = arith.constant 0 : i32
      %cond3A_162 = arith.cmpi ne, %convert_element_type3A, %cond3A : i32
      scf.if %cond3A_162 {
        %dma_wait3A_226 = arith.constant 0 : i32
        %dma_wait3A_227 = arith.constant 0 : i32
        %dma_wait3A_228 = tpu.memref_slice %arg19[%dma_wait3A_226, %dma_wait3A_227] : memref<10112x144xf32, #tpu.memory_space<vmem_shared>> -> memref<10112x144xf32, #tpu.memory_space<vmem_shared>>
        tpu.wait_indirect_dma semaphore(%arg23 : memref<!tpu.dma_semaphore, #tpu.memory_space<semaphore_mem>>) src(%arg18 : memref<48x144xf32, #tpu.memory_space<vmem>>) dst(%dma_wait3A_228 : memref<10112x144xf32, #tpu.memory_space<vmem_shared>>)
      } else {
      }
      %add3A_163 = arith.constant 1 : i32
      %add3A_164 = arith.addi %mul3A_144, %add3A_163 : i32
      %lt3A_165 = arith.cmpi slt, %add3A_164, %select_n3A : i32
      %convert_element_type3A_166 = arith.extui %lt3A_165 : i1 to i32
      %cond3A_167 = arith.constant 0 : i32
      %cond3A_168 = arith.cmpi ne, %convert_element_type3A_166, %cond3A_167 : i32
      scf.if %cond3A_168 {
        %dma_wait3A_226 = tpu.memref_slice %arg4[%select_n3A_8] : memref<321024xi32, #tpu.memory_space<hbm>> -> memref<48xi32, #tpu.memory_space<hbm>>
        %dma_wait3A_227 = tpu.memref_slice %arg4[%select_n3A_8] : memref<321024xi32, #tpu.memory_space<hbm>> -> memref<48xi32, #tpu.memory_space<hbm>>
        tpu.wait_dma2 semaphore(%arg25 : memref<!tpu.dma_semaphore, #tpu.memory_space<semaphore_mem>>) src(%dma_wait3A_227 : memref<48xi32, #tpu.memory_space<hbm>>) dst(%arg8 : memref<48xi32, #tpu.memory_space<vmem>>)
        %dma_wait3A_228 = tpu.memref_slice %arg5[%select_n3A_8] : memref<321024xi32, #tpu.memory_space<hbm>> -> memref<48xi32, #tpu.memory_space<hbm>>
        %dma_wait3A_229 = tpu.memref_slice %arg5[%select_n3A_8] : memref<321024xi32, #tpu.memory_space<hbm>> -> memref<48xi32, #tpu.memory_space<hbm>>
        tpu.wait_dma2 semaphore(%arg25 : memref<!tpu.dma_semaphore, #tpu.memory_space<semaphore_mem>>) src(%dma_wait3A_229 : memref<48xi32, #tpu.memory_space<hbm>>) dst(%arg10 : memref<48xi32, #tpu.memory_space<vmem>>)
        %dma_start3A_230 = arith.constant 0 : i32
        %dma_start3A_231 = arith.constant 0 : i32
        %dma_start3A_232 = tpu.memref_slice %arg3[%dma_start3A_230, %dma_start3A_231] : memref<10240x256xbf16, #tpu.memory_space<hbm>> -> memref<10240x256xbf16, #tpu.memory_space<hbm>>
        tpu.enqueue_indirect_dma source(%dma_start3A_232 : memref<10240x256xbf16, #tpu.memory_space<hbm>>) target(%arg14 : memref<48x256xbf16, #tpu.memory_space<vmem>>) offsets(%arg8 : memref<48xi32, #tpu.memory_space<vmem>>) semaphore(%arg21 : memref<!tpu.dma_semaphore, #tpu.memory_space<semaphore_mem>>)
        %dma_start3A_233 = arith.constant 0 : i32
        %dma_start3A_234 = arith.constant 0 : i32
        %dma_start3A_235 = tpu.memref_slice %arg2[%dma_start3A_233, %dma_start3A_234] : memref<10240x128xbf16, #tpu.memory_space<hbm>> -> memref<10240x128xbf16, #tpu.memory_space<hbm>>
        tpu.enqueue_indirect_dma source(%dma_start3A_235 : memref<10240x128xbf16, #tpu.memory_space<hbm>>) target(%arg16 : memref<48x128xbf16, #tpu.memory_space<vmem>>) offsets(%arg10 : memref<48xi32, #tpu.memory_space<vmem>>) semaphore(%arg21 : memref<!tpu.dma_semaphore, #tpu.memory_space<semaphore_mem>>)
      } else {
      }
      %add3A_169 = arith.constant 2 : i32
      %add3A_170 = arith.addi %mul3A_144, %add3A_169 : i32
      %lt3A_171 = arith.cmpi slt, %add3A_170, %select_n3A : i32
      %convert_element_type3A_172 = arith.extui %lt3A_171 : i1 to i32
      %cond3A_173 = arith.constant 0 : i32
      %cond3A_174 = arith.cmpi ne, %convert_element_type3A_172, %cond3A_173 : i32
      scf.if %cond3A_174 {
        %add3A_226 = arith.constant 2 : i32
        %add3A_227 = arith.addi %mul3A_144, %add3A_226 : i32
        %mul3A_228 = arith.constant 48 : i32
        %mul3A_229 = arith.muli %add3A_227, %mul3A_228 : i32
        %add3A_230 = arith.addi %select_n3A_8, %mul3A_229 : i32
        %dma_start3A_231 = tpu.memref_slice %arg4[%add3A_230] : memref<321024xi32, #tpu.memory_space<hbm>> -> memref<48xi32, #tpu.memory_space<hbm>>
        %dma_start3A_232 = tpu.memref_slice %arg4[%add3A_230] : memref<321024xi32, #tpu.memory_space<hbm>> -> memref<48xi32, #tpu.memory_space<hbm>>
        tpu.enqueue_dma source(%dma_start3A_232 : memref<48xi32, #tpu.memory_space<hbm>>) target(%arg7 : memref<48xi32, #tpu.memory_space<vmem>>) target_semaphore(%arg24 : memref<!tpu.dma_semaphore, #tpu.memory_space<semaphore_mem>>)
        %dma_start3A_233 = tpu.memref_slice %arg5[%add3A_230] : memref<321024xi32, #tpu.memory_space<hbm>> -> memref<48xi32, #tpu.memory_space<hbm>>
        %dma_start3A_234 = tpu.memref_slice %arg5[%add3A_230] : memref<321024xi32, #tpu.memory_space<hbm>> -> memref<48xi32, #tpu.memory_space<hbm>>
        tpu.enqueue_dma source(%dma_start3A_234 : memref<48xi32, #tpu.memory_space<hbm>>) target(%arg9 : memref<48xi32, #tpu.memory_space<vmem>>) target_semaphore(%arg24 : memref<!tpu.dma_semaphore, #tpu.memory_space<semaphore_mem>>)
      } else {
      }
      %parallel_loop3A = arith.constant 0 : i32
      %parallel_loop3A_175 = arith.constant 48 : i32
      %parallel_loop3A_176 = arith.constant 1 : i32
      scf.for %parallel_loop3A_226 = %parallel_loop3A to %parallel_loop3A_175 step %parallel_loop3A_176  : i32 {
        %parallel_loop3A_227 = arith.index_cast %parallel_loop3A_226 : i32 to index
        %parallel_loop3A_228 = arith.constant 0 : index
        %parallel_loop3A_229 = tpu.vector_load %arg13[%parallel_loop3A_227, %parallel_loop3A_228] {strides = array<i32>} : memref<48x256xbf16, #tpu.memory_space<vmem>>, vector<32xbf16>,
        %parallel_loop3A_230 = arith.index_cast %parallel_loop3A_226 : i32 to index
        %parallel_loop3A_231 = arith.constant 0 : index
        %parallel_loop3A_232 = tpu.vector_load %arg15[%parallel_loop3A_230, %parallel_loop3A_231] {strides = array<i32>} : memref<48x128xbf16, #tpu.memory_space<vmem>>, vector<32xbf16>,
        %parallel_loop3A_233 = tpu.unpack_subelements %parallel_loop3A_229, 0 {pack_format = #tpu.pack_format<interleaved>} : vector<32xbf16> -> vector<16xf32>
        %parallel_loop3A_234 = tpu.unpack_subelements %parallel_loop3A_229, 1 {pack_format = #tpu.pack_format<interleaved>} : vector<32xbf16> -> vector<16xf32>
        %parallel_loop3A_235 = tpu.unpack_subelements %parallel_loop3A_232, 0 {pack_format = #tpu.pack_format<interleaved>} : vector<32xbf16> -> vector<16xf32>
        %parallel_loop3A_236 = tpu.unpack_subelements %parallel_loop3A_232, 1 {pack_format = #tpu.pack_format<interleaved>} : vector<32xbf16> -> vector<16xf32>
        %parallel_loop3A_237 = arith.mulf %parallel_loop3A_233, %parallel_loop3A_235 : vector<16xf32>
        %parallel_loop3A_238 = arith.mulf %parallel_loop3A_234, %parallel_loop3A_236 : vector<16xf32>
        %parallel_loop3A_239 = arith.addf %parallel_loop3A_237, %parallel_loop3A_238 : vector<16xf32>
        %parallel_loop3A_240 = arith.index_cast %parallel_loop3A_226 : i32 to index
        %parallel_loop3A_241 = arith.constant 32 : index
        %parallel_loop3A_242 = tpu.vector_load %arg13[%parallel_loop3A_240, %parallel_loop3A_241] {strides = array<i32>} : memref<48x256xbf16, #tpu.memory_space<vmem>>, vector<32xbf16>,
        %parallel_loop3A_243 = arith.index_cast %parallel_loop3A_226 : i32 to index
        %parallel_loop3A_244 = arith.constant 32 : index
        %parallel_loop3A_245 = tpu.vector_load %arg15[%parallel_loop3A_243, %parallel_loop3A_244] {strides = array<i32>} : memref<48x128xbf16, #tpu.memory_space<vmem>>, vector<32xbf16>,
        %parallel_loop3A_246 = tpu.unpack_subelements %parallel_loop3A_242, 0 {pack_format = #tpu.pack_format<interleaved>} : vector<32xbf16> -> vector<16xf32>
        %parallel_loop3A_247 = tpu.unpack_subelements %parallel_loop3A_242, 1 {pack_format = #tpu.pack_format<interleaved>} : vector<32xbf16> -> vector<16xf32>
        %parallel_loop3A_248 = tpu.unpack_subelements %parallel_loop3A_245, 0 {pack_format = #tpu.pack_format<interleaved>} : vector<32xbf16> -> vector<16xf32>
        %parallel_loop3A_249 = tpu.unpack_subelements %parallel_loop3A_245, 1 {pack_format = #tpu.pack_format<interleaved>} : vector<32xbf16> -> vector<16xf32>
        %parallel_loop3A_250 = arith.mulf %parallel_loop3A_246, %parallel_loop3A_248 : vector<16xf32>
        %parallel_loop3A_251 = arith.mulf %parallel_loop3A_247, %parallel_loop3A_249 : vector<16xf32>
        %parallel_loop3A_252 = arith.addf %parallel_loop3A_250, %parallel_loop3A_251 : vector<16xf32>
        %parallel_loop3A_253 = arith.index_cast %parallel_loop3A_226 : i32 to index
        %parallel_loop3A_254 = arith.constant 64 : index
        %parallel_loop3A_255 = tpu.vector_load %arg13[%parallel_loop3A_253, %parallel_loop3A_254] {strides = array<i32>} : memref<48x256xbf16, #tpu.memory_space<vmem>>, vector<32xbf16>,
        %parallel_loop3A_256 = arith.index_cast %parallel_loop3A_226 : i32 to index
        %parallel_loop3A_257 = arith.constant 64 : index
        %parallel_loop3A_258 = tpu.vector_load %arg15[%parallel_loop3A_256, %parallel_loop3A_257] {strides = array<i32>} : memref<48x128xbf16, #tpu.memory_space<vmem>>, vector<32xbf16>,
        %parallel_loop3A_259 = tpu.unpack_subelements %parallel_loop3A_255, 0 {pack_format = #tpu.pack_format<interleaved>} : vector<32xbf16> -> vector<16xf32>
        %parallel_loop3A_260 = tpu.unpack_subelements %parallel_loop3A_255, 1 {pack_format = #tpu.pack_format<interleaved>} : vector<32xbf16> -> vector<16xf32>
        %parallel_loop3A_261 = tpu.unpack_subelements %parallel_loop3A_258, 0 {pack_format = #tpu.pack_format<interleaved>} : vector<32xbf16> -> vector<16xf32>
        %parallel_loop3A_262 = tpu.unpack_subelements %parallel_loop3A_258, 1 {pack_format = #tpu.pack_format<interleaved>} : vector<32xbf16> -> vector<16xf32>
        %parallel_loop3A_263 = arith.mulf %parallel_loop3A_259, %parallel_loop3A_261 : vector<16xf32>
        %parallel_loop3A_264 = arith.mulf %parallel_loop3A_260, %parallel_loop3A_262 : vector<16xf32>
        %parallel_loop3A_265 = arith.addf %parallel_loop3A_263, %parallel_loop3A_264 : vector<16xf32>
        %parallel_loop3A_266 = arith.index_cast %parallel_loop3A_226 : i32 to index
        %parallel_loop3A_267 = arith.constant 96 : index
        %parallel_loop3A_268 = tpu.vector_load %arg13[%parallel_loop3A_266, %parallel_loop3A_267] {strides = array<i32>} : memref<48x256xbf16, #tpu.memory_space<vmem>>, vector<32xbf16>,
        %parallel_loop3A_269 = arith.index_cast %parallel_loop3A_226 : i32 to index
        %parallel_loop3A_270 = arith.constant 96 : index
        %parallel_loop3A_271 = tpu.vector_load %arg15[%parallel_loop3A_269, %parallel_loop3A_270] {strides = array<i32>} : memref<48x128xbf16, #tpu.memory_space<vmem>>, vector<32xbf16>,
        %parallel_loop3A_272 = tpu.unpack_subelements %parallel_loop3A_268, 0 {pack_format = #tpu.pack_format<interleaved>} : vector<32xbf16> -> vector<16xf32>
        %parallel_loop3A_273 = tpu.unpack_subelements %parallel_loop3A_268, 1 {pack_format = #tpu.pack_format<interleaved>} : vector<32xbf16> -> vector<16xf32>
        %parallel_loop3A_274 = tpu.unpack_subelements %parallel_loop3A_271, 0 {pack_format = #tpu.pack_format<interleaved>} : vector<32xbf16> -> vector<16xf32>
        %parallel_loop3A_275 = tpu.unpack_subelements %parallel_loop3A_271, 1 {pack_format = #tpu.pack_format<interleaved>} : vector<32xbf16> -> vector<16xf32>
        %parallel_loop3A_276 = arith.mulf %parallel_loop3A_272, %parallel_loop3A_274 : vector<16xf32>
        %parallel_loop3A_277 = arith.mulf %parallel_loop3A_273, %parallel_loop3A_275 : vector<16xf32>
        %parallel_loop3A_278 = arith.addf %parallel_loop3A_276, %parallel_loop3A_277 : vector<16xf32>
        %parallel_loop3A_279 = vector.shape_cast %xor3A_23 : vector<16xi32> to vector<16x1xi32>
        %parallel_loop3A_280 = vector.shape_cast %parallel_loop3A_279 : vector<16x1xi32> to vector<16xi32>
        %parallel_loop3A_281 = tpu.dynamic_gather %parallel_loop3A_239[%parallel_loop3A_280] in [0] : vector<16xf32>, vector<16xi32> -> vector<16xf32>
        %parallel_loop3A_282 = arith.addf %parallel_loop3A_239, %parallel_loop3A_281 : vector<16xf32>
        %parallel_loop3A_283 = vector.shape_cast %xor3A_23 : vector<16xi32> to vector<16x1xi32>
        %parallel_loop3A_284 = vector.shape_cast %parallel_loop3A_283 : vector<16x1xi32> to vector<16xi32>
        %parallel_loop3A_285 = tpu.dynamic_gather %parallel_loop3A_252[%parallel_loop3A_284] in [0] : vector<16xf32>, vector<16xi32> -> vector<16xf32>
        %parallel_loop3A_286 = arith.addf %parallel_loop3A_252, %parallel_loop3A_285 : vector<16xf32>
        %parallel_loop3A_287 = vector.shape_cast %xor3A_23 : vector<16xi32> to vector<16x1xi32>
        %parallel_loop3A_288 = vector.shape_cast %parallel_loop3A_287 : vector<16x1xi32> to vector<16xi32>
        %parallel_loop3A_289 = tpu.dynamic_gather %parallel_loop3A_265[%parallel_loop3A_288] in [0] : vector<16xf32>, vector<16xi32> -> vector<16xf32>
        %parallel_loop3A_290 = arith.addf %parallel_loop3A_265, %parallel_loop3A_289 : vector<16xf32>
        %parallel_loop3A_291 = vector.shape_cast %xor3A_23 : vector<16xi32> to vector<16x1xi32>
        %parallel_loop3A_292 = vector.shape_cast %parallel_loop3A_291 : vector<16x1xi32> to vector<16xi32>
        %parallel_loop3A_293 = tpu.dynamic_gather %parallel_loop3A_278[%parallel_loop3A_292] in [0] : vector<16xf32>, vector<16xi32> -> vector<16xf32>
        %parallel_loop3A_294 = arith.addf %parallel_loop3A_278, %parallel_loop3A_293 : vector<16xf32>
        %parallel_loop3A_295 = arith.select %eq3A_15, %parallel_loop3A_282, %parallel_loop3A_286 : vector<16xi1>, vector<16xf32>
        %parallel_loop3A_296 = arith.select %eq3A_15, %parallel_loop3A_290, %parallel_loop3A_294 : vector<16xi1>, vector<16xf32>
        %parallel_loop3A_297 = vector.shape_cast %xor3A_26 : vector<16xi32> to vector<16x1xi32>
        %parallel_loop3A_298 = vector.shape_cast %parallel_loop3A_297 : vector<16x1xi32> to vector<16xi32>
        %parallel_loop3A_299 = tpu.dynamic_gather %parallel_loop3A_295[%parallel_loop3A_298] in [0] : vector<16xf32>, vector<16xi32> -> vector<16xf32>
        %parallel_loop3A_300 = arith.addf %parallel_loop3A_295, %parallel_loop3A_299 : vector<16xf32>
        %parallel_loop3A_301 = vector.shape_cast %xor3A_26 : vector<16xi32> to vector<16x1xi32>
        %parallel_loop3A_302 = vector.shape_cast %parallel_loop3A_301 : vector<16x1xi32> to vector<16xi32>
        %parallel_loop3A_303 = tpu.dynamic_gather %parallel_loop3A_296[%parallel_loop3A_302] in [0] : vector<16xf32>, vector<16xi32> -> vector<16xf32>
        %parallel_loop3A_304 = arith.addf %parallel_loop3A_296, %parallel_loop3A_303 : vector<16xf32>
        %parallel_loop3A_305 = arith.select %eq3A_21, %parallel_loop3A_300, %parallel_loop3A_304 : vector<16xi1>, vector<16xf32>
        %parallel_loop3A_306 = vector.shape_cast %xor3A_29 : vector<16xi32> to vector<16x1xi32>
        %parallel_loop3A_307 = vector.shape_cast %parallel_loop3A_306 : vector<16x1xi32> to vector<16xi32>
        %parallel_loop3A_308 = tpu.dynamic_gather %parallel_loop3A_305[%parallel_loop3A_307] in [0] : vector<16xf32>, vector<16xi32> -> vector<16xf32>
        %parallel_loop3A_309 = arith.addf %parallel_loop3A_305, %parallel_loop3A_308 : vector<16xf32>
        %parallel_loop3A_310 = arith.constant 2.500000e-01 : f32
        %parallel_loop3A_311 = vector.broadcast %parallel_loop3A_310 : f32 to vector<16xf32>
        %parallel_loop3A_312 = arith.mulf %parallel_loop3A_309, %parallel_loop3A_311 : vector<16xf32>
        %parallel_loop3A_313 = arith.constant -5.000000e+00 : f32
        %parallel_loop3A_314 = arith.constant 5.000000e+00 : f32
        %parallel_loop3A_315 = vector.broadcast %parallel_loop3A_313 : f32 to vector<16xf32>
        %parallel_loop3A_316 = arith.maximumf %parallel_loop3A_315, %parallel_loop3A_312 : vector<16xf32>
        %parallel_loop3A_317 = vector.broadcast %parallel_loop3A_314 : f32 to vector<16xf32>
        %parallel_loop3A_318 = arith.minimumf %parallel_loop3A_317, %parallel_loop3A_316 : vector<16xf32>
        %parallel_loop3A_319 = math.exp %parallel_loop3A_318 : vector<16xf32>
        %parallel_loop3A_320 = arith.index_cast %parallel_loop3A_226 : i32 to index
        %parallel_loop3A_321 = arith.constant 128 : index
        %parallel_loop3A_322 = tpu.vector_load %arg13[%parallel_loop3A_320, %parallel_loop3A_321] {strides = array<i32>} : memref<48x256xbf16, #tpu.memory_space<vmem>>, vector<32xbf16>,
        %parallel_loop3A_323 = tpu.unpack_subelements %parallel_loop3A_322, 0 {pack_format = #tpu.pack_format<interleaved>} : vector<32xbf16> -> vector<16xf32>
        %parallel_loop3A_324 = tpu.unpack_subelements %parallel_loop3A_322, 1 {pack_format = #tpu.pack_format<interleaved>} : vector<32xbf16> -> vector<16xf32>
        %parallel_loop3A_325 = vector.shape_cast %select_n3A_53 : vector<16xi32> to vector<16x1xi32>
        %parallel_loop3A_326 = vector.shape_cast %parallel_loop3A_325 : vector<16x1xi32> to vector<16xi32>
        %parallel_loop3A_327 = tpu.dynamic_gather %parallel_loop3A_319[%parallel_loop3A_326] in [0] : vector<16xf32>, vector<16xi32> -> vector<16xf32>
        %parallel_loop3A_328 = arith.mulf %parallel_loop3A_323, %parallel_loop3A_327 : vector<16xf32>
        %parallel_loop3A_329 = arith.index_cast %parallel_loop3A_226 : i32 to index
        %parallel_loop3A_330 = arith.constant 0 : index
        %parallel_loop3A_331 = tpu.vector_load %arg17[%parallel_loop3A_329, %parallel_loop3A_330] {strides = array<i32>} : memref<48x144xf32, #tpu.memory_space<vmem>>, vector<16xf32>,
        tpu.vector_store %arg17[%parallel_loop3A_329, %parallel_loop3A_330], %parallel_loop3A_328 {strides = array<i32>} : memref<48x144xf32, #tpu.memory_space<vmem>>, vector<16xf32>,
        %parallel_loop3A_332 = arith.mulf %parallel_loop3A_324, %parallel_loop3A_327 : vector<16xf32>
        %parallel_loop3A_333 = arith.index_cast %parallel_loop3A_226 : i32 to index
        %parallel_loop3A_334 = arith.constant 16 : index
        %parallel_loop3A_335 = tpu.vector_load %arg17[%parallel_loop3A_333, %parallel_loop3A_334] {strides = array<i32>} : memref<48x144xf32, #tpu.memory_space<vmem>>, vector<16xf32>,
        tpu.vector_store %arg17[%parallel_loop3A_333, %parallel_loop3A_334], %parallel_loop3A_332 {strides = array<i32>} : memref<48x144xf32, #tpu.memory_space<vmem>>, vector<16xf32>,
        %parallel_loop3A_336 = arith.index_cast %parallel_loop3A_226 : i32 to index
        %parallel_loop3A_337 = arith.constant 160 : index
        %parallel_loop3A_338 = tpu.vector_load %arg13[%parallel_loop3A_336, %parallel_loop3A_337] {strides = array<i32>} : memref<48x256xbf16, #tpu.memory_space<vmem>>, vector<32xbf16>,
        %parallel_loop3A_339 = tpu.unpack_subelements %parallel_loop3A_338, 0 {pack_format = #tpu.pack_format<interleaved>} : vector<32xbf16> -> vector<16xf32>
        %parallel_loop3A_340 = tpu.unpack_subelements %parallel_loop3A_338, 1 {pack_format = #tpu.pack_format<interleaved>} : vector<32xbf16> -> vector<16xf32>
        %parallel_loop3A_341 = vector.shape_cast %select_n3A_61 : vector<16xi32> to vector<16x1xi32>
        %parallel_loop3A_342 = vector.shape_cast %parallel_loop3A_341 : vector<16x1xi32> to vector<16xi32>
        %parallel_loop3A_343 = tpu.dynamic_gather %parallel_loop3A_319[%parallel_loop3A_342] in [0] : vector<16xf32>, vector<16xi32> -> vector<16xf32>
        %parallel_loop3A_344 = arith.mulf %parallel_loop3A_339, %parallel_loop3A_343 : vector<16xf32>
        %parallel_loop3A_345 = arith.index_cast %parallel_loop3A_226 : i32 to index
        %parallel_loop3A_346 = arith.constant 32 : index
        %parallel_loop3A_347 = tpu.vector_load %arg17[%parallel_loop3A_345, %parallel_loop3A_346] {strides = array<i32>} : memref<48x144xf32, #tpu.memory_space<vmem>>, vector<16xf32>,
        tpu.vector_store %arg17[%parallel_loop3A_345, %parallel_loop3A_346], %parallel_loop3A_344 {strides = array<i32>} : memref<48x144xf32, #tpu.memory_space<vmem>>, vector<16xf32>,
        %parallel_loop3A_348 = arith.mulf %parallel_loop3A_340, %parallel_loop3A_343 : vector<16xf32>
        %parallel_loop3A_349 = arith.index_cast %parallel_loop3A_226 : i32 to index
        %parallel_loop3A_350 = arith.constant 48 : index
        %parallel_loop3A_351 = tpu.vector_load %arg17[%parallel_loop3A_349, %parallel_loop3A_350] {strides = array<i32>} : memref<48x144xf32, #tpu.memory_space<vmem>>, vector<16xf32>,
        tpu.vector_store %arg17[%parallel_loop3A_349, %parallel_loop3A_350], %parallel_loop3A_348 {strides = array<i32>} : memref<48x144xf32, #tpu.memory_space<vmem>>, vector<16xf32>,
        %parallel_loop3A_352 = arith.index_cast %parallel_loop3A_226 : i32 to index
        %parallel_loop3A_353 = arith.constant 192 : index
        %parallel_loop3A_354 = tpu.vector_load %arg13[%parallel_loop3A_352, %parallel_loop3A_353] {strides = array<i32>} : memref<48x256xbf16, #tpu.memory_space<vmem>>, vector<32xbf16>,
        %parallel_loop3A_355 = tpu.unpack_subelements %parallel_loop3A_354, 0 {pack_format = #tpu.pack_format<interleaved>} : vector<32xbf16> -> vector<16xf32>
        %parallel_loop3A_356 = tpu.unpack_subelements %parallel_loop3A_354, 1 {pack_format = #tpu.pack_format<interleaved>} : vector<32xbf16> -> vector<16xf32>
        %parallel_loop3A_357 = vector.shape_cast %select_n3A_69 : vector<16xi32> to vector<16x1xi32>
        %parallel_loop3A_358 = vector.shape_cast %parallel_loop3A_357 : vector<16x1xi32> to vector<16xi32>
        %parallel_loop3A_359 = tpu.dynamic_gather %parallel_loop3A_319[%parallel_loop3A_358] in [0] : vector<16xf32>, vector<16xi32> -> vector<16xf32>
        %parallel_loop3A_360 = arith.mulf %parallel_loop3A_355, %parallel_loop3A_359 : vector<16xf32>
        %parallel_loop3A_361 = arith.index_cast %parallel_loop3A_226 : i32 to index
        %parallel_loop3A_362 = arith.constant 64 : index
        %parallel_loop3A_363 = tpu.vector_load %arg17[%parallel_loop3A_361, %parallel_loop3A_362] {strides = array<i32>} : memref<48x144xf32, #tpu.memory_space<vmem>>, vector<16xf32>,
        tpu.vector_store %arg17[%parallel_loop3A_361, %parallel_loop3A_362], %parallel_loop3A_360 {strides = array<i32>} : memref<48x144xf32, #tpu.memory_space<vmem>>, vector<16xf32>,
        %parallel_loop3A_364 = arith.mulf %parallel_loop3A_356, %parallel_loop3A_359 : vector<16xf32>
        %parallel_loop3A_365 = arith.index_cast %parallel_loop3A_226 : i32 to index
        %parallel_loop3A_366 = arith.constant 80 : index
        %parallel_loop3A_367 = tpu.vector_load %arg17[%parallel_loop3A_365, %parallel_loop3A_366] {strides = array<i32>} : memref<48x144xf32, #tpu.memory_space<vmem>>, vector<16xf32>,
        tpu.vector_store %arg17[%parallel_loop3A_365, %parallel_loop3A_366], %parallel_loop3A_364 {strides = array<i32>} : memref<48x144xf32, #tpu.memory_space<vmem>>, vector<16xf32>,
        %parallel_loop3A_368 = arith.index_cast %parallel_loop3A_226 : i32 to index
        %parallel_loop3A_369 = arith.constant 224 : index
        %parallel_loop3A_370 = tpu.vector_load %arg13[%parallel_loop3A_368, %parallel_loop3A_369] {strides = array<i32>} : memref<48x256xbf16, #tpu.memory_space<vmem>>, vector<32xbf16>,
        %parallel_loop3A_371 = tpu.unpack_subelements %parallel_loop3A_370, 0 {pack_format = #tpu.pack_format<interleaved>} : vector<32xbf16> -> vector<16xf32>
        %parallel_loop3A_372 = tpu.unpack_subelements %parallel_loop3A_370, 1 {pack_format = #tpu.pack_format<interleaved>} : vector<32xbf16> -> vector<16xf32>
        %parallel_loop3A_373 = vector.shape_cast %select_n3A_77 : vector<16xi32> to vector<16x1xi32>
        %parallel_loop3A_374 = vector.shape_cast %parallel_loop3A_373 : vector<16x1xi32> to vector<16xi32>
        %parallel_loop3A_375 = tpu.dynamic_gather %parallel_loop3A_319[%parallel_loop3A_374] in [0] : vector<16xf32>, vector<16xi32> -> vector<16xf32>
        %parallel_loop3A_376 = arith.mulf %parallel_loop3A_371, %parallel_loop3A_375 : vector<16xf32>
        %parallel_loop3A_377 = arith.index_cast %parallel_loop3A_226 : i32 to index
        %parallel_loop3A_378 = arith.constant 96 : index
        %parallel_loop3A_379 = tpu.vector_load %arg17[%parallel_loop3A_377, %parallel_loop3A_378] {strides = array<i32>} : memref<48x144xf32, #tpu.memory_space<vmem>>, vector<16xf32>,
        tpu.vector_store %arg17[%parallel_loop3A_377, %parallel_loop3A_378], %parallel_loop3A_376 {strides = array<i32>} : memref<48x144xf32, #tpu.memory_space<vmem>>, vector<16xf32>,
        %parallel_loop3A_380 = arith.mulf %parallel_loop3A_372, %parallel_loop3A_375 : vector<16xf32>
        %parallel_loop3A_381 = arith.index_cast %parallel_loop3A_226 : i32 to index
        %parallel_loop3A_382 = arith.constant 112 : index
        %parallel_loop3A_383 = tpu.vector_load %arg17[%parallel_loop3A_381, %parallel_loop3A_382] {strides = array<i32>} : memref<48x144xf32, #tpu.memory_space<vmem>>, vector<16xf32>,
        tpu.vector_store %arg17[%parallel_loop3A_381, %parallel_loop3A_382], %parallel_loop3A_380 {strides = array<i32>} : memref<48x144xf32, #tpu.memory_space<vmem>>, vector<16xf32>,
        %parallel_loop3A_384 = vector.shape_cast %shift_left3A_46 : vector<16xi32> to vector<16x1xi32>
        %parallel_loop3A_385 = vector.shape_cast %parallel_loop3A_384 : vector<16x1xi32> to vector<16xi32>
        %parallel_loop3A_386 = tpu.dynamic_gather %parallel_loop3A_319[%parallel_loop3A_385] in [0] : vector<16xf32>, vector<16xi32> -> vector<16xf32>
        %parallel_loop3A_387 = arith.constant 0.000000e+00 : f32
        %parallel_loop3A_388 = vector.broadcast %parallel_loop3A_387 : f32 to vector<16xf32>
        %parallel_loop3A_389 = arith.select %lt3A_10, %parallel_loop3A_386, %parallel_loop3A_388 : vector<16xi1>, vector<16xf32>
        %parallel_loop3A_390 = arith.index_cast %parallel_loop3A_226 : i32 to index
        %parallel_loop3A_391 = arith.constant 128 : index
        %parallel_loop3A_392 = tpu.vector_load %arg17[%parallel_loop3A_390, %parallel_loop3A_391] {strides = array<i32>} : memref<48x144xf32, #tpu.memory_space<vmem>>, vector<16xf32>,
        tpu.vector_store %arg17[%parallel_loop3A_390, %parallel_loop3A_391], %parallel_loop3A_389 {strides = array<i32>} : memref<48x144xf32, #tpu.memory_space<vmem>>, vector<16xf32>,
      } {sc.loop_unroll_factor = 4 : i64, sc.parallel_access}
      %dma_start3A_177 = arith.constant 0 : i32
      %dma_start3A_178 = arith.constant 0 : i32
      %dma_start3A_179 = tpu.memref_slice %arg19[%dma_start3A_177, %dma_start3A_178] : memref<10112x144xf32, #tpu.memory_space<vmem_shared>> -> memref<10112x144xf32, #tpu.memory_space<vmem_shared>>
      tpu.enqueue_indirect_dma source(%arg17 : memref<48x144xf32, #tpu.memory_space<vmem>>) target(%dma_start3A_179 : memref<10112x144xf32, #tpu.memory_space<vmem_shared>>) offsets(%arg11 : memref<48xi32, #tpu.memory_space<vmem>>) semaphore(%arg22 : memref<!tpu.dma_semaphore, #tpu.memory_space<semaphore_mem>>) {add = true}
      %mul3A_180 = arith.constant 2 : i32
      %mul3A_181 = arith.muli %while3A_141, %mul3A_180 : i32
      %add3A_182 = arith.constant 1 : i32
      %add3A_183 = arith.addi %mul3A_181, %add3A_182 : i32
      %dma_wait3A_184 = arith.constant 0 : i32
      %dma_wait3A_185 = arith.constant 0 : i32
      %dma_wait3A_186 = tpu.memref_slice %arg3[%dma_wait3A_184, %dma_wait3A_185] : memref<10240x256xbf16, #tpu.memory_space<hbm>> -> memref<10240x256xbf16, #tpu.memory_space<hbm>>
      tpu.wait_indirect_dma semaphore(%arg21 : memref<!tpu.dma_semaphore, #tpu.memory_space<semaphore_mem>>) src(%dma_wait3A_186 : memref<10240x256xbf16, #tpu.memory_space<hbm>>) dst(%arg14 : memref<48x256xbf16, #tpu.memory_space<vmem>>)
      %dma_wait3A_187 = arith.constant 0 : i32
      %dma_wait3A_188 = arith.constant 0 : i32
      %dma_wait3A_189 = tpu.memref_slice %arg2[%dma_wait3A_187, %dma_wait3A_188] : memref<10240x128xbf16, #tpu.memory_space<hbm>> -> memref<10240x128xbf16, #tpu.memory_space<hbm>>
      tpu.wait_indirect_dma semaphore(%arg21 : memref<!tpu.dma_semaphore, #tpu.memory_space<semaphore_mem>>) src(%dma_wait3A_189 : memref<10240x128xbf16, #tpu.memory_space<hbm>>) dst(%arg16 : memref<48x128xbf16, #tpu.memory_space<vmem>>)
      %get3A_190 = arith.constant 0 : index
      %get3A_191 = tpu.vector_load %arg10[%get3A_190] {strides = array<i32>} : memref<48xi32, #tpu.memory_space<vmem>>, vector<16xi32>,
      %swap3A_192 = arith.constant 0 : index
      %swap3A_193 = tpu.vector_load %arg12[%swap3A_192] {strides = array<i32>} : memref<48xi32, #tpu.memory_space<vmem>>, vector<16xi32>,
      tpu.vector_store %arg12[%swap3A_192], %get3A_191 {strides = array<i32>} : memref<48xi32, #tpu.memory_space<vmem>>, vector<16xi32>,
      %get3A_194 = arith.constant 16 : index
      %get3A_195 = tpu.vector_load %arg10[%get3A_194] {strides = array<i32>} : memref<48xi32, #tpu.memory_space<vmem>>, vector<16xi32>,
      %swap3A_196 = arith.constant 16 : index
      %swap3A_197 = tpu.vector_load %arg12[%swap3A_196] {strides = array<i32>} : memref<48xi32, #tpu.memory_space<vmem>>, vector<16xi32>,
      tpu.vector_store %arg12[%swap3A_196], %get3A_195 {strides = array<i32>} : memref<48xi32, #tpu.memory_space<vmem>>, vector<16xi32>,
      %get3A_198 = arith.constant 32 : index
      %get3A_199 = tpu.vector_load %arg10[%get3A_198] {strides = array<i32>} : memref<48xi32, #tpu.memory_space<vmem>>, vector<16xi32>,
      %swap3A_200 = arith.constant 32 : index
      %swap3A_201 = tpu.vector_load %arg12[%swap3A_200] {strides = array<i32>} : memref<48xi32, #tpu.memory_space<vmem>>, vector<16xi32>,
      tpu.vector_store %arg12[%swap3A_200], %get3A_199 {strides = array<i32>} : memref<48xi32, #tpu.memory_space<vmem>>, vector<16xi32>,
      %ge3A_202 = arith.constant 1 : i32
      %ge3A_203 = arith.cmpi sge, %add3A_183, %ge3A_202 : i32
      %convert_element_type3A_204 = arith.extui %ge3A_203 : i1 to i32
      %cond3A_205 = arith.constant 0 : i32
      %cond3A_206 = arith.cmpi ne, %convert_element_type3A_204, %cond3A_205 : i32
      scf.if %cond3A_206 {
        %dma_wait3A_226 = arith.constant 0 : i32
        %dma_wait3A_227 = arith.constant 0 : i32
        %dma_wait3A_228 = tpu.memref_slice %arg19[%dma_wait3A_226, %dma_wait3A_227] : memref<10112x144xf32, #tpu.memory_space<vmem_shared>> -> memref<10112x144xf32, #tpu.memory_space<vmem_shared>>
        tpu.wait_indirect_dma semaphore(%arg22 : memref<!tpu.dma_semaphore, #tpu.memory_space<semaphore_mem>>) src(%arg17 : memref<48x144xf32, #tpu.memory_space<vmem>>) dst(%dma_wait3A_228 : memref<10112x144xf32, #tpu.memory_space<vmem_shared>>)
      } else {
      }
      %add3A_207 = arith.constant 1 : i32
      %add3A_208 = arith.addi %add3A_183, %add3A_207 : i32
      %lt3A_209 = arith.cmpi slt, %add3A_208, %select_n3A : i32
      %convert_element_type3A_210 = arith.extui %lt3A_209 : i1 to i32
      %cond3A_211 = arith.constant 0 : i32
      %cond3A_212 = arith.cmpi ne, %convert_element_type3A_210, %cond3A_211 : i32
      scf.if %cond3A_212 {
        %dma_wait3A_226 = tpu.memref_slice %arg4[%select_n3A_8] : memref<321024xi32, #tpu.memory_space<hbm>> -> memref<48xi32, #tpu.memory_space<hbm>>
        %dma_wait3A_227 = tpu.memref_slice %arg4[%select_n3A_8] : memref<321024xi32, #tpu.memory_space<hbm>> -> memref<48xi32, #tpu.memory_space<hbm>>
        tpu.wait_dma2 semaphore(%arg24 : memref<!tpu.dma_semaphore, #tpu.memory_space<semaphore_mem>>) src(%dma_wait3A_227 : memref<48xi32, #tpu.memory_space<hbm>>) dst(%arg7 : memref<48xi32, #tpu.memory_space<vmem>>)
        %dma_wait3A_228 = tpu.memref_slice %arg5[%select_n3A_8] : memref<321024xi32, #tpu.memory_space<hbm>> -> memref<48xi32, #tpu.memory_space<hbm>>
        %dma_wait3A_229 = tpu.memref_slice %arg5[%select_n3A_8] : memref<321024xi32, #tpu.memory_space<hbm>> -> memref<48xi32, #tpu.memory_space<hbm>>
        tpu.wait_dma2 semaphore(%arg24 : memref<!tpu.dma_semaphore, #tpu.memory_space<semaphore_mem>>) src(%dma_wait3A_229 : memref<48xi32, #tpu.memory_space<hbm>>) dst(%arg9 : memref<48xi32, #tpu.memory_space<vmem>>)
        %dma_start3A_230 = arith.constant 0 : i32
        %dma_start3A_231 = arith.constant 0 : i32
        %dma_start3A_232 = tpu.memref_slice %arg3[%dma_start3A_230, %dma_start3A_231] : memref<10240x256xbf16, #tpu.memory_space<hbm>> -> memref<10240x256xbf16, #tpu.memory_space<hbm>>
        tpu.enqueue_indirect_dma source(%dma_start3A_232 : memref<10240x256xbf16, #tpu.memory_space<hbm>>) target(%arg13 : memref<48x256xbf16, #tpu.memory_space<vmem>>) offsets(%arg7 : memref<48xi32, #tpu.memory_space<vmem>>) semaphore(%arg20 : memref<!tpu.dma_semaphore, #tpu.memory_space<semaphore_mem>>)
        %dma_start3A_233 = arith.constant 0 : i32
        %dma_start3A_234 = arith.constant 0 : i32
        %dma_start3A_235 = tpu.memref_slice %arg2[%dma_start3A_233, %dma_start3A_234] : memref<10240x128xbf16, #tpu.memory_space<hbm>> -> memref<10240x128xbf16, #tpu.memory_space<hbm>>
        tpu.enqueue_indirect_dma source(%dma_start3A_235 : memref<10240x128xbf16, #tpu.memory_space<hbm>>) target(%arg15 : memref<48x128xbf16, #tpu.memory_space<vmem>>) offsets(%arg9 : memref<48xi32, #tpu.memory_space<vmem>>) semaphore(%arg20 : memref<!tpu.dma_semaphore, #tpu.memory_space<semaphore_mem>>)
      } else {
      }
      %add3A_213 = arith.constant 2 : i32
      %add3A_214 = arith.addi %add3A_183, %add3A_213 : i32
      %lt3A_215 = arith.cmpi slt, %add3A_214, %select_n3A : i32
      %convert_element_type3A_216 = arith.extui %lt3A_215 : i1 to i32
      %cond3A_217 = arith.constant 0 : i32
      %cond3A_218 = arith.cmpi ne, %convert_element_type3A_216, %cond3A_217 : i32
      scf.if %cond3A_218 {
        %add3A_226 = arith.constant 2 : i32
        %add3A_227 = arith.addi %add3A_183, %add3A_226 : i32
        %mul3A_228 = arith.constant 48 : i32
        %mul3A_229 = arith.muli %add3A_227, %mul3A_228 : i32
        %add3A_230 = arith.addi %select_n3A_8, %mul3A_229 : i32
        %dma_start3A_231 = tpu.memref_slice %arg4[%add3A_230] : memref<321024xi32, #tpu.memory_space<hbm>> -> memref<48xi32, #tpu.memory_space<hbm>>
        %dma_start3A_232 = tpu.memref_slice %arg4[%add3A_230] : memref<321024xi32, #tpu.memory_space<hbm>> -> memref<48xi32, #tpu.memory_space<hbm>>
        tpu.enqueue_dma source(%dma_start3A_232 : memref<48xi32, #tpu.memory_space<hbm>>) target(%arg8 : memref<48xi32, #tpu.memory_space<vmem>>) target_semaphore(%arg25 : memref<!tpu.dma_semaphore, #tpu.memory_space<semaphore_mem>>)
        %dma_start3A_233 = tpu.memref_slice %arg5[%add3A_230] : memref<321024xi32, #tpu.memory_space<hbm>> -> memref<48xi32, #tpu.memory_space<hbm>>
        %dma_start3A_234 = tpu.memref_slice %arg5[%add3A_230] : memref<321024xi32, #tpu.memory_space<hbm>> -> memref<48xi32, #tpu.memory_space<hbm>>
        tpu.enqueue_dma source(%dma_start3A_234 : memref<48xi32, #tpu.memory_space<hbm>>) target(%arg10 : memref<48xi32, #tpu.memory_space<vmem>>) target_semaphore(%arg25 : memref<!tpu.dma_semaphore, #tpu.memory_space<semaphore_mem>>)
      } else {
      }
      %parallel_loop3A_219 = arith.constant 0 : i32
      %parallel_loop3A_220 = arith.constant 48 : i32
      %parallel_loop3A_221 = arith.constant 1 : i32
      scf.for %parallel_loop3A_226 = %parallel_loop3A_219 to %parallel_loop3A_220 step %parallel_loop3A_221  : i32 {
        %parallel_loop3A_227 = arith.index_cast %parallel_loop3A_226 : i32 to index
        %parallel_loop3A_228 = arith.constant 0 : index
        %parallel_loop3A_229 = tpu.vector_load %arg14[%parallel_loop3A_227, %parallel_loop3A_228] {strides = array<i32>} : memref<48x256xbf16, #tpu.memory_space<vmem>>, vector<32xbf16>,
        %parallel_loop3A_230 = arith.index_cast %parallel_loop3A_226 : i32 to index
        %parallel_loop3A_231 = arith.constant 0 : index
        %parallel_loop3A_232 = tpu.vector_load %arg16[%parallel_loop3A_230, %parallel_loop3A_231] {strides = array<i32>} : memref<48x128xbf16, #tpu.memory_space<vmem>>, vector<32xbf16>,
        %parallel_loop3A_233 = tpu.unpack_subelements %parallel_loop3A_229, 0 {pack_format = #tpu.pack_format<interleaved>} : vector<32xbf16> -> vector<16xf32>
        %parallel_loop3A_234 = tpu.unpack_subelements %parallel_loop3A_229, 1 {pack_format = #tpu.pack_format<interleaved>} : vector<32xbf16> -> vector<16xf32>
        %parallel_loop3A_235 = tpu.unpack_subelements %parallel_loop3A_232, 0 {pack_format = #tpu.pack_format<interleaved>} : vector<32xbf16> -> vector<16xf32>
        %parallel_loop3A_236 = tpu.unpack_subelements %parallel_loop3A_232, 1 {pack_format = #tpu.pack_format<interleaved>} : vector<32xbf16> -> vector<16xf32>
        %parallel_loop3A_237 = arith.mulf %parallel_loop3A_233, %parallel_loop3A_235 : vector<16xf32>
        %parallel_loop3A_238 = arith.mulf %parallel_loop3A_234, %parallel_loop3A_236 : vector<16xf32>
        %parallel_loop3A_239 = arith.addf %parallel_loop3A_237, %parallel_loop3A_238 : vector<16xf32>
        %parallel_loop3A_240 = arith.index_cast %parallel_loop3A_226 : i32 to index
        %parallel_loop3A_241 = arith.constant 32 : index
        %parallel_loop3A_242 = tpu.vector_load %arg14[%parallel_loop3A_240, %parallel_loop3A_241] {strides = array<i32>} : memref<48x256xbf16, #tpu.memory_space<vmem>>, vector<32xbf16>,
        %parallel_loop3A_243 = arith.index_cast %parallel_loop3A_226 : i32 to index
        %parallel_loop3A_244 = arith.constant 32 : index
        %parallel_loop3A_245 = tpu.vector_load %arg16[%parallel_loop3A_243, %parallel_loop3A_244] {strides = array<i32>} : memref<48x128xbf16, #tpu.memory_space<vmem>>, vector<32xbf16>,
        %parallel_loop3A_246 = tpu.unpack_subelements %parallel_loop3A_242, 0 {pack_format = #tpu.pack_format<interleaved>} : vector<32xbf16> -> vector<16xf32>
        %parallel_loop3A_247 = tpu.unpack_subelements %parallel_loop3A_242, 1 {pack_format = #tpu.pack_format<interleaved>} : vector<32xbf16> -> vector<16xf32>
        %parallel_loop3A_248 = tpu.unpack_subelements %parallel_loop3A_245, 0 {pack_format = #tpu.pack_format<interleaved>} : vector<32xbf16> -> vector<16xf32>
        %parallel_loop3A_249 = tpu.unpack_subelements %parallel_loop3A_245, 1 {pack_format = #tpu.pack_format<interleaved>} : vector<32xbf16> -> vector<16xf32>
        %parallel_loop3A_250 = arith.mulf %parallel_loop3A_246, %parallel_loop3A_248 : vector<16xf32>
        %parallel_loop3A_251 = arith.mulf %parallel_loop3A_247, %parallel_loop3A_249 : vector<16xf32>
        %parallel_loop3A_252 = arith.addf %parallel_loop3A_250, %parallel_loop3A_251 : vector<16xf32>
        %parallel_loop3A_253 = arith.index_cast %parallel_loop3A_226 : i32 to index
        %parallel_loop3A_254 = arith.constant 64 : index
        %parallel_loop3A_255 = tpu.vector_load %arg14[%parallel_loop3A_253, %parallel_loop3A_254] {strides = array<i32>} : memref<48x256xbf16, #tpu.memory_space<vmem>>, vector<32xbf16>,
        %parallel_loop3A_256 = arith.index_cast %parallel_loop3A_226 : i32 to index
        %parallel_loop3A_257 = arith.constant 64 : index
        %parallel_loop3A_258 = tpu.vector_load %arg16[%parallel_loop3A_256, %parallel_loop3A_257] {strides = array<i32>} : memref<48x128xbf16, #tpu.memory_space<vmem>>, vector<32xbf16>,
        %parallel_loop3A_259 = tpu.unpack_subelements %parallel_loop3A_255, 0 {pack_format = #tpu.pack_format<interleaved>} : vector<32xbf16> -> vector<16xf32>
        %parallel_loop3A_260 = tpu.unpack_subelements %parallel_loop3A_255, 1 {pack_format = #tpu.pack_format<interleaved>} : vector<32xbf16> -> vector<16xf32>
        %parallel_loop3A_261 = tpu.unpack_subelements %parallel_loop3A_258, 0 {pack_format = #tpu.pack_format<interleaved>} : vector<32xbf16> -> vector<16xf32>
        %parallel_loop3A_262 = tpu.unpack_subelements %parallel_loop3A_258, 1 {pack_format = #tpu.pack_format<interleaved>} : vector<32xbf16> -> vector<16xf32>
        %parallel_loop3A_263 = arith.mulf %parallel_loop3A_259, %parallel_loop3A_261 : vector<16xf32>
        %parallel_loop3A_264 = arith.mulf %parallel_loop3A_260, %parallel_loop3A_262 : vector<16xf32>
        %parallel_loop3A_265 = arith.addf %parallel_loop3A_263, %parallel_loop3A_264 : vector<16xf32>
        %parallel_loop3A_266 = arith.index_cast %parallel_loop3A_226 : i32 to index
        %parallel_loop3A_267 = arith.constant 96 : index
        %parallel_loop3A_268 = tpu.vector_load %arg14[%parallel_loop3A_266, %parallel_loop3A_267] {strides = array<i32>} : memref<48x256xbf16, #tpu.memory_space<vmem>>, vector<32xbf16>,
        %parallel_loop3A_269 = arith.index_cast %parallel_loop3A_226 : i32 to index
        %parallel_loop3A_270 = arith.constant 96 : index
        %parallel_loop3A_271 = tpu.vector_load %arg16[%parallel_loop3A_269, %parallel_loop3A_270] {strides = array<i32>} : memref<48x128xbf16, #tpu.memory_space<vmem>>, vector<32xbf16>,
        %parallel_loop3A_272 = tpu.unpack_subelements %parallel_loop3A_268, 0 {pack_format = #tpu.pack_format<interleaved>} : vector<32xbf16> -> vector<16xf32>
        %parallel_loop3A_273 = tpu.unpack_subelements %parallel_loop3A_268, 1 {pack_format = #tpu.pack_format<interleaved>} : vector<32xbf16> -> vector<16xf32>
        %parallel_loop3A_274 = tpu.unpack_subelements %parallel_loop3A_271, 0 {pack_format = #tpu.pack_format<interleaved>} : vector<32xbf16> -> vector<16xf32>
        %parallel_loop3A_275 = tpu.unpack_subelements %parallel_loop3A_271, 1 {pack_format = #tpu.pack_format<interleaved>} : vector<32xbf16> -> vector<16xf32>
        %parallel_loop3A_276 = arith.mulf %parallel_loop3A_272, %parallel_loop3A_274 : vector<16xf32>
        %parallel_loop3A_277 = arith.mulf %parallel_loop3A_273, %parallel_loop3A_275 : vector<16xf32>
        %parallel_loop3A_278 = arith.addf %parallel_loop3A_276, %parallel_loop3A_277 : vector<16xf32>
        %parallel_loop3A_279 = vector.shape_cast %xor3A_23 : vector<16xi32> to vector<16x1xi32>
        %parallel_loop3A_280 = vector.shape_cast %parallel_loop3A_279 : vector<16x1xi32> to vector<16xi32>
        %parallel_loop3A_281 = tpu.dynamic_gather %parallel_loop3A_239[%parallel_loop3A_280] in [0] : vector<16xf32>, vector<16xi32> -> vector<16xf32>
        %parallel_loop3A_282 = arith.addf %parallel_loop3A_239, %parallel_loop3A_281 : vector<16xf32>
        %parallel_loop3A_283 = vector.shape_cast %xor3A_23 : vector<16xi32> to vector<16x1xi32>
        %parallel_loop3A_284 = vector.shape_cast %parallel_loop3A_283 : vector<16x1xi32> to vector<16xi32>
        %parallel_loop3A_285 = tpu.dynamic_gather %parallel_loop3A_252[%parallel_loop3A_284] in [0] : vector<16xf32>, vector<16xi32> -> vector<16xf32>
        %parallel_loop3A_286 = arith.addf %parallel_loop3A_252, %parallel_loop3A_285 : vector<16xf32>
        %parallel_loop3A_287 = vector.shape_cast %xor3A_23 : vector<16xi32> to vector<16x1xi32>
        %parallel_loop3A_288 = vector.shape_cast %parallel_loop3A_287 : vector<16x1xi32> to vector<16xi32>
        %parallel_loop3A_289 = tpu.dynamic_gather %parallel_loop3A_265[%parallel_loop3A_288] in [0] : vector<16xf32>, vector<16xi32> -> vector<16xf32>
        %parallel_loop3A_290 = arith.addf %parallel_loop3A_265, %parallel_loop3A_289 : vector<16xf32>
        %parallel_loop3A_291 = vector.shape_cast %xor3A_23 : vector<16xi32> to vector<16x1xi32>
        %parallel_loop3A_292 = vector.shape_cast %parallel_loop3A_291 : vector<16x1xi32> to vector<16xi32>
        %parallel_loop3A_293 = tpu.dynamic_gather %parallel_loop3A_278[%parallel_loop3A_292] in [0] : vector<16xf32>, vector<16xi32> -> vector<16xf32>
        %parallel_loop3A_294 = arith.addf %parallel_loop3A_278, %parallel_loop3A_293 : vector<16xf32>
        %parallel_loop3A_295 = arith.select %eq3A_15, %parallel_loop3A_282, %parallel_loop3A_286 : vector<16xi1>, vector<16xf32>
        %parallel_loop3A_296 = arith.select %eq3A_15, %parallel_loop3A_290, %parallel_loop3A_294 : vector<16xi1>, vector<16xf32>
        %parallel_loop3A_297 = vector.shape_cast %xor3A_26 : vector<16xi32> to vector<16x1xi32>
        %parallel_loop3A_298 = vector.shape_cast %parallel_loop3A_297 : vector<16x1xi32> to vector<16xi32>
        %parallel_loop3A_299 = tpu.dynamic_gather %parallel_loop3A_295[%parallel_loop3A_298] in [0] : vector<16xf32>, vector<16xi32> -> vector<16xf32>
        %parallel_loop3A_300 = arith.addf %parallel_loop3A_295, %parallel_loop3A_299 : vector<16xf32>
        %parallel_loop3A_301 = vector.shape_cast %xor3A_26 : vector<16xi32> to vector<16x1xi32>
        %parallel_loop3A_302 = vector.shape_cast %parallel_loop3A_301 : vector<16x1xi32> to vector<16xi32>
        %parallel_loop3A_303 = tpu.dynamic_gather %parallel_loop3A_296[%parallel_loop3A_302] in [0] : vector<16xf32>, vector<16xi32> -> vector<16xf32>
        %parallel_loop3A_304 = arith.addf %parallel_loop3A_296, %parallel_loop3A_303 : vector<16xf32>
        %parallel_loop3A_305 = arith.select %eq3A_21, %parallel_loop3A_300, %parallel_loop3A_304 : vector<16xi1>, vector<16xf32>
        %parallel_loop3A_306 = vector.shape_cast %xor3A_29 : vector<16xi32> to vector<16x1xi32>
        %parallel_loop3A_307 = vector.shape_cast %parallel_loop3A_306 : vector<16x1xi32> to vector<16xi32>
        %parallel_loop3A_308 = tpu.dynamic_gather %parallel_loop3A_305[%parallel_loop3A_307] in [0] : vector<16xf32>, vector<16xi32> -> vector<16xf32>
        %parallel_loop3A_309 = arith.addf %parallel_loop3A_305, %parallel_loop3A_308 : vector<16xf32>
        %parallel_loop3A_310 = arith.constant 2.500000e-01 : f32
        %parallel_loop3A_311 = vector.broadcast %parallel_loop3A_310 : f32 to vector<16xf32>
        %parallel_loop3A_312 = arith.mulf %parallel_loop3A_309, %parallel_loop3A_311 : vector<16xf32>
        %parallel_loop3A_313 = arith.constant -5.000000e+00 : f32
        %parallel_loop3A_314 = arith.constant 5.000000e+00 : f32
        %parallel_loop3A_315 = vector.broadcast %parallel_loop3A_313 : f32 to vector<16xf32>
        %parallel_loop3A_316 = arith.maximumf %parallel_loop3A_315, %parallel_loop3A_312 : vector<16xf32>
        %parallel_loop3A_317 = vector.broadcast %parallel_loop3A_314 : f32 to vector<16xf32>
        %parallel_loop3A_318 = arith.minimumf %parallel_loop3A_317, %parallel_loop3A_316 : vector<16xf32>
        %parallel_loop3A_319 = math.exp %parallel_loop3A_318 : vector<16xf32>
        %parallel_loop3A_320 = arith.index_cast %parallel_loop3A_226 : i32 to index
        %parallel_loop3A_321 = arith.constant 128 : index
        %parallel_loop3A_322 = tpu.vector_load %arg14[%parallel_loop3A_320, %parallel_loop3A_321] {strides = array<i32>} : memref<48x256xbf16, #tpu.memory_space<vmem>>, vector<32xbf16>,
        %parallel_loop3A_323 = tpu.unpack_subelements %parallel_loop3A_322, 0 {pack_format = #tpu.pack_format<interleaved>} : vector<32xbf16> -> vector<16xf32>
        %parallel_loop3A_324 = tpu.unpack_subelements %parallel_loop3A_322, 1 {pack_format = #tpu.pack_format<interleaved>} : vector<32xbf16> -> vector<16xf32>
        %parallel_loop3A_325 = vector.shape_cast %select_n3A_53 : vector<16xi32> to vector<16x1xi32>
        %parallel_loop3A_326 = vector.shape_cast %parallel_loop3A_325 : vector<16x1xi32> to vector<16xi32>
        %parallel_loop3A_327 = tpu.dynamic_gather %parallel_loop3A_319[%parallel_loop3A_326] in [0] : vector<16xf32>, vector<16xi32> -> vector<16xf32>
        %parallel_loop3A_328 = arith.mulf %parallel_loop3A_323, %parallel_loop3A_327 : vector<16xf32>
        %parallel_loop3A_329 = arith.index_cast %parallel_loop3A_226 : i32 to index
        %parallel_loop3A_330 = arith.constant 0 : index
        %parallel_loop3A_331 = tpu.vector_load %arg18[%parallel_loop3A_329, %parallel_loop3A_330] {strides = array<i32>} : memref<48x144xf32, #tpu.memory_space<vmem>>, vector<16xf32>,
        tpu.vector_store %arg18[%parallel_loop3A_329, %parallel_loop3A_330], %parallel_loop3A_328 {strides = array<i32>} : memref<48x144xf32, #tpu.memory_space<vmem>>, vector<16xf32>,
        %parallel_loop3A_332 = arith.mulf %parallel_loop3A_324, %parallel_loop3A_327 : vector<16xf32>
        %parallel_loop3A_333 = arith.index_cast %parallel_loop3A_226 : i32 to index
        %parallel_loop3A_334 = arith.constant 16 : index
        %parallel_loop3A_335 = tpu.vector_load %arg18[%parallel_loop3A_333, %parallel_loop3A_334] {strides = array<i32>} : memref<48x144xf32, #tpu.memory_space<vmem>>, vector<16xf32>,
        tpu.vector_store %arg18[%parallel_loop3A_333, %parallel_loop3A_334], %parallel_loop3A_332 {strides = array<i32>} : memref<48x144xf32, #tpu.memory_space<vmem>>, vector<16xf32>,
        %parallel_loop3A_336 = arith.index_cast %parallel_loop3A_226 : i32 to index
        %parallel_loop3A_337 = arith.constant 160 : index
        %parallel_loop3A_338 = tpu.vector_load %arg14[%parallel_loop3A_336, %parallel_loop3A_337] {strides = array<i32>} : memref<48x256xbf16, #tpu.memory_space<vmem>>, vector<32xbf16>,
        %parallel_loop3A_339 = tpu.unpack_subelements %parallel_loop3A_338, 0 {pack_format = #tpu.pack_format<interleaved>} : vector<32xbf16> -> vector<16xf32>
        %parallel_loop3A_340 = tpu.unpack_subelements %parallel_loop3A_338, 1 {pack_format = #tpu.pack_format<interleaved>} : vector<32xbf16> -> vector<16xf32>
        %parallel_loop3A_341 = vector.shape_cast %select_n3A_61 : vector<16xi32> to vector<16x1xi32>
        %parallel_loop3A_342 = vector.shape_cast %parallel_loop3A_341 : vector<16x1xi32> to vector<16xi32>
        %parallel_loop3A_343 = tpu.dynamic_gather %parallel_loop3A_319[%parallel_loop3A_342] in [0] : vector<16xf32>, vector<16xi32> -> vector<16xf32>
        %parallel_loop3A_344 = arith.mulf %parallel_loop3A_339, %parallel_loop3A_343 : vector<16xf32>
        %parallel_loop3A_345 = arith.index_cast %parallel_loop3A_226 : i32 to index
        %parallel_loop3A_346 = arith.constant 32 : index
        %parallel_loop3A_347 = tpu.vector_load %arg18[%parallel_loop3A_345, %parallel_loop3A_346] {strides = array<i32>} : memref<48x144xf32, #tpu.memory_space<vmem>>, vector<16xf32>,
        tpu.vector_store %arg18[%parallel_loop3A_345, %parallel_loop3A_346], %parallel_loop3A_344 {strides = array<i32>} : memref<48x144xf32, #tpu.memory_space<vmem>>, vector<16xf32>,
        %parallel_loop3A_348 = arith.mulf %parallel_loop3A_340, %parallel_loop3A_343 : vector<16xf32>
        %parallel_loop3A_349 = arith.index_cast %parallel_loop3A_226 : i32 to index
        %parallel_loop3A_350 = arith.constant 48 : index
        %parallel_loop3A_351 = tpu.vector_load %arg18[%parallel_loop3A_349, %parallel_loop3A_350] {strides = array<i32>} : memref<48x144xf32, #tpu.memory_space<vmem>>, vector<16xf32>,
        tpu.vector_store %arg18[%parallel_loop3A_349, %parallel_loop3A_350], %parallel_loop3A_348 {strides = array<i32>} : memref<48x144xf32, #tpu.memory_space<vmem>>, vector<16xf32>,
        %parallel_loop3A_352 = arith.index_cast %parallel_loop3A_226 : i32 to index
        %parallel_loop3A_353 = arith.constant 192 : index
        %parallel_loop3A_354 = tpu.vector_load %arg14[%parallel_loop3A_352, %parallel_loop3A_353] {strides = array<i32>} : memref<48x256xbf16, #tpu.memory_space<vmem>>, vector<32xbf16>,
        %parallel_loop3A_355 = tpu.unpack_subelements %parallel_loop3A_354, 0 {pack_format = #tpu.pack_format<interleaved>} : vector<32xbf16> -> vector<16xf32>
        %parallel_loop3A_356 = tpu.unpack_subelements %parallel_loop3A_354, 1 {pack_format = #tpu.pack_format<interleaved>} : vector<32xbf16> -> vector<16xf32>
        %parallel_loop3A_357 = vector.shape_cast %select_n3A_69 : vector<16xi32> to vector<16x1xi32>
        %parallel_loop3A_358 = vector.shape_cast %parallel_loop3A_357 : vector<16x1xi32> to vector<16xi32>
        %parallel_loop3A_359 = tpu.dynamic_gather %parallel_loop3A_319[%parallel_loop3A_358] in [0] : vector<16xf32>, vector<16xi32> -> vector<16xf32>
        %parallel_loop3A_360 = arith.mulf %parallel_loop3A_355, %parallel_loop3A_359 : vector<16xf32>
        %parallel_loop3A_361 = arith.index_cast %parallel_loop3A_226 : i32 to index
        %parallel_loop3A_362 = arith.constant 64 : index
        %parallel_loop3A_363 = tpu.vector_load %arg18[%parallel_loop3A_361, %parallel_loop3A_362] {strides = array<i32>} : memref<48x144xf32, #tpu.memory_space<vmem>>, vector<16xf32>,
        tpu.vector_store %arg18[%parallel_loop3A_361, %parallel_loop3A_362], %parallel_loop3A_360 {strides = array<i32>} : memref<48x144xf32, #tpu.memory_space<vmem>>, vector<16xf32>,
        %parallel_loop3A_364 = arith.mulf %parallel_loop3A_356, %parallel_loop3A_359 : vector<16xf32>
        %parallel_loop3A_365 = arith.index_cast %parallel_loop3A_226 : i32 to index
        %parallel_loop3A_366 = arith.constant 80 : index
        %parallel_loop3A_367 = tpu.vector_load %arg18[%parallel_loop3A_365, %parallel_loop3A_366] {strides = array<i32>} : memref<48x144xf32, #tpu.memory_space<vmem>>, vector<16xf32>,
        tpu.vector_store %arg18[%parallel_loop3A_365, %parallel_loop3A_366], %parallel_loop3A_364 {strides = array<i32>} : memref<48x144xf32, #tpu.memory_space<vmem>>, vector<16xf32>,
        %parallel_loop3A_368 = arith.index_cast %parallel_loop3A_226 : i32 to index
        %parallel_loop3A_369 = arith.constant 224 : index
        %parallel_loop3A_370 = tpu.vector_load %arg14[%parallel_loop3A_368, %parallel_loop3A_369] {strides = array<i32>} : memref<48x256xbf16, #tpu.memory_space<vmem>>, vector<32xbf16>,
        %parallel_loop3A_371 = tpu.unpack_subelements %parallel_loop3A_370, 0 {pack_format = #tpu.pack_format<interleaved>} : vector<32xbf16> -> vector<16xf32>
        %parallel_loop3A_372 = tpu.unpack_subelements %parallel_loop3A_370, 1 {pack_format = #tpu.pack_format<interleaved>} : vector<32xbf16> -> vector<16xf32>
        %parallel_loop3A_373 = vector.shape_cast %select_n3A_77 : vector<16xi32> to vector<16x1xi32>
        %parallel_loop3A_374 = vector.shape_cast %parallel_loop3A_373 : vector<16x1xi32> to vector<16xi32>
        %parallel_loop3A_375 = tpu.dynamic_gather %parallel_loop3A_319[%parallel_loop3A_374] in [0] : vector<16xf32>, vector<16xi32> -> vector<16xf32>
        %parallel_loop3A_376 = arith.mulf %parallel_loop3A_371, %parallel_loop3A_375 : vector<16xf32>
        %parallel_loop3A_377 = arith.index_cast %parallel_loop3A_226 : i32 to index
        %parallel_loop3A_378 = arith.constant 96 : index
        %parallel_loop3A_379 = tpu.vector_load %arg18[%parallel_loop3A_377, %parallel_loop3A_378] {strides = array<i32>} : memref<48x144xf32, #tpu.memory_space<vmem>>, vector<16xf32>,
        tpu.vector_store %arg18[%parallel_loop3A_377, %parallel_loop3A_378], %parallel_loop3A_376 {strides = array<i32>} : memref<48x144xf32, #tpu.memory_space<vmem>>, vector<16xf32>,
        %parallel_loop3A_380 = arith.mulf %parallel_loop3A_372, %parallel_loop3A_375 : vector<16xf32>
        %parallel_loop3A_381 = arith.index_cast %parallel_loop3A_226 : i32 to index
        %parallel_loop3A_382 = arith.constant 112 : index
        %parallel_loop3A_383 = tpu.vector_load %arg18[%parallel_loop3A_381, %parallel_loop3A_382] {strides = array<i32>} : memref<48x144xf32, #tpu.memory_space<vmem>>, vector<16xf32>,
        tpu.vector_store %arg18[%parallel_loop3A_381, %parallel_loop3A_382], %parallel_loop3A_380 {strides = array<i32>} : memref<48x144xf32, #tpu.memory_space<vmem>>, vector<16xf32>,
        %parallel_loop3A_384 = vector.shape_cast %shift_left3A_46 : vector<16xi32> to vector<16x1xi32>
        %parallel_loop3A_385 = vector.shape_cast %parallel_loop3A_384 : vector<16x1xi32> to vector<16xi32>
        %parallel_loop3A_386 = tpu.dynamic_gather %parallel_loop3A_319[%parallel_loop3A_385] in [0] : vector<16xf32>, vector<16xi32> -> vector<16xf32>
        %parallel_loop3A_387 = arith.constant 0.000000e+00 : f32
        %parallel_loop3A_388 = vector.broadcast %parallel_loop3A_387 : f32 to vector<16xf32>
        %parallel_loop3A_389 = arith.select %lt3A_10, %parallel_loop3A_386, %parallel_loop3A_388 : vector<16xi1>, vector<16xf32>
        %parallel_loop3A_390 = arith.index_cast %parallel_loop3A_226 : i32 to index
        %parallel_loop3A_391 = arith.constant 128 : index
        %parallel_loop3A_392 = tpu.vector_load %arg18[%parallel_loop3A_390, %parallel_loop3A_391] {strides = array<i32>} : memref<48x144xf32, #tpu.memory_space<vmem>>, vector<16xf32>,
        tpu.vector_store %arg18[%parallel_loop3A_390, %parallel_loop3A_391], %parallel_loop3A_389 {strides = array<i32>} : memref<48x144xf32, #tpu.memory_space<vmem>>, vector<16xf32>,
      } {sc.loop_unroll_factor = 4 : i64, sc.parallel_access}
      %dma_start3A_222 = arith.constant 0 : i32
      %dma_start3A_223 = arith.constant 0 : i32
      %dma_start3A_224 = tpu.memref_slice %arg19[%dma_start3A_222, %dma_start3A_223] : memref<10112x144xf32, #tpu.memory_space<vmem_shared>> -> memref<10112x144xf32, #tpu.memory_space<vmem_shared>>
      tpu.enqueue_indirect_dma source(%arg18 : memref<48x144xf32, #tpu.memory_space<vmem>>) target(%dma_start3A_224 : memref<10112x144xf32, #tpu.memory_space<vmem_shared>>) offsets(%arg12 : memref<48xi32, #tpu.memory_space<vmem>>) semaphore(%arg23 : memref<!tpu.dma_semaphore, #tpu.memory_space<semaphore_mem>>) {add = true}
      %while3A_225 = arith.constant 0 : i32
      scf.yield %while3A_225 : i32
    }
    %dma_wait3A = arith.constant 0 : i32
    %dma_wait3A_138 = arith.constant 0 : i32
    %dma_wait3A_139 = tpu.memref_slice %arg19[%dma_wait3A, %dma_wait3A_138] : memref<10112x144xf32, #tpu.memory_space<vmem_shared>> -> memref<10112x144xf32, #tpu.memory_space<vmem_shared>>
    tpu.wait_indirect_dma semaphore(%arg23 : memref<!tpu.dma_semaphore, #tpu.memory_space<semaphore_mem>>) src(%arg18 : memref<48x144xf32, #tpu.memory_space<vmem>>) dst(%dma_wait3A_139 : memref<10112x144xf32, #tpu.memory_space<vmem_shared>>)
    %barrier3A_140 = arith.constant 0 : index
    tpu.barrier barrier_id(%barrier3A_140)
    "tpu.region"() ({
      %run_scoped3A = tpu.sem_alloc : memref<!tpu.dma_semaphore, #tpu.memory_space<semaphore_mem>>
      %dma_start3A_141 = arith.constant 0 : i32
      %dma_start3A_142 = tpu.memref_slice %arg6[%arg0, %mul3A_85, %dma_start3A_141] : memref<2x10112x144xf32, #tpu.memory_space<hbm>> -> memref<1x632x144xf32, #tpu.memory_space<hbm>>
      %dma_start3A_143 = tpu.memref_squeeze %dma_start3A_142 : memref<1x632x144xf32, #tpu.memory_space<hbm>> -> memref<632x144xf32, #tpu.memory_space<hbm>>
      %dma_start3A_144 = arith.constant 0 : i32
      %dma_start3A_145 = tpu.memref_slice %arg19[%mul3A_85, %dma_start3A_144] : memref<10112x144xf32, #tpu.memory_space<vmem_shared>> -> memref<632x144xf32, #tpu.memory_space<vmem_shared>>
      tpu.enqueue_dma source(%dma_start3A_145 : memref<632x144xf32, #tpu.memory_space<vmem_shared>>) target(%dma_start3A_143 : memref<632x144xf32, #tpu.memory_space<hbm>>) target_semaphore(%run_scoped3A : memref<!tpu.dma_semaphore, #tpu.memory_space<semaphore_mem>>)
      %dma_wait3A_146 = arith.constant 0 : i32
      %dma_wait3A_147 = tpu.memref_slice %arg6[%arg0, %mul3A_85, %dma_wait3A_146] : memref<2x10112x144xf32, #tpu.memory_space<hbm>> -> memref<1x632x144xf32, #tpu.memory_space<hbm>>
      %dma_wait3A_148 = tpu.memref_squeeze %dma_wait3A_147 : memref<1x632x144xf32, #tpu.memory_space<hbm>> -> memref<632x144xf32, #tpu.memory_space<hbm>>
      %dma_wait3A_149 = arith.constant 0 : i32
      %dma_wait3A_150 = tpu.memref_slice %arg19[%mul3A_85, %dma_wait3A_149] : memref<10112x144xf32, #tpu.memory_space<vmem_shared>> -> memref<632x144xf32, #tpu.memory_space<vmem_shared>>
      tpu.wait_dma2 semaphore(%run_scoped3A : memref<!tpu.dma_semaphore, #tpu.memory_space<semaphore_mem>>) src(%dma_wait3A_150 : memref<632x144xf32, #tpu.memory_space<vmem_shared>>) dst(%dma_wait3A_148 : memref<632x144xf32, #tpu.memory_space<hbm>>)
      tpu.yield
    }) : () -> ()
    return
  }
}

module attributes {stable_mosaic.version = 14 : i64} {
  func.func @_proj_body(%arg0: i32, %arg1: memref<512x128xf32, #tpu.memory_space<vmem>>, %arg2: memref<128x128xf32, #tpu.memory_space<vmem>>, %arg3: memref<128x128xf32, #tpu.memory_space<vmem>>, %arg4: memref<128x128xf32, #tpu.memory_space<vmem>>, %arg5: memref<1x128xf32, #tpu.memory_space<vmem>>, %arg6: memref<1x128xf32, #tpu.memory_space<vmem>>, %arg7: memref<1x128xf32, #tpu.memory_space<vmem>>, %arg8: memref<512x128xbf16, #tpu.memory_space<vmem>>, %arg9: memref<512x256xbf16, #tpu.memory_space<vmem>>) attributes {dimension_semantics = [#tpu.dimension_semantics<arbitrary>], iteration_bounds = array<i64: 20>, scalar_prefetch = 0 : i64, scratch_operands = 0 : i64, tpu.core_type = #tpu.core_type<tc>, window_params = [{transform_indices = @transform_0, window_bounds = array<i64: 512, 128>}, {pipeline_mode = #tpu.pipeline_mode<synchronous>, transform_indices = @transform_1, window_bounds = array<i64: 128, 128>}, {pipeline_mode = #tpu.pipeline_mode<synchronous>, transform_indices = @transform_2, window_bounds = array<i64: 128, 128>}, {pipeline_mode = #tpu.pipeline_mode<synchronous>, transform_indices = @transform_3, window_bounds = array<i64: 128, 128>}, {pipeline_mode = #tpu.pipeline_mode<synchronous>, transform_indices = @transform_4, window_bounds = array<i64: 1, 128>}, {pipeline_mode = #tpu.pipeline_mode<synchronous>, transform_indices = @transform_5, window_bounds = array<i64: 1, 128>}, {pipeline_mode = #tpu.pipeline_mode<synchronous>, transform_indices = @transform_6, window_bounds = array<i64: 1, 128>}, {transform_indices = @transform_7, window_bounds = array<i64: 512, 128>}, {transform_indices = @transform_8, window_bounds = array<i64: 512, 256>}]} {
    %get3A = arith.constant 0 : index
    %get3A_0 = arith.constant 0 : index
    %get3A_1 = vector.load %arg1[%get3A, %get3A_0] : memref<512x128xf32, #tpu.memory_space<vmem>>, vector<512x128xf32>
    %get3A_2 = arith.constant 0 : index
    %get3A_3 = arith.constant 0 : index
    %get3A_4 = vector.load %arg2[%get3A_2, %get3A_3] : memref<128x128xf32, #tpu.memory_space<vmem>>, vector<128x128xf32>
    %dot_general3A = arith.constant dense<0.000000e+00> : vector<512x128xf32>
    %dot_general3A_5 = tpu.matmul %get3A_1, %get3A_4, %dot_general3A {dimension_numbers = #tpu.dot_dimension_numbers<[1], [0], [0], [1], [0, 0, 1, 1], [], []>, transpose_lhs_hint = false} : vector<512x128xf32>, vector<128x128xf32>, vector<512x128xf32> -> vector<512x128xf32>
    %get3A_6 = arith.constant 0 : index
    %get3A_7 = arith.constant 0 : index
    %get3A_8 = vector.load %arg5[%get3A_6, %get3A_7] : memref<1x128xf32, #tpu.memory_space<vmem>>, vector<1x128xf32>
    %add3A = vector.broadcast %get3A_8 : vector<1x128xf32> to vector<512x128xf32>
    %add3A_9 = arith.addf %dot_general3A_5, %add3A : vector<512x128xf32>
    %get3A_10 = arith.constant 0 : index
    %get3A_11 = arith.constant 0 : index
    %get3A_12 = vector.load %arg3[%get3A_10, %get3A_11] : memref<128x128xf32, #tpu.memory_space<vmem>>, vector<128x128xf32>
    %dot_general3A_13 = arith.constant dense<0.000000e+00> : vector<512x128xf32>
    %dot_general3A_14 = tpu.matmul %get3A_1, %get3A_12, %dot_general3A_13 {dimension_numbers = #tpu.dot_dimension_numbers<[1], [0], [0], [1], [0, 0, 1, 1], [], []>, transpose_lhs_hint = false} : vector<512x128xf32>, vector<128x128xf32>, vector<512x128xf32> -> vector<512x128xf32>
    %get3A_15 = arith.constant 0 : index
    %get3A_16 = arith.constant 0 : index
    %get3A_17 = vector.load %arg6[%get3A_15, %get3A_16] : memref<1x128xf32, #tpu.memory_space<vmem>>, vector<1x128xf32>
    %add3A_18 = vector.broadcast %get3A_17 : vector<1x128xf32> to vector<512x128xf32>
    %add3A_19 = arith.addf %dot_general3A_14, %add3A_18 : vector<512x128xf32>
    %get3A_20 = arith.constant 0 : index
    %get3A_21 = arith.constant 0 : index
    %get3A_22 = vector.load %arg4[%get3A_20, %get3A_21] : memref<128x128xf32, #tpu.memory_space<vmem>>, vector<128x128xf32>
    %dot_general3A_23 = arith.constant dense<0.000000e+00> : vector<512x128xf32>
    %dot_general3A_24 = tpu.matmul %get3A_1, %get3A_22, %dot_general3A_23 {dimension_numbers = #tpu.dot_dimension_numbers<[1], [0], [0], [1], [0, 0, 1, 1], [], []>, transpose_lhs_hint = false} : vector<512x128xf32>, vector<128x128xf32>, vector<512x128xf32> -> vector<512x128xf32>
    %get3A_25 = arith.constant 0 : index
    %get3A_26 = arith.constant 0 : index
    %get3A_27 = vector.load %arg7[%get3A_25, %get3A_26] : memref<1x128xf32, #tpu.memory_space<vmem>>, vector<1x128xf32>
    %add3A_28 = vector.broadcast %get3A_27 : vector<1x128xf32> to vector<512x128xf32>
    %add3A_29 = arith.addf %dot_general3A_24, %add3A_28 : vector<512x128xf32>
    %convert_element_type3A = arith.truncf %add3A_9 : vector<512x128xf32> to vector<512x128xbf16>
    %swap3A = arith.constant 0 : index
    %swap3A_30 = arith.constant 0 : index
    %swap3A_31 = vector.load %arg8[%swap3A, %swap3A_30] : memref<512x128xbf16, #tpu.memory_space<vmem>>, vector<512x128xbf16>
    tpu.vector_store %arg8[%swap3A, %swap3A_30], %convert_element_type3A {strides = array<i32>} : memref<512x128xbf16, #tpu.memory_space<vmem>>, vector<512x128xbf16>,
    %convert_element_type3A_32 = arith.truncf %add3A_19 : vector<512x128xf32> to vector<512x128xbf16>
    %swap3A_33 = arith.constant 0 : index
    %swap3A_34 = arith.constant 0 : index
    %swap3A_35 = vector.load %arg9[%swap3A_33, %swap3A_34] : memref<512x256xbf16, #tpu.memory_space<vmem>>, vector<512x128xbf16>
    tpu.vector_store %arg9[%swap3A_33, %swap3A_34], %convert_element_type3A_32 {strides = array<i32>} : memref<512x256xbf16, #tpu.memory_space<vmem>>, vector<512x128xbf16>,
    %convert_element_type3A_36 = arith.truncf %add3A_29 : vector<512x128xf32> to vector<512x128xbf16>
    %swap3A_37 = arith.constant 0 : index
    %swap3A_38 = arith.constant 128 : index
    %swap3A_39 = vector.load %arg9[%swap3A_37, %swap3A_38] : memref<512x256xbf16, #tpu.memory_space<vmem>>, vector<512x128xbf16>
    tpu.vector_store %arg9[%swap3A_37, %swap3A_38], %convert_element_type3A_36 {strides = array<i32>} : memref<512x256xbf16, #tpu.memory_space<vmem>>, vector<512x128xbf16>,
    return
  }
  func.func @transform_0(%arg0: i32) -> (i32, i32) {
    %c0_i32 = arith.constant 0 : i32
    %c0_i32_0 = arith.constant 0 : i32
    return %arg0, %c0_i32 : i32, i32
  }
  func.func @transform_1(%arg0: i32) -> (i32, i32) {
    %c0_i32 = arith.constant 0 : i32
    %c0_i32_0 = arith.constant 0 : i32
    %c0_i32_1 = arith.constant 0 : i32
    return %c0_i32, %c0_i32_0 : i32, i32
  }
  func.func @transform_2(%arg0: i32) -> (i32, i32) {
    %c0_i32 = arith.constant 0 : i32
    %c0_i32_0 = arith.constant 0 : i32
    %c0_i32_1 = arith.constant 0 : i32
    return %c0_i32, %c0_i32_0 : i32, i32
  }
  func.func @transform_3(%arg0: i32) -> (i32, i32) {
    %c0_i32 = arith.constant 0 : i32
    %c0_i32_0 = arith.constant 0 : i32
    %c0_i32_1 = arith.constant 0 : i32
    return %c0_i32, %c0_i32_0 : i32, i32
  }
  func.func @transform_4(%arg0: i32) -> (i32, i32) {
    %c0_i32 = arith.constant 0 : i32
    %c0_i32_0 = arith.constant 0 : i32
    %c0_i32_1 = arith.constant 0 : i32
    return %c0_i32, %c0_i32_0 : i32, i32
  }
  func.func @transform_5(%arg0: i32) -> (i32, i32) {
    %c0_i32 = arith.constant 0 : i32
    %c0_i32_0 = arith.constant 0 : i32
    %c0_i32_1 = arith.constant 0 : i32
    return %c0_i32, %c0_i32_0 : i32, i32
  }
  func.func @transform_6(%arg0: i32) -> (i32, i32) {
    %c0_i32 = arith.constant 0 : i32
    %c0_i32_0 = arith.constant 0 : i32
    %c0_i32_1 = arith.constant 0 : i32
    return %c0_i32, %c0_i32_0 : i32, i32
  }
  func.func @transform_7(%arg0: i32) -> (i32, i32) {
    %c0_i32 = arith.constant 0 : i32
    %c0_i32_0 = arith.constant 0 : i32
    return %arg0, %c0_i32 : i32, i32
  }
  func.func @transform_8(%arg0: i32) -> (i32, i32) {
    %c0_i32 = arith.constant 0 : i32
    %c0_i32_0 = arith.constant 0 : i32
    return %arg0, %c0_i32 : i32, i32
  }
}

module attributes {stable_mosaic.version = 14 : i64} {
  func.func @_merge_body(%arg0: i32, %arg1: memref<1x400x144xf32, #tpu.memory_space<vmem>>, %arg2: memref<1x400x144xf32, #tpu.memory_space<vmem>>, %arg3: memref<400x128xbf16, #tpu.memory_space<vmem>>, %arg4: memref<1x128xf32, #tpu.memory_space<vmem>>, %arg5: memref<1x128xf32, #tpu.memory_space<vmem>>, %arg6: memref<400x128xf32, #tpu.memory_space<vmem>>) attributes {dimension_semantics = [#tpu.dimension_semantics<arbitrary>], iteration_bounds = array<i64: 25>, scalar_prefetch = 0 : i64, scratch_operands = 0 : i64, tpu.core_type = #tpu.core_type<tc>, window_params = [{transform_indices = @transform_0, window_bounds = array<i64: 1, 400, 144>}, {transform_indices = @transform_1, window_bounds = array<i64: 1, 400, 144>}, {transform_indices = @transform_2, window_bounds = array<i64: 400, 128>}, {pipeline_mode = #tpu.pipeline_mode<synchronous>, transform_indices = @transform_3, window_bounds = array<i64: 1, 128>}, {pipeline_mode = #tpu.pipeline_mode<synchronous>, transform_indices = @transform_4, window_bounds = array<i64: 1, 128>}, {transform_indices = @transform_5, window_bounds = array<i64: 400, 128>}]} {
    %get3A = arith.constant 0 : index
    %get3A_0 = arith.constant 0 : index
    %get3A_1 = arith.constant 0 : index
    %get3A_2 = vector.load %arg1[%get3A, %get3A_0, %get3A_1] : memref<1x400x144xf32, #tpu.memory_space<vmem>>, vector<1x400x144xf32>
    %get3A_3 = vector.shape_cast %get3A_2 : vector<1x400x144xf32> to vector<400x144xf32>
    %get3A_4 = arith.constant 0 : index
    %get3A_5 = arith.constant 0 : index
    %get3A_6 = arith.constant 0 : index
    %get3A_7 = vector.load %arg2[%get3A_4, %get3A_5, %get3A_6] : memref<1x400x144xf32, #tpu.memory_space<vmem>>, vector<1x400x144xf32>
    %get3A_8 = vector.shape_cast %get3A_7 : vector<1x400x144xf32> to vector<400x144xf32>
    %get3A_9 = arith.constant 0 : index
    %get3A_10 = arith.constant 0 : index
    %get3A_11 = vector.load %arg3[%get3A_9, %get3A_10] : memref<400x128xbf16, #tpu.memory_space<vmem>>, vector<400x128xbf16>
    %convert_element_type3A = arith.extf %get3A_11 : vector<400x128xbf16> to vector<400x128xf32>
    %get3A_12 = arith.constant 0 : index
    %get3A_13 = arith.constant 0 : index
    %get3A_14 = vector.load %arg4[%get3A_12, %get3A_13] : memref<1x128xf32, #tpu.memory_space<vmem>>, vector<1x128xf32>
    %get3A_15 = arith.constant 0 : index
    %get3A_16 = arith.constant 0 : index
    %get3A_17 = vector.load %arg5[%get3A_15, %get3A_16] : memref<1x128xf32, #tpu.memory_space<vmem>>, vector<1x128xf32>
    %iota3A = tpu.iota {dimensions = array<i32: 0>} : vector<128x8xi32>
    %jit3A = arith.constant 16 : i32
    %div3A = vector.broadcast %jit3A : i32 to vector<128x8xi32>
    %div3A_18 = arith.divsi %iota3A, %div3A : vector<128x8xi32>
    %sign3A = arith.constant 0 : i32
    %sign3A_19 = vector.broadcast %sign3A : i32 to vector<128x8xi32>
    %sign3A_20 = arith.cmpi sgt, %iota3A, %sign3A_19 : vector<128x8xi32>
    %sign3A_21 = arith.extui %sign3A_20 : vector<128x8xi1> to vector<128x8xi32>
    %sign3A_22 = arith.constant 0 : i32
    %sign3A_23 = vector.broadcast %sign3A_22 : i32 to vector<128x8xi32>
    %sign3A_24 = arith.cmpi slt, %iota3A, %sign3A_23 : vector<128x8xi32>
    %sign3A_25 = arith.extui %sign3A_24 : vector<128x8xi1> to vector<128x8xi32>
    %sign3A_26 = arith.subi %sign3A_21, %sign3A_25 : vector<128x8xi32>
    %sign3A_27 = arith.constant 0 : i32
    %sign3A_28 = arith.cmpi sgt, %jit3A, %sign3A_27 : i32
    %sign3A_29 = arith.extui %sign3A_28 : i1 to i32
    %sign3A_30 = arith.constant 0 : i32
    %sign3A_31 = arith.cmpi slt, %jit3A, %sign3A_30 : i32
    %sign3A_32 = arith.extui %sign3A_31 : i1 to i32
    %sign3A_33 = arith.subi %sign3A_29, %sign3A_32 : i32
    %ne3A = vector.broadcast %sign3A_33 : i32 to vector<128x8xi32>
    %ne3A_34 = arith.cmpi ne, %sign3A_26, %ne3A : vector<128x8xi32>
    %rem3A = vector.broadcast %jit3A : i32 to vector<128x8xi32>
    %rem3A_35 = arith.remsi %iota3A, %rem3A : vector<128x8xi32>
    %ne3A_36 = arith.constant 0 : i32
    %ne3A_37 = vector.broadcast %ne3A_36 : i32 to vector<128x8xi32>
    %ne3A_38 = arith.cmpi ne, %rem3A_35, %ne3A_37 : vector<128x8xi32>
    %and3A = arith.andi %ne3A_34, %ne3A_38 : vector<128x8xi1>
    %sub3A = arith.constant 1 : i32
    %sub3A_39 = vector.broadcast %sub3A : i32 to vector<128x8xi32>
    %sub3A_40 = arith.subi %div3A_18, %sub3A_39 : vector<128x8xi32>
    %select_n3A = arith.select %and3A, %sub3A_40, %div3A_18 : vector<128x8xi1>, vector<128x8xi32>
    %iota3A_41 = tpu.iota {dimensions = array<i32: 1>} : vector<128x8xi32>
    %eq3A = arith.cmpi eq, %select_n3A, %iota3A_41 : vector<128x8xi32>
    %convert_element_type3A_42 = arith.extui %eq3A : vector<128x8xi1> to vector<128x8xi32>
    %convert_element_type3A_43 = arith.sitofp %convert_element_type3A_42 : vector<128x8xi32> to vector<128x8xf32>
    %mul3A = vector.broadcast %get3A_14 : vector<1x128xf32> to vector<400x128xf32>
    %mul3A_44 = arith.mulf %convert_element_type3A, %mul3A : vector<400x128xf32>
    %dot_general3A = arith.constant dense<0.000000e+00> : vector<400x8xf32>
    %dot_general3A_45 = tpu.matmul %mul3A_44, %convert_element_type3A_43, %dot_general3A {dimension_numbers = #tpu.dot_dimension_numbers<[1], [0], [0], [1], [0, 0, 1, 1], [], []>, transpose_lhs_hint = false} : vector<400x128xf32>, vector<128x8xf32>, vector<400x8xf32> -> vector<400x8xf32>
    %mul3A_46 = arith.constant 2.500000e-01 : f32
    %mul3A_47 = vector.broadcast %mul3A_46 : f32 to vector<400x8xf32>
    %mul3A_48 = arith.mulf %dot_general3A_45, %mul3A_47 : vector<400x8xf32>
    %jit3A_49 = arith.constant -5.000000e+00 : f32
    %jit3A_50 = arith.constant 5.000000e+00 : f32
    %max3A = vector.broadcast %jit3A_49 : f32 to vector<400x8xf32>
    %max3A_51 = arith.maximumf %max3A, %mul3A_48 : vector<400x8xf32>
    %min3A = vector.broadcast %jit3A_50 : f32 to vector<400x8xf32>
    %min3A_52 = arith.minimumf %min3A, %max3A_51 : vector<400x8xf32>
    %exp3A = math.exp %min3A_52 : vector<400x8xf32>
    %iota3A_53 = tpu.iota {dimensions = array<i32: 1>} : vector<8x128xi32>
    %jit3A_54 = arith.constant 16 : i32
    %div3A_55 = vector.broadcast %jit3A_54 : i32 to vector<8x128xi32>
    %div3A_56 = arith.divsi %iota3A_53, %div3A_55 : vector<8x128xi32>
    %sign3A_57 = arith.constant 0 : i32
    %sign3A_58 = vector.broadcast %sign3A_57 : i32 to vector<8x128xi32>
    %sign3A_59 = arith.cmpi sgt, %iota3A_53, %sign3A_58 : vector<8x128xi32>
    %sign3A_60 = arith.extui %sign3A_59 : vector<8x128xi1> to vector<8x128xi32>
    %sign3A_61 = arith.constant 0 : i32
    %sign3A_62 = vector.broadcast %sign3A_61 : i32 to vector<8x128xi32>
    %sign3A_63 = arith.cmpi slt, %iota3A_53, %sign3A_62 : vector<8x128xi32>
    %sign3A_64 = arith.extui %sign3A_63 : vector<8x128xi1> to vector<8x128xi32>
    %sign3A_65 = arith.subi %sign3A_60, %sign3A_64 : vector<8x128xi32>
    %sign3A_66 = arith.constant 0 : i32
    %sign3A_67 = arith.cmpi sgt, %jit3A_54, %sign3A_66 : i32
    %sign3A_68 = arith.extui %sign3A_67 : i1 to i32
    %sign3A_69 = arith.constant 0 : i32
    %sign3A_70 = arith.cmpi slt, %jit3A_54, %sign3A_69 : i32
    %sign3A_71 = arith.extui %sign3A_70 : i1 to i32
    %sign3A_72 = arith.subi %sign3A_68, %sign3A_71 : i32
    %ne3A_73 = vector.broadcast %sign3A_72 : i32 to vector<8x128xi32>
    %ne3A_74 = arith.cmpi ne, %sign3A_65, %ne3A_73 : vector<8x128xi32>
    %rem3A_75 = vector.broadcast %jit3A_54 : i32 to vector<8x128xi32>
    %rem3A_76 = arith.remsi %iota3A_53, %rem3A_75 : vector<8x128xi32>
    %ne3A_77 = arith.constant 0 : i32
    %ne3A_78 = vector.broadcast %ne3A_77 : i32 to vector<8x128xi32>
    %ne3A_79 = arith.cmpi ne, %rem3A_76, %ne3A_78 : vector<8x128xi32>
    %and3A_80 = arith.andi %ne3A_74, %ne3A_79 : vector<8x128xi1>
    %sub3A_81 = arith.constant 1 : i32
    %sub3A_82 = vector.broadcast %sub3A_81 : i32 to vector<8x128xi32>
    %sub3A_83 = arith.subi %div3A_56, %sub3A_82 : vector<8x128xi32>
    %select_n3A_84 = arith.select %and3A_80, %sub3A_83, %div3A_56 : vector<8x128xi1>, vector<8x128xi32>
    %iota3A_85 = tpu.iota {dimensions = array<i32: 0>} : vector<8x128xi32>
    %eq3A_86 = arith.cmpi eq, %select_n3A_84, %iota3A_85 : vector<8x128xi32>
    %convert_element_type3A_87 = arith.extui %eq3A_86 : vector<8x128xi1> to vector<8x128xi32>
    %convert_element_type3A_88 = arith.sitofp %convert_element_type3A_87 : vector<8x128xi32> to vector<8x128xf32>
    %dot_general3A_89 = arith.constant dense<0.000000e+00> : vector<400x128xf32>
    %dot_general3A_90 = tpu.matmul %exp3A, %convert_element_type3A_88, %dot_general3A_89 {dimension_numbers = #tpu.dot_dimension_numbers<[1], [0], [0], [1], [0, 0, 1, 1], [], []>, transpose_lhs_hint = false} : vector<400x8xf32>, vector<8x128xf32>, vector<400x128xf32> -> vector<400x128xf32>
    %iota3A_91 = tpu.iota {dimensions = array<i32: 0>} : vector<128x128xi32>
    %iota3A_92 = tpu.iota {dimensions = array<i32: 1>} : vector<128x128xi32>
    %jit3A_93 = arith.constant 32 : i32
    %div3A_94 = vector.broadcast %jit3A_93 : i32 to vector<128x128xi32>
    %div3A_95 = arith.divsi %iota3A_91, %div3A_94 : vector<128x128xi32>
    %sign3A_96 = arith.constant 0 : i32
    %sign3A_97 = vector.broadcast %sign3A_96 : i32 to vector<128x128xi32>
    %sign3A_98 = arith.cmpi sgt, %iota3A_91, %sign3A_97 : vector<128x128xi32>
    %sign3A_99 = arith.extui %sign3A_98 : vector<128x128xi1> to vector<128x128xi32>
    %sign3A_100 = arith.constant 0 : i32
    %sign3A_101 = vector.broadcast %sign3A_100 : i32 to vector<128x128xi32>
    %sign3A_102 = arith.cmpi slt, %iota3A_91, %sign3A_101 : vector<128x128xi32>
    %sign3A_103 = arith.extui %sign3A_102 : vector<128x128xi1> to vector<128x128xi32>
    %sign3A_104 = arith.subi %sign3A_99, %sign3A_103 : vector<128x128xi32>
    %sign3A_105 = arith.constant 0 : i32
    %sign3A_106 = arith.cmpi sgt, %jit3A_93, %sign3A_105 : i32
    %sign3A_107 = arith.extui %sign3A_106 : i1 to i32
    %sign3A_108 = arith.constant 0 : i32
    %sign3A_109 = arith.cmpi slt, %jit3A_93, %sign3A_108 : i32
    %sign3A_110 = arith.extui %sign3A_109 : i1 to i32
    %sign3A_111 = arith.subi %sign3A_107, %sign3A_110 : i32
    %ne3A_112 = vector.broadcast %sign3A_111 : i32 to vector<128x128xi32>
    %ne3A_113 = arith.cmpi ne, %sign3A_104, %ne3A_112 : vector<128x128xi32>
    %rem3A_114 = vector.broadcast %jit3A_93 : i32 to vector<128x128xi32>
    %rem3A_115 = arith.remsi %iota3A_91, %rem3A_114 : vector<128x128xi32>
    %ne3A_116 = arith.constant 0 : i32
    %ne3A_117 = vector.broadcast %ne3A_116 : i32 to vector<128x128xi32>
    %ne3A_118 = arith.cmpi ne, %rem3A_115, %ne3A_117 : vector<128x128xi32>
    %and3A_119 = arith.andi %ne3A_113, %ne3A_118 : vector<128x128xi1>
    %sub3A_120 = arith.constant 1 : i32
    %sub3A_121 = vector.broadcast %sub3A_120 : i32 to vector<128x128xi32>
    %sub3A_122 = arith.subi %div3A_95, %sub3A_121 : vector<128x128xi32>
    %select_n3A_123 = arith.select %and3A_119, %sub3A_122, %div3A_95 : vector<128x128xi1>, vector<128x128xi32>
    %mul3A_124 = arith.constant 32 : i32
    %mul3A_125 = vector.broadcast %mul3A_124 : i32 to vector<128x128xi32>
    %mul3A_126 = arith.muli %select_n3A_123, %mul3A_125 : vector<128x128xi32>
    %jit3A_127 = arith.constant 16 : i32
    %eq3A_128 = arith.constant 0 : i32
    %eq3A_129 = arith.cmpi eq, %jit3A_127, %eq3A_128 : i32
    %jit3A_130 = arith.constant 1 : i32
    %select_n3A_131 = arith.select %eq3A_129, %jit3A_130, %jit3A_127 : i32
    %rem3A_132 = vector.broadcast %select_n3A_131 : i32 to vector<128x128xi32>
    %rem3A_133 = arith.remsi %iota3A_91, %rem3A_132 : vector<128x128xi32>
    %ne3A_134 = arith.constant 0 : i32
    %ne3A_135 = vector.broadcast %ne3A_134 : i32 to vector<128x128xi32>
    %ne3A_136 = arith.cmpi ne, %rem3A_133, %ne3A_135 : vector<128x128xi32>
    %lt3A = arith.constant 0 : i32
    %lt3A_137 = vector.broadcast %lt3A : i32 to vector<128x128xi32>
    %lt3A_138 = arith.cmpi slt, %rem3A_133, %lt3A_137 : vector<128x128xi32>
    %lt3A_139 = arith.constant 0 : i32
    %lt3A_140 = arith.cmpi slt, %select_n3A_131, %lt3A_139 : i32
    %ne3A_141 = vector.broadcast %lt3A_140 : i1 to vector<128x128xi1>
    %ne3A_142 = vector.broadcast %ne3A_141 : vector<128x128xi1> to vector<128x128xi1>
    %ne3A_143 = arith.xori %lt3A_138, %ne3A_142 : vector<128x128xi1>
    %and3A_144 = arith.andi %ne3A_143, %ne3A_136 : vector<128x128xi1>
    %add3A = vector.broadcast %select_n3A_131 : i32 to vector<128x128xi32>
    %add3A_145 = arith.addi %rem3A_133, %add3A : vector<128x128xi32>
    %select_n3A_146 = arith.select %and3A_144, %add3A_145, %rem3A_133 : vector<128x128xi1>, vector<128x128xi32>
    %mul3A_147 = arith.constant 2 : i32
    %mul3A_148 = vector.broadcast %mul3A_147 : i32 to vector<128x128xi32>
    %mul3A_149 = arith.muli %select_n3A_146, %mul3A_148 : vector<128x128xi32>
    %add3A_150 = arith.addi %mul3A_126, %mul3A_149 : vector<128x128xi32>
    %jit3A_151 = arith.constant 16 : i32
    %div3A_152 = vector.broadcast %jit3A_151 : i32 to vector<128x128xi32>
    %div3A_153 = arith.divsi %iota3A_91, %div3A_152 : vector<128x128xi32>
    %sign3A_154 = arith.constant 0 : i32
    %sign3A_155 = vector.broadcast %sign3A_154 : i32 to vector<128x128xi32>
    %sign3A_156 = arith.cmpi sgt, %iota3A_91, %sign3A_155 : vector<128x128xi32>
    %sign3A_157 = arith.extui %sign3A_156 : vector<128x128xi1> to vector<128x128xi32>
    %sign3A_158 = arith.constant 0 : i32
    %sign3A_159 = vector.broadcast %sign3A_158 : i32 to vector<128x128xi32>
    %sign3A_160 = arith.cmpi slt, %iota3A_91, %sign3A_159 : vector<128x128xi32>
    %sign3A_161 = arith.extui %sign3A_160 : vector<128x128xi1> to vector<128x128xi32>
    %sign3A_162 = arith.subi %sign3A_157, %sign3A_161 : vector<128x128xi32>
    %sign3A_163 = arith.constant 0 : i32
    %sign3A_164 = arith.cmpi sgt, %jit3A_151, %sign3A_163 : i32
    %sign3A_165 = arith.extui %sign3A_164 : i1 to i32
    %sign3A_166 = arith.constant 0 : i32
    %sign3A_167 = arith.cmpi slt, %jit3A_151, %sign3A_166 : i32
    %sign3A_168 = arith.extui %sign3A_167 : i1 to i32
    %sign3A_169 = arith.subi %sign3A_165, %sign3A_168 : i32
    %ne3A_170 = vector.broadcast %sign3A_169 : i32 to vector<128x128xi32>
    %ne3A_171 = arith.cmpi ne, %sign3A_162, %ne3A_170 : vector<128x128xi32>
    %rem3A_172 = vector.broadcast %jit3A_151 : i32 to vector<128x128xi32>
    %rem3A_173 = arith.remsi %iota3A_91, %rem3A_172 : vector<128x128xi32>
    %ne3A_174 = arith.constant 0 : i32
    %ne3A_175 = vector.broadcast %ne3A_174 : i32 to vector<128x128xi32>
    %ne3A_176 = arith.cmpi ne, %rem3A_173, %ne3A_175 : vector<128x128xi32>
    %and3A_177 = arith.andi %ne3A_171, %ne3A_176 : vector<128x128xi1>
    %sub3A_178 = arith.constant 1 : i32
    %sub3A_179 = vector.broadcast %sub3A_178 : i32 to vector<128x128xi32>
    %sub3A_180 = arith.subi %div3A_153, %sub3A_179 : vector<128x128xi32>
    %select_n3A_181 = arith.select %and3A_177, %sub3A_180, %div3A_153 : vector<128x128xi1>, vector<128x128xi32>
    %jit3A_182 = arith.constant 2 : i32
    %eq3A_183 = arith.constant 0 : i32
    %eq3A_184 = arith.cmpi eq, %jit3A_182, %eq3A_183 : i32
    %jit3A_185 = arith.constant 1 : i32
    %select_n3A_186 = arith.select %eq3A_184, %jit3A_185, %jit3A_182 : i32
    %rem3A_187 = vector.broadcast %select_n3A_186 : i32 to vector<128x128xi32>
    %rem3A_188 = arith.remsi %select_n3A_181, %rem3A_187 : vector<128x128xi32>
    %ne3A_189 = arith.constant 0 : i32
    %ne3A_190 = vector.broadcast %ne3A_189 : i32 to vector<128x128xi32>
    %ne3A_191 = arith.cmpi ne, %rem3A_188, %ne3A_190 : vector<128x128xi32>
    %lt3A_192 = arith.constant 0 : i32
    %lt3A_193 = vector.broadcast %lt3A_192 : i32 to vector<128x128xi32>
    %lt3A_194 = arith.cmpi slt, %rem3A_188, %lt3A_193 : vector<128x128xi32>
    %lt3A_195 = arith.constant 0 : i32
    %lt3A_196 = arith.cmpi slt, %select_n3A_186, %lt3A_195 : i32
    %ne3A_197 = vector.broadcast %lt3A_196 : i1 to vector<128x128xi1>
    %ne3A_198 = vector.broadcast %ne3A_197 : vector<128x128xi1> to vector<128x128xi1>
    %ne3A_199 = arith.xori %lt3A_194, %ne3A_198 : vector<128x128xi1>
    %and3A_200 = arith.andi %ne3A_199, %ne3A_191 : vector<128x128xi1>
    %add3A_201 = vector.broadcast %select_n3A_186 : i32 to vector<128x128xi32>
    %add3A_202 = arith.addi %rem3A_188, %add3A_201 : vector<128x128xi32>
    %select_n3A_203 = arith.select %and3A_200, %add3A_202, %rem3A_188 : vector<128x128xi1>, vector<128x128xi32>
    %add3A_204 = arith.addi %add3A_150, %select_n3A_203 : vector<128x128xi32>
    %eq3A_205 = arith.cmpi eq, %iota3A_92, %add3A_204 : vector<128x128xi32>
    %convert_element_type3A_206 = arith.extui %eq3A_205 : vector<128x128xi1> to vector<128x128xi32>
    %convert_element_type3A_207 = arith.sitofp %convert_element_type3A_206 : vector<128x128xi32> to vector<128x128xf32>
    %slice3A = vector.extract_strided_slice %get3A_3 {offsets = [0, 0], sizes = [400, 128], strides = [1, 1]} : vector<400x144xf32> to vector<400x128xf32>
    %slice3A_208 = vector.extract_strided_slice %get3A_8 {offsets = [0, 0], sizes = [400, 128], strides = [1, 1]} : vector<400x144xf32> to vector<400x128xf32>
    %add3A_209 = arith.addf %slice3A, %slice3A_208 : vector<400x128xf32>
    %dot_general3A_210 = arith.constant dense<0.000000e+00> : vector<400x128xf32>
    %dot_general3A_211 = tpu.matmul %add3A_209, %convert_element_type3A_207, %dot_general3A_210 {dimension_numbers = #tpu.dot_dimension_numbers<[1], [0], [0], [1], [0, 0, 1, 1], [], []>, transpose_lhs_hint = false} : vector<400x128xf32>, vector<128x128xf32>, vector<400x128xf32> -> vector<400x128xf32>
    %mul3A_212 = vector.broadcast %get3A_17 : vector<1x128xf32> to vector<400x128xf32>
    %mul3A_213 = arith.mulf %dot_general3A_90, %mul3A_212 : vector<400x128xf32>
    %add3A_214 = arith.addf %dot_general3A_211, %mul3A_213 : vector<400x128xf32>
    %slice3A_215 = vector.extract_strided_slice %get3A_3 {offsets = [0, 128], sizes = [400, 8], strides = [1, 1]} : vector<400x144xf32> to vector<400x8xf32>
    %slice3A_216 = vector.extract_strided_slice %get3A_8 {offsets = [0, 128], sizes = [400, 8], strides = [1, 1]} : vector<400x144xf32> to vector<400x8xf32>
    %add3A_217 = arith.addf %slice3A_215, %slice3A_216 : vector<400x8xf32>
    %add3A_218 = arith.addf %add3A_217, %exp3A : vector<400x8xf32>
    %add3A_219 = arith.constant 9.99999997E-7 : f32
    %add3A_220 = vector.broadcast %add3A_219 : f32 to vector<400x8xf32>
    %add3A_221 = arith.addf %add3A_218, %add3A_220 : vector<400x8xf32>
    %dot_general3A_222 = arith.constant dense<0.000000e+00> : vector<400x128xf32>
    %dot_general3A_223 = tpu.matmul %add3A_221, %convert_element_type3A_88, %dot_general3A_222 {dimension_numbers = #tpu.dot_dimension_numbers<[1], [0], [0], [1], [0, 0, 1, 1], [], []>, transpose_lhs_hint = false} : vector<400x8xf32>, vector<8x128xf32>, vector<400x128xf32> -> vector<400x128xf32>
    %div3A_224 = arith.divf %add3A_214, %dot_general3A_223 : vector<400x128xf32>
    %swap3A = arith.constant 0 : index
    %swap3A_225 = arith.constant 0 : index
    %swap3A_226 = vector.load %arg6[%swap3A, %swap3A_225] : memref<400x128xf32, #tpu.memory_space<vmem>>, vector<400x128xf32>
    tpu.vector_store %arg6[%swap3A, %swap3A_225], %div3A_224 {strides = array<i32>} : memref<400x128xf32, #tpu.memory_space<vmem>>, vector<400x128xf32>,
    return
  }
  func.func @transform_0(%arg0: i32) -> (i32, i32, i32) {
    %c0_i32 = arith.constant 0 : i32
    %c0_i32_0 = arith.constant 0 : i32
    %c0_i32_1 = arith.constant 0 : i32
    return %c0_i32, %arg0, %c0_i32_0 : i32, i32, i32
  }
  func.func @transform_1(%arg0: i32) -> (i32, i32, i32) {
    %c1_i32 = arith.constant 1 : i32
    %c0_i32 = arith.constant 0 : i32
    %c0_i32_0 = arith.constant 0 : i32
    return %c1_i32, %arg0, %c0_i32 : i32, i32, i32
  }
  func.func @transform_2(%arg0: i32) -> (i32, i32) {
    %c0_i32 = arith.constant 0 : i32
    %c0_i32_0 = arith.constant 0 : i32
    return %arg0, %c0_i32 : i32, i32
  }
  func.func @transform_3(%arg0: i32) -> (i32, i32) {
    %c0_i32 = arith.constant 0 : i32
    %c0_i32_0 = arith.constant 0 : i32
    %c0_i32_1 = arith.constant 0 : i32
    return %c0_i32, %c0_i32_0 : i32, i32
  }
  func.func @transform_4(%arg0: i32) -> (i32, i32) {
    %c0_i32 = arith.constant 0 : i32
    %c0_i32_0 = arith.constant 0 : i32
    %c0_i32_1 = arith.constant 0 : i32
    return %c0_i32, %c0_i32_0 : i32, i32
  }
  func.func @transform_5(%arg0: i32) -> (i32, i32) {
    %c0_i32 = arith.constant 0 : i32
    %c0_i32_0 = arith.constant 0 : i32
    return %arg0, %c0_i32 : i32, i32
  }
}

</mosaic_0001>

<sc_bundles>
// kernel: kernel.5.cloned.1.call-start
scs
__scs_entry_jumppad:
0x0: {  	(pc) =	sbr.rel $0x88, $3  }
0x1: {  	(tag) =	ssettag $0x0;
	lr =	simm.s32 $0x1  }
0x2: {  	[smem:$0x3F99] =	sst lr;
	_ =	strace $0xD0000000  }
0x3: {  	_ = 	snop  }
0x4: {  	_ = 	snop  }
0x5: {  	_ = 	snop  }
0x6: {  	_ = 	snop  }
0x7: {  	_ = 	snop  }
__scs_overlays_trampoline_lowered:
0x8: {  	[smem:$0x3FA8] =	sst s0  }
0x9: {  	[smem:$0x3FA9] =	sst s1  }
0xa: {  	[smem:$0x3FAA] =	sst s2  }
0xb: {  	[smem:$0x3FAB] =	sst s3  }
0xc: {  	[smem:$0x3FAC] =	sst s4  }
0xd: {  	[smem:$0x3FAD] =	sst s5  }
0xe: {  	[smem:$0x3FAE] =	sst s6  }
0xf: {  	[smem:$0x3FAF] =	sst s7  }
0x10: {  	[smem:$0x3FB0] =	sst s8  }
0x11: {  	[smem:$0x3FB1] =	sst s9;
	s0 =	simm.s32 @!p0 $0x0  }
0x12: {  	s1 =	sld [smem:$0x3F97];
	s0 =	simm.s32 @p0 $0x1  }
0x13: {  	[smem:$0x3FB2] =	sst s0;
	s0 =	simm.s32 @!p1 $0x0  }
0x14: {  	s2 =	sld [smem:$0x3F96];
	s0 =	simm.s32 @p1 $0x1  }
0x15: {  	[smem:$0x3FB3] =	sst s0;
	s0 =	simm.s32 @!p2 $0x0  }
0x16: {  	s3 =	sld [smem:$0x3FDB];
	s0 =	simm.s32 @p2 $0x1  }
0x17: {  	s4 =	simm.s32 $0x1BF5;
	[smem:$0x3FB5] =	sst s0  }
0x18: {  	s0 =	sld [smem:$0x3F98];
	_ =	swait.ge [sflag:s4], $0x0  }
0x19: {  	s7 =	sld [smem:$0x3F99]  }
0x1a: {  	s8 =	sadd.s32 $0xFFFFE003, lr  }
0x1b: {  	s9 =	sadd.s32 $0xFFFFFEF7, lr;
	s5 =	simm.s32 $0xFFFFFFFF;
	p2 =	slt.u32 s8, $0xFFFFF086  }
0x1c: {  	p1 =	slt.u32 s9, $0xF7A;
	s5 =	simm.s32 @!p2 $0x0  }
0x1d: {  	s5 =	simm.s32 @p1 $0x1;
	p0 =	seq.s32 s7, s2  }
0x1e: {  	s7 =	smul.u32 @!p0 $0xF7A, s2;
	p2 =	seq.s32 @!p0 s5, $0x0  }
0x1f: {  	s9 =	smul.u32 $0xF7A, s1;
	s8 =	simm.s32 @!p0 $0x1BF5;
	p2 =	por !p2, p0  }
0x20: {  	[sflag:s8] =	ssyncset.s32 @!p0 $0xFFFFF086;
	s6 =	sadd.s32 @!p0 s3, s7;
	s7 =	simm.s32 @!p0 $0x108  }
0x21: {  	s3 =	sadd.s32 s3, s9;
	s6 =	sadd.s32 @!p0 $0x88, s6;
	s7 =	simm.s32 @p2 $0x1082  }
0x22: {  	[simem:s7], [sflag:s8] =	dma.local @!p0 [hbm:s6], $0xF7A  }
0x23: {  	s9 =	sor.u32 $0xD0000000, s2;
	s6 =	simm.s32 $0x108;
	_ =	swait.ge @!p0 [sflag:s8], $0x0  }
0x24: {  	s3 =	sadd.s32 $0x88, s3;
	s6 =	simm.s32 @!p1 $0x1082;
	[sflag:s4] =	ssyncset.s32 $0xFFFFF086  }
0x25: {  	[simem:s6], [sflag:s4] =	dma.local [hbm:s3], $0xF7A  }
0x26: {  	[smem:$0x3F99] =	sst s1;
	(tag) =	ssettag s2;
	_ =	strace s9  }
0x27: {  	s1 =	sld [smem:$0x3FA9]  }
0x28: {  	s2 =	sld [smem:$0x3FAA]  }
0x29: {  	s4 =	sld [smem:$0x3FAC]  }
0x2a: {  	p0 =	seq.s32 s5, $0x0;
	s5 =	sld [smem:$0x3FAD]  }
0x2b: {  	s6 =	sld [smem:$0x3FAE]  }
0x2c: {  	s7 =	sld [smem:$0x3FAF]  }
0x2d: {  	s3 =	simm.s32 $0x108;
	s8 =	sld [smem:$0x3FB0]  }
0x2e: {  	s3 =	simm.s32 @!p0 $0x1082;
	s9 =	sld [smem:$0x3FB1]  }
0x2f: {  	lr =	sadd.s32 s0, s3;
	s0 =	sld [smem:$0x3FA8]  }
0x30: {  	s3 =	sld [smem:$0x3FAB]  }
0x31: {  	[smem:$0x3FB4] =	sst s10  }
0x32: {  	s10 =	sld [smem:$0x3FB2];
	_ =	sdelay $0x3  }
0x33: {  	p0 =	seq.s32 s10, $0x1;
	s10 =	sld [smem:$0x3FB4];
	_ =	sdelay $0x3  }
0x34: {  	[smem:$0x3FB4] =	sst s10  }
0x35: {  	s10 =	sld [smem:$0x3FB3];
	_ =	sdelay $0x3  }
0x36: {  	p1 =	seq.s32 s10, $0x1;
	s10 =	sld [smem:$0x3FB4];
	_ =	sdelay $0x3  }
0x37: {  	[smem:$0x3FB4] =	sst s10  }
0x38: {  	s10 =	sld [smem:$0x3FB5]  }
0x39: {  	_ = 	snop;
	(pc) =	sbr.ind lr, $3  }
0x3a: {  	_ = 	snop  }
0x3b: {  	_ = 	snop  }
0x3c: {  	p2 =	seq.s32 s10, $0x1;
	s10 =	sld [smem:$0x3FB4]  }
0x3d: {  	_ =	shalt  }
0x3e: {  	_ =	shalt  }
0x3f: {  	_ =	shalt  }
0x40: {  	_ =	shalt  }
0x41: {  	_ =	shalt  }
0x42: {  	_ =	shalt  }
0x43: {  	_ =	shalt  }
0x44: {  	_ =	shalt  }
0x45: {  	_ =	shalt  }
0x46: {  	_ =	shalt  }
0x47: {  	_ =	shalt  }
0x48: {  	_ =	shalt  }
0x49: {  	_ =	shalt  }
0x4a: {  	_ =	shalt  }
0x4b: {  	_ =	shalt  }
0x4c: {  	_ =	shalt  }
0x4d: {  	_ =	shalt  }
0x4e: {  	_ =	shalt  }
0x4f: {  	_ =	shalt  }
0x50: {  	_ =	shalt  }
0x51: {  	_ =	shalt  }
0x52: {  	_ =	shalt  }
0x53: {  	_ =	shalt  }
0x54: {  	_ =	shalt  }
0x55: {  	_ =	shalt  }
0x56: {  	_ =	shalt  }
0x57: {  	_ =	shalt  }
0x58: {  	_ =	shalt  }
0x59: {  	_ =	shalt  }
0x5a: {  	_ =	shalt  }
0x5b: {  	_ =	shalt  }
0x5c: {  	_ =	shalt  }
0x5d: {  	_ =	shalt  }
0x5e: {  	_ =	shalt  }
0x5f: {  	_ =	shalt  }
0x60: {  	_ =	shalt  }
0x61: {  	_ =	shalt  }
0x62: {  	_ =	shalt  }
0x63: {  	_ =	shalt  }
0x64: {  	_ =	shalt  }
0x65: {  	_ =	shalt  }
0x66: {  	_ =	shalt  }
0x67: {  	_ =	shalt  }
0x68: {  	_ =	shalt  }
0x69: {  	_ =	shalt  }
0x6a: {  	_ =	shalt  }
0x6b: {  	_ =	shalt  }
0x6c: {  	_ =	shalt  }
0x6d: {  	_ =	shalt  }
0x6e: {  	_ =	shalt  }
0x6f: {  	_ =	shalt  }
0x70: {  	_ =	shalt  }
0x71: {  	_ =	shalt  }
0x72: {  	_ =	shalt  }
0x73: {  	_ =	shalt  }
0x74: {  	_ =	shalt  }
0x75: {  	_ =	shalt  }
0x76: {  	_ =	shalt  }
0x77: {  	_ =	shalt  }
0x78: {  	_ =	shalt  }
0x79: {  	_ =	shalt  }
0x7a: {  	_ =	shalt  }
0x7b: {  	_ =	shalt  }
0x7c: {  	_ =	shalt  }
0x7d: {  	_ =	shalt  }
0x7e: {  	_ =	shalt  }
0x7f: {  	_ =	shalt  }
0x80: {  	_ =	shalt  }
0x81: {  	_ =	shalt  }
0x82: {  	_ =	shalt  }
0x83: {  	_ =	shalt  }
0x84: {  	_ =	shalt  }
0x85: {  	_ =	shalt  }
0x86: {  	_ =	shalt  }
0x87: {  	_ =	shalt  }
.Lfunc_end0:
.L_simem_size_0:
called_computation_lowered:
.L_overlay_start_0:
0x88: {  	s2 =	sld [smem:$0x3FD9]  }
0x89: {  	s3 =	sld [smem:$0x3FFE];
	_ =	sdelay $0x1  }
0x8a: {  	s1 =	srdreg.scid  }
0x8b: {  	s0 =	sand.u32 $0x1, s1  }
0x8c: {  	s17 =	sshll.u32 s0, $0xA;
	s2 =	sadd.s32 s3, s2  }
0x8d: {  	s2 =	sadd.s32 s2, s17  }
0x8e: {  	[smem:$0x3FC0] =	sst s2  }
0x8f: {  	_ = 	snop  }
0x90: {  	s2 =	sld [smem:$0x3FD0];
	(tm) =	ssettm $0x1  }
0x91: {  	s18 =	sld [smem:$0x3FFB];
	_ =	sdelay $0x3  }
0x92: {  	_ =	strace s18  }
0x93: {  	s3 =	sld [smem:$0x3FFC];
	_ =	sdelay $0x3  }
0x94: {  	_ =	strace s3  }
0x95: {  	s3 =	sld [smem:$0x3FFD];
	_ =	sdelay $0x3  }
0x96: {  	_ =	strace s3  }
0x97: {  	_ =	strace $0x8FFFFFFF  }
0x98: {  	s19 =	sld [smem:$0x3FDB];
	_ =	sdelay $0x1  }
0x99: {  	s4 =	simm.s32 $_scs_section_size  }
0x9a: {  	s5 =	simm.s32 $_size__tile_overlayer_lowered;
	s6 =	simm.s32 $_tile_overlayer_lowered  }
0x9b: {  	s22 =	simm.s32 $0x1BFF;
	s21 =	sshll.u32 s6, $0x1;
	s3 =	sadd.s32 s4, s19  }
0x9c: {  	s7 =	simm.s32 $0x0;
	s20 =	sshll.u32 s5, $0x1;
	s5 =	sadd.s32 s21, s3  }
0x9d: {  	[timem:s7], [sflag:s22] =	dma.local [hbm:s5], s20  }
0x9e: {  	_ =	swait.ge [sflag:s22], s20  }
0x9f: {  	s4 =	ssub.s32 $0x0, s20;
	[sflag:s22] =	ssyncset.done $0x0  }
0xa0: {  	[sflag:s22] =	ssyncadd.s32 s4;
	_ =	sdelay $0x1  }
0xa1: {  	s23 =	simm.s32 $0x1B8B  }
0xa2: {  	_ =	swait.ge [sflag:s23], $0x1  }
0xa3: {  	[sflag:s23] =	ssyncset.done $0x0  }
0xa4: {  	s25 =	simm.s32 $0x1B8E;
	s24 =	sld [smem:$0x3FFE];
	[sflag:s23] =	ssyncadd.s32 $0xFFFFFFFF  }
0xa5: {  	s26 =	simm.s32 $execute0_lowered;
	[smem:$0x3FD2] =	sst s25  }
0xa6: {  	s5 =	sshll.u32 s26, $0x1;
	_ =	strace $0x80000046;
	[dreg:$0x1] =	wrdreg $0xFFFFFFFF  }
0xa7: {  	s28 =	simm.s32 $_size_execute0_lowered;
	s3 =	sadd.s32 s3, s5;
	[dreg:$0x0] =	wrdreg $0x0  }
0xa8: {  	s5 =	sshll.u32 s28, $0x1;
	[dreg:$0x2] =	wrdreg s3  }
0xa9: {  	[dreg:$0x3] =	wrdreg s5  }
0xaa: {  	[dreg:$0x4] =	wrdreg $0xC0  }
0xab: {  	_ =	task [dreg:s7], $0x5FFFF  }
0xac: {  	[dreg:$0x1] =	wrdreg $0xFFFFFFFF  }
0xad: {  	[dreg:$0x0] =	wrdreg $0x60  }
0xae: {  	[dreg:$0x2] =	wrdreg s2  }
0xaf: {  	[dreg:$0x3] =	wrdreg s24  }
0xb0: {  	[dreg:$0x4] =	wrdreg $0x7F200  }
0xb1: {  	[dreg:$0x5] =	wrdreg $0x9  }
0xb2: {  	_ =	task.clear_ibuf [dreg:s7], $0x6FFFF;
	_ =	strace $0x90000046  }
0xb3: {  	s29 =	simm.s32 $0x9;
	_ =	strace $0x80000048  }
0xb4: {  	_ =	swait.ge [sflag:s29], $0x1  }
0xb5: {  	[sflag:s29] =	ssyncadd.s32 $0xFFFFFFFF  }
0xb6: {  	_ =	strace $0x90000048  }
0xb7: {  	_ =	sfence  }
0xb8: {  	s30 =	sld [smem:$0x0];
	_ =	sdelay $0x2  }
0xb9: {  	s31 =	sshll.u32 s1, $0xD;
	s1 =	sshrl.u32 s1, $0x2  }
0xba: {  	s3 =	sand.u32 $0x4000, s31;
	s1 =	sadd.s32 s1, s30  }
0xbb: {  	s0 =	sor.u32 s3, s0;
	s1 =	sshll.u32 s1, $0x11  }
0xbc: {  	s0 =	sor.u32 s1, s0  }
0xbd: {  	s0 =	sadd.s32 $0x8F2B, s0  }
0xbe: {  	[sflag:s0] =	ssyncadd.remote.s32 $0x1  }
0xbf: {  	_ =	sfence.sel $0xFFFF  }
0xc0: {  	[dreg:$0x0] =	wrdreg $0xFFFFFFFF;
	(pc) =	sbr.abs _section_cstart, $3  }
0xc1: {  	[dreg:$0x1] =	wrdreg $0xFFFFFFFF  }
0xc2: {  	_ =	task.clear_ibuf [dreg:s7], $0x2FFFF;
	_ =	strace $0x9FFFFFFF  }
0xc3: {  	(tm) =	ssettm $0x7FFFFFFF  }
tec
execute0_lowered:
.L_overlay_start_1:
0x0: {  	(tag) =	ssettag $0x1  }
0x1: {  	s1 =	rddreg [dreg:$0x0];
	s13 =	stileid.u32  }
0x2: {  	s0 =	rddreg [dreg:$0x1];
	s11 =	smul.u32 $0x16380, s13  }
0x3: {  	s2 =	rddreg [dreg:$0x2];
	s9 =	smul.u32 $0x26A0, s13  }
0x4: {  	s3 =	srdreg.scid;
	s4 =	simm.s32 $0x0;
	s10 =	smul.u32 $0x27C0, s13  }
0x5: {  	s3 =	sand.u32 $0x1, s3;
	[smem:$0x7FF] =	sst s4;
	s13 =	smul.u32 $0x58E00, s13  }
0x6: {  	s5 =	sadd.s32 $0x600, s0;
	s7 =	smul.u32 $0x163800, s3;
	s12 =	ssub.s32 $0x2, s3  }
0x7: {  	s6 =	sadd.s32 $0x32400, s0;
	p0 =	seq.s32 s3, $0x0;
	s14 =	sshrl.u32 s12, $0x1  }
0x8: {  	s28 =	sshrl.u32 s13, $0x2;
	s8 =	sadd.s32 s11, s7;
	s26 =	ssub.s32 s12, s14  }
0x9: {  	s7 =	sadd.s32 $0x28600, s0;
	s8 =	sshrl.u32 s8, $0x3;
	s3 =	smax.u32 s26, $0x1  }
0xa: {  	s0 =	sadd.s32 s8, s0;
	s8 =	sadd.s32 $0x26A00, s10;
	s10 =	sadd.s32 s28, s2  }
0xb: {  	_ =	strace $0x80000047;
	[dreg:$0xa] =	wrdreg s3;
	s30 =	sadd.s32 $0x15F00, s10  }
0xc: {  	s0 =	sadd.s32 $0x3C200, s0;
	[dreg:$0x4] =	wrdreg s30  }
0xd: {  	s19 =	sadd.s32 $0x1B00, s10;
	[dreg:$0x9] =	wrdreg s0  }
0xe: {  	s18 =	sadd.s32 s11, s2;
	s20 =	sadd.s32 $0x3600, s10;
	[dreg:$0xb] =	wrdreg s19  }
0xf: {  	v0 =	vimm.s32 $0xBA98FEDC;
	s13 =	simm.s32 $0x30;
	s21 =	sadd.s32 $0x5100, s10;
	[dreg:$0xc] =	wrdreg s20  }
0x10: {  	v1 =	vimm.s32 $0x32107654;
	v3 =	vimm.s32 $0x54761032;
	v0 =	vunpack.c.l.s4.s8 v0;
	s11 =	simm.s32 $0x4920;
	s22 =	sadd.s32 $0x6C00, s10;
	[dreg:$0xd] =	wrdreg s21  }
0x11: {  	v5 =	vlaneseq.u32;
	v6 =	vimm.s32 $0xE6A2C480;
	v1 =	vunpack.c.l.s4.s8 v1;
	s14 =	simm.s32 $0x1;
	s23 =	sadd.s32 $0x8700, s10;
	[dreg:$0xe] =	wrdreg s22  }
0x12: {  	v3 =	vunpack.c.l.s4.s8 v3;
	v2 =	vunpack.c.0.s8.s32 v0;
	v0 =	vimm.s32 $0xDCFE98BA;
	s8 =	smov.u32 @p0 s9;
	s24 =	sadd.s32 $0xA200, s10;
	[dreg:$0xf] =	wrdreg s23  }
0x13: {  	v5 =	vshrl.u32 v5, $0x3;
	v1 =	vunpack.c.0.s8.s32 v1;
	v4 =	vunpack.c.l.s4.s8 v0;
	s9 =	simm.s32 $0xCE;
	s25 =	sadd.s32 $0xBD00, s10;
	[dreg:$0x11] =	wrdreg s24  }
0x14: {  	v62 =	vimm.s32 $0xEFCDAB89;
	v6 =	vunpack.c.l.s4.s8 v6;
	v60 =	vmul.u32 $0x8, v5;
	s26 =	sadd.s32 $0xD800, s10;
	s28 =	sadd.s32 $0xF300, s10;
	[dreg:$0x12] =	wrdreg s25  }
0x15: {  	v3 =	vunpack.c.0.s8.s32 v3;
	v1 =	vcombine.low v1, v2;
	v2 =	vunpack.c.0.s8.s32 v4;
	s29 =	sshrl.u32 s8, $0x3;
	s9 =	simm.s32 @!p0 $0xD4;
	[dreg:$0x13] =	wrdreg s26  }
0x16: {  	v63 =	vimm.s32 $0x67452301;
	v8 =	vunpack.c.0.s8.s32 v6;
	v61 =	vor.u32 $0x4, v60;
	s0 =	sshrl.u32 s18, $0x3;
	[dreg:$0x14] =	wrdreg s28;
	s30 =	sadd.s32 $0x12900, s10  }
0x17: {  	[tilespmem:$0x1FF90] =	vst v60;
	v4 =	vunpack.c.l.s4.s8 v63;
	v3 =	vcombine.low v3, v2;
	v2 =	vunpack.c.l.s4.s8 v62;
	s18 =	simm.s32 $0x2;
	s19 =	simm.s32 $0x3;
	[dreg:$0x10] =	wrdreg s0  }
0x18: {  	vm0 =	vcmask $0x2F20;
	vm1 =	vcmask $0xF00;
	v56 =	vor.u32 $0x6, v60;
	[tilespmem:$0x1FFB0] =	vst v61;
	s20 =	simm.s32 $0xF0;
	s15 =	sadd.s32 s6, s29;
	[dreg:$0x16] =	wrdreg s30  }
0x19: {  	v57 =	vand.u32 $0xF, v8;
	[tilespmem:$0x1FFD0] =	vst v56;
	v4 =	vunpack.c.0.s8.s32 v4;
	s21 =	simm.s32 $0x6420;
	s12 =	sadd.s32 s7, s29;
	[dreg:$0x5] =	wrdreg s15;
	v2 =	vunpack.c.0.s8.s32 v2  }
0x1a: {  	vm2 =	vcmask $0x700;
	vm0 =	vmor vm1, vm0;
	v63 =	vor.u32 $0x2, v60;
	[tilespmem:$0x1FFE0] =	vst v57;
	s31 =	sadd.s32 $0x6, s29;
	s29 =	sadd.s32 $0x10E00, s10;
	[dreg:$0x6] =	wrdreg s12  }
0x1b: {  	vm1 =	vcmask $0x1710;
	v58 =	vand.u32 $0xF, v1;
	[tilespmem:$0x1FFC0] =	vst v63;
	s22 =	simm.s32 $0x4;
	s16 =	sadd.s32 s6, s31;
	[dreg:$0x15] =	wrdreg s29;
	v4 =	vcombine.low v4, v2  }
0x1c: {  	vm1 =	vmor vm2, vm1;
	vm2 =	vcmask $0x2720;
	[tilespmem:$0x1FF80] =	vst v58;
	s17 =	sadd.s32 s7, s31;
	s31 =	sadd.s32 $0x14400, s10;
	v59 =	vand.u32 $0xF, v3;
	[dreg:$0x7] =	wrdreg s16  }
0x1d: {  	vm1 =	vmor vm1, vm2;
	vm2 =	vcmask $0x3730;
	s12 =	simm.s32 $0x7;
	s15 =	simm.s32 $0xC0;
	[dreg:$0x8] =	wrdreg s17;
	[tilespmem:$0x1FFA0] =	vst v59;
	v62 =	vand.u32 $0xF, v4  }
0x1e: {  	v0 =	vimm.f32 $0.0e+00;
	vm1 =	vmor vm1, vm2;
	vm2 =	vmmov $0xff;
	s16 =	sshrl.u32 s9, $0x1;
	s17 =	sadd.s32 $0xFFFFFFFF, s9;
	[dreg:$0x17] =	wrdreg s31;
	[tilespmem:$0x1FFF0] =	vst v62  }
.LBB2_1:
0x1f: {  	s0 =	simm.s32 $0x0;
	s3 =	simm.s32 $0x240  }
.LBB2_2:
0x20: {  	p0 =	sne.s32 s3, $0x69C0;
	[tilespmem:s0+$0x49A0] =	vst v0  }
0x21: {  	[tilespmem:s0+$0x4920] =	vst v0  }
0x22: {  	[tilespmem:s0+$0x4930] =	vst v0  }
0x23: {  	[tilespmem:s0+$0x4940] =	vst v0  }
.Ltmp0:
0x24: {  	[tilespmem:s0+$0x4950] =	vst v0;
	(pc) =	sbr.rel @p0 .LBB2_2-.Ltmp0, $4  }
0x25: {  	[tilespmem:s0+$0x4960] =	vst v0  }
0x26: {  	[tilespmem:s0+$0x4970] =	vst v0  }
0x27: {  	[tilespmem:s0+$0x4980] =	vst v0  }
0x28: {  	[tilespmem:s0+$0x4990] =	vst v0;
	s0 =	sshra.s32 s3, $0x2;
	s3 =	sadd.s32 $0x240, s3  }
0x29: {  	[tilespmem:s0+$0x49A0] =	vst v0  }
0x2a: {  	[tilespmem:s0+$0x4920] =	vst v0  }
0x2b: {  	[tilespmem:s0+$0x4930] =	vst v0  }
0x2c: {  	[tilespmem:s0+$0x4940] =	vst v0  }
0x2d: {  	[tilespmem:s0+$0x4950] =	vst v0  }
0x2e: {  	[tilespmem:s0+$0x4960] =	vst v0  }
0x2f: {  	[tilespmem:s0+$0x4970] =	vst v0  }
0x30: {  	[tilespmem:s0+$0x4980] =	vst v0  }
0x31: {  	[tilespmem:s0+$0x4990] =	vst v0  }
0x32: {  	[spmem:s10] =	stream.linear.scatter [tilespmem:s11], [sflag:$0x7], $0x1B00, $0x38;
	[tilespmem:$0x1E2A0] =	vst v63  }
0x33: {  	_ =	swait.ge [sflag:s12], $0x1B00  }
0x34: {  	[sflag:s12] =	ssyncset.done $0x0  }
0x35: {  	s30 =	rddreg [dreg:$0xb];
	[sflag:s12] =	ssyncadd.s32 $0xFFFFE500  }
0x36: {  	[spmem:s30] =	stream.linear.scatter [tilespmem:s11], [sflag:$0x7], $0x1B00, $0x38;
	[tilespmem:$0x1E2A0] =	vst v63  }
0x37: {  	_ =	swait.ge [sflag:s12], $0x1B00  }
0x38: {  	[sflag:s12] =	ssyncset.done $0x0  }
0x39: {  	s31 =	rddreg [dreg:$0xc];
	[sflag:s12] =	ssyncadd.s32 $0xFFFFE500  }
0x3a: {  	[spmem:s31] =	stream.linear.scatter [tilespmem:s11], [sflag:$0x7], $0x1B00, $0x38;
	[tilespmem:$0x1E2A0] =	vst v63  }
0x3b: {  	_ =	swait.ge [sflag:s12], $0x1B00  }
0x3c: {  	[sflag:s12] =	ssyncset.done $0x0  }
0x3d: {  	s3 =	rddreg [dreg:$0xd];
	[sflag:s12] =	ssyncadd.s32 $0xFFFFE500  }
0x3e: {  	[spmem:s3] =	stream.linear.scatter [tilespmem:s11], [sflag:$0x7], $0x1B00, $0x38;
	[tilespmem:$0x1E2A0] =	vst v63  }
0x3f: {  	_ =	swait.ge [sflag:s12], $0x1B00  }
0x40: {  	[sflag:s12] =	ssyncset.done $0x0  }
0x41: {  	s23 =	rddreg [dreg:$0xe];
	[sflag:s12] =	ssyncadd.s32 $0xFFFFE500  }
0x42: {  	[spmem:s23] =	stream.linear.scatter [tilespmem:s11], [sflag:$0x7], $0x1B00, $0x38;
	[tilespmem:$0x1E2A0] =	vst v63  }
0x43: {  	_ =	swait.ge [sflag:s12], $0x1B00  }
0x44: {  	[sflag:s12] =	ssyncset.done $0x0  }
0x45: {  	s24 =	rddreg [dreg:$0xf];
	[sflag:s12] =	ssyncadd.s32 $0xFFFFE500  }
0x46: {  	[spmem:s24] =	stream.linear.scatter [tilespmem:s11], [sflag:$0x7], $0x1B00, $0x38;
	[tilespmem:$0x1E2A0] =	vst v63  }
0x47: {  	_ =	swait.ge [sflag:s12], $0x1B00  }
0x48: {  	[sflag:s12] =	ssyncset.done $0x0  }
0x49: {  	s25 =	rddreg [dreg:$0x11];
	[sflag:s12] =	ssyncadd.s32 $0xFFFFE500  }
0x4a: {  	[spmem:s25] =	stream.linear.scatter [tilespmem:s11], [sflag:$0x7], $0x1B00, $0x38;
	[tilespmem:$0x1E2A0] =	vst v63  }
0x4b: {  	_ =	swait.ge [sflag:s12], $0x1B00  }
0x4c: {  	[sflag:s12] =	ssyncset.done $0x0  }
0x4d: {  	s26 =	rddreg [dreg:$0x12];
	[sflag:s12] =	ssyncadd.s32 $0xFFFFE500  }
0x4e: {  	[spmem:s26] =	stream.linear.scatter [tilespmem:s11], [sflag:$0x7], $0x1B00, $0x38;
	[tilespmem:$0x1E2A0] =	vst v63  }
0x4f: {  	_ =	swait.ge [sflag:s12], $0x1B00  }
0x50: {  	[sflag:s12] =	ssyncset.done $0x0  }
0x51: {  	s28 =	rddreg [dreg:$0x13];
	[sflag:s12] =	ssyncadd.s32 $0xFFFFE500  }
0x52: {  	[spmem:s28] =	stream.linear.scatter [tilespmem:s11], [sflag:$0x7], $0x1B00, $0x38;
	[tilespmem:$0x1E2A0] =	vst v63  }
0x53: {  	_ =	swait.ge [sflag:s12], $0x1B00  }
0x54: {  	[sflag:s12] =	ssyncset.done $0x0  }
0x55: {  	s29 =	rddreg [dreg:$0x14];
	[sflag:s12] =	ssyncadd.s32 $0xFFFFE500  }
0x56: {  	[spmem:s29] =	stream.linear.scatter [tilespmem:s11], [sflag:$0x7], $0x1B00, $0x38;
	[tilespmem:$0x1E2A0] =	vst v63  }
0x57: {  	_ =	swait.ge [sflag:s12], $0x1B00  }
0x58: {  	[sflag:s12] =	ssyncset.done $0x0  }
0x59: {  	s30 =	rddreg [dreg:$0x15];
	[sflag:s12] =	ssyncadd.s32 $0xFFFFE500  }
0x5a: {  	[spmem:s30] =	stream.linear.scatter [tilespmem:s11], [sflag:$0x7], $0x1B00, $0x38;
	[tilespmem:$0x1E2A0] =	vst v63  }
0x5b: {  	_ =	swait.ge [sflag:s12], $0x1B00  }
0x5c: {  	[sflag:s12] =	ssyncset.done $0x0  }
0x5d: {  	s31 =	rddreg [dreg:$0x16];
	[sflag:s12] =	ssyncadd.s32 $0xFFFFE500  }
0x5e: {  	[spmem:s31] =	stream.linear.scatter [tilespmem:s11], [sflag:$0x7], $0x1B00, $0x38;
	[tilespmem:$0x1E2A0] =	vst v63  }
0x5f: {  	_ =	swait.ge [sflag:s12], $0x1B00  }
0x60: {  	[sflag:s12] =	ssyncset.done $0x0  }
0x61: {  	s3 =	rddreg [dreg:$0x17];
	[sflag:s12] =	ssyncadd.s32 $0xFFFFE500  }
0x62: {  	[spmem:s3] =	stream.linear.scatter [tilespmem:s11], [sflag:$0x7], $0x1B00, $0x38;
	[tilespmem:$0x1E2A0] =	vst v63  }
0x63: {  	_ =	swait.ge [sflag:s12], $0x1B00  }
0x64: {  	[sflag:s12] =	ssyncset.done $0x0  }
0x65: {  	s23 =	rddreg [dreg:$0x4];
	[sflag:s12] =	ssyncadd.s32 $0xFFFFE500  }
0x66: {  	[spmem:s23] =	stream.linear.scatter [tilespmem:s11], [sflag:$0x7], $0x480, $0x38;
	[tilespmem:$0x1E2A0] =	vst v63  }
0x67: {  	_ =	swait.ge [sflag:s12], $0x480  }
0x68: {  	[sflag:s12] =	ssyncset.done $0x0  }
0x69: {  	[sflag:s12] =	ssyncadd.s32 $0xFFFFFB80  }
0x6a: {  	[bflag:$0x0] =	sbarrier.arrive $0xFFFF  }
0x6b: {  	s23 =	simm.s32 $0x0;
	s24 =	rddreg [dreg:$0x5]  }
0x6c: {  	[tilespmem:s23], [sflag:$0x7] =	stream.linear.gather [hbm4b:s24+s23], $0x30, $0x38;
	[tilespmem:$0x1E2A0] =	vst v63  }
0x6d: {  	_ =	swait.ge [sflag:s12], $0x30  }
0x6e: {  	[sflag:s12] =	ssyncset.done $0x0  }
0x6f: {  	s3 =	simm.s32 $0x60;
	s25 =	rddreg [dreg:$0x6];
	[sflag:s12] =	ssyncadd.s32 $0xFFFFFFD0  }
0x70: {  	[tilespmem:s3], [sflag:$0x7] =	stream.linear.gather [hbm4b:s25+s23], $0x30, $0x38;
	[tilespmem:$0x1E2A0] =	vst v63  }
0x71: {  	_ =	swait.ge [sflag:s12], $0x30  }
0x72: {  	[sflag:s12] =	ssyncset.done $0x0  }
0x73: {  	s26 =	simm.s32 $0x120;
	[sflag:s12] =	ssyncadd.s32 $0xFFFFFFD0  }
0x74: {  	[tilespmem:s26], [sflag:$0x1] =	stream.indirect.gather [hbm4b:s5+s13], $0x80, s23, s13, $0xb8;
	[tilespmem:$0x1E2A0] =	vst v63  }
0x75: {  	s28 =	simm.s32 $0x3120  }
0x76: {  	[tilespmem:s28], [sflag:$0x1] =	stream.indirect.gather [hbm4b:s1+s13], $0x40, s3, s13, $0xb8;
	[tilespmem:$0x1E2A0] =	vst v63  }
0x77: {  	s29 =	rddreg [dreg:$0x7]  }
0x78: {  	[tilespmem:s13], [sflag:$0x6] =	stream.linear.gather [hbm4b:s29+s23], $0x30, $0x38;
	[tilespmem:$0x1E2A0] =	vst v63  }
0x79: {  	s31 =	simm.s32 $0x90;
	s30 =	rddreg [dreg:$0x8]  }
0x7a: {  	[tilespmem:s31], [sflag:$0x6] =	stream.linear.gather [hbm4b:s30+s23], $0x30, $0x38;
	[tilespmem:$0x1E2A0] =	vst v63  }
.LBB2_4:
0x7b: {  	_ =	swait.ge [sflag:s14], $0x1800  }
0x7c: {  	[sflag:s14] =	ssyncset.done $0x0  }
0x7d: {  	[sflag:s14] =	ssyncadd.s32 $0xFFFFE800  }
0x7e: {  	_ =	swait.ge [sflag:s14], $0xC00  }
0x7f: {  	[sflag:s14] =	ssyncset.done $0x0  }
0x80: {  	[sflag:s14] =	ssyncadd.s32 $0xFFFFF400  }
0x81: {  	v9 =	vld [tilespmem:$0x60]  }
0x82: {  	v10 =	vld [tilespmem:$0x70]  }
0x83: {  	v11 =	vld [tilespmem:$0x80];
	_ =	sdelay $0x2  }
0x84: {  	[tilespmem:$0xC0] =	vst v9  }
0x85: {  	p0 =	seq.s32 s23, $0x0;
	[tilespmem:$0xD0] =	vst v10  }
0x86: {  	s0 =	simm.s32 @!p0 $0x4;
	[tilespmem:$0xE0] =	vst v11  }
0x87: {  	s24 =	sshll.u32 s23, $0x1;
	_ =	swait.ge @!p0 [sflag:s0], $0x1B00  }
0x88: {  	p1 =	sge.u32 s24, s17;
	[sflag:s0] =	ssyncset.done @!p0 $0x0  }
0x89: {  	[sflag:s0] =	ssyncadd.s32 @!p0 $0xFFFFE500;
	s0 =	simm.s32 @!p1 $0x6  }
0x8a: {  	_ =	swait.ge @!p1 [sflag:s0], $0x30  }
0x8b: {  	[sflag:s0] =	ssyncset.done @!p1 $0x0  }
0x8c: {  	[sflag:s0] =	ssyncadd.s32 @!p1 $0xFFFFFFD0  }
0x8d: {  	_ =	swait.ge @!p1 [sflag:s0], $0x30  }
0x8e: {  	[sflag:s0] =	ssyncset.done @!p1 $0x0  }
0x8f: {  	s3 =	simm.s32 @!p1 $0x1920;
	[sflag:s0] =	ssyncadd.s32 @!p1 $0xFFFFFFD0;
	s0 =	simm.s32 @!p1 $0x30  }
0x90: {  	[tilespmem:s3], [sflag:$0x2] =	stream.indirect.gather @!p1 [hbm4b:s5+s0], $0x80, s0, s0, $0xb8;
	[tilespmem:$0x1E2A0] =	vst v63  }
0x91: {  	s3 =	sadd.s32 $0x2, s24  }
0x92: {  	p0 =	sge.u32 s3, s9  }
0x93: {  	s25 =	simm.s32 @!p1 $0x90;
	s26 =	simm.s32 @!p1 $0x3D20;
	s3 =	smul.u32 @!p0 $0x30, s3  }
0x94: {  	[tilespmem:s26], [sflag:$0x2] =	stream.indirect.gather @!p1 [hbm4b:s1+s0], $0x40, s25, s0, $0xb8;
	[tilespmem:$0x1E2A0] =	vst v63  }
0x95: {  	s0 =	sadd.s32 @!p0 s8, s3  }
0x96: {  	s0 =	sshrl.u32 @!p0 s0, $0x3  }
0x97: {  	s25 =	simm.s32 @!p0 $0x0;
	s3 =	sadd.s32 @!p0 s6, s0  }
0x98: {  	[tilespmem:s25], [sflag:$0x5] =	stream.linear.gather @!p0 [hbm4b:s3+s25], $0x30, $0x38;
	[tilespmem:$0x1E2A0] =	vst v63  }
0x99: {  	s31 =	simm.s32 $0x220;
	s0 =	sadd.s32 @!p0 s7, s0;
	s3 =	simm.s32 @!p0 $0x60  }
0x9a: {  	[tilespmem:s3], [sflag:$0x5] =	stream.linear.gather @!p0 [hbm4b:s0+s25], $0x30, $0x38;
	[tilespmem:$0x1E2A0] =	vst v63  }
0x9b: {  	s26 =	simm.s32 $0x31A0;
	v9 =	vld [tilespmem:s31+$0x80]  }
0x9c: {  	v10 =	vld [tilespmem:s26+$0x40]  }
0x9d: {  	v11 =	vld [tilespmem:s31+$0x90]  }
0x9e: {  	v12 =	vld [tilespmem:s26+$0x50]  }
0x9f: {  	v13 =	vld [tilespmem:s31+$0xA0]  }
0xa0: {  	v14 =	vld [tilespmem:s26+$0x60]  }
0xa1: {  	v15 =	vld [tilespmem:s31+$0xB0]  }
0xa2: {  	v27 =	vld [tilespmem:s26+$0xFFFFFFC0]  }
0xa3: {  	v28 =	vld [tilespmem:s31+$0xFFFFFFA0]  }
0xa4: {  	v31 =	vld [tilespmem:s31+$0xFFFFFFB0];
	v16 =	vunpack.i.u.bf16.f32 v9;
	v9 =	vunpack.i.l.bf16.f32 v9  }
0xa5: {  	v34 =	vld [tilespmem:s26+$0xFFFFFFF0];
	v17 =	vunpack.i.u.bf16.f32 v10;
	v10 =	vunpack.i.l.bf16.f32 v10;
	v19 =	vunpack.i.u.bf16.f32 v11  }
0xa6: {  	v36 =	vld [tilespmem:s26+$0x0];
	v11 =	vunpack.i.l.bf16.f32 v11;
	v20 =	vunpack.i.u.bf16.f32 v12;
	v12 =	vunpack.i.l.bf16.f32 v12  }
0xa7: {  	v40 =	vld [tilespmem:s26+$0x10];
	v21 =	vunpack.i.u.bf16.f32 v13;
	v13 =	vunpack.i.l.bf16.f32 v13;
	v22 =	vunpack.i.u.bf16.f32 v14  }
0xa8: {  	v42 =	vld [tilespmem:s31+$0x20];
	v14 =	vunpack.i.l.bf16.f32 v14;
	v23 =	vunpack.i.u.bf16.f32 v15;
	v15 =	vunpack.i.l.bf16.f32 v15  }
0xa9: {  	v18 =	vld [tilespmem:s26+$0x70];
	v35 =	vunpack.i.u.bf16.f32 v27;
	v27 =	vunpack.i.l.bf16.f32 v27;
	v41 =	vunpack.i.u.bf16.f32 v28  }
0xaa: {  	v28 =	vunpack.i.l.bf16.f32 v28;
	v44 =	vunpack.i.u.bf16.f32 v31;
	v31 =	vunpack.i.l.bf16.f32 v31  }
0xab: {  	v45 =	vunpack.i.u.bf16.f32 v34;
	v34 =	vunpack.i.l.bf16.f32 v34;
	v49 =	vunpack.i.u.bf16.f32 v36  }
0xac: {  	v46 =	vld [tilespmem:s26+$0x20];
	v36 =	vunpack.i.l.bf16.f32 v36;
	v52 =	vunpack.i.u.bf16.f32 v40;
	v40 =	vunpack.i.l.bf16.f32 v40  }
0xad: {  	v54 =	vunpack.i.u.bf16.f32 v42;
	v9 =	vmul.f32 v10, v9;
	v10 =	vmul.f32 v17, v16  }
0xae: {  	v24 =	vld [tilespmem:s26+$0xFFFFFF80];
	v11 =	vmul.f32 v12, v11;
	v12 =	vmul.f32 v20, v19;
	v17 =	vunpack.i.u.bf16.f32 v18  }
0xaf: {  	v13 =	vmul.f32 v14, v13;
	v14 =	vmul.f32 v22, v21;
	v18 =	vunpack.i.l.bf16.f32 v18  }
0xb0: {  	v42 =	vunpack.i.l.bf16.f32 v42;
	v16 =	vld [tilespmem:s31+$0xFFFFFF10];
	v15 =	vmul.f32 v18, v15;
	v17 =	vmul.f32 v17, v23  }
0xb1: {  	v55 =	vunpack.i.u.bf16.f32 v46;
	v19 =	vld [tilespmem:s26+$0xFFFFFF90];
	v9 =	vadd.f32 v9, v10;
	v10 =	vadd.f32 v11, v12  }
0xb2: {  	v46 =	vunpack.i.l.bf16.f32 v46;
	v18 =	vld [tilespmem:s26+$0xFFFFFFA0];
	v13 =	vadd.f32 v13, v14;
	v14 =	vadd.f32 v15, v17  }
0xb3: {  	v20 =	vld [tilespmem:s31+$0xFFFFFF20];
	v12 =	vunpack.i.u.bf16.f32 v24;
	v21 =	vperm.xlane v9, v58;
	v22 =	vperm.xlane v10, v58  }
0xb4: {  	v17 =	vunpack.i.l.bf16.f32 v24;
	v25 =	vperm.xlane v13, v58;
	v26 =	vperm.xlane v14, v58  }
0xb5: {  	v11 =	vld [tilespmem:s31+$0xFFFFFF30];
	v24 =	vunpack.i.u.bf16.f32 v16;
	v9 =	vadd.f32 v21, v9;
	v10 =	vadd.f32 v22, v10  }
0xb6: {  	v16 =	vunpack.i.l.bf16.f32 v16;
	v13 =	vadd.f32 v25, v13;
	v14 =	vadd.f32 v26, v14  }
0xb7: {  	v15 =	vld [tilespmem:s26+$0xFFFFFFB0];
	v22 =	vunpack.i.u.bf16.f32 v19;
	v19 =	vunpack.i.l.bf16.f32 v19;
	v29 =	vunpack.i.u.bf16.f32 v18  }
0xb8: {  	v26 =	vunpack.i.u.bf16.f32 v20;
	v9 =	vsel vm0, v9, v10;
	v10 =	vsel vm0, v13, v14  }
0xb9: {  	v51 =	vld [tilespmem:s26+$0x30];
	v14 =	vunpack.i.l.bf16.f32 v18;
	v18 =	vperm.xlane v9, v59;
	v30 =	vperm.xlane v10, v59  }
0xba: {  	v20 =	vunpack.i.l.bf16.f32 v20;
	v32 =	vunpack.i.u.bf16.f32 v11;
	v11 =	vunpack.i.l.bf16.f32 v11  }
0xbb: {  	v21 =	vld [tilespmem:s31+$0xFFFFFF90];
	v16 =	vmul.f32 v19, v16;
	v9 =	vadd.f32 v18, v9;
	v10 =	vadd.f32 v30, v10  }
0xbc: {  	v25 =	vld [tilespmem:s26+$0xFFFFFFD0];
	v19 =	vmul.f32 v22, v24;
	v33 =	vunpack.i.u.bf16.f32 v15;
	v15 =	vunpack.i.l.bf16.f32 v15  }
0xbd: {  	v23 =	vld [tilespmem:s31+$0xFFFFFF80];
	v24 =	vmul.f32 v45, v44;
	v11 =	vmul.f32 v15, v11;
	v9 =	vsel vm1, v9, v10  }
0xbe: {  	v22 =	vunpack.i.l.bf16.f32 v51;
	v13 =	vld [tilespmem:s26+$0xFFFFFFE0];
	v15 =	vmul.f32 v33, v32;
	v39 =	vperm.xlane v9, v62  }
0xbf: {  	v16 =	vadd.f32 v16, v19;
	v14 =	vmul.f32 v14, v20;
	v20 =	vmul.f32 v29, v26  }
0xc0: {  	v37 =	vunpack.i.u.bf16.f32 v21;
	v21 =	vunpack.i.l.bf16.f32 v21;
	v9 =	vadd.f32 v9, v39  }
0xc1: {  	v18 =	vld [tilespmem:s31+$0x0];
	v38 =	vunpack.i.u.bf16.f32 v25;
	v25 =	vunpack.i.l.bf16.f32 v25;
	v11 =	vadd.f32 v11, v15  }
0xc2: {  	v30 =	vunpack.i.u.bf16.f32 v23;
	v14 =	vadd.f32 v14, v20;
	v9 =	vmul.f32 $2.500000000e-01, v9  }
0xc3: {  	v20 =	vmul.f32 v25, v21;
	v43 =	vunpack.i.u.bf16.f32 v13;
	v13 =	vunpack.i.l.bf16.f32 v13  }
0xc4: {  	s26 =	simm.s32 $0x420;
	v21 =	vmul.f32 v38, v37;
	v10 =	vld [tilespmem:s31+$0x10];
	v13 =	vmul.f32 v13, v28;
	v9 =	vmax.f32 v9, $-5.000000000e+00  }
0xc5: {  	v15 =	vmul.f32 v43, v41;
	v28 =	vmul.f32 v55, v54;
	v54 =	vld [tilespmem:s26+$0xFFFFFF80];
	v9 =	vmin.f32 v9, $5.000000000e+00  }
0xc6: {  	s3 =	simm.s32 $0x32A0;
	v47 =	vunpack.i.u.bf16.f32 v18;
	v18 =	vunpack.i.l.bf16.f32 v18;
	v39 =	vld [tilespmem:s31+$0xFFFFFF00];
	v9 =	vmul.f32 $1.442695020e+00, v9  }
0xc7: {  	v23 =	vunpack.i.l.bf16.f32 v23;
	v55 =	vld [tilespmem:s3+$0xFFFFFFC0];
	v13 =	vadd.f32 v13, v15;
	v15 =	vmul.f32 v36, v18  }
0xc8: {  	v20 =	vadd.f32 v20, v21;
	v21 =	vmul.f32 v49, v47;
	(erf) = vpow2.f32 v9  }
0xc9: {  	v19 =	vmul.f32 v35, v30;
	v50 =	vunpack.i.u.bf16.f32 v10;
	v10 =	vunpack.i.l.bf16.f32 v10  }
0xca: {  	v15 =	vadd.f32 v15, v21;
	v10 =	vmul.f32 v40, v10;
	v25 =	vmul.f32 v52, v50  }
0xcb: {  	v48 =	vld [tilespmem:s31+$0x30];
	v38 =	vunpack.i.l.bf16.f32 v54;
	v53 =	vunpack.i.u.bf16.f32 v39;
	v39 =	vunpack.i.l.bf16.f32 v39  }
0xcc: {  	v50 =	vld [tilespmem:s3+$0xFFFFFFA0];
	v40 =	vunpack.i.l.bf16.f32 v55;
	v17 =	vmul.f32 v17, v39;
	v12 =	vmul.f32 v12, v53  }
0xcd: {  	v52 =	vld [tilespmem:s3+$0xFFFFFFB0];
	v38 =	vmul.f32 v40, v38;
	v10 =	vadd.f32 v10, v25;
	v25 =	vperm.xlane v16, v58  }
0xce: {  	v53 =	vunpack.i.u.bf16.f32 v51;
	v12 =	vadd.f32 v17, v12;
	v17 =	vmul.f32 v27, v23;
	v23 =	vld [tilespmem:s31+$0xC0]  }
0xcf: {  	v16 =	vadd.f32 v25, v16;
	v25 =	vperm.xlane v13, v58;
	v29 =	vperm.xlane v10, v58  }
0xd0: {  	v9 =	vunpack.i.u.bf16.f32 v48;
	v17 =	vadd.f32 v17, v19;
	v19 =	vmul.f32 v34, v31  }
0xd1: {  	v48 =	vunpack.i.l.bf16.f32 v48;
	v27 =	vmul.f32 v46, v42;
	v44 =	vunpack.i.u.bf16.f32 v50;
	v18 =	vpop (erf)  }
0xd2: {  	v33 =	vunpack.i.l.bf16.f32 v50;
	v19 =	vadd.f32 v19, v24;
	v24 =	vperm.xlane v18, v60  }
0xd3: {  	v46 =	vunpack.i.u.bf16.f32 v52;
	v22 =	vmul.f32 v22, v48;
	v26 =	vunpack.i.l.bf16.f32 v23  }
0xd4: {  	v9 =	vmul.f32 v53, v9;
	v23 =	vunpack.i.u.bf16.f32 v23;
	v26 =	vmul.f32 v24, v26  }
0xd5: {  	s25 =	simm.s32 $0x4A40;
	v13 =	vadd.f32 v25, v13;
	v30 =	vperm.xlane v18, v61;
	v21 =	vmul.f32 v24, v23  }
0xd6: {  	v23 =	vadd.f32 v27, v28;
	v24 =	vperm.xlane v12, v58;
	v27 =	vperm.xlane v20, v58;
	[tilespmem:s25+$0x90] =	vst v26  }
0xd7: {  	v9 =	vadd.f32 v22, v9;
	v28 =	vperm.xlane v19, v58;
	[tilespmem:s25+$0xA0] =	vst v21;
	v21 =	vperm.xlane v14, v58  }
0xd8: {  	v26 =	vperm.xlane v11, v58;
	v12 =	vadd.f32 v24, v12;
	v20 =	vadd.f32 v27, v20;
	v22 =	vld [tilespmem:s31+$0xD0]  }
0xd9: {  	v24 =	vperm.xlane v17, v58;
	v19 =	vadd.f32 v28, v19;
	v14 =	vadd.f32 v21, v14  }
0xda: {  	v21 =	vperm.xlane v15, v58;
	v11 =	vadd.f32 v26, v11;
	v26 =	vperm.xlane v23, v58  }
0xdb: {  	v17 =	vadd.f32 v24, v17;
	v24 =	vperm.xlane v9, v58;
	v12 =	vsel vm0, v12, v16  }
0xdc: {  	v16 =	vperm.xlane v12, v59;
	v11 =	vsel vm0, v14, v11;
	v15 =	vadd.f32 v21, v15  }
0xdd: {  	v51 =	vld [tilespmem:s26+$0xFFFFFF30];
	v31 =	vunpack.i.l.bf16.f32 v22;
	v14 =	vunpack.i.u.bf16.f32 v22;
	v22 =	vperm.xlane v11, v59  }
0xde: {  	v9 =	vadd.f32 v24, v9;
	v12 =	vadd.f32 v16, v12;
	v27 =	vmul.f32 v30, v31  }
0xdf: {  	v21 =	vld [tilespmem:s3+$0x60];
	v16 =	vadd.f32 v26, v23;
	v14 =	vmul.f32 v30, v14;
	v11 =	vadd.f32 v22, v11  }
0xe0: {  	v35 =	vunpack.i.l.bf16.f32 v52;
	v10 =	vadd.f32 v29, v10;
	v13 =	vsel vm0, v13, v19;
	[tilespmem:s25+$0xB0] =	vst v27  }
0xe1: {  	v9 =	vsel vm0, v16, v9;
	v16 =	vperm.xlane v13, v59;
	[tilespmem:s25+$0xC0] =	vst v14;
	v11 =	vsel vm1, v12, v11  }
0xe2: {  	v34 =	vunpack.i.l.bf16.f32 v51;
	v12 =	vsel vm0, v17, v20;
	v14 =	vld [tilespmem:s31+$0xE0];
	v17 =	vperm.xlane v11, v62  }
0xe3: {  	v10 =	vsel vm0, v15, v10;
	v19 =	vperm.xlane v9, v59;
	v13 =	vadd.f32 v16, v13;
	v20 =	vld [tilespmem:s26+$0xA0]  }
0xe4: {  	v28 =	vunpack.i.u.bf16.f32 v21;
	v15 =	vperm.xlane v12, v59;
	v11 =	vadd.f32 v11, v17  }
0xe5: {  	v21 =	vunpack.i.l.bf16.f32 v21;
	v9 =	vadd.f32 v19, v9;
	v17 =	vperm.xlane v10, v59  }
0xe6: {  	v12 =	vadd.f32 v15, v12;
	v15 =	vperm.xlane v18, v63;
	v11 =	vmul.f32 $2.500000000e-01, v11  }
0xe7: {  	v10 =	vadd.f32 v17, v10;
	v16 =	vunpack.i.l.bf16.f32 v14;
	v14 =	vunpack.i.u.bf16.f32 v14  }
0xe8: {  	v12 =	vsel vm1, v12, v13;
	v27 =	vunpack.i.u.bf16.f32 v20;
	v11 =	vmax.f32 v11, $-5.000000000e+00  }
0xe9: {  	v20 =	vunpack.i.l.bf16.f32 v20;
	v13 =	vperm.xlane v12, v62;
	v11 =	vmin.f32 v11, $5.000000000e+00  }
0xea: {  	v17 =	vld [tilespmem:s3+$0x50];
	v16 =	vmul.f32 v15, v16;
	v9 =	vsel vm1, v10, v9;
	v10 =	vmul.f32 $1.442695020e+00, v11  }
0xeb: {  	v12 =	vadd.f32 v12, v13;
	v11 =	vmul.f32 v15, v14;
	v14 =	vperm.xlane v9, v62;
	v15 =	vld [tilespmem:s26+$0x90]  }
0xec: {  	v50 =	vunpack.i.u.bf16.f32 v55;
	v34 =	vmul.f32 v35, v34;
	v20 =	vmul.f32 v21, v20;
	[tilespmem:s25+$0xD0] =	vst v16  }
0xed: {  	v21 =	vmul.f32 v28, v27;
	[tilespmem:s25+$0xE0] =	vst v11;
	v9 =	vadd.f32 v9, v14;
	v11 =	vmul.f32 $2.500000000e-01, v12;
	v14 =	vld [tilespmem:s3+$0x40]  }
0xee: {  	v45 =	vunpack.i.u.bf16.f32 v51;
	v16 =	vperm.xlane v18, v56;
	(erf) = vpow2.f32 v10;
	v10 =	vld [tilespmem:s31+$0xF0]  }
0xef: {  	v25 =	vunpack.i.u.bf16.f32 v17;
	v9 =	vmul.f32 $2.500000000e-01, v9;
	v11 =	vmax.f32 v11, $-5.000000000e+00  }
0xf0: {  	v17 =	vunpack.i.l.bf16.f32 v17;
	v11 =	vmin.f32 v11, $5.000000000e+00;
	v24 =	vunpack.i.u.bf16.f32 v15  }
0xf1: {  	v13 =	vld [tilespmem:s26+$0x80];
	v15 =	vunpack.i.l.bf16.f32 v15;
	v9 =	vmax.f32 v9, $-5.000000000e+00;
	v11 =	vmul.f32 $1.442695020e+00, v11  }
0xf2: {  	v23 =	vld [tilespmem:s3+$0x70];
	v15 =	vmul.f32 v17, v15;
	v17 =	vmul.f32 v25, v24;
	v9 =	vmin.f32 v9, $5.000000000e+00  }
0xf3: {  	v24 =	vld [tilespmem:s31+$0xFFFFFFC0];
	v22 =	vunpack.i.u.bf16.f32 v14;
	v12 =	vunpack.i.u.bf16.f32 v10;
	v19 =	vmul.f32 $1.442695020e+00, v9  }
0xf4: {  	(erf) = vpow2.f32 v11;
	v10 =	vunpack.i.l.bf16.f32 v10;
	v11 =	vperm.xlane v18, v57;
	v18 =	vld [tilespmem:s26+$0xB0]  }
0xf5: {  	v26 =	vld [tilespmem:s31+$0xFFFFFF40];
	v14 =	vunpack.i.l.bf16.f32 v14;
	v9 =	vmul.f32 v16, v12;
	v10 =	vmul.f32 v16, v10  }
0xf6: {  	(erf) = vpow2.f32 v19;
	v19 =	vunpack.i.u.bf16.f32 v13;
	v13 =	vunpack.i.l.bf16.f32 v13  }
0xf7: {  	v15 =	vadd.f32 v15, v17;
	v57 =	vld [tilespmem:s3+$0xFFFFFFD0];
	v12 =	vpop (erf);
	v14 =	vmul.f32 v14, v13;
	v19 =	vmul.f32 v22, v19  }
0xf8: {  	v22 =	vunpack.i.l.bf16.f32 v23;
	v30 =	vunpack.i.u.bf16.f32 v24;
	v16 =	vperm.xlane v12, v60  }
0xf9: {  	v29 =	vunpack.i.u.bf16.f32 v18;
	v13 =	vunpack.i.l.bf16.f32 v18;
	v18 =	vunpack.i.u.bf16.f32 v23  }
0xfa: {  	v23 =	vunpack.i.u.bf16.f32 v26;
	v14 =	vadd.f32 v14, v19;
	v19 =	vadd.f32 v20, v21  }
0xfb: {  	v21 =	vunpack.i.l.bf16.f32 v26;
	v25 =	vmul.f32 v22, v13;
	v18 =	vmul.f32 v18, v29  }
0xfc: {  	v26 =	vperm.xlane v15, v58;
	v43 =	vunpack.i.l.bf16.f32 v57;
	v28 =	vperm.xlane v19, v58  }
0xfd: {  	v22 =	vperm.xlane v12, v61;
	v29 =	vld [tilespmem:s31+$0x40];
	v18 =	vadd.f32 v25, v18;
	v25 =	vperm.xlane v14, v58  }
0xfe: {  	v27 =	vmul.f32 v16, v21;
	v19 =	vadd.f32 v28, v19;
	v28 =	vmul.f32 v16, v23  }
0xff: {  	v13 =	vpop (erf);
	v16 =	vld [tilespmem:s3+$0xFFFFFF80];
	v31 =	vperm.xlane v18, v58;
	v14 =	vadd.f32 v25, v14;
	v25 =	vadd.f32 v26, v15  }
0x100: {  	v21 =	vunpack.i.l.bf16.f32 v24;
	v17 =	vperm.xlane v13, v60;
	v20 =	vperm.xlane v13, v61;
	v15 =	vpop (erf)  }
0x101: {  	v18 =	vadd.f32 v31, v18;
	v24 =	vperm.xlane v15, v60;
	v14 =	vsel vm0, v14, v25  }
0x102: {  	v23 =	vunpack.i.u.bf16.f32 v29;
	v26 =	vmul.f32 v17, v21;
	v21 =	vperm.xlane v14, v59  }
0x103: {  	v47 =	vld [tilespmem:s26+$0xFFFFFF00];
	v18 =	vsel vm0, v19, v18;
	v19 =	vunpack.i.l.bf16.f32 v29;
	v29 =	vmul.f32 v17, v30  }
0x104: {  	v31 =	vld [tilespmem:s26+$0xFFFFFF10];
	v23 =	vmul.f32 v24, v23;
	v17 =	vperm.xlane v15, v63;
	v37 =	vunpack.i.u.bf16.f32 v16  }
0x105: {  	v48 =	vld [tilespmem:s26+$0xFFFFFFA0];
	v16 =	vunpack.i.l.bf16.f32 v16;
	v49 =	vperm.xlane v18, v59;
	v25 =	vmul.f32 v24, v19  }
0x106: {  	v30 =	vld [tilespmem:s3+$0xFFFFFF90];
	v14 =	vadd.f32 v21, v14;
	v21 =	vperm.xlane v15, v61;
	v19 =	vperm.xlane v12, v63  }
0x107: {  	v24 =	vld [tilespmem:s26+$0xFFFFFF20];
	v32 =	vadd.f32 v49, v18;
	v18 =	vperm.xlane v13, v63;
	v49 =	vunpack.i.u.bf16.f32 v54  }
0x108: {  	v54 =	vunpack.i.u.bf16.f32 v57;
	v57 =	vunpack.i.u.bf16.f32 v47;
	v47 =	vunpack.i.l.bf16.f32 v47  }
0x109: {  	v51 =	vld [tilespmem:s3+$0xFFFFFFE0];
	v39 =	vunpack.i.u.bf16.f32 v31;
	v31 =	vunpack.i.l.bf16.f32 v31;
	v16 =	vmul.f32 v16, v47  }
0x10a: {  	v47 =	vunpack.i.u.bf16.f32 v48;
	v48 =	vunpack.i.l.bf16.f32 v48;
	v49 =	vmul.f32 v50, v49  }
0x10b: {  	v55 =	vld [tilespmem:s3+$0xFFFFFFF0];
	v32 =	vsel vm1, v14, v32;
	v14 =	vperm.xlane v12, v56;
	v41 =	vunpack.i.u.bf16.f32 v30  }
0x10c: {  	v30 =	vunpack.i.l.bf16.f32 v30;
	v53 =	vperm.xlane v32, v62;
	v42 =	vunpack.i.u.bf16.f32 v24  }
0x10d: {  	v56 =	vld [tilespmem:s26+$0xFFFFFF90];
	v24 =	vunpack.i.l.bf16.f32 v24;
	v30 =	vmul.f32 v30, v31;
	v31 =	vmul.f32 v41, v39  }
0x10e: {  	v39 =	vld [tilespmem:s3+$0x0];
	v41 =	vunpack.i.u.bf16.f32 v51;
	v51 =	vunpack.i.l.bf16.f32 v51;
	v38 =	vadd.f32 v38, v49  }
0x10f: {  	v24 =	vmul.f32 v33, v24;
	v42 =	vmul.f32 v44, v42;
	v32 =	vadd.f32 v32, v53  }
0x110: {  	v33 =	vld [tilespmem:s26+$0x10];
	v44 =	vunpack.i.u.bf16.f32 v55;
	v55 =	vunpack.i.l.bf16.f32 v55;
	v48 =	vmul.f32 v51, v48  }
0x111: {  	v41 =	vmul.f32 v41, v47;
	v31 =	vadd.f32 v30, v31;
	v30 =	vld [tilespmem:s3+$0x10];
	v32 =	vmul.f32 $2.500000000e-01, v32  }
0x112: {  	v50 =	vld [tilespmem:s26+$0x30];
	v42 =	vadd.f32 v24, v42;
	v52 =	vunpack.i.u.bf16.f32 v56;
	v36 =	vunpack.i.l.bf16.f32 v56  }
0x113: {  	v53 =	vld [tilespmem:s26+$0xFFFFFFB0];
	v56 =	vmul.f32 v46, v45;
	v40 =	vunpack.i.u.bf16.f32 v39;
	v32 =	vmax.f32 v32, $-5.000000000e+00  }
0x114: {  	v24 =	vld [tilespmem:s3+$0x20];
	v39 =	vunpack.i.l.bf16.f32 v39;
	v35 =	vmul.f32 v43, v36;
	v32 =	vmin.f32 v32, $5.000000000e+00  }
0x115: {  	v36 =	vld [tilespmem:s3+$0x30];
	v52 =	vmul.f32 v54, v52;
	v34 =	vadd.f32 v34, v56;
	v32 =	vmul.f32 $1.442695020e+00, v32  }
0x116: {  	v54 =	vld [tilespmem:s26+$0xFFFFFF40];
	v43 =	vunpack.i.u.bf16.f32 v33;
	v33 =	vunpack.i.l.bf16.f32 v33;
	v49 =	vunpack.i.u.bf16.f32 v30  }
0x117: {  	v30 =	vunpack.i.l.bf16.f32 v30;
	(erf) = vpow2.f32 v32;
	v32 =	vmul.f32 v37, v57;
	v37 =	vld [tilespmem:s26+$0x0]  }
0x118: {  	v35 =	vadd.f32 v35, v52;
	v52 =	vunpack.i.u.bf16.f32 v50;
	v50 =	vunpack.i.l.bf16.f32 v50;
	v57 =	vld [tilespmem:s26+$0x20]  }
0x119: {  	v47 =	vunpack.i.u.bf16.f32 v24;
	v56 =	vunpack.i.l.bf16.f32 v24;
	v30 =	vmul.f32 v30, v33  }
0x11a: {  	v32 =	vadd.f32 v16, v32;
	v16 =	vunpack.i.u.bf16.f32 v53;
	v53 =	vunpack.i.l.bf16.f32 v53  }
0x11b: {  	v43 =	vmul.f32 v49, v43;
	v24 =	vunpack.i.u.bf16.f32 v54;
	v53 =	vmul.f32 v55, v53  }
0x11c: {  	v55 =	vld [tilespmem:s26+$0xC0];
	v44 =	vmul.f32 v44, v16;
	v46 =	vunpack.i.u.bf16.f32 v37;
	v37 =	vunpack.i.l.bf16.f32 v37  }
0x11d: {  	v51 =	vunpack.i.u.bf16.f32 v57;
	v45 =	vunpack.i.l.bf16.f32 v57;
	v57 =	vunpack.i.u.bf16.f32 v36  }
0x11e: {  	v36 =	vunpack.i.l.bf16.f32 v36;
	v37 =	vmul.f32 v39, v37;
	v40 =	vmul.f32 v40, v46  }
0x11f: {  	v33 =	vadd.f32 v53, v44;
	v44 =	vmul.f32 v56, v45;
	v56 =	vmul.f32 v47, v51  }
0x120: {  	v39 =	vadd.f32 v48, v41;
	v36 =	vmul.f32 v36, v50;
	v51 =	vperm.xlane v32, v58  }
0x121: {  	v50 =	vmul.f32 v57, v52;
	v52 =	vperm.xlane v31, v58;
	v53 =	vunpack.i.l.bf16.f32 v55  }
0x122: {  	v48 =	vunpack.i.u.bf16.f32 v55;
	v37 =	vadd.f32 v37, v40;
	v32 =	vadd.f32 v51, v32  }
0x123: {  	v55 =	vperm.xlane v38, v58;
	v31 =	vadd.f32 v52, v31;
	v46 =	vperm.xlane v39, v58;
	v16 =	vpop (erf)  }
0x124: {  	v36 =	vadd.f32 v36, v50;
	v41 =	vperm.xlane v16, v60;
	v51 =	vperm.xlane v16, v61  }
0x125: {  	v57 =	vld [tilespmem:$0x1FFE0];
	[tilespmem:s25+$0xFFFFFEF0] =	vst v28;
	v38 =	vadd.f32 v55, v38;
	v31 =	vsel vm0, v32, v31;
	v28 =	vperm.xlane v16, v63  }
0x126: {  	v39 =	vadd.f32 v46, v39;
	v46 =	vperm.xlane v31, v59;
	v45 =	vmul.f32 v41, v53  }
0x127: {  	s28 =	simm.s32 $0x4C80;
	v49 =	vmul.f32 v41, v48;
	v41 =	vadd.f32 v30, v43;
	v43 =	vadd.f32 v44, v56  }
0x128: {  	v30 =	vunpack.i.l.bf16.f32 v54;
	v53 =	vperm.xlane v42, v58;
	v54 =	vperm.xlane v34, v58;
	[tilespmem:s28+$0x90] =	vst v45  }
0x129: {  	v48 =	vperm.xlane v35, v58;
	v31 =	vadd.f32 v46, v31;
	[tilespmem:s28+$0xA0] =	vst v49;
	v49 =	vperm.xlane v33, v58  }
0x12a: {  	v40 =	vadd.f32 v53, v42;
	v42 =	vperm.xlane v37, v58;
	v50 =	vperm.xlane v41, v58;
	v44 =	vld [tilespmem:s26+$0xD0]  }
0x12b: {  	v34 =	vadd.f32 v54, v34;
	v47 =	vperm.xlane v43, v58;
	v35 =	vadd.f32 v48, v35  }
0x12c: {  	v45 =	vperm.xlane v36, v58;
	v33 =	vadd.f32 v49, v33;
	v54 =	vadd.f32 v42, v37  }
0x12d: {  	[tilespmem:s25+$0xFFFFFEE0] =	vst v27;
	v27 =	vld [tilespmem:s26+$0xFFFFFFC0];
	v55 =	vadd.f32 v50, v41;
	v34 =	vsel vm0, v40, v34;
	v35 =	vsel vm0, v38, v35  }
0x12e: {  	v36 =	vadd.f32 v45, v36;
	v48 =	vperm.xlane v35, v59;
	v33 =	vsel vm0, v39, v33  }
0x12f: {  	[tilespmem:s25+$0xFFFFFF80] =	vst v29;
	v29 =	vld [tilespmem:s31+$0xFFFFFF50];
	v32 =	vsel vm0, v54, v55;
	v49 =	vperm.xlane v33, v59;
	v56 =	vunpack.i.l.bf16.f32 v44  }
0x130: {  	[tilespmem:s25+$0xFFFFFF70] =	vst v26;
	v50 =	vperm.xlane v32, v59;
	v44 =	vunpack.i.u.bf16.f32 v44;
	v53 =	vmul.f32 v51, v56  }
0x131: {  	s29 =	simm.s32 $0x620;
	[tilespmem:s25+$0x0] =	vst v25;
	v44 =	vmul.f32 v51, v44;
	v56 =	vadd.f32 v47, v43;
	v47 =	vperm.xlane v34, v59  }
0x132: {  	v25 =	vunpack.i.u.bf16.f32 v27;
	v55 =	vld [tilespmem:s29+$0x90];
	v35 =	vadd.f32 v48, v35;
	v33 =	vadd.f32 v49, v33;
	[tilespmem:s28+$0xB0] =	vst v53  }
0x133: {  	v32 =	vadd.f32 v50, v32;
	[tilespmem:s28+$0xC0] =	vst v44;
	v36 =	vsel vm0, v56, v36;
	v34 =	vadd.f32 v47, v34;
	v53 =	vld [tilespmem:s31+$0xFFFFFFD0]  }
0x134: {  	[tilespmem:s25+$0x10] =	vst v23;
	v50 =	vunpack.i.u.bf16.f32 v29;
	v29 =	vunpack.i.l.bf16.f32 v29;
	v45 =	vld [tilespmem:s26+$0xE0];
	v51 =	vperm.xlane v36, v59  }
0x135: {  	v12 =	vperm.xlane v12, v57;
	v29 =	vmul.f32 v22, v29;
	v0 =	vld [tilespmem:$0x1FFD0];
	v31 =	vsel vm1, v31, v34  }
0x136: {  	s30 =	simm.s32 $0x33A0;
	v26 =	vld [tilespmem:s26+$0x40];
	v33 =	vsel vm1, v35, v33;
	v36 =	vadd.f32 v51, v36;
	v48 =	vperm.xlane v31, v62  }
0x137: {  	v27 =	vunpack.i.l.bf16.f32 v27;
	v22 =	vmul.f32 v22, v50;
	v56 =	vld [tilespmem:s30+$0x50];
	v49 =	vperm.xlane v33, v62  }
0x138: {  	v42 =	vunpack.i.l.bf16.f32 v55;
	v51 =	vld [tilespmem:s29+$0x80];
	v32 =	vsel vm1, v32, v36;
	v23 =	vadd.f32 v31, v48  }
0x139: {  	v54 =	vld [tilespmem:s30+$0x40];
	v31 =	vadd.f32 v33, v49;
	v39 =	vunpack.i.u.bf16.f32 v53;
	v52 =	vunpack.i.l.bf16.f32 v45  }
0x13a: {  	v37 =	vunpack.i.u.bf16.f32 v45;
	v36 =	vperm.xlane v32, v62;
	v41 =	vperm.xlane v16, v0  }
0x13b: {  	v33 =	vld [tilespmem:s31+$0x50];
	v34 =	vunpack.i.l.bf16.f32 v53;
	v38 =	vmul.f32 v28, v52;
	v28 =	vmul.f32 v28, v37  }
0x13c: {  	v53 =	vld [tilespmem:s30+$0x60];
	v43 =	vunpack.i.l.bf16.f32 v56;
	v23 =	vmul.f32 $2.500000000e-01, v23;
	v31 =	vmul.f32 $2.500000000e-01, v31  }
0x13d: {  	v37 =	vunpack.i.u.bf16.f32 v26;
	v32 =	vadd.f32 v32, v36;
	v35 =	vunpack.i.l.bf16.f32 v51  }
0x13e: {  	v40 =	vld [tilespmem:s30+$0x70];
	v36 =	vunpack.i.u.bf16.f32 v54;
	v23 =	vmax.f32 v23, $-5.000000000e+00;
	v31 =	vmax.f32 v31, $-5.000000000e+00;
	[tilespmem:s28+$0xD0] =	vst v38  }
0x13f: {  	v52 =	vld [tilespmem:s29+$0xA0];
	v38 =	vunpack.i.l.bf16.f32 v54;
	[tilespmem:s28+$0xE0] =	vst v28;
	v28 =	vunpack.i.u.bf16.f32 v55;
	v54 =	vunpack.i.u.bf16.f32 v56  }
0x140: {  	v32 =	vmul.f32 $2.500000000e-01, v32;
	v23 =	vmin.f32 v23, $5.000000000e+00;
	v31 =	vmin.f32 v31, $5.000000000e+00  }
0x141: {  	v46 =	vunpack.i.u.bf16.f32 v33;
	v56 =	vunpack.i.u.bf16.f32 v53;
	v35 =	vmul.f32 v38, v35  }
0x142: {  	v45 =	vunpack.i.l.bf16.f32 v53;
	v28 =	vmul.f32 v54, v28;
	v23 =	vmul.f32 $1.442695020e+00, v23  }
0x143: {  	v53 =	vunpack.i.u.bf16.f32 v40;
	v40 =	vunpack.i.l.bf16.f32 v40;
	v31 =	vmul.f32 $1.442695020e+00, v31  }
0x144: {  	v32 =	vmax.f32 v32, $-5.000000000e+00;
	v44 =	vunpack.i.l.bf16.f32 v52;
	(erf) = vpow2.f32 v23;
	v23 =	vld [tilespmem:s29+$0xB0]  }
0x145: {  	v48 =	vld [tilespmem:s26+$0xF0];
	v55 =	vunpack.i.u.bf16.f32 v52;
	v52 =	vmul.f32 v43, v42;
	v54 =	vmul.f32 v45, v44  }
0x146: {  	(erf) = vpow2.f32 v31;
	v31 =	vmul.f32 v20, v34;
	v34 =	vunpack.i.u.bf16.f32 v51  }
0x147: {  	v32 =	vmin.f32 v32, $5.000000000e+00;
	v55 =	vmul.f32 v56, v55;
	v34 =	vmul.f32 v36, v34  }
0x148: {  	v32 =	vmul.f32 $1.442695020e+00, v32;
	v28 =	vadd.f32 v52, v28;
	v20 =	vmul.f32 v20, v39  }
0x149: {  	[tilespmem:s25+$0xFFFFFF10] =	vst v22;
	v22 =	vadd.f32 v35, v34;
	v51 =	vunpack.i.u.bf16.f32 v23;
	v23 =	vunpack.i.l.bf16.f32 v23  }
0x14a: {  	[tilespmem:s25+$0xFFFFFF00] =	vst v29;
	v56 =	vunpack.i.u.bf16.f32 v48;
	v23 =	vmul.f32 v40, v23;
	v29 =	vmul.f32 v53, v51  }
0x14b: {  	v45 =	vadd.f32 v54, v55;
	(erf) = vpow2.f32 v32;
	[tilespmem:s25+$0xFFFFFF90] =	vst v31;
	v40 =	vld [tilespmem:s31+$0xFFFFFF60];
	v31 =	vperm.xlane v22, v58  }
0x14c: {  	v47 =	vperm.xlane v28, v58;
	v23 =	vadd.f32 v23, v29;
	v29 =	vunpack.i.l.bf16.f32 v33  }
0x14d: {  	[tilespmem:s25+$0xFFFFFFA0] =	vst v20;
	v20 =	vperm.xlane v45, v58;
	v22 =	vadd.f32 v31, v22;
	v29 =	vmul.f32 v21, v29  }
0x14e: {  	v48 =	vunpack.i.l.bf16.f32 v48;
	v50 =	vld [tilespmem:s31+$0xFFFFFFE0];
	v21 =	vmul.f32 v21, v46;
	v49 =	vperm.xlane v23, v58  }
0x14f: {  	v28 =	vadd.f32 v47, v28;
	v31 =	vadd.f32 v20, v45;
	v20 =	vmul.f32 v41, v48;
	[tilespmem:s25+$0x20] =	vst v29  }
0x150: {  	v29 =	vunpack.i.l.bf16.f32 v40;
	[tilespmem:s25+$0x30] =	vst v21;
	v21 =	vunpack.i.u.bf16.f32 v40;
	v51 =	vadd.f32 v49, v23  }
0x151: {  	v28 =	vsel vm0, v22, v28;
	v40 =	vld [tilespmem:s29+$0xFFFFFF20];
	v23 =	vmul.f32 v41, v56;
	v35 =	vmul.f32 v19, v29;
	v22 =	vpop (erf)  }
0x152: {  	v33 =	vld [tilespmem:s31+$0x60];
	v36 =	vmul.f32 v19, v21;
	v53 =	vperm.xlane v22, v60;
	v29 =	vsel vm0, v31, v51  }
0x153: {  	v39 =	vunpack.i.u.bf16.f32 v50;
	v41 =	vld [tilespmem:s30+$0xFFFFFF80];
	v31 =	vperm.xlane v28, v59;
	v21 =	vpop (erf);
	v52 =	vperm.xlane v29, v59  }
0x154: {  	v56 =	vunpack.i.l.bf16.f32 v50;
	v49 =	vld [tilespmem:s29+$0xFFFFFF10];
	v54 =	vperm.xlane v21, v60;
	v19 =	vpop (erf);
	v4 =	vperm.xlane v21, v63  }
0x155: {  	v50 =	vld [tilespmem:s30+$0xFFFFFF90];
	v55 =	vadd.f32 v31, v28;
	v31 =	vmul.f32 v53, v30;
	v48 =	vperm.xlane v19, v60  }
0x156: {  	v26 =	vunpack.i.l.bf16.f32 v26;
	v30 =	vmul.f32 v53, v24;
	v24 =	vmul.f32 v18, v39  }
0x157: {  	v47 =	vunpack.i.u.bf16.f32 v40;
	v40 =	vunpack.i.l.bf16.f32 v40;
	v3 =	vperm.xlane v19, v63  }
0x158: {  	v29 =	vadd.f32 v52, v29;
	v28 =	vmul.f32 v54, v27;
	v51 =	vunpack.i.u.bf16.f32 v33  }
0x159: {  	v33 =	vunpack.i.l.bf16.f32 v33;
	v39 =	vunpack.i.u.bf16.f32 v41;
	v44 =	vunpack.i.u.bf16.f32 v49  }
0x15a: {  	v53 =	vld [tilespmem:s30+$0xFFFFFFA0];
	v43 =	vunpack.i.l.bf16.f32 v49;
	v34 =	vunpack.i.l.bf16.f32 v50;
	v27 =	vmul.f32 v48, v26  }
0x15b: {  	v45 =	vunpack.i.u.bf16.f32 v50;
	v50 =	vld [tilespmem:s29+$0xFFFFFF90];
	v26 =	vmul.f32 v48, v37;
	v34 =	vmul.f32 v34, v43  }
0x15c: {  	v44 =	vmul.f32 v45, v44;
	v42 =	vsel vm1, v55, v29;
	v29 =	vmul.f32 v54, v25;
	v54 =	vld [tilespmem:s29+$0xFFFFFF30]  }
0x15d: {  	v41 =	vunpack.i.l.bf16.f32 v41;
	v25 =	vmul.f32 v18, v56;
	v56 =	vld [tilespmem:s30+$0xFFFFFFB0];
	v52 =	vperm.xlane v42, v62  }
0x15e: {  	v46 =	vld [tilespmem:s29+$0xFFFFFF00];
	v18 =	vmul.f32 v17, v33;
	v17 =	vmul.f32 v17, v51;
	v44 =	vadd.f32 v34, v44  }
0x15f: {  	v48 =	vld [tilespmem:s30+$0xFFFFFFC0];
	v49 =	vunpack.i.u.bf16.f32 v53;
	v37 =	vunpack.i.l.bf16.f32 v53;
	v55 =	vadd.f32 v42, v52  }
0x160: {  	v43 =	vunpack.i.u.bf16.f32 v50;
	v50 =	vunpack.i.l.bf16.f32 v50;
	v37 =	vmul.f32 v37, v40  }
0x161: {  	v42 =	vld [tilespmem:s29+$0xFFFFFF80];
	v47 =	vmul.f32 v49, v47;
	v38 =	vmul.f32 $2.500000000e-01, v55;
	v51 =	vunpack.i.u.bf16.f32 v54  }
0x162: {  	v32 =	vunpack.i.l.bf16.f32 v54;
	v52 =	vunpack.i.u.bf16.f32 v56;
	v33 =	vunpack.i.l.bf16.f32 v56  }
0x163: {  	v53 =	vld [tilespmem:s30+$0xFFFFFFD0];
	v55 =	vunpack.i.l.bf16.f32 v46;
	v46 =	vunpack.i.u.bf16.f32 v46;
	v47 =	vadd.f32 v37, v47  }
0x164: {  	v40 =	vld [tilespmem:s30+$0xFFFFFFF0];
	v41 =	vmul.f32 v41, v55;
	v39 =	vmul.f32 v39, v46;
	v46 =	vunpack.i.u.bf16.f32 v48  }
0x165: {  	v45 =	vld [tilespmem:s29+$0xFFFFFFB0];
	v48 =	vunpack.i.l.bf16.f32 v48;
	v32 =	vmul.f32 v33, v32;
	v38 =	vmax.f32 v38, $-5.000000000e+00  }
0x166: {  	v51 =	vmul.f32 v52, v51;
	v38 =	vmin.f32 v38, $5.000000000e+00;
	v54 =	vunpack.i.u.bf16.f32 v42  }
0x167: {  	v49 =	vld [tilespmem:s29+$0x0];
	v42 =	vunpack.i.l.bf16.f32 v42;
	v39 =	vadd.f32 v41, v39;
	v38 =	vmul.f32 $1.442695020e+00, v38  }
0x168: {  	v55 =	vld [tilespmem:s30+$0xFFFFFFE0];
	v41 =	vunpack.i.u.bf16.f32 v53;
	v53 =	vunpack.i.l.bf16.f32 v53;
	v51 =	vadd.f32 v32, v51  }
0x169: {  	v32 =	vunpack.i.u.bf16.f32 v40;
	v40 =	vunpack.i.l.bf16.f32 v40;
	(erf) = vpow2.f32 v38;
	v38 =	vld [tilespmem:s29+$0xFFFFFFA0]  }
0x16a: {  	v37 =	vmul.f32 v48, v42;
	v42 =	vld [tilespmem:s29+$0x10];
	v48 =	vunpack.i.u.bf16.f32 v45;
	v46 =	vmul.f32 v46, v54  }
0x16b: {  	v45 =	vunpack.i.l.bf16.f32 v45;
	v54 =	vld [tilespmem:s30+$0x10];
	v50 =	vmul.f32 v53, v50;
	v41 =	vmul.f32 v41, v43  }
0x16c: {  	v53 =	vunpack.i.u.bf16.f32 v49;
	v40 =	vmul.f32 v40, v45;
	v48 =	vmul.f32 v32, v48  }
0x16d: {  	v52 =	vld [tilespmem:s30+$0x0];
	v33 =	vunpack.i.u.bf16.f32 v55;
	v55 =	vunpack.i.l.bf16.f32 v55;
	v46 =	vadd.f32 v37, v46  }
0x16e: {  	v43 =	vld [tilespmem:s29+$0x20];
	v41 =	vadd.f32 v50, v41;
	v34 =	vunpack.i.u.bf16.f32 v38;
	v38 =	vunpack.i.l.bf16.f32 v38  }
0x16f: {  	v50 =	vunpack.i.u.bf16.f32 v42;
	v42 =	vunpack.i.l.bf16.f32 v42;
	v37 =	vmul.f32 v55, v38;
	v38 =	vld [tilespmem:s30+$0x20]  }
0x170: {  	v32 =	vunpack.i.u.bf16.f32 v54;
	v54 =	vunpack.i.l.bf16.f32 v54;
	v33 =	vmul.f32 v33, v34;
	v34 =	vld [tilespmem:s29+$0x30]  }
0x171: {  	v49 =	vunpack.i.l.bf16.f32 v49;
	v45 =	vld [tilespmem:s30+$0x30];
	v42 =	vmul.f32 v54, v42;
	v50 =	vmul.f32 v32, v50  }
0x172: {  	v55 =	vunpack.i.u.bf16.f32 v52;
	v52 =	vunpack.i.l.bf16.f32 v52;
	v56 =	vadd.f32 v37, v33;
	v33 =	vld [tilespmem:s29+$0xC0]  }
0x173: {  	v40 =	vadd.f32 v40, v48;
	v42 =	vadd.f32 v42, v50;
	v37 =	vmul.f32 v52, v49  }
0x174: {  	v49 =	vunpack.i.u.bf16.f32 v43;
	v43 =	vunpack.i.l.bf16.f32 v43;
	v52 =	vmul.f32 v55, v53  }
0x175: {  	v0 =	vld [tilespmem:$0x1FFD0];
	v53 =	vunpack.i.u.bf16.f32 v38;
	v38 =	vunpack.i.l.bf16.f32 v38;
	v54 =	vunpack.i.l.bf16.f32 v34  }
0x176: {  	v32 =	vpop (erf);
	v43 =	vmul.f32 v38, v43;
	v38 =	vunpack.i.l.bf16.f32 v45;
	v49 =	vmul.f32 v53, v49  }
0x177: {  	v53 =	vperm.xlane v32, v60;
	v54 =	vmul.f32 v38, v54;
	v55 =	vunpack.i.l.bf16.f32 v33  }
0x178: {  	v33 =	vunpack.i.u.bf16.f32 v33;
	v38 =	vnsel vm2, $0x0, v12;
	v12 =	vperm.xlane v39, v58  }
0x179: {  	v34 =	vunpack.i.u.bf16.f32 v34;
	v48 =	vmul.f32 v53, v55;
	v53 =	vmul.f32 v53, v33  }
0x17a: {  	v33 =	vperm.xlane v13, v0;
	v55 =	vunpack.i.u.bf16.f32 v45;
	v13 =	vperm.xlane v13, v57  }
0x17b: {  	s0 =	simm.s32 $0x4EC0;
	v50 =	vperm.xlane v16, v57;
	v45 =	vadd.f32 v37, v52;
	v0 =	vld [tilespmem:$0x1FFD0];
	[tilespmem:s25+$0xFFFFFF20] =	vst v35;
	v52 =	vmul.f32 v55, v34  }
0x17c: {  	v55 =	vperm.xlane v47, v58;
	v12 =	vadd.f32 v12, v39;
	v37 =	vnsel vm2, $0x0, v13;
	[tilespmem:s0+$0x90] =	vst v48  }
0x17d: {  	v13 =	vadd.f32 v43, v49;
	[tilespmem:s0+$0xA0] =	vst v53;
	v53 =	vperm.xlane v51, v58;
	v35 =	vperm.xlane v45, v58  }
0x17e: {  	v48 =	vadd.f32 v54, v52;
	v49 =	vld [tilespmem:s29+$0xD0];
	v43 =	vadd.f32 v55, v47;
	v54 =	vperm.xlane v41, v58  }
0x17f: {  	v55 =	vperm.xlane v56, v58;
	v47 =	vperm.xlane v32, v61;
	v39 =	vadd.f32 v53, v51  }
0x180: {  	v35 =	vadd.f32 v35, v45;
	v34 =	vperm.xlane v15, v0;
	v15 =	vperm.xlane v15, v57  }
0x181: {  	v53 =	vperm.xlane v22, v61;
	v41 =	vadd.f32 v54, v41;
	v51 =	vadd.f32 v55, v56  }
0x182: {  	v56 =	vld [tilespmem:$0x1FFD0];
	v45 =	vperm.xlane v48, v58;
	v16 =	vnsel vm2, $0x0, v15;
	v15 =	vperm.xlane v44, v58  }
0x183: {  	v39 =	vsel vm0, v43, v39;
	v43 =	vperm.xlane v21, v61;
	v52 =	vunpack.i.l.bf16.f32 v49  }
0x184: {  	v54 =	vunpack.i.u.bf16.f32 v49;
	v15 =	vadd.f32 v15, v44;
	v44 =	vperm.xlane v46, v58  }
0x185: {  	[tilespmem:s25+$0xFFFFFF30] =	vst v36;
	v49 =	vmul.f32 v47, v52;
	v36 =	vmul.f32 v47, v54  }
0x186: {  	v11 =	vnsel vm2, $0x0, v11;
	[tilespmem:s25+$0x100] =	vst v9;
	v47 =	vperm.xlane v42, v58;
	v54 =	vperm.xlane v19, v61  }
0x187: {  	[tilespmem:s25+$0x110] =	vst v11;
	v9 =	vadd.f32 v45, v48;
	v48 =	vperm.xlane v22, v56;
	v11 =	vperm.xlane v21, v56  }
0x188: {  	v21 =	vperm.xlane v21, v57;
	v44 =	vadd.f32 v44, v46;
	v46 =	vperm.xlane v40, v58  }
0x189: {  	v52 =	vsel vm0, v12, v15;
	v12 =	vperm.xlane v13, v58;
	v15 =	vperm.xlane v22, v63  }
0x18a: {  	v42 =	vadd.f32 v47, v42;
	[tilespmem:s0+$0xB0] =	vst v49;
	v49 =	vperm.xlane v39, v59;
	v22 =	vperm.xlane v22, v57  }
0x18b: {  	v55 =	vperm.xlane v52, v59;
	v40 =	vadd.f32 v46, v40;
	v47 =	vadd.f32 v12, v13  }
0x18c: {  	[tilespmem:s28+$0x100] =	vst v23;
	v41 =	vsel vm0, v44, v41;
	v35 =	vsel vm0, v35, v42;
	v39 =	vadd.f32 v49, v39  }
0x18d: {  	[tilespmem:s0+$0xC0] =	vst v36;
	v46 =	vld [tilespmem:s31+$0xFFFFFF70];
	v49 =	vperm.xlane v32, v63;
	v45 =	vadd.f32 v55, v52;
	v52 =	vperm.xlane v35, v59  }
0x18e: {  	[tilespmem:s28+$0xFFFFFEE0] =	vst v31;
	v40 =	vsel vm0, v51, v40;
	v51 =	vsel vm0, v47, v9;
	v47 =	vld [tilespmem:s29+$0xE0];
	v9 =	vperm.xlane v41, v59  }
0x18f: {  	v50 =	vnsel vm2, $0x0, v50;
	[tilespmem:s28+$0xFFFFFEF0] =	vst v30;
	v23 =	vperm.xlane v40, v59;
	v55 =	vperm.xlane v51, v59  }
0x190: {  	[tilespmem:s28+$0x0] =	vst v27;
	v27 =	vld [tilespmem:s29+$0x40];
	v30 =	vadd.f32 v52, v35;
	v39 =	vsel vm1, v45, v39;
	v31 =	vadd.f32 v9, v41  }
0x191: {  	[tilespmem:s25+$0xF0] =	vst v10;
	v35 =	vld [tilespmem:s29+$0xFFFFFF40];
	v9 =	vperm.xlane v19, v56;
	v19 =	vperm.xlane v19, v57;
	v23 =	vadd.f32 v23, v40  }
0x192: {  	[tilespmem:s28+$0xFFFFFF70] =	vst v28;
	v44 =	vunpack.i.u.bf16.f32 v46;
	v36 =	vunpack.i.l.bf16.f32 v46;
	v28 =	vadd.f32 v55, v51  }
0x193: {  	[tilespmem:s28+$0xFFFFFF80] =	vst v29;
	v29 =	vld [tilespmem:s29+$0xFFFFFFC0];
	v51 =	vunpack.i.l.bf16.f32 v47;
	v52 =	vunpack.i.u.bf16.f32 v47;
	v23 =	vsel vm1, v31, v23  }
0x194: {  	[tilespmem:s28+$0x10] =	vst v26;
	v40 =	vld [tilespmem:s26+$0xFFFFFF50];
	v31 =	vperm.xlane v39, v62;
	v55 =	vsel vm1, v30, v28;
	v41 =	vmul.f32 v49, v51  }
0x195: {  	[tilespmem:s25+$0xFFFFFFC0] =	vst v24;
	v30 =	vunpack.i.u.bf16.f32 v27;
	v28 =	vperm.xlane v23, v62;
	v24 =	vperm.xlane v55, v62  }
0x196: {  	[tilespmem:s25+$0xFFFFFFB0] =	vst v25;
	v26 =	vmul.f32 v49, v52;
	v49 =	vunpack.i.u.bf16.f32 v35;
	v25 =	vadd.f32 v39, v31  }
0x197: {  	[tilespmem:s25+$0x40] =	vst v18;
	v51 =	vunpack.i.l.bf16.f32 v35;
	v23 =	vadd.f32 v23, v28;
	v24 =	vadd.f32 v55, v24  }
0x198: {  	[tilespmem:s25+$0x50] =	vst v17;
	v52 =	vunpack.i.l.bf16.f32 v29;
	v31 =	vunpack.i.l.bf16.f32 v27;
	v18 =	vmul.f32 $2.500000000e-01, v25  }
0x199: {  	[tilespmem:s0+$0xD0] =	vst v41;
	v27 =	vunpack.i.l.bf16.f32 v40;
	v23 =	vmul.f32 $2.500000000e-01, v23;
	v24 =	vmul.f32 $2.500000000e-01, v24  }
0x19a: {  	[tilespmem:s0+$0xE0] =	vst v26;
	v55 =	vperm.xlane v32, v56;
	v25 =	vld [tilespmem:s26+$0xFFFFFFD0];
	v27 =	vmul.f32 v53, v27;
	v18 =	vmax.f32 v18, $-5.000000000e+00  }
0x19b: {  	[tilespmem:s28+$0xF0] =	vst v20;
	v17 =	vld [tilespmem:s29+$0xF0];
	v23 =	vmax.f32 v23, $-5.000000000e+00;
	v18 =	vmin.f32 v18, $5.000000000e+00;
	v24 =	vmax.f32 v24, $-5.000000000e+00  }
0x19c: {  	[tilespmem:s28+$0x110] =	vst v50;
	v20 =	vld [tilespmem:s26+$0x50];
	v23 =	vmin.f32 v23, $5.000000000e+00;
	v18 =	vmul.f32 $1.442695020e+00, v18;
	v24 =	vmin.f32 v24, $5.000000000e+00  }
0x19d: {  	[tilespmem:s25+$0xFFFFFF60] =	vst v38;
	v26 =	vunpack.i.u.bf16.f32 v40;
	v23 =	vmul.f32 $1.442695020e+00, v23;
	v24 =	vmul.f32 $1.442695020e+00, v24  }
0x19e: {  	v28 =	vunpack.i.u.bf16.f32 v29;
	v29 =	vld [tilespmem:s31+$0xFFFFFFF0];
	[tilespmem:s25+$0xFFFFFFF0] =	vst v37;
	(erf) = vpow2.f32 v18;
	v18 =	vmul.f32 v53, v26  }
0x19f: {  	v26 =	vld [tilespmem:s31+$0x70];
	v53 =	vunpack.i.u.bf16.f32 v25;
	[tilespmem:s25+$0x80] =	vst v16;
	v16 =	vunpack.i.l.bf16.f32 v25;
	(erf) = vpow2.f32 v23  }
0x1a0: {  	[tilespmem:s28+$0xFFFFFF00] =	vst v27;
	v23 =	vunpack.i.u.bf16.f32 v17;
	v16 =	vmul.f32 v43, v16;
	v25 =	vmul.f32 v43, v53  }
0x1a1: {  	(erf) = vpow2.f32 v24;
	v24 =	vunpack.i.u.bf16.f32 v20;
	v20 =	vunpack.i.l.bf16.f32 v20;
	[tilespmem:s28+$0xFFFFFF10] =	vst v18  }
0x1a2: {  	v17 =	vunpack.i.l.bf16.f32 v17;
	v23 =	vmul.f32 v55, v23;
	v20 =	vmul.f32 v54, v20;
	[tilespmem:s28+$0xFFFFFF90] =	vst v16  }
0x1a3: {  	v18 =	vunpack.i.u.bf16.f32 v29;
	v27 =	vld [tilespmem:s26+$0xFFFFFF60];
	v16 =	vmul.f32 v54, v24;
	[tilespmem:s28+$0xFFFFFFA0] =	vst v25;
	v25 =	vperm.xlane v32, v57  }
0x1a4: {  	v32 =	vnsel vm2, $0x0, v22;
	v18 =	vmul.f32 v33, v18;
	[tilespmem:s0+$0x100] =	vst v23;
	v23 =	vunpack.i.l.bf16.f32 v29  }
0x1a5: {  	v22 =	vld [tilespmem:s26+$0xFFFFFFE0];
	v24 =	vunpack.i.u.bf16.f32 v26;
	v29 =	vunpack.i.l.bf16.f32 v26;
	[tilespmem:s28+$0x20] =	vst v20;
	v20 =	vmul.f32 v14, v36  }
0x1a6: {  	v14 =	vmul.f32 v14, v44;
	v26 =	vnsel vm2, $0x0, v21;
	[tilespmem:s28+$0x30] =	vst v16;
	v16 =	vmul.f32 v33, v23  }
0x1a7: {  	v36 =	vmul.f32 v55, v17;
	v35 =	vnsel vm2, $0x0, v25;
	[tilespmem:s25+$0xFFFFFFE0] =	vst v18;
	v37 =	vmul.f32 v34, v24;
	v23 =	vld [tilespmem:s26+$0x60]  }
0x1a8: {  	[tilespmem:s25+$0xFFFFFF40] =	vst v20;
	v20 =	vmul.f32 v34, v29;
	v21 =	vunpack.i.l.bf16.f32 v27;
	v17 =	vunpack.i.u.bf16.f32 v27  }
0x1a9: {  	[tilespmem:s25+$0xFFFFFF50] =	vst v14;
	v27 =	vnsel vm2, $0x0, v19;
	v24 =	vpop (erf);
	v14 =	vmul.f32 v15, v21;
	v29 =	vmul.f32 v15, v17  }
0x1aa: {  	[tilespmem:s25+$0xFFFFFFD0] =	vst v16;
	v21 =	vunpack.i.u.bf16.f32 v22;
	v62 =	vperm.xlane v24, v60;
	v33 =	vpop (erf);
	v7 =	vperm.xlane v24, v61  }
0x1ab: {  	v19 =	vunpack.i.l.bf16.f32 v22;
	v17 =	vperm.xlane v33, v60;
	v13 =	vperm.xlane v33, v61;
	[tilespmem:s28+$0xFFFFFF20] =	vst v14;
	v10 =	vpop (erf)  }
0x1ac: {  	[tilespmem:s28+$0xFFFFFF30] =	vst v29;
	v22 =	vunpack.i.u.bf16.f32 v23;
	v34 =	vmul.f32 v62, v51;
	v18 =	vperm.xlane v10, v60  }
0x1ad: {  	s3 =	simm.s32 $0x820;
	s31 =	simm.s32 $0x8;
	[tilespmem:s25+$0x60] =	vst v20;
	v23 =	vunpack.i.l.bf16.f32 v23;
	v29 =	vmul.f32 v62, v49;
	v20 =	vld [tilespmem:s26+$0xFFFFFF70];
	v25 =	vmul.f32 v17, v52  }
.LBB2_5:
0x1ae: {  	[tilespmem:s0+$0xFFFFFEE0] =	vst v34  }
0x1af: {  	v0 =	vperm.xlane v10, v61;
	[tilespmem:s0+$0xFFFFFEF0] =	vst v29  }
0x1b0: {  	v2 =	vperm.xlane v24, v63;
	[tilespmem:s0+$0xFFFFFF70] =	vst v25  }
0x1b1: {  	v38 =	vld [tilespmem:s3+$0x80];
	v28 =	vmul.f32 v17, v28;
	[tilespmem:$0x1FED0] =	vst v0  }
0x1b2: {  	s30 =	sadd.s32 $0x100, s30;
	v41 =	vld [tilespmem:s3+$0xA0];
	v31 =	vmul.f32 v18, v31;
	[tilespmem:$0x1FF50] =	vst v2  }
0x1b3: {  	v51 =	vld [tilespmem:s30+$0x40];
	v29 =	vmul.f32 v18, v30;
	[tilespmem:s0+$0xFFFFFF80] =	vst v28  }
0x1b4: {  	v30 =	vld [tilespmem:s3+$0x90];
	v25 =	vperm.xlane v33, v63;
	v28 =	vperm.xlane v10, v63;
	[tilespmem:s0+$0x0] =	vst v31  }
0x1b5: {  	v39 =	vld [tilespmem:s30+$0x50];
	v2 =	vperm.xlane v24, v56;
	[tilespmem:s0+$0x10] =	vst v29;
	v40 =	vmul.f32 v4, v19;
	v1 =	vunpack.i.u.bf16.f32 v20  }
0x1b6: {  	v43 =	vld [tilespmem:s30+$0x60];
	v31 =	vmul.f32 v4, v21;
	v42 =	vmul.f32 v3, v23;
	v0 =	vmov v28;
	[tilespmem:$0x1FF10] =	vst v1  }
0x1b7: {  	v60 =	vld [tilespmem:s30+$0x70];
	v29 =	vmul.f32 v3, v22;
	v1 =	vunpack.i.l.bf16.f32 v20;
	[tilespmem:$0x1FF70] =	vst v0;
	v0 =	vperm.xlane v33, v56  }
0x1b8: {  	v52 =	vld [tilespmem:s30+$0xFFFFFF80];
	v44 =	vunpack.i.u.bf16.f32 v38;
	v47 =	vunpack.i.u.bf16.f32 v41;
	v41 =	vunpack.i.l.bf16.f32 v41  }
0x1b9: {  	v61 =	vld [tilespmem:s3+$0xFFFFFF10];
	[tilespmem:s28+$0xFFFFFFC0] =	vst v31;
	v31 =	vunpack.i.l.bf16.f32 v38;
	v34 =	vunpack.i.l.bf16.f32 v51;
	v45 =	vunpack.i.u.bf16.f32 v30  }
0x1ba: {  	v28 =	vld [tilespmem:s3+$0xB0];
	[tilespmem:s28+$0xFFFFFFB0] =	vst v40;
	v30 =	vunpack.i.l.bf16.f32 v30;
	v46 =	vunpack.i.u.bf16.f32 v39;
	v39 =	vunpack.i.l.bf16.f32 v39  }
0x1bb: {  	v62 =	vunpack.i.u.bf16.f32 v43;
	v43 =	vunpack.i.l.bf16.f32 v43;
	[tilespmem:$0x1FF30] =	vst v0;
	v0 =	vperm.xlane v10, v56  }
0x1bc: {  	[tilespmem:s28+$0x40] =	vst v42;
	v55 =	vunpack.i.u.bf16.f32 v60;
	v31 =	vmul.f32 v34, v31;
	v30 =	vmul.f32 v39, v30  }
0x1bd: {  	[tilespmem:s28+$0x50] =	vst v29;
	v38 =	vunpack.i.l.bf16.f32 v60;
	v54 =	vmul.f32 v46, v45;
	v41 =	vmul.f32 v43, v41  }
0x1be: {  	v18 =	vld [tilespmem:$0x1FFF0];
	v56 =	vmul.f32 v62, v47;
	v40 =	vunpack.i.l.bf16.f32 v52;
	[tilespmem:$0x1FF40] =	vst v0;
	v0 =	vperm.xlane v24, v57  }
0x1bf: {  	v29 =	vld [tilespmem:s30+$0xFFFFFF90];
	[tilespmem:s25+$0x70] =	vst v37;
	v39 =	vunpack.i.u.bf16.f32 v61;
	v49 =	vunpack.i.u.bf16.f32 v28;
	v53 =	vunpack.i.l.bf16.f32 v28  }
0x1c0: {  	v37 =	vld [tilespmem:s3+$0xFFFFFF20];
	v34 =	vmul.f32 v38, v53;
	[tilespmem:$0x1FEE0] =	vst v0;
	v0 =	vperm.xlane v33, v57;
	v57 =	vunpack.i.u.bf16.f32 v51  }
0x1c1: {  	v63 =	vld [tilespmem:s30+$0xFFFFFFA0];
	v30 =	vadd.f32 v30, v54;
	v33 =	vmul.f32 v57, v44;
	v57 =	vmul.f32 v55, v49  }
0x1c2: {  	v46 =	vld [tilespmem:s3+$0xFFFFFFB0];
	v28 =	vunpack.i.u.bf16.f32 v52;
	v41 =	vadd.f32 v41, v56;
	v38 =	vunpack.i.l.bf16.f32 v61  }
0x1c3: {  	[tilespmem:s0+$0xF0] =	vst v36;
	v36 =	vld [tilespmem:s30+$0xFFFFFFF0];
	v61 =	vperm.xlane v30, v58;
	v31 =	vadd.f32 v31, v33;
	v34 =	vadd.f32 v34, v57  }
0x1c4: {  	s25 =	smov.u32 s28;
	v45 =	vld [tilespmem:s3+$0xFFFFFF80];
	v47 =	vunpack.i.u.bf16.f32 v29;
	v62 =	vperm.xlane v41, v58;
	v29 =	vunpack.i.l.bf16.f32 v29  }
0x1c5: {  	v42 =	vld [tilespmem:s30+$0xFFFFFFD0];
	[tilespmem:s25+$0xFFFFFF60] =	vst v32;
	v43 =	vunpack.i.u.bf16.f32 v37;
	v60 =	vperm.xlane v31, v58;
	v50 =	vperm.xlane v34, v58  }
0x1c6: {  	v32 =	vld [tilespmem:s3+$0xFFFFFF30];
	v37 =	vunpack.i.l.bf16.f32 v37;
	v30 =	vadd.f32 v61, v30;
	v41 =	vadd.f32 v62, v41  }
0x1c7: {  	[tilespmem:s0+$0x110] =	vst v35;
	v35 =	vld [tilespmem:s30+$0xFFFFFFB0];
	v49 =	vunpack.i.u.bf16.f32 v63;
	v31 =	vadd.f32 v60, v31;
	v34 =	vadd.f32 v50, v34  }
0x1c8: {  	v21 =	vmovc v7;
	v53 =	vld [tilespmem:s3+$0x0];
	v5 =	vunpack.i.u.bf16.f32 v46;
	v46 =	vunpack.i.l.bf16.f32 v46;
	v7 =	vunpack.i.u.bf16.f32 v36  }
0x1c9: {  	v51 =	vld [tilespmem:s30+$0xFFFFFFE0];
	v8 =	vunpack.i.l.bf16.f32 v36;
	v30 =	vsel vm0, v31, v30;
	v31 =	vsel vm0, v41, v34  }
0x1ca: {  	v44 =	vld [tilespmem:s30+$0xFFFFFFC0];
	v50 =	vunpack.i.l.bf16.f32 v63;
	v63 =	vperm.xlane v30, v59;
	v54 =	vperm.xlane v31, v59  }
0x1cb: {  	v47 =	vmul.f32 v47, v39;
	v61 =	vunpack.i.u.bf16.f32 v42;
	v62 =	vld [tilespmem:s30+$0x20];
	v42 =	vunpack.i.l.bf16.f32 v42  }
0x1cc: {  	[tilespmem:$0x1FEF0] =	vst v0;
	v0 =	vld [tilespmem:s3+$0x30];
	v8 =	vmul.f32 v8, v46;
	v30 =	vadd.f32 v63, v30;
	v31 =	vadd.f32 v54, v31  }
0x1cd: {  	v5 =	vmul.f32 v7, v5;
	v33 =	vld [tilespmem:s3+$0xFFFFFF90];
	v52 =	vunpack.i.u.bf16.f32 v32;
	v55 =	vunpack.i.u.bf16.f32 v35  }
0x1ce: {  	v56 =	vunpack.i.l.bf16.f32 v35;
	v57 =	vunpack.i.u.bf16.f32 v45;
	v35 =	vld [tilespmem:s3+$0x10];
	v30 =	vsel vm1, v30, v31  }
0x1cf: {  	v45 =	vunpack.i.l.bf16.f32 v45;
	v19 =	vunpack.i.u.bf16.f32 v53;
	v58 =	vld [tilespmem:s30+$0x10];
	v31 =	vperm.xlane v30, v18  }
0x1d0: {  	v53 =	vunpack.i.l.bf16.f32 v53;
	v5 =	vadd.f32 v8, v5;
	v34 =	vunpack.i.l.bf16.f32 v32;
	v32 =	vld [tilespmem:s30+$0x0]  }
0x1d1: {  	v17 =	vunpack.i.u.bf16.f32 v51;
	v51 =	vunpack.i.l.bf16.f32 v51;
	v31 =	vadd.f32 v30, v31  }
0x1d2: {  	v14 =	vunpack.i.l.bf16.f32 v62;
	v3 =	vunpack.i.u.bf16.f32 v0;
	v60 =	vunpack.i.l.bf16.f32 v33  }
0x1d3: {  	v4 =	vmovc v25;
	v22 =	vmovc v11;
	v11 =	vunpack.i.u.bf16.f32 v35;
	v12 =	vunpack.i.l.bf16.f32 v35;
	v36 =	vmul.f32 $2.500000000e-01, v31  }
0x1d4: {  	v20 =	vmovc v13;
	v24 =	vmovc v48;
	v48 =	vld [tilespmem:s3+$0xFFFFFFA0];
	v41 =	vunpack.i.u.bf16.f32 v44;
	v44 =	vunpack.i.l.bf16.f32 v44;
	v13 =	vunpack.i.u.bf16.f32 v58  }
0x1d5: {  	v23 =	vmovc v9;
	v25 =	vmovc v10;
	v59 =	vld [tilespmem:s3+$0x20];
	v9 =	vunpack.i.u.bf16.f32 v32;
	v10 =	vunpack.i.l.bf16.f32 v32;
	v32 =	vmax.f32 v36, $-5.000000000e+00  }
0x1d6: {  	v34 =	vmul.f32 v56, v34;
	v54 =	vunpack.i.u.bf16.f32 v33;
	v33 =	vld [tilespmem:s3+$0xFFFFFF00];
	v32 =	vmin.f32 v32, $5.000000000e+00  }
0x1d7: {  	[tilespmem:$0x1FF20] =	vst v2;
	v2 =	vmovc v26;
	v58 =	vunpack.i.l.bf16.f32 v58;
	v44 =	vmul.f32 v44, v45;
	v26 =	vmul.f32 $1.442695020e+00, v32  }
0x1d8: {  	v0 =	vunpack.i.l.bf16.f32 v0;
	v8 =	vmul.f32 v58, v12;
	v11 =	vmul.f32 v13, v11  }
0x1d9: {  	[tilespmem:$0x1FF60] =	vst v4;
	v4 =	vld [tilespmem:s30+$0x30];
	v45 =	vmul.f32 v41, v57;
	v63 =	vunpack.i.u.bf16.f32 v48;
	(erf) = vpow2.f32 v26  }
0x1da: {  	v6 =	vld [tilespmem:s3+$0xFFFFFF40];
	v48 =	vunpack.i.l.bf16.f32 v48;
	v17 =	vmul.f32 v17, v63;
	v8 =	vadd.f32 v8, v11  }
0x1db: {  	[tilespmem:$0x1FF00] =	vst v1;
	v35 =	vld [tilespmem:s29+$0xFFFFFFD0];
	v16 =	vunpack.i.u.bf16.f32 v59;
	v10 =	vmul.f32 v10, v53;
	v1 =	vunpack.i.u.bf16.f32 v33  }
0x1dc: {  	v58 =	vld [tilespmem:$0x1FF80];
	v15 =	vunpack.i.l.bf16.f32 v33;
	v1 =	vmul.f32 v28, v1;
	v28 =	vmul.f32 v29, v38  }
0x1dd: {  	v59 =	vunpack.i.l.bf16.f32 v59;
	v9 =	vmul.f32 v9, v19;
	v30 =	vld [tilespmem:s3+$0xFFFFFFC0];
	v15 =	vmul.f32 v40, v15  }
0x1de: {  	v40 =	vmul.f32 v49, v43;
	v28 =	vadd.f32 v28, v47;
	v47 =	vmul.f32 v42, v60;
	v60 =	vld [tilespmem:$0x1FF90]  }
0x1df: {  	v43 =	vmul.f32 v55, v52;
	v1 =	vadd.f32 v15, v1;
	v15 =	vmul.f32 v50, v37;
	v50 =	vld [tilespmem:s3+$0xC0]  }
0x1e0: {  	v53 =	vunpack.i.l.bf16.f32 v6;
	v13 =	vmul.f32 v14, v59;
	v33 =	vld [tilespmem:s29+$0x50];
	v52 =	vmul.f32 v51, v48  }
0x1e1: {  	v9 =	vadd.f32 v10, v9;
	v29 =	vunpack.i.u.bf16.f32 v6;
	v31 =	vld [tilespmem:s3+$0x40];
	v38 =	vadd.f32 v34, v43  }
0x1e2: {  	v49 =	vmul.f32 v61, v54;
	v37 =	vadd.f32 v44, v45;
	v7 =	vadd.f32 v52, v17;
	v26 =	vld [tilespmem:s26+$0x70];
	[tilespmem:s25+$0x80] =	vst v27;
	v27 =	vpop (erf)  }
0x1e3: {  	v32 =	vunpack.i.u.bf16.f32 v62;
	v62 =	vld [tilespmem:s26+$0xFFFFFFF0];
	[tilespmem:s25+$0xFFFFFFF0] =	vst v2;
	v2 =	vunpack.i.u.bf16.f32 v4;
	v12 =	vperm.xlane v27, v60  }
0x1e4: {  	v4 =	vunpack.i.l.bf16.f32 v4;
	v16 =	vmul.f32 v32, v16;
	v14 =	vunpack.i.l.bf16.f32 v50  }
0x1e5: {  	v0 =	vmul.f32 v4, v0;
	v17 =	vunpack.i.u.bf16.f32 v50;
	v14 =	vmul.f32 v12, v14  }
0x1e6: {  	s28 =	smov.u32 s0;
	s0 =	sadd.s32 $0x240, s0;
	v15 =	vadd.f32 v15, v40;
	v2 =	vmul.f32 v2, v3;
	v4 =	vmul.f32 v12, v17  }
0x1e7: {  	v61 =	vld [tilespmem:$0x1FFB0];
	v40 =	vadd.f32 v47, v49;
	v11 =	vperm.xlane v28, v58;
	v3 =	vperm.xlane v1, v58;
	[tilespmem:s0+$0x90] =	vst v14  }
0x1e8: {  	v6 =	vperm.xlane v38, v58;
	v10 =	vadd.f32 v13, v16;
	v0 =	vadd.f32 v0, v2;
	[tilespmem:s0+$0xA0] =	vst v4  }
0x1e9: {  	v1 =	vadd.f32 v3, v1;
	v3 =	vperm.xlane v37, v58;
	v13 =	vperm.xlane v7, v58;
	v2 =	vld [tilespmem:s3+$0xD0]  }
0x1ea: {  	v11 =	vadd.f32 v11, v28;
	v6 =	vadd.f32 v6, v38;
	v16 =	vperm.xlane v8, v58  }
0x1eb: {  	v3 =	vadd.f32 v3, v37;
	v54 =	vperm.xlane v0, v58;
	v7 =	vadd.f32 v13, v7  }
0x1ec: {  	v1 =	vsel vm0, v1, v11;
	v28 =	vperm.xlane v27, v61;
	v4 =	vperm.xlane v15, v58  }
0x1ed: {  	v8 =	vadd.f32 v16, v8;
	v12 =	vperm.xlane v40, v58;
	v17 =	vperm.xlane v10, v58  }
0x1ee: {  	v59 =	vld [tilespmem:$0x1FFA0];
	v14 =	vperm.xlane v5, v58;
	v4 =	vadd.f32 v4, v15;
	v55 =	vunpack.i.l.bf16.f32 v2  }
0x1ef: {  	v15 =	vperm.xlane v9, v58;
	v2 =	vunpack.i.u.bf16.f32 v2;
	v37 =	vmul.f32 v28, v55  }
0x1f0: {  	v12 =	vadd.f32 v12, v40;
	v5 =	vadd.f32 v14, v5;
	v2 =	vmul.f32 v28, v2  }
0x1f1: {  	v0 =	vadd.f32 v54, v0;
	v9 =	vadd.f32 v15, v9;
	v4 =	vsel vm0, v4, v6;
	[tilespmem:s0+$0xB0] =	vst v37  }
0x1f2: {  	v63 =	vld [tilespmem:$0x1FFC0];
	v6 =	vadd.f32 v17, v10;
	[tilespmem:s0+$0xC0] =	vst v2;
	v2 =	vsel vm0, v3, v12;
	v3 =	vsel vm0, v7, v5  }
0x1f3: {  	v5 =	vsel vm0, v9, v8;
	v8 =	vperm.xlane v1, v59;
	v9 =	vperm.xlane v4, v59;
	v7 =	vld [tilespmem:s3+$0xE0]  }
0x1f4: {  	v0 =	vsel vm0, v6, v0;
	v6 =	vperm.xlane v2, v59;
	v10 =	vperm.xlane v3, v59  }
0x1f5: {  	v1 =	vadd.f32 v8, v1;
	v8 =	vperm.xlane v5, v59;
	v4 =	vadd.f32 v9, v4  }
0x1f6: {  	v2 =	vadd.f32 v6, v2;
	v3 =	vadd.f32 v10, v3  }
0x1f7: {  	v6 =	vperm.xlane v27, v63;
	v5 =	vadd.f32 v8, v5  }
0x1f8: {  	v1 =	vsel vm1, v1, v4;
	v2 =	vsel vm1, v2, v3;
	v8 =	vunpack.i.l.bf16.f32 v7  }
0x1f9: {  	v4 =	vperm.xlane v1, v18;
	v7 =	vunpack.i.u.bf16.f32 v7;
	v8 =	vmul.f32 v6, v8  }
0x1fa: {  	v3 =	vmul.f32 v6, v7;
	v6 =	vperm.xlane v2, v18  }
0x1fb: {  	v1 =	vadd.f32 v1, v4  }
0x1fc: {  	v2 =	vadd.f32 v2, v6  }
0x1fd: {  	v1 =	vmul.f32 $2.500000000e-01, v1  }
0x1fe: {  	v2 =	vmul.f32 $2.500000000e-01, v2  }
0x1ff: {  	v1 =	vmax.f32 v1, $-5.000000000e+00  }
0x200: {  	v11 =	vperm.xlane v0, v59;
	v1 =	vmin.f32 v1, $5.000000000e+00;
	v2 =	vmax.f32 v2, $-5.000000000e+00  }
0x201: {  	v1 =	vmul.f32 $1.442695020e+00, v1;
	v2 =	vmin.f32 v2, $5.000000000e+00  }
0x202: {  	v0 =	vadd.f32 v11, v0;
	v2 =	vmul.f32 $1.442695020e+00, v2  }
0x203: {  	v36 =	vld [tilespmem:s29+$0xFFFFFF50];
	[tilespmem:s0+$0xD0] =	vst v8;
	v8 =	vunpack.i.l.bf16.f32 v35;
	(erf) = vpow2.f32 v1  }
0x204: {  	v0 =	vsel vm1, v5, v0;
	(erf) = vpow2.f32 v2;
	v2 =	vmul.f32 v20, v8;
	v8 =	vld [tilespmem:$0x1FED0]  }
0x205: {  	v57 =	vld [tilespmem:$0x1FFE0];
	v7 =	vperm.xlane v0, v18  }
0x206: {  	v56 =	vld [tilespmem:$0x1FFD0]  }
0x207: {  	[tilespmem:s0+$0xE0] =	vst v3;
	v0 =	vadd.f32 v0, v7  }
0x208: {  	v12 =	vunpack.i.l.bf16.f32 v33;
	v3 =	vld [tilespmem:s3+$0xF0]  }
0x209: {  	v13 =	vld [tilespmem:$0x1FEF0];
	v6 =	vunpack.i.l.bf16.f32 v36;
	v0 =	vmul.f32 $2.500000000e-01, v0;
	[tilespmem:s28+$0xFFFFFF90] =	vst v2;
	v2 =	vmul.f32 v8, v12  }
0x20a: {  	v15 =	vperm.xlane v27, v57;
	v9 =	vunpack.i.u.bf16.f32 v33;
	v6 =	vmul.f32 v21, v6  }
0x20b: {  	v10 =	vperm.xlane v27, v56;
	v4 =	vunpack.i.u.bf16.f32 v36;
	v0 =	vmax.f32 v0, $-5.000000000e+00;
	[tilespmem:s28+$0x20] =	vst v2;
	v2 =	vld [tilespmem:$0x1FF00]  }
0x20c: {  	[tilespmem:s28+$0xFFFFFF00] =	vst v6;
	v6 =	vunpack.i.u.bf16.f32 v26;
	v0 =	vmin.f32 v0, $5.000000000e+00;
	v1 =	vmul.f32 v21, v4  }
0x20d: {  	v37 =	vmul.f32 v23, v6;
	v6 =	vld [tilespmem:$0x1FF50];
	v11 =	vunpack.i.u.bf16.f32 v3;
	v0 =	vmul.f32 $1.442695020e+00, v0  }
0x20e: {  	v11 =	vmul.f32 v10, v11;
	[tilespmem:s28+$0xFFFFFF10] =	vst v1;
	v1 =	vunpack.i.l.bf16.f32 v26;
	v26 =	vnsel vm2, $0x0, v13;
	v13 =	vld [tilespmem:$0x1FF10]  }
0x20f: {  	s26 =	smov.u32 s29;
	v7 =	vunpack.i.u.bf16.f32 v35;
	(erf) = vpow2.f32 v0;
	v8 =	vmul.f32 v8, v9;
	v12 =	vld [tilespmem:$0x1FEE0]  }
0x210: {  	[tilespmem:s0+$0x100] =	vst v11;
	v0 =	vmul.f32 v20, v7;
	v7 =	vld [tilespmem:s26+$0xFFFFFF60];
	v2 =	vmul.f32 v24, v2  }
0x211: {  	v28 =	vunpack.i.u.bf16.f32 v30;
	v5 =	vunpack.i.l.bf16.f32 v30;
	v30 =	vunpack.i.u.bf16.f32 v31;
	[tilespmem:s28+$0x30] =	vst v8;
	v8 =	vld [tilespmem:$0x1FF30]  }
0x212: {  	v31 =	vunpack.i.l.bf16.f32 v31;
	v4 =	vunpack.i.l.bf16.f32 v62;
	v3 =	vunpack.i.l.bf16.f32 v3;
	[tilespmem:s25+$0xFFFFFF40] =	vst v2;
	v2 =	vld [tilespmem:$0x1FF40]  }
0x213: {  	v36 =	vmul.f32 v10, v3;
	v11 =	vunpack.i.u.bf16.f32 v62;
	[tilespmem:s28+$0xFFFFFFA0] =	vst v0;
	v0 =	vperm.xlane v25, v57  }
0x214: {  	v1 =	vmul.f32 v23, v1;
	v13 =	vmul.f32 v24, v13;
	v32 =	vnsel vm2, $0x0, v12;
	v12 =	vld [tilespmem:s26+$0xFFFFFFE0]  }
0x215: {  	s31 =	sadd.s32 $0x4, s31;
	v14 =	vld [tilespmem:$0x1FF20];
	v27 =	vnsel vm2, $0x0, v0;
	v0 =	vmul.f32 v22, v4;
	v3 =	vunpack.i.l.bf16.f32 v7;
	v24 =	vpop (erf)  }
0x216: {  	p1 =	slt.u32 s31, $0x2C;
	v4 =	vmul.f32 v22, v11;
	[tilespmem:s25+$0xFFFFFF50] =	vst v13;
	v3 =	vmul.f32 v6, v3;
	v11 =	vmov v8;
	v8 =	vld [tilespmem:s26+$0x60];
	v33 =	vpop (erf)  }
.Ltmp1:
0x217: {  	[tilespmem:s25+$0xFFFFFFD0] =	vst v0;
	v0 =	vperm.xlane v24, v60;
	v17 =	vperm.xlane v33, v60;
	v9 =	vmovc v2;
	v2 =	vunpack.i.u.bf16.f32 v7;
	(pc) =	sbr.rel @p1 .LBB2_5-.Ltmp1, $4  }
0x218: {  	v35 =	vnsel vm2, $0x0, v15;
	[tilespmem:s25+$0xFFFFFFE0] =	vst v4;
	v13 =	vperm.xlane v33, v61;
	v10 =	vpop (erf);
	v2 =	vmul.f32 v6, v2  }
0x219: {  	v4 =	vld [tilespmem:$0x1FF60];
	v21 =	vunpack.i.u.bf16.f32 v12;
	[tilespmem:s28+$0xFFFFFF20] =	vst v3;
	v34 =	vmul.f32 v0, v53;
	v18 =	vperm.xlane v10, v60  }
0x21a: {  	v3 =	vld [tilespmem:$0x1FF70];
	v19 =	vunpack.i.l.bf16.f32 v12;
	v29 =	vmul.f32 v0, v29;
	v25 =	vmul.f32 v17, v5;
	[tilespmem:s28+$0xFFFFFF30] =	vst v2  }
0x21b: {  	s29 =	smov.u32 s3;
	v48 =	vmovc v14;
	s3 =	sadd.s32 $0x200, s3;
	[tilespmem:s25+$0x60] =	vst v1;
	v22 =	vunpack.i.u.bf16.f32 v8;
	v23 =	vunpack.i.l.bf16.f32 v8;
	v7 =	vperm.xlane v24, v61;
	v20 =	vld [tilespmem:s26+$0xFFFFFF70]  }
0x21c: {  	[tilespmem:s0+$0xFFFFFEE0] =	vst v34  }
0x21d: {  	[tilespmem:s0+$0xFFFFFEF0] =	vst v29  }
0x21e: {  	[tilespmem:s0+$0xFFFFFF70] =	vst v25  }
0x21f: {  	[tilespmem:s25+$0x70] =	vst v37  }
0x220: {  	[tilespmem:s0+$0xF0] =	vst v36  }
0x221: {  	v0 =	vmul.f32 v17, v28;
	[tilespmem:s28+$0xFFFFFF60] =	vst v32  }
0x222: {  	v1 =	vmul.f32 v18, v31;
	[tilespmem:s0+$0x110] =	vst v35  }
0x223: {  	v2 =	vmul.f32 v18, v30;
	[tilespmem:s0+$0xFFFFFF80] =	vst v0  }
0x224: {  	v34 =	vld [tilespmem:s29+$0xFFFFFF50];
	v53 =	vmul.f32 v4, v19;
	[tilespmem:s0+$0x0] =	vst v1  }
0x225: {  	v54 =	vmul.f32 v4, v21;
	[tilespmem:s0+$0x10] =	vst v2  }
0x226: {  	v55 =	vmul.f32 v3, v23;
	v38 =	vld [tilespmem:s29+$0xFFFFFFD0];
	[tilespmem:s28+$0xFFFFFFB0] =	vst v53  }
0x227: {  	v62 =	vmul.f32 v3, v22;
	[tilespmem:s28+$0xFFFFFFC0] =	vst v54  }
0x228: {  	v39 =	vld [tilespmem:s29+$0x50];
	[tilespmem:s28+$0x40] =	vst v55  }
0x229: {  	[tilespmem:s28+$0x50] =	vst v62;
	v4 =	vunpack.i.l.bf16.f32 v34  }
0x22a: {  	v40 =	vld [tilespmem:s26+$0xFFFFFFF0];
	[tilespmem:s28+$0xFFFFFFF0] =	vst v26;
	v1 =	vunpack.i.u.bf16.f32 v34;
	v4 =	vmul.f32 v7, v4  }
0x22b: {  	v5 =	vld [tilespmem:s26+$0x70];
	[tilespmem:s28+$0x80] =	vst v27;
	v1 =	vmul.f32 v7, v1;
	v6 =	vunpack.i.l.bf16.f32 v38  }
0x22c: {  	v7 =	vperm.xlane v10, v61;
	v0 =	vunpack.i.u.bf16.f32 v38;
	[tilespmem:s0+$0xFFFFFF00] =	vst v4;
	v4 =	vmul.f32 v13, v6  }
0x22d: {  	v41 =	vunpack.i.u.bf16.f32 v39;
	[tilespmem:s0+$0xFFFFFF10] =	vst v1;
	v0 =	vmul.f32 v13, v0  }
0x22e: {  	v6 =	vunpack.i.l.bf16.f32 v39;
	v1 =	vmul.f32 v7, v41;
	v42 =	vld [tilespmem:s29+$0xFFFFFF60];
	[tilespmem:s0+$0xFFFFFF90] =	vst v4  }
0x22f: {  	v43 =	vunpack.i.u.bf16.f32 v20;
	v4 =	vmul.f32 v7, v6;
	[tilespmem:s0+$0xFFFFFFA0] =	vst v0  }
0x230: {  	v6 =	vunpack.i.l.bf16.f32 v20;
	v0 =	vmul.f32 v48, v43;
	[tilespmem:s0+$0x30] =	vst v1  }
0x231: {  	v3 =	vunpack.i.u.bf16.f32 v40;
	v7 =	vld [tilespmem:s29+$0xFFFFFFE0];
	[tilespmem:s0+$0x20] =	vst v4;
	v4 =	vmul.f32 v48, v6  }
0x232: {  	v44 =	vperm.xlane v24, v63;
	v3 =	vmul.f32 v11, v3;
	v6 =	vunpack.i.l.bf16.f32 v40;
	[tilespmem:s28+$0xFFFFFF50] =	vst v0  }
0x233: {  	v6 =	vmul.f32 v11, v6;
	[tilespmem:s28+$0xFFFFFF40] =	vst v4;
	v4 =	vld [tilespmem:s29+$0x60];
	v8 =	vunpack.i.l.bf16.f32 v42  }
0x234: {  	[tilespmem:s28+$0xFFFFFFE0] =	vst v3;
	v45 =	vunpack.i.u.bf16.f32 v42;
	v46 =	vmul.f32 v44, v8  }
0x235: {  	[tilespmem:s28+$0xFFFFFFD0] =	vst v6;
	v6 =	vperm.xlane v33, v63;
	v8 =	vunpack.i.l.bf16.f32 v5;
	v0 =	vmul.f32 v44, v45  }
0x236: {  	v47 =	vmul.f32 v9, v8;
	v48 =	vunpack.i.l.bf16.f32 v7;
	[tilespmem:s0+$0xFFFFFF20] =	vst v46  }
0x237: {  	v49 =	vperm.xlane v10, v63;
	v7 =	vunpack.i.u.bf16.f32 v7;
	[tilespmem:s0+$0xFFFFFF30] =	vst v0;
	v50 =	vmul.f32 v6, v48  }
0x238: {  	v52 =	vmul.f32 v6, v7;
	[tilespmem:s28+$0x60] =	vst v47;
	v51 =	vunpack.i.l.bf16.f32 v4  }
0x239: {  	v6 =	vld [tilespmem:s29+$0xFFFFFF70];
	v4 =	vunpack.i.u.bf16.f32 v4;
	[tilespmem:s0+$0xFFFFFFB0] =	vst v50;
	v2 =	vmul.f32 v49, v51  }
0x23a: {  	v54 =	vperm.xlane v24, v57;
	[tilespmem:s0+$0xFFFFFFC0] =	vst v52;
	v3 =	vmul.f32 v49, v4  }
0x23b: {  	v53 =	vunpack.i.u.bf16.f32 v5;
	v55 =	vld [tilespmem:s29+$0xFFFFFFF0];
	[tilespmem:s0+$0x40] =	vst v2  }
0x23c: {  	v1 =	vnsel vm2, $0x0, v54;
	v0 =	vmul.f32 v9, v53;
	v4 =	vperm.xlane v33, v57;
	[tilespmem:s0+$0x50] =	vst v3  }
0x23d: {  	v62 =	vperm.xlane v24, v56;
	v5 =	vperm.xlane v10, v57;
	[tilespmem:s0+$0xFFFFFF60] =	vst v1;
	v32 =	vld [tilespmem:s29+$0x70]  }
0x23e: {  	v7 =	vperm.xlane v33, v56;
	[tilespmem:s28+$0x70] =	vst v0;
	v4 =	vnsel vm2, $0x0, v4;
	v8 =	vunpack.i.l.bf16.f32 v6  }
0x23f: {  	v33 =	vnsel vm2, $0x0, v5;
	v5 =	vunpack.i.u.bf16.f32 v6;
	[tilespmem:s0+$0xFFFFFFF0] =	vst v4;
	v4 =	vmul.f32 v62, v8  }
0x240: {  	[tilespmem:s0+$0x80] =	vst v33;
	v3 =	vmul.f32 v62, v5;
	v34 =	vunpack.i.l.bf16.f32 v55  }
0x241: {  	v5 =	vperm.xlane v10, v56;
	v2 =	vunpack.i.u.bf16.f32 v55;
	v1 =	vmul.f32 v7, v34;
	[tilespmem:s0+$0xFFFFFF40] =	vst v4  }
0x242: {  	v2 =	vmul.f32 v7, v2;
	[tilespmem:s0+$0xFFFFFF50] =	vst v3;
	v4 =	vunpack.i.l.bf16.f32 v32  }
0x243: {  	v0 =	vunpack.i.u.bf16.f32 v32;
	[tilespmem:s0+$0xFFFFFFD0] =	vst v1;
	v35 =	vmul.f32 v5, v4  }
0x244: {  	[tilespmem:s0+$0xFFFFFFE0] =	vst v2;
	v0 =	vmul.f32 v5, v0  }
0x245: {  	[tilespmem:s0+$0x60] =	vst v35  }
0x246: {  	[tilespmem:s0+$0x70] =	vst v0  }
0x247: {  	[spmem:s2] =	stream.indirect.scatter.add.f32 [tilespmem:s11], [sflag:$0x3], $0x90, s15, s13, $0xb8;
	[tilespmem:$0x1E2A0] =	vst v63  }
0x248: {  	_ =	swait.ge [sflag:s18], $0x1800  }
0x249: {  	[sflag:s18] =	ssyncset.done $0x0  }
0x24a: {  	[sflag:s18] =	ssyncadd.s32 $0xFFFFE800  }
0x24b: {  	_ =	swait.ge [sflag:s18], $0xC00  }
0x24c: {  	[sflag:s18] =	ssyncset.done $0x0  }
0x24d: {  	[sflag:s18] =	ssyncadd.s32 $0xFFFFF400  }
0x24e: {  	v36 =	vld [tilespmem:$0x90]  }
0x24f: {  	v37 =	vld [tilespmem:$0xA0]  }
0x250: {  	v38 =	vld [tilespmem:$0xB0];
	_ =	sdelay $0x2  }
0x251: {  	[tilespmem:$0xF0] =	vst v36  }
0x252: {  	[tilespmem:$0x100] =	vst v37  }
0x253: {  	[tilespmem:$0x110] =	vst v38  }
0x254: {  	_ =	swait.ge [sflag:s19], $0x1B00  }
0x255: {  	[sflag:s19] =	ssyncset.done $0x0  }
0x256: {  	s0 =	simm.s32 @!p0 $0x5;
	[sflag:s19] =	ssyncadd.s32 $0xFFFFE500  }
0x257: {  	_ =	swait.ge @!p0 [sflag:s0], $0x30  }
0x258: {  	[sflag:s0] =	ssyncset.done @!p0 $0x0  }
0x259: {  	[sflag:s0] =	ssyncadd.s32 @!p0 $0xFFFFFFD0  }
0x25a: {  	_ =	swait.ge @!p0 [sflag:s0], $0x30  }
0x25b: {  	s3 =	simm.s32 @!p0 $0x0;
	[sflag:s0] =	ssyncset.done @!p0 $0x0  }
0x25c: {  	s25 =	simm.s32 @!p0 $0x120;
	[sflag:s0] =	ssyncadd.s32 @!p0 $0xFFFFFFD0;
	s0 =	simm.s32 @!p0 $0x30  }
0x25d: {  	[tilespmem:s25], [sflag:$0x1] =	stream.indirect.gather @!p0 [hbm4b:s5+s0], $0x80, s3, s0, $0xb8;
	[tilespmem:$0x1E2A0] =	vst v63  }
0x25e: {  	s3 =	sadd.s32 $0x3, s24  }
0x25f: {  	p1 =	sge.u32 s3, s9  }
0x260: {  	s24 =	simm.s32 @!p0 $0x60;
	s25 =	simm.s32 @!p0 $0x3120;
	s3 =	smul.u32 @!p1 $0x30, s3  }
0x261: {  	[tilespmem:s25], [sflag:$0x1] =	stream.indirect.gather @!p0 [hbm4b:s1+s0], $0x40, s24, s0, $0xb8;
	[tilespmem:$0x1E2A0] =	vst v63  }
0x262: {  	s0 =	sadd.s32 @!p1 s8, s3  }
0x263: {  	s0 =	sshrl.u32 @!p1 s0, $0x3  }
0x264: {  	s24 =	simm.s32 @!p1 $0x0;
	s25 =	simm.s32 @!p1 $0x30;
	s3 =	sadd.s32 @!p1 s6, s0  }
0x265: {  	[tilespmem:s25], [sflag:$0x6] =	stream.linear.gather @!p1 [hbm4b:s3+s24], $0x30, $0x38;
	[tilespmem:$0x1E2A0] =	vst v63  }
0x266: {  	s30 =	simm.s32 $0x1A20;
	s0 =	sadd.s32 @!p1 s7, s0;
	s3 =	simm.s32 @!p1 $0x90  }
0x267: {  	[tilespmem:s3], [sflag:$0x6] =	stream.linear.gather @!p1 [hbm4b:s0+s24], $0x30, $0x38;
	[tilespmem:$0x1E2A0] =	vst v63  }
0x268: {  	s26 =	simm.s32 $0x3DA0;
	v39 =	vld [tilespmem:s30+$0x80]  }
0x269: {  	v40 =	vld [tilespmem:s26+$0x40]  }
0x26a: {  	v41 =	vld [tilespmem:s30+$0x90]  }
0x26b: {  	v42 =	vld [tilespmem:s26+$0x50]  }
0x26c: {  	v4 =	vld [tilespmem:s30+$0xA0]  }
0x26d: {  	v5 =	vld [tilespmem:s26+$0x60]  }
0x26e: {  	v6 =	vld [tilespmem:s30+$0xB0]  }
0x26f: {  	v46 =	vld [tilespmem:s30+$0xFFFFFF30]  }
0x270: {  	v18 =	vld [tilespmem:s26+$0xFFFFFFC0]  }
0x271: {  	v19 =	vld [tilespmem:s30+$0xFFFFFFA0];
	v7 =	vunpack.i.u.bf16.f32 v39  }
0x272: {  	v22 =	vld [tilespmem:s30+$0xFFFFFFB0];
	v0 =	vunpack.i.l.bf16.f32 v39;
	v8 =	vunpack.i.u.bf16.f32 v40;
	v1 =	vunpack.i.l.bf16.f32 v40  }
0x273: {  	v25 =	vld [tilespmem:s26+$0xFFFFFFF0];
	v10 =	vunpack.i.u.bf16.f32 v41;
	v2 =	vunpack.i.l.bf16.f32 v41;
	v11 =	vunpack.i.u.bf16.f32 v42  }
0x274: {  	v27 =	vld [tilespmem:s26+$0x0];
	v3 =	vunpack.i.l.bf16.f32 v42;
	v12 =	vunpack.i.u.bf16.f32 v4;
	v4 =	vunpack.i.l.bf16.f32 v4  }
0x275: {  	v48 =	vld [tilespmem:s30+$0x10];
	v13 =	vunpack.i.u.bf16.f32 v5;
	v5 =	vunpack.i.l.bf16.f32 v5;
	v14 =	vunpack.i.u.bf16.f32 v6  }
0x276: {  	v9 =	vld [tilespmem:s26+$0x70];
	v6 =	vunpack.i.l.bf16.f32 v6;
	v23 =	vunpack.i.u.bf16.f32 v46;
	v26 =	vunpack.i.u.bf16.f32 v18  }
0x277: {  	v18 =	vunpack.i.l.bf16.f32 v18;
	v49 =	vunpack.i.u.bf16.f32 v19;
	v19 =	vunpack.i.l.bf16.f32 v19  }
0x278: {  	v50 =	vld [tilespmem:s30+$0x20];
	v52 =	vunpack.i.u.bf16.f32 v22;
	v22 =	vunpack.i.l.bf16.f32 v22;
	v53 =	vunpack.i.u.bf16.f32 v25  }
0x279: {  	v54 =	vld [tilespmem:s26+$0x20];
	v25 =	vunpack.i.l.bf16.f32 v25;
	v40 =	vunpack.i.u.bf16.f32 v27;
	v27 =	vunpack.i.l.bf16.f32 v27  }
0x27a: {  	v15 =	vld [tilespmem:s26+$0xFFFFFF80];
	v41 =	vunpack.i.u.bf16.f32 v48;
	v0 =	vmul.f32 v1, v0;
	v43 =	vmul.f32 v8, v7  }
0x27b: {  	v2 =	vmul.f32 v3, v2;
	v44 =	vmul.f32 v11, v10;
	v8 =	vunpack.i.u.bf16.f32 v9  }
0x27c: {  	v31 =	vld [tilespmem:s26+$0x10];
	v4 =	vmul.f32 v5, v4;
	v5 =	vmul.f32 v13, v12;
	v9 =	vunpack.i.l.bf16.f32 v9  }
0x27d: {  	v33 =	vunpack.i.l.bf16.f32 v50;
	v6 =	vmul.f32 v9, v6;
	v8 =	vmul.f32 v8, v14  }
0x27e: {  	v37 =	vunpack.i.l.bf16.f32 v54;
	v0 =	vadd.f32 v0, v43;
	v45 =	vadd.f32 v2, v44  }
0x27f: {  	v39 =	vld [tilespmem:s30+$0x30];
	v3 =	vunpack.i.u.bf16.f32 v15;
	v4 =	vadd.f32 v4, v5;
	v5 =	vadd.f32 v6, v8  }
0x280: {  	v9 =	vld [tilespmem:s26+$0xFFFFFFA0];
	v2 =	vunpack.i.l.bf16.f32 v46;
	v12 =	vperm.xlane v0, v58;
	v13 =	vperm.xlane v45, v58  }
0x281: {  	v7 =	vld [tilespmem:s30+$0xFFFFFF10];
	v43 =	vunpack.i.u.bf16.f32 v31;
	v16 =	vperm.xlane v4, v58;
	v17 =	vperm.xlane v5, v58  }
0x282: {  	v10 =	vld [tilespmem:s26+$0xFFFFFF90];
	v31 =	vunpack.i.l.bf16.f32 v31;
	v0 =	vadd.f32 v12, v0;
	v1 =	vadd.f32 v13, v45  }
0x283: {  	v46 =	vunpack.i.u.bf16.f32 v54;
	v4 =	vadd.f32 v16, v4;
	v5 =	vadd.f32 v17, v5  }
0x284: {  	v11 =	vld [tilespmem:s30+$0xFFFFFF20];
	v8 =	vunpack.i.l.bf16.f32 v15;
	v55 =	vunpack.i.u.bf16.f32 v39;
	v39 =	vunpack.i.l.bf16.f32 v39  }
0x285: {  	v62 =	vld [tilespmem:$0x1FFF0];
	v20 =	vunpack.i.u.bf16.f32 v9;
	v0 =	vsel vm0, v0, v1;
	v47 =	vsel vm0, v4, v5  }
0x286: {  	v42 =	vld [tilespmem:s26+$0x30];
	v5 =	vunpack.i.l.bf16.f32 v9;
	v9 =	vperm.xlane v0, v59;
	v21 =	vperm.xlane v47, v59  }
0x287: {  	v6 =	vld [tilespmem:s26+$0xFFFFFFB0];
	v15 =	vunpack.i.u.bf16.f32 v7;
	v7 =	vunpack.i.l.bf16.f32 v7;
	v13 =	vunpack.i.u.bf16.f32 v10  }
0x288: {  	v10 =	vunpack.i.l.bf16.f32 v10;
	v0 =	vadd.f32 v9, v0;
	v1 =	vadd.f32 v21, v47  }
0x289: {  	v14 =	vld [tilespmem:s30+$0xFFFFFF80];
	v45 =	vunpack.i.u.bf16.f32 v50;
	v17 =	vunpack.i.u.bf16.f32 v11;
	v11 =	vunpack.i.l.bf16.f32 v11  }
0x28a: {  	v12 =	vld [tilespmem:s30+$0xFFFFFF90];
	v7 =	vmul.f32 v10, v7;
	v10 =	vmul.f32 v13, v15;
	v0 =	vsel vm1, v0, v1  }
0x28b: {  	v16 =	vld [tilespmem:s26+$0xFFFFFFD0];
	v13 =	vunpack.i.l.bf16.f32 v42;
	v15 =	vmul.f32 v53, v52;
	v30 =	vperm.xlane v0, v62  }
0x28c: {  	v24 =	vunpack.i.u.bf16.f32 v6;
	v6 =	vunpack.i.l.bf16.f32 v6;
	v13 =	vmul.f32 v13, v39  }
0x28d: {  	v2 =	vmul.f32 v6, v2;
	v6 =	vmul.f32 v24, v23;
	v0 =	vadd.f32 v0, v30  }
0x28e: {  	v4 =	vld [tilespmem:s26+$0xFFFFFFE0];
	v7 =	vadd.f32 v7, v10;
	v5 =	vmul.f32 v5, v11;
	v11 =	vmul.f32 v20, v17  }
0x28f: {  	v28 =	vunpack.i.u.bf16.f32 v12;
	v12 =	vunpack.i.l.bf16.f32 v12;
	v0 =	vmul.f32 $2.500000000e-01, v0  }
0x290: {  	v29 =	vunpack.i.u.bf16.f32 v16;
	v16 =	vunpack.i.l.bf16.f32 v16;
	v21 =	vunpack.i.u.bf16.f32 v14  }
0x291: {  	v9 =	vld [tilespmem:s30+$0x0];
	v5 =	vadd.f32 v5, v11;
	v11 =	vmul.f32 v16, v12;
	v0 =	vmax.f32 v0, $-5.000000000e+00  }
0x292: {  	v12 =	vmul.f32 v29, v28;
	v16 =	vmul.f32 v43, v41;
	v0 =	vmin.f32 v0, $5.000000000e+00  }
0x293: {  	v51 =	vunpack.i.u.bf16.f32 v4;
	v4 =	vunpack.i.l.bf16.f32 v4;
	v30 =	vld [tilespmem:s30+$0xFFFFFF00];
	v0 =	vmul.f32 $1.442695020e+00, v0  }
0x294: {  	v2 =	vadd.f32 v2, v6;
	v10 =	vmul.f32 v26, v21;
	v4 =	vmul.f32 v4, v19  }
0x295: {  	v14 =	vunpack.i.l.bf16.f32 v14;
	v6 =	vmul.f32 v51, v49;
	(erf) = vpow2.f32 v0  }
0x296: {  	v1 =	vunpack.i.l.bf16.f32 v48;
	v38 =	vunpack.i.u.bf16.f32 v9;
	v9 =	vunpack.i.l.bf16.f32 v9  }
0x297: {  	s31 =	simm.s32 $0x3EA0;
	v1 =	vmul.f32 v31, v1;
	v4 =	vadd.f32 v4, v6;
	v6 =	vmul.f32 v27, v9  }
0x298: {  	v49 =	vld [tilespmem:s31+$0xFFFFFF90];
	v9 =	vmul.f32 v40, v38;
	v44 =	vunpack.i.u.bf16.f32 v30;
	v30 =	vunpack.i.l.bf16.f32 v30  }
0x299: {  	v11 =	vadd.f32 v11, v12;
	v51 =	vld [tilespmem:s31+$0xFFFFFFD0];
	v8 =	vmul.f32 v8, v30;
	v3 =	vmul.f32 v3, v44  }
0x29a: {  	v19 =	vmul.f32 v46, v45;
	v1 =	vadd.f32 v1, v16;
	v16 =	vperm.xlane v7, v58  }
0x29b: {  	v6 =	vadd.f32 v6, v9;
	v3 =	vadd.f32 v8, v3;
	v8 =	vmul.f32 v18, v14;
	v14 =	vld [tilespmem:s30+$0xC0]  }
0x29c: {  	s25 =	simm.s32 $0x1C20;
	v7 =	vadd.f32 v16, v7;
	v16 =	vperm.xlane v4, v58;
	v20 =	vperm.xlane v1, v58  }
0x29d: {  	v45 =	vld [tilespmem:s25+$0xB0];
	v32 =	vunpack.i.u.bf16.f32 v49;
	v8 =	vadd.f32 v8, v10;
	v10 =	vmul.f32 v25, v22  }
0x29e: {  	v34 =	vunpack.i.l.bf16.f32 v51;
	v4 =	vadd.f32 v16, v4;
	v1 =	vadd.f32 v20, v1;
	v12 =	vpop (erf)  }
0x29f: {  	v30 =	vunpack.i.u.bf16.f32 v42;
	v10 =	vadd.f32 v10, v15;
	v15 =	vperm.xlane v12, v60  }
0x2a0: {  	v18 =	vmul.f32 v37, v33;
	v0 =	vmul.f32 v30, v55;
	v17 =	vunpack.i.l.bf16.f32 v14  }
0x2a1: {  	v43 =	vld [tilespmem:s31+$0x60];
	v14 =	vunpack.i.u.bf16.f32 v14;
	v21 =	vperm.xlane v12, v61;
	v17 =	vmul.f32 v15, v17  }
0x2a2: {  	s24 =	simm.s32 $0x6540;
	v20 =	vunpack.i.u.bf16.f32 v45;
	v9 =	vmul.f32 v15, v14;
	v15 =	vperm.xlane v3, v58  }
0x2a3: {  	v14 =	vadd.f32 v18, v19;
	v18 =	vperm.xlane v11, v58;
	v19 =	vperm.xlane v10, v58;
	[tilespmem:s24+$0x90] =	vst v17  }
0x2a4: {  	v0 =	vadd.f32 v13, v0;
	[tilespmem:s24+$0xA0] =	vst v9;
	v9 =	vperm.xlane v5, v58;
	v17 =	vperm.xlane v2, v58  }
0x2a5: {  	v3 =	vadd.f32 v15, v3;
	v15 =	vperm.xlane v8, v58;
	v11 =	vadd.f32 v18, v11;
	v13 =	vld [tilespmem:s30+$0xD0]  }
0x2a6: {  	v10 =	vadd.f32 v19, v10;
	v19 =	vunpack.i.u.bf16.f32 v43;
	v5 =	vadd.f32 v9, v5  }
0x2a7: {  	v9 =	vperm.xlane v6, v58;
	v2 =	vadd.f32 v17, v2;
	v17 =	vperm.xlane v14, v58  }
0x2a8: {  	v8 =	vadd.f32 v15, v8;
	v15 =	vperm.xlane v0, v58;
	v3 =	vsel vm0, v3, v7  }
0x2a9: {  	v4 =	vsel vm0, v4, v10;
	v7 =	vperm.xlane v3, v59;
	v2 =	vsel vm0, v5, v2  }
0x2aa: {  	v6 =	vadd.f32 v9, v6;
	v0 =	vadd.f32 v15, v0;
	v22 =	vunpack.i.l.bf16.f32 v13  }
0x2ab: {  	v5 =	vunpack.i.u.bf16.f32 v13;
	v13 =	vperm.xlane v2, v59;
	v18 =	vmul.f32 v21, v22  }
0x2ac: {  	v3 =	vadd.f32 v7, v3;
	v7 =	vadd.f32 v17, v14;
	v5 =	vmul.f32 v21, v5  }
0x2ad: {  	v50 =	vld [tilespmem:s31+$0xFFFFFFB0];
	v37 =	vsel vm0, v8, v11;
	v1 =	vsel vm0, v6, v1;
	v2 =	vadd.f32 v13, v2;
	[tilespmem:s24+$0xB0] =	vst v18  }
0x2ae: {  	v6 =	vperm.xlane v37, v59;
	v0 =	vsel vm0, v7, v0;
	v7 =	vperm.xlane v4, v59;
	v13 =	vld [tilespmem:s25+$0xA0];
	[tilespmem:s24+$0xC0] =	vst v5  }
0x2af: {  	v11 =	vperm.xlane v12, v57;
	v9 =	vperm.xlane v0, v59;
	v2 =	vsel vm1, v3, v2;
	v5 =	vld [tilespmem:s30+$0xE0]  }
0x2b0: {  	v4 =	vadd.f32 v7, v4;
	v3 =	vadd.f32 v6, v37;
	v8 =	vperm.xlane v2, v62  }
0x2b1: {  	v11 =	vnsel vm2, $0x0, v11;
	v6 =	vperm.xlane v12, v63;
	v0 =	vadd.f32 v9, v0  }
0x2b2: {  	v3 =	vsel vm1, v3, v4;
	v2 =	vadd.f32 v2, v8;
	v8 =	vperm.xlane v1, v59  }
0x2b3: {  	v42 =	vld [tilespmem:s25+$0x80];
	v37 =	vunpack.i.u.bf16.f32 v50;
	v4 =	vperm.xlane v3, v62;
	v18 =	vunpack.i.u.bf16.f32 v13  }
0x2b4: {  	v54 =	vld [tilespmem:s31+$0xFFFFFFE0];
	v2 =	vmul.f32 $2.500000000e-01, v2;
	v1 =	vadd.f32 v8, v1;
	v7 =	vunpack.i.l.bf16.f32 v5  }
0x2b5: {  	v52 =	vld [tilespmem:s25+$0xFFFFFF00];
	v5 =	vunpack.i.u.bf16.f32 v5;
	v3 =	vadd.f32 v3, v4;
	v7 =	vmul.f32 v6, v7  }
0x2b6: {  	v53 =	vld [tilespmem:s25+$0xFFFFFFA0];
	v13 =	vunpack.i.l.bf16.f32 v13;
	v39 =	vmul.f32 v6, v5;
	v6 =	vperm.xlane v12, v56  }
0x2b7: {  	v31 =	vld [tilespmem:s31+$0xFFFFFFC0];
	v2 =	vmax.f32 v2, $-5.000000000e+00;
	v0 =	vsel vm1, v1, v0;
	v41 =	vmul.f32 $2.500000000e-01, v3  }
0x2b8: {  	v24 =	vld [tilespmem:s25+$0xFFFFFF80];
	v3 =	vunpack.i.l.bf16.f32 v42;
	v1 =	vunpack.i.l.bf16.f32 v45;
	v2 =	vmin.f32 v2, $5.000000000e+00;
	[tilespmem:s24+$0xD0] =	vst v7  }
0x2b9: {  	v5 =	vperm.xlane v0, v62;
	[tilespmem:s24+$0xE0] =	vst v39;
	v7 =	vld [tilespmem:s31+$0x50];
	v38 =	vmul.f32 $1.442695020e+00, v2;
	v2 =	vmax.f32 v41, $-5.000000000e+00  }
0x2ba: {  	v45 =	vunpack.i.u.bf16.f32 v51;
	v51 =	vunpack.i.u.bf16.f32 v54;
	v40 =	vld [tilespmem:s30+$0xF0];
	v2 =	vmin.f32 v2, $5.000000000e+00  }
0x2bb: {  	v14 =	vld [tilespmem:s31+$0x70];
	v39 =	vunpack.i.l.bf16.f32 v53;
	v0 =	vadd.f32 v0, v5;
	v2 =	vmul.f32 $1.442695020e+00, v2  }
0x2bc: {  	v41 =	vunpack.i.u.bf16.f32 v31;
	v31 =	vunpack.i.l.bf16.f32 v31;
	(erf) = vpow2.f32 v38  }
0x2bd: {  	v4 =	vld [tilespmem:s31+$0x40];
	v38 =	vunpack.i.l.bf16.f32 v52;
	v0 =	vmul.f32 $2.500000000e-01, v0;
	(erf) = vpow2.f32 v2  }
0x2be: {  	v5 =	vld [tilespmem:s25+$0x90];
	v16 =	vunpack.i.u.bf16.f32 v7;
	v7 =	vunpack.i.l.bf16.f32 v7;
	v2 =	vunpack.i.l.bf16.f32 v43  }
0x2bf: {  	v0 =	vmax.f32 v0, $-5.000000000e+00;
	v8 =	vunpack.i.u.bf16.f32 v40;
	v44 =	vunpack.i.l.bf16.f32 v40  }
0x2c0: {  	v2 =	vmul.f32 v2, v13;
	v13 =	vunpack.i.l.bf16.f32 v14;
	v40 =	vunpack.i.u.bf16.f32 v24  }
0x2c1: {  	v55 =	vld [tilespmem:s25+$0xFFFFFFB0];
	v24 =	vunpack.i.l.bf16.f32 v24;
	v0 =	vmin.f32 v0, $5.000000000e+00;
	v9 =	vmul.f32 v6, v8  }
0x2c2: {  	v10 =	vmul.f32 v6, v44;
	v6 =	vunpack.i.u.bf16.f32 v42;
	v8 =	vunpack.i.u.bf16.f32 v4  }
0x2c3: {  	v17 =	vld [tilespmem:s30+$0xFFFFFF40];
	v4 =	vunpack.i.l.bf16.f32 v4;
	v15 =	vunpack.i.u.bf16.f32 v5;
	v1 =	vmul.f32 v13, v1  }
0x2c4: {  	v5 =	vunpack.i.l.bf16.f32 v5;
	v24 =	vmul.f32 v31, v24;
	v40 =	vmul.f32 v41, v40  }
0x2c5: {  	v47 =	vld [tilespmem:s31+$0xFFFFFF80];
	v42 =	vunpack.i.l.bf16.f32 v54;
	v0 =	vmul.f32 $1.442695020e+00, v0;
	v3 =	vmul.f32 v4, v3  }
0x2c6: {  	v44 =	vunpack.i.l.bf16.f32 v55;
	v4 =	vmul.f32 v8, v6;
	v5 =	vmul.f32 v7, v5  }
0x2c7: {  	v54 =	vld [tilespmem:s25+$0x30];
	v6 =	vmul.f32 v16, v15;
	v7 =	vunpack.i.u.bf16.f32 v14;
	v15 =	vmul.f32 v19, v18  }
0x2c8: {  	v8 =	vld [tilespmem:s30+$0xFFFFFFC0];
	v14 =	vunpack.i.u.bf16.f32 v17;
	v39 =	vmul.f32 v42, v39;
	v7 =	vmul.f32 v7, v20  }
0x2c9: {  	v16 =	vld [tilespmem:s30+$0x40];
	v40 =	vadd.f32 v24, v40;
	(erf) = vpow2.f32 v0;
	v3 =	vadd.f32 v3, v4  }
0x2ca: {  	v4 =	vadd.f32 v5, v6;
	v2 =	vadd.f32 v2, v15;
	v0 =	vunpack.i.l.bf16.f32 v47  }
0x2cb: {  	v1 =	vadd.f32 v1, v7;
	v0 =	vmul.f32 v0, v38;
	v7 =	vperm.xlane v3, v58  }
0x2cc: {  	v6 =	vunpack.i.l.bf16.f32 v17;
	v12 =	vpop (erf);
	v15 =	vperm.xlane v4, v58;
	v18 =	vperm.xlane v2, v58  }
0x2cd: {  	v41 =	vunpack.i.l.bf16.f32 v54;
	v46 =	vperm.xlane v12, v60;
	v22 =	vperm.xlane v12, v61  }
0x2ce: {  	v17 =	vunpack.i.u.bf16.f32 v8;
	v19 =	vperm.xlane v1, v58;
	v48 =	vunpack.i.l.bf16.f32 v16;
	v13 =	vpop (erf)  }
0x2cf: {  	v3 =	vadd.f32 v7, v3;
	v4 =	vadd.f32 v15, v4;
	v5 =	vperm.xlane v13, v60  }
0x2d0: {  	v2 =	vadd.f32 v18, v2;
	v20 =	vperm.xlane v13, v61;
	v27 =	vmul.f32 v46, v6  }
0x2d1: {  	v1 =	vadd.f32 v19, v1;
	v6 =	vunpack.i.l.bf16.f32 v8;
	v28 =	vmul.f32 v46, v14  }
0x2d2: {  	v19 =	vperm.xlane v12, v63;
	v18 =	vperm.xlane v13, v63;
	v3 =	vsel vm0, v3, v4;
	v4 =	vld [tilespmem:s25+$0xFFFFFF10]  }
0x2d3: {  	v26 =	vmul.f32 v5, v6;
	v1 =	vsel vm0, v2, v1;
	v6 =	vperm.xlane v3, v59  }
0x2d4: {  	v14 =	vunpack.i.u.bf16.f32 v16;
	v29 =	vmul.f32 v5, v17;
	v5 =	vld [tilespmem:s25+$0xFFFFFF20];
	v8 =	vperm.xlane v1, v59  }
0x2d5: {  	v16 =	vunpack.i.u.bf16.f32 v47;
	v2 =	vunpack.i.l.bf16.f32 v49;
	v49 =	vunpack.i.u.bf16.f32 v52;
	v15 =	vpop (erf)  }
0x2d6: {  	v3 =	vadd.f32 v6, v3;
	v7 =	vperm.xlane v15, v60;
	v1 =	vadd.f32 v8, v1  }
0x2d7: {  	v21 =	vperm.xlane v15, v61;
	v17 =	vperm.xlane v15, v63;
	v30 =	vunpack.i.u.bf16.f32 v4  }
0x2d8: {  	v6 =	vld [tilespmem:s31+$0xFFFFFFA0];
	v4 =	vunpack.i.l.bf16.f32 v4;
	v25 =	vmul.f32 v7, v48;
	v23 =	vmul.f32 v7, v14  }
0x2d9: {  	[tilespmem:s24+$0xFFFFFEE0] =	vst v27;
	v27 =	vld [tilespmem:s25+$0xFFFFFFC0];
	v1 =	vsel vm1, v3, v1;
	v14 =	vperm.xlane v12, v56;
	v33 =	vunpack.i.u.bf16.f32 v5  }
0x2da: {  	v7 =	vld [tilespmem:s25+$0xFFFFFF30];
	v5 =	vunpack.i.l.bf16.f32 v5;
	v3 =	vunpack.i.l.bf16.f32 v50;
	v2 =	vmul.f32 v2, v4  }
0x2db: {  	v48 =	vld [tilespmem:s31+$0xFFFFFFF0];
	v50 =	vunpack.i.u.bf16.f32 v53;
	v4 =	vmul.f32 v32, v30;
	v8 =	vperm.xlane v1, v62  }
0x2dc: {  	v30 =	vld [tilespmem:s31+$0x0];
	v12 =	vperm.xlane v12, v57;
	v32 =	vmul.f32 v51, v50;
	v51 =	vunpack.i.u.bf16.f32 v54  }
0x2dd: {  	v53 =	vld [tilespmem:s31+$0x20];
	v35 =	vunpack.i.u.bf16.f32 v6;
	v6 =	vunpack.i.l.bf16.f32 v6;
	v1 =	vadd.f32 v1, v8  }
0x2de: {  	v2 =	vadd.f32 v2, v4;
	[tilespmem:s24+$0x0] =	vst v25;
	v25 =	vunpack.i.l.bf16.f32 v27;
	v5 =	vmul.f32 v6, v5  }
0x2df: {  	v52 =	vld [tilespmem:s25+$0x20];
	v33 =	vmul.f32 v35, v33;
	v32 =	vadd.f32 v39, v32;
	v1 =	vmul.f32 $2.500000000e-01, v1  }
0x2e0: {  	v8 =	vld [tilespmem:s25+$0xFFFFFF90];
	v36 =	vunpack.i.u.bf16.f32 v7;
	v7 =	vunpack.i.l.bf16.f32 v7;
	v35 =	vunpack.i.u.bf16.f32 v48  }
0x2e1: {  	v46 =	vunpack.i.l.bf16.f32 v48;
	v5 =	vadd.f32 v5, v33;
	v31 =	vunpack.i.u.bf16.f32 v30  }
0x2e2: {  	v4 =	vld [tilespmem:s31+$0x10];
	v30 =	vunpack.i.l.bf16.f32 v30;
	v50 =	vunpack.i.u.bf16.f32 v53;
	v33 =	vunpack.i.l.bf16.f32 v53  }
0x2e3: {  	v3 =	vmul.f32 v3, v7;
	v7 =	vmul.f32 v37, v36;
	v1 =	vmax.f32 v1, $-5.000000000e+00  }
0x2e4: {  	v36 =	vunpack.i.l.bf16.f32 v52;
	v44 =	vmul.f32 v46, v44;
	v1 =	vmin.f32 v1, $5.000000000e+00  }
0x2e5: {  	v6 =	vld [tilespmem:s25+$0x10];
	v43 =	vunpack.i.u.bf16.f32 v8;
	v8 =	vunpack.i.l.bf16.f32 v8;
	v1 =	vmul.f32 $1.442695020e+00, v1  }
0x2e6: {  	v46 =	vperm.xlane v2, v58;
	v3 =	vadd.f32 v3, v7;
	v7 =	vmul.f32 v34, v8  }
0x2e7: {  	v47 =	vunpack.i.u.bf16.f32 v4;
	v8 =	vld [tilespmem:s31+$0x30];
	(erf) = vpow2.f32 v1;
	v1 =	vmul.f32 v16, v49  }
0x2e8: {  	v4 =	vunpack.i.l.bf16.f32 v4;
	v33 =	vmul.f32 v33, v36;
	v43 =	vmul.f32 v45, v43  }
0x2e9: {  	v16 =	vld [tilespmem:s25+$0x0];
	v49 =	vunpack.i.u.bf16.f32 v52;
	v0 =	vadd.f32 v0, v1;
	v1 =	vunpack.i.u.bf16.f32 v55  }
0x2ea: {  	v55 =	vunpack.i.u.bf16.f32 v6;
	v6 =	vunpack.i.l.bf16.f32 v6;
	v1 =	vmul.f32 v35, v1  }
0x2eb: {  	v7 =	vadd.f32 v7, v43;
	v52 =	vld [tilespmem:s25+$0xC0];
	v4 =	vmul.f32 v4, v6;
	v34 =	vmul.f32 v47, v55  }
0x2ec: {  	v53 =	vunpack.i.u.bf16.f32 v8;
	v55 =	vmul.f32 v50, v49;
	v47 =	vperm.xlane v3, v58  }
0x2ed: {  	v8 =	vunpack.i.l.bf16.f32 v8;
	v49 =	vperm.xlane v40, v58;
	v50 =	vperm.xlane v7, v58  }
0x2ee: {  	v8 =	vmul.f32 v8, v41;
	v37 =	vunpack.i.u.bf16.f32 v16;
	v16 =	vunpack.i.l.bf16.f32 v16  }
0x2ef: {  	v2 =	vadd.f32 v46, v2;
	v43 =	vmul.f32 v53, v51;
	v51 =	vperm.xlane v32, v58  }
0x2f0: {  	v1 =	vadd.f32 v44, v1;
	v54 =	vunpack.i.l.bf16.f32 v52;
	v42 =	vunpack.i.u.bf16.f32 v52  }
0x2f1: {  	v48 =	vld [tilespmem:s25+$0xFFFFFF40];
	v4 =	vadd.f32 v4, v34;
	v33 =	vadd.f32 v33, v55;
	v30 =	vmul.f32 v30, v16;
	v16 =	vpop (erf)  }
0x2f2: {  	v44 =	vperm.xlane v0, v58;
	v3 =	vadd.f32 v47, v3;
	v6 =	vperm.xlane v16, v60  }
0x2f3: {  	v35 =	vadd.f32 v49, v40;
	v31 =	vmul.f32 v31, v37;
	v52 =	vperm.xlane v1, v58  }
0x2f4: {  	v7 =	vadd.f32 v50, v7;
	v53 =	vperm.xlane v4, v58;
	v36 =	vmul.f32 v6, v54  }
0x2f5: {  	s28 =	simm.s32 $0x1E20;
	s26 =	simm.s32 $0x6780;
	v8 =	vadd.f32 v8, v43;
	v32 =	vadd.f32 v51, v32;
	v6 =	vmul.f32 v6, v42  }
0x2f6: {  	v24 =	vunpack.i.u.bf16.f32 v48;
	v1 =	vadd.f32 v52, v1;
	v4 =	vadd.f32 v53, v4;
	v53 =	vld [tilespmem:s28+$0xA0];
	[tilespmem:s26+$0x90] =	vst v36  }
0x2f7: {  	v51 =	vld [tilespmem:s28+$0x90];
	v0 =	vadd.f32 v44, v0;
	v7 =	vsel vm0, v35, v7;
	v31 =	vadd.f32 v30, v31;
	[tilespmem:s26+$0xA0] =	vst v6  }
0x2f8: {  	v30 =	vunpack.i.l.bf16.f32 v48;
	v1 =	vsel vm0, v32, v1;
	v6 =	vperm.xlane v5, v58;
	v48 =	vld [tilespmem:s25+$0xD0]  }
0x2f9: {  	v45 =	vperm.xlane v8, v58;
	v0 =	vsel vm0, v0, v2;
	v32 =	vperm.xlane v1, v59  }
0x2fa: {  	s29 =	simm.s32 $0x3FA0;
	[tilespmem:s24+$0x10] =	vst v23;
	v23 =	vld [tilespmem:s28+$0x80];
	v55 =	vperm.xlane v16, v61;
	v54 =	vperm.xlane v33, v58;
	v5 =	vadd.f32 v6, v5  }
0x2fb: {  	v52 =	vld [tilespmem:s29+$0x50];
	v1 =	vadd.f32 v32, v1;
	v35 =	vunpack.i.l.bf16.f32 v53;
	v6 =	vperm.xlane v31, v58  }
0x2fc: {  	v3 =	vsel vm0, v5, v3;
	v5 =	vadd.f32 v54, v33;
	v33 =	vunpack.i.l.bf16.f32 v51  }
0x2fd: {  	v46 =	vunpack.i.l.bf16.f32 v48;
	v34 =	vunpack.i.u.bf16.f32 v48;
	v48 =	vadd.f32 v6, v31  }
0x2fe: {  	[tilespmem:s24+$0xFFFFFF70] =	vst v26;
	v54 =	vld [tilespmem:s29+$0x60];
	v6 =	vadd.f32 v45, v8;
	v8 =	vperm.xlane v0, v59;
	v31 =	vperm.xlane v3, v59  }
0x2ff: {  	[tilespmem:s24+$0xFFFFFF80] =	vst v29;
	v45 =	vunpack.i.u.bf16.f32 v23;
	v47 =	vmul.f32 v55, v46;
	v34 =	vmul.f32 v55, v34  }
0x300: {  	[tilespmem:s24+$0xFFFFFEF0] =	vst v28;
	v50 =	vld [tilespmem:s30+$0xFFFFFFD0];
	v46 =	vunpack.i.u.bf16.f32 v52;
	v2 =	vsel vm0, v48, v4;
	v5 =	vsel vm0, v5, v6  }
0x301: {  	v6 =	vperm.xlane v7, v59;
	v0 =	vadd.f32 v8, v0;
	v3 =	vadd.f32 v31, v3;
	[tilespmem:s26+$0xB0] =	vst v47  }
0x302: {  	v28 =	vld [tilespmem:s30+$0xFFFFFF50];
	v31 =	vperm.xlane v16, v56;
	v48 =	vunpack.i.u.bf16.f32 v53;
	[tilespmem:s26+$0xC0] =	vst v34;
	v8 =	vperm.xlane v2, v59  }
0x303: {  	v49 =	vperm.xlane v5, v59;
	v34 =	vunpack.i.l.bf16.f32 v52;
	v36 =	vunpack.i.l.bf16.f32 v54;
	v4 =	vld [tilespmem:s25+$0xE0]  }
0x304: {  	v6 =	vadd.f32 v6, v7;
	v7 =	vperm.xlane v16, v63;
	v0 =	vsel vm1, v0, v3  }
0x305: {  	v3 =	vunpack.i.l.bf16.f32 v50;
	v2 =	vadd.f32 v8, v2;
	v5 =	vadd.f32 v49, v5  }
0x306: {  	v8 =	vld [tilespmem:s25+$0x40];
	v49 =	vunpack.i.u.bf16.f32 v54;
	v1 =	vsel vm1, v6, v1;
	v6 =	vperm.xlane v0, v62  }
0x307: {  	v52 =	vmul.f32 v49, v48;
	v29 =	vperm.xlane v1, v62;
	v2 =	vsel vm1, v2, v5  }
0x308: {  	v5 =	vunpack.i.u.bf16.f32 v27;
	v27 =	vunpack.i.l.bf16.f32 v28;
	v26 =	vunpack.i.l.bf16.f32 v4  }
0x309: {  	v0 =	vadd.f32 v0, v6;
	v4 =	vunpack.i.u.bf16.f32 v4;
	v26 =	vmul.f32 v7, v26  }
0x30a: {  	v6 =	vld [tilespmem:s30+$0x50];
	v1 =	vadd.f32 v1, v29;
	v4 =	vmul.f32 v7, v4;
	v7 =	vperm.xlane v2, v62  }
0x30b: {  	v27 =	vmul.f32 v22, v27;
	v32 =	vunpack.i.u.bf16.f32 v8;
	v0 =	vmul.f32 $2.500000000e-01, v0  }
0x30c: {  	v8 =	vunpack.i.l.bf16.f32 v8;
	v1 =	vmul.f32 $2.500000000e-01, v1;
	v2 =	vadd.f32 v2, v7  }
0x30d: {  	v29 =	vld [tilespmem:s29+$0x40];
	v7 =	vunpack.i.u.bf16.f32 v28;
	v28 =	vunpack.i.u.bf16.f32 v50;
	v0 =	vmax.f32 v0, $-5.000000000e+00  }
0x30e: {  	[tilespmem:s26+$0xE0] =	vst v4;
	v4 =	vunpack.i.u.bf16.f32 v51;
	v51 =	vmul.f32 v36, v35;
	v1 =	vmax.f32 v1, $-5.000000000e+00  }
0x30f: {  	v0 =	vmin.f32 v0, $5.000000000e+00;
	v37 =	vunpack.i.u.bf16.f32 v6;
	v55 =	vmul.f32 v22, v7  }
0x310: {  	v22 =	vunpack.i.l.bf16.f32 v23;
	v4 =	vmul.f32 v46, v4;
	v36 =	vmul.f32 v20, v28  }
0x311: {  	v6 =	vunpack.i.l.bf16.f32 v6;
	v2 =	vmul.f32 $2.500000000e-01, v2;
	v1 =	vmin.f32 v1, $5.000000000e+00  }
0x312: {  	v7 =	vld [tilespmem:s28+$0xB0];
	v0 =	vmul.f32 $1.442695020e+00, v0;
	v23 =	vunpack.i.u.bf16.f32 v29;
	v6 =	vmul.f32 v21, v6  }
0x313: {  	[tilespmem:s26+$0xD0] =	vst v26;
	v26 =	vunpack.i.l.bf16.f32 v29;
	v29 =	vld [tilespmem:s29+$0x70];
	v42 =	vmul.f32 v21, v37;
	v1 =	vmul.f32 $1.442695020e+00, v1  }
0x314: {  	v22 =	vmul.f32 v26, v22;
	v2 =	vmax.f32 v2, $-5.000000000e+00;
	(erf) = vpow2.f32 v0  }
0x315: {  	v48 =	vld [tilespmem:s29+$0xFFFFFF90];
	v2 =	vmin.f32 v2, $5.000000000e+00;
	(erf) = vpow2.f32 v1;
	v1 =	vmul.f32 v20, v3  }
0x316: {  	v47 =	vld [tilespmem:s25+$0xF0];
	v3 =	vmul.f32 v23, v45;
	v23 =	vmul.f32 v34, v33;
	v20 =	vadd.f32 v51, v52  }
0x317: {  	[tilespmem:s24+$0xFFFFFF00] =	vst v27;
	v46 =	vld [tilespmem:s29+$0xFFFFFF80];
	v2 =	vmul.f32 $1.442695020e+00, v2;
	v50 =	vunpack.i.u.bf16.f32 v7;
	v7 =	vunpack.i.l.bf16.f32 v7  }
0x318: {  	[tilespmem:s24+$0xFFFFFF10] =	vst v55;
	v26 =	vunpack.i.u.bf16.f32 v29;
	v29 =	vunpack.i.l.bf16.f32 v29;
	v54 =	vadd.f32 v22, v3  }
0x319: {  	[tilespmem:s24+$0x20] =	vst v6;
	v55 =	vadd.f32 v23, v4;
	v4 =	vld [tilespmem:s30+$0xFFFFFF60];
	v40 =	vperm.xlane v20, v58;
	v7 =	vmul.f32 v29, v7  }
0x31a: {  	[tilespmem:s24+$0x30] =	vst v42;
	v34 =	vunpack.i.u.bf16.f32 v48;
	v26 =	vmul.f32 v26, v50;
	(erf) = vpow2.f32 v2  }
0x31b: {  	v53 =	vunpack.i.u.bf16.f32 v47;
	v2 =	vld [tilespmem:s30+$0x60];
	v38 =	vperm.xlane v54, v58;
	v22 =	vperm.xlane v55, v58  }
0x31c: {  	[tilespmem:s24+$0xFFFFFFA0] =	vst v36;
	v52 =	vunpack.i.u.bf16.f32 v46;
	v3 =	vadd.f32 v40, v20;
	v7 =	vadd.f32 v7, v26  }
0x31d: {  	[tilespmem:s24+$0xFFFFFF90] =	vst v1;
	v26 =	vunpack.i.l.bf16.f32 v47;
	v47 =	vld [tilespmem:s28+$0xFFFFFF10];
	v0 =	vadd.f32 v38, v54;
	v41 =	vadd.f32 v22, v55  }
0x31e: {  	v27 =	vld [tilespmem:s30+$0xFFFFFFE0];
	v20 =	vmul.f32 v31, v26;
	v23 =	vperm.xlane v7, v58;
	v6 =	vunpack.i.l.bf16.f32 v4  }
0x31f: {  	v44 =	vunpack.i.u.bf16.f32 v4;
	v35 =	vmul.f32 v19, v6;
	v0 =	vsel vm0, v0, v41  }
0x320: {  	v22 =	vpop (erf);
	v36 =	vmul.f32 v19, v44;
	v49 =	vunpack.i.u.bf16.f32 v2;
	v2 =	vunpack.i.l.bf16.f32 v2  }
0x321: {  	v7 =	vadd.f32 v23, v7;
	v23 =	vmul.f32 v31, v53;
	v45 =	vperm.xlane v22, v60;
	v21 =	vpop (erf)  }
0x322: {  	v54 =	vld [tilespmem:s29+$0xFFFFFFC0];
	v4 =	vperm.xlane v0, v59;
	v26 =	vperm.xlane v21, v60;
	v33 =	vunpack.i.l.bf16.f32 v47  }
0x323: {  	v55 =	vld [tilespmem:s28+$0xFFFFFF90];
	v43 =	vsel vm0, v3, v7;
	v7 =	vunpack.i.u.bf16.f32 v27;
	v31 =	vmul.f32 v45, v30  }
0x324: {  	v51 =	vld [tilespmem:s29+$0xFFFFFFB0];
	v0 =	vadd.f32 v4, v0;
	v30 =	vmul.f32 v45, v24;
	v6 =	vperm.xlane v43, v59  }
0x325: {  	v53 =	vld [tilespmem:s28+$0xFFFFFF00];
	v4 =	vunpack.i.l.bf16.f32 v27;
	v28 =	vmul.f32 v26, v25;
	v29 =	vmul.f32 v26, v5  }
0x326: {  	v3 =	vunpack.i.l.bf16.f32 v48;
	v25 =	vmul.f32 v18, v4;
	v24 =	vmul.f32 v18, v7  }
0x327: {  	v39 =	vunpack.i.l.bf16.f32 v54;
	v19 =	vpop (erf);
	v18 =	vmul.f32 v17, v2;
	v17 =	vmul.f32 v17, v49  }
0x328: {  	[tilespmem:s24+$0xF0] =	vst v10;
	v48 =	vld [tilespmem:s29+$0xFFFFFFD0];
	v41 =	vunpack.i.l.bf16.f32 v55;
	v3 =	vmul.f32 v3, v33;
	v10 =	vperm.xlane v19, v63  }
0x329: {  	v5 =	vld [tilespmem:s28+$0xFFFFFF20];
	v1 =	vadd.f32 v6, v43;
	v6 =	vperm.xlane v19, v60;
	v43 =	vunpack.i.u.bf16.f32 v51  }
0x32a: {  	v4 =	vld [tilespmem:s28+$0xFFFFFF30];
	v49 =	vunpack.i.l.bf16.f32 v53;
	v37 =	vunpack.i.u.bf16.f32 v53;
	v53 =	vunpack.i.u.bf16.f32 v55  }
0x32b: {  	v7 =	vld [tilespmem:s28+$0xFFFFFF80];
	v2 =	vmul.f32 v52, v37;
	v52 =	vunpack.i.u.bf16.f32 v54;
	v0 =	vsel vm1, v0, v1  }
0x32c: {  	v27 =	vmul.f32 v6, v8;
	v26 =	vmul.f32 v6, v32;
	v8 =	vunpack.i.l.bf16.f32 v46  }
0x32d: {  	[tilespmem:s26+$0xFFFFFEF0] =	vst v30;
	v30 =	vld [tilespmem:s28+$0xFFFFFF40];
	v32 =	vunpack.i.u.bf16.f32 v47;
	v1 =	vunpack.i.l.bf16.f32 v51;
	v44 =	vunpack.i.l.bf16.f32 v48  }
0x32e: {  	v55 =	vld [tilespmem:s28+$0x0];
	v50 =	vperm.xlane v0, v62;
	v38 =	vunpack.i.u.bf16.f32 v5;
	v5 =	vunpack.i.l.bf16.f32 v5  }
0x32f: {  	v54 =	vld [tilespmem:s28+$0xFFFFFFB0];
	v42 =	vunpack.i.u.bf16.f32 v4;
	v4 =	vunpack.i.l.bf16.f32 v4;
	v8 =	vmul.f32 v8, v49  }
0x330: {  	v45 =	vunpack.i.u.bf16.f32 v7;
	v32 =	vmul.f32 v34, v32;
	v41 =	vmul.f32 v44, v41  }
0x331: {  	v6 =	vld [tilespmem:s29+$0xFFFFFFA0];
	v7 =	vunpack.i.l.bf16.f32 v7;
	v1 =	vmul.f32 v1, v4;
	v42 =	vmul.f32 v43, v42  }
0x332: {  	[tilespmem:s24+$0xFFFFFFB0] =	vst v25;
	v51 =	vld [tilespmem:s29+$0xFFFFFFE0];
	v7 =	vmul.f32 v39, v7;
	v37 =	vmul.f32 v52, v45;
	v25 =	vunpack.i.l.bf16.f32 v30  }
0x333: {  	v0 =	vadd.f32 v0, v50;
	v2 =	vadd.f32 v8, v2;
	v8 =	vunpack.i.u.bf16.f32 v48  }
0x334: {  	v50 =	vld [tilespmem:s28+$0xFFFFFFA0];
	v3 =	vadd.f32 v3, v32;
	v52 =	vunpack.i.u.bf16.f32 v55;
	v49 =	vunpack.i.u.bf16.f32 v54  }
0x335: {  	v48 =	vld [tilespmem:s29+$0x0];
	v34 =	vunpack.i.l.bf16.f32 v54;
	v1 =	vadd.f32 v1, v42;
	v8 =	vmul.f32 v8, v53  }
0x336: {  	v53 =	vld [tilespmem:s28+$0x20];
	v7 =	vadd.f32 v7, v37;
	v0 =	vmul.f32 $2.500000000e-01, v0;
	v40 =	vunpack.i.u.bf16.f32 v6  }
0x337: {  	v54 =	vld [tilespmem:s29+$0x20];
	v6 =	vunpack.i.l.bf16.f32 v6;
	v4 =	vunpack.i.u.bf16.f32 v51;
	v46 =	vunpack.i.l.bf16.f32 v51  }
0x338: {  	v5 =	vmul.f32 v6, v5;
	v38 =	vmul.f32 v40, v38;
	v0 =	vmax.f32 v0, $-5.000000000e+00  }
0x339: {  	v40 =	vunpack.i.l.bf16.f32 v55;
	v8 =	vadd.f32 v41, v8;
	v0 =	vmin.f32 v0, $5.000000000e+00  }
0x33a: {  	v6 =	vld [tilespmem:s29+$0xFFFFFFF0];
	v32 =	vunpack.i.u.bf16.f32 v50;
	v43 =	vunpack.i.l.bf16.f32 v48;
	v0 =	vmul.f32 $1.442695020e+00, v0  }
0x33b: {  	v55 =	vunpack.i.u.bf16.f32 v48;
	v4 =	vmul.f32 v4, v32;
	v40 =	vmul.f32 v43, v40  }
0x33c: {  	v47 =	vld [tilespmem:s28+$0x30];
	v33 =	vunpack.i.l.bf16.f32 v53;
	v44 =	vmul.f32 v55, v52;
	v37 =	vunpack.i.l.bf16.f32 v54  }
0x33d: {  	v52 =	vunpack.i.u.bf16.f32 v54;
	v54 =	vmul.f32 v37, v33;
	v33 =	vperm.xlane v13, v56  }
0x33e: {  	v5 =	vadd.f32 v5, v38;
	v38 =	vld [tilespmem:s28+$0x10];
	v13 =	vperm.xlane v13, v57;
	(erf) = vpow2.f32 v0  }
0x33f: {  	v0 =	vunpack.i.l.bf16.f32 v50;
	v51 =	vunpack.i.u.bf16.f32 v6;
	v6 =	vunpack.i.l.bf16.f32 v6  }
0x340: {  	v50 =	vld [tilespmem:s29+$0x10];
	v40 =	vadd.f32 v40, v44;
	v0 =	vmul.f32 v46, v0;
	v6 =	vmul.f32 v6, v34  }
0x341: {  	v34 =	vld [tilespmem:s29+$0x30];
	v39 =	vmul.f32 v51, v49;
	v51 =	vunpack.i.u.bf16.f32 v53;
	v53 =	vunpack.i.l.bf16.f32 v47  }
0x342: {  	[tilespmem:s26+$0xFFFFFEE0] =	vst v31;
	v37 =	vnsel vm2, $0x0, v13;
	v43 =	vmul.f32 v52, v51;
	v52 =	vperm.xlane v16, v57  }
0x343: {  	v44 =	vld [tilespmem:s25+$0xFFFFFF50];
	v48 =	vunpack.i.u.bf16.f32 v38;
	v38 =	vunpack.i.l.bf16.f32 v38;
	v0 =	vadd.f32 v0, v4  }
0x344: {  	v4 =	vld [tilespmem:s28+$0xC0];
	v6 =	vadd.f32 v6, v39;
	v13 =	vadd.f32 v54, v43;
	v43 =	vnsel vm2, $0x0, v52  }
0x345: {  	v54 =	vperm.xlane v40, v58;
	v49 =	vunpack.i.u.bf16.f32 v50;
	v50 =	vunpack.i.l.bf16.f32 v50  }
0x346: {  	v38 =	vmul.f32 v50, v38;
	v41 =	vmul.f32 v49, v48;
	v55 =	vunpack.i.l.bf16.f32 v34  }
0x347: {  	v50 =	vunpack.i.u.bf16.f32 v47;
	v34 =	vunpack.i.u.bf16.f32 v34;
	v42 =	vmul.f32 v55, v53  }
0x348: {  	[tilespmem:s24+$0x40] =	vst v18;
	v18 =	vunpack.i.u.bf16.f32 v44;
	v51 =	vmul.f32 v34, v50;
	v34 =	vperm.xlane v15, v56  }
0x349: {  	v15 =	vperm.xlane v15, v57;
	v50 =	vperm.xlane v22, v61;
	v48 =	vunpack.i.l.bf16.f32 v4  }
0x34a: {  	v4 =	vunpack.i.u.bf16.f32 v4;
	v41 =	vadd.f32 v38, v41;
	v38 =	vnsel vm2, $0x0, v12  }
0x34b: {  	v12 =	vperm.xlane v2, v58;
	v32 =	vpop (erf);
	v16 =	vnsel vm2, $0x0, v15;
	v15 =	vperm.xlane v3, v58  }
0x34c: {  	[tilespmem:s26+$0xFFFFFF80] =	vst v29;
	v29 =	vld [tilespmem:s28+$0xFFFFFFC0];
	v39 =	vadd.f32 v42, v51;
	v42 =	vperm.xlane v22, v56;
	v45 =	vperm.xlane v32, v60  }
0x34d: {  	v47 =	vmul.f32 v50, v18;
	v2 =	vadd.f32 v12, v2;
	v12 =	vperm.xlane v1, v58  }
0x34e: {  	[tilespmem:s24+$0xFFFFFF20] =	vst v35;
	v3 =	vadd.f32 v15, v3;
	v15 =	vperm.xlane v7, v58;
	v49 =	vmul.f32 v45, v48  }
0x34f: {  	s0 =	simm.s32 $0x69C0;
	[tilespmem:s26+$0xFFFFFF70] =	vst v28;
	v35 =	vadd.f32 v54, v40;
	v28 =	vperm.xlane v32, v63;
	v4 =	vmul.f32 v45, v4  }
0x350: {  	v1 =	vadd.f32 v12, v1;
	v7 =	vadd.f32 v15, v7;
	v15 =	vperm.xlane v6, v58;
	[tilespmem:s0+$0x90] =	vst v49  }
0x351: {  	v12 =	vperm.xlane v0, v58;
	v45 =	vunpack.i.l.bf16.f32 v29;
	[tilespmem:s0+$0xA0] =	vst v4;
	v4 =	vperm.xlane v5, v58  }
0x352: {  	v2 =	vsel vm0, v2, v3;
	v53 =	vld [tilespmem:s28+$0xD0];
	v6 =	vadd.f32 v15, v6;
	v15 =	vperm.xlane v13, v58  }
0x353: {  	v0 =	vadd.f32 v12, v0;
	v4 =	vadd.f32 v4, v5;
	v5 =	vperm.xlane v8, v58  }
0x354: {  	[tilespmem:s24+$0xFFFFFF30] =	vst v36;
	v52 =	vadd.f32 v15, v13;
	v15 =	vperm.xlane v22, v63;
	v13 =	vperm.xlane v21, v63  }
0x355: {  	[tilespmem:s26+$0x0] =	vst v27;
	v49 =	vld [tilespmem:s30+$0xFFFFFF70];
	v0 =	vsel vm0, v0, v6;
	v6 =	vperm.xlane v2, v59;
	v22 =	vperm.xlane v22, v57  }
0x356: {  	[tilespmem:s26+$0x10] =	vst v26;
	v5 =	vadd.f32 v5, v8;
	v8 =	vperm.xlane v32, v61;
	v1 =	vsel vm0, v4, v1  }
0x357: {  	[tilespmem:s26+$0xF0] =	vst v20;
	v20 =	vld [tilespmem:s25+$0x50];
	v4 =	vperm.xlane v21, v61;
	v54 =	vperm.xlane v1, v59;
	v12 =	vunpack.i.l.bf16.f32 v53  }
0x358: {  	[tilespmem:s24+$0x100] =	vst v9;
	v2 =	vadd.f32 v6, v2;
	v48 =	vmul.f32 v8, v12;
	v12 =	vperm.xlane v41, v58  }
0x359: {  	[tilespmem:s24+$0xFFFFFFC0] =	vst v24;
	v55 =	vunpack.i.u.bf16.f32 v53;
	v53 =	vperm.xlane v19, v61;
	v5 =	vsel vm0, v7, v5  }
0x35a: {  	[tilespmem:s24+$0x50] =	vst v17;
	v7 =	vunpack.i.u.bf16.f32 v49;
	v51 =	vadd.f32 v12, v41;
	v12 =	vperm.xlane v39, v58  }
0x35b: {  	v8 =	vmul.f32 v8, v55;
	v6 =	vperm.xlane v5, v59;
	v1 =	vadd.f32 v54, v1;
	[tilespmem:s0+$0xB0] =	vst v48  }
0x35c: {  	v7 =	vmul.f32 v14, v7;
	v48 =	vld [tilespmem:s30+$0x70];
	[tilespmem:s24+$0x80] =	vst v16;
	v16 =	vunpack.i.l.bf16.f32 v20;
	v9 =	vadd.f32 v12, v39  }
0x35d: {  	v24 =	vld [tilespmem:s30+$0xFFFFFFF0];
	[tilespmem:s0+$0xC0] =	vst v8;
	v8 =	vunpack.i.l.bf16.f32 v49;
	v5 =	vadd.f32 v6, v5;
	v16 =	vmul.f32 v53, v16  }
0x35e: {  	v35 =	vsel vm0, v35, v51;
	v39 =	vsel vm0, v52, v9;
	v9 =	vperm.xlane v0, v59  }
0x35f: {  	[tilespmem:s26+$0x100] =	vst v23;
	v1 =	vsel vm1, v2, v1;
	v55 =	vld [tilespmem:s28+$0xE0];
	v23 =	vperm.xlane v35, v59;
	v6 =	vperm.xlane v39, v59  }
0x360: {  	v8 =	vmul.f32 v14, v8;
	v12 =	vperm.xlane v21, v56;
	v0 =	vadd.f32 v9, v0  }
0x361: {  	v27 =	vld [tilespmem:s28+$0x40];
	v21 =	vperm.xlane v21, v57;
	v23 =	vadd.f32 v23, v35;
	v6 =	vadd.f32 v6, v39  }
0x362: {  	v51 =	vunpack.i.u.bf16.f32 v24;
	v0 =	vsel vm1, v5, v0;
	v5 =	vperm.xlane v1, v62  }
0x363: {  	v52 =	vunpack.i.l.bf16.f32 v24;
	v6 =	vsel vm1, v23, v6;
	v23 =	vperm.xlane v0, v62  }
0x364: {  	v9 =	vperm.xlane v19, v56;
	v31 =	vunpack.i.u.bf16.f32 v55;
	v1 =	vadd.f32 v1, v5  }
0x365: {  	v39 =	vunpack.i.l.bf16.f32 v55;
	v0 =	vadd.f32 v0, v23;
	v23 =	vperm.xlane v6, v62  }
0x366: {  	v26 =	vmul.f32 v28, v31;
	v31 =	vunpack.i.l.bf16.f32 v27;
	v1 =	vmul.f32 $2.500000000e-01, v1  }
0x367: {  	[tilespmem:s24+$0x110] =	vst v11;
	v2 =	vmul.f32 v28, v39;
	v5 =	vunpack.i.u.bf16.f32 v30;
	v46 =	vadd.f32 v6, v23  }
0x368: {  	[tilespmem:s0+$0xE0] =	vst v26;
	v30 =	vunpack.i.u.bf16.f32 v27;
	v0 =	vmul.f32 $2.500000000e-01, v0;
	v6 =	vld [tilespmem:s25+$0xFFFFFFD0];
	v1 =	vmax.f32 v1, $-5.000000000e+00  }
0x369: {  	[tilespmem:s0+$0xD0] =	vst v2;
	v27 =	vperm.xlane v32, v56;
	v2 =	vmul.f32 $2.500000000e-01, v46;
	v1 =	vmin.f32 v1, $5.000000000e+00  }
0x36a: {  	[tilespmem:s24+$0xFFFFFFF0] =	vst v37;
	v17 =	vld [tilespmem:s28+$0xF0];
	v23 =	vunpack.i.l.bf16.f32 v44;
	v0 =	vmax.f32 v0, $-5.000000000e+00;
	v1 =	vmul.f32 $1.442695020e+00, v1  }
0x36b: {  	[tilespmem:s26+$0x110] =	vst v43;
	v23 =	vmul.f32 v50, v23;
	v0 =	vmin.f32 v0, $5.000000000e+00;
	v2 =	vmax.f32 v2, $-5.000000000e+00  }
0x36c: {  	[tilespmem:s26+$0xFFFFFF10] =	vst v47;
	v0 =	vmul.f32 $1.442695020e+00, v0;
	v2 =	vmin.f32 v2, $5.000000000e+00;
	(erf) = vpow2.f32 v1  }
0x36d: {  	[tilespmem:s24+$0xFFFFFF60] =	vst v38;
	v18 =	vunpack.i.u.bf16.f32 v6;
	v6 =	vunpack.i.l.bf16.f32 v6;
	v2 =	vmul.f32 $1.442695020e+00, v2  }
0x36e: {  	[tilespmem:s26+$0x20] =	vst v16;
	v16 =	vnsel vm2, $0x0, v21;
	(erf) = vpow2.f32 v0;
	v6 =	vmul.f32 v4, v6  }
0x36f: {  	v19 =	vperm.xlane v19, v57;
	v49 =	vunpack.i.u.bf16.f32 v17;
	[tilespmem:s26+$0xFFFFFF00] =	vst v23;
	v4 =	vmul.f32 v4, v18  }
0x370: {  	v50 =	vunpack.i.u.bf16.f32 v20;
	v0 =	vmul.f32 v27, v49;
	v18 =	vld [tilespmem:s25+$0xFFFFFF60];
	(erf) = vpow2.f32 v2;
	[tilespmem:s26+$0xFFFFFF90] =	vst v6  }
0x371: {  	v3 =	vunpack.i.l.bf16.f32 v48;
	v28 =	vunpack.i.u.bf16.f32 v29;
	v2 =	vmul.f32 v53, v50;
	[tilespmem:s26+$0xFFFFFFA0] =	vst v4  }
0x372: {  	v26 =	vnsel vm2, $0x0, v19;
	v1 =	vmul.f32 v33, v51;
	[tilespmem:s0+$0x100] =	vst v0;
	v6 =	vunpack.i.u.bf16.f32 v48;
	v20 =	vld [tilespmem:s25+$0xFFFFFFE0]  }
0x373: {  	v4 =	vunpack.i.l.bf16.f32 v17;
	v17 =	vperm.xlane v32, v57;
	v0 =	vmul.f32 v33, v52;
	[tilespmem:s26+$0x30] =	vst v2  }
0x374: {  	[tilespmem:s24+$0xFFFFFF50] =	vst v7;
	v32 =	vnsel vm2, $0x0, v22;
	v53 =	vmul.f32 v34, v3;
	v37 =	vmul.f32 v34, v6;
	v6 =	vld [tilespmem:s25+$0x60]  }
0x375: {  	[tilespmem:s24+$0xFFFFFF40] =	vst v8;
	v36 =	vmul.f32 v27, v4;
	v54 =	vunpack.i.l.bf16.f32 v18;
	v4 =	vunpack.i.u.bf16.f32 v18  }
0x376: {  	[tilespmem:s24+$0xFFFFFFE0] =	vst v1;
	v35 =	vnsel vm2, $0x0, v17;
	v3 =	vmul.f32 v15, v54;
	v4 =	vmul.f32 v15, v4;
	v24 =	vpop (erf)  }
0x377: {  	[tilespmem:s24+$0xFFFFFFD0] =	vst v0;
	v21 =	vunpack.i.u.bf16.f32 v20;
	v55 =	vperm.xlane v24, v60;
	v33 =	vpop (erf);
	v7 =	vperm.xlane v24, v61  }
0x378: {  	[tilespmem:s26+$0xFFFFFF20] =	vst v3;
	v19 =	vunpack.i.l.bf16.f32 v20;
	v17 =	vperm.xlane v33, v60;
	v14 =	vperm.xlane v33, v61  }
0x379: {  	[tilespmem:s26+$0xFFFFFF30] =	vst v4;
	v22 =	vunpack.i.u.bf16.f32 v6;
	v11 =	vpop (erf);
	v34 =	vmul.f32 v55, v25;
	v29 =	vmul.f32 v55, v5  }
0x37a: {  	s3 =	simm.s32 $0x2020;
	s30 =	simm.s32 $0x8;
	[tilespmem:s24+$0x60] =	vst v53;
	v20 =	vld [tilespmem:s25+$0xFFFFFF70];
	v23 =	vunpack.i.l.bf16.f32 v6;
	v18 =	vperm.xlane v11, v60;
	v25 =	vmul.f32 v17, v45  }
.LBB2_7:
0x37b: {  	[tilespmem:s0+$0xFFFFFEE0] =	vst v34  }
0x37c: {  	v5 =	vperm.xlane v11, v61;
	[tilespmem:s0+$0xFFFFFEF0] =	vst v29  }
0x37d: {  	v0 =	vld [tilespmem:s3+$0x80];
	v6 =	vperm.xlane v24, v63;
	[tilespmem:s0+$0xFFFFFF70] =	vst v25  }
0x37e: {  	v1 =	vmul.f32 v17, v28;
	v28 =	vld [tilespmem:s3+$0xA0];
	[tilespmem:$0x1FE20] =	vst v5  }
0x37f: {  	s29 =	sadd.s32 $0x100, s29;
	v45 =	vld [tilespmem:s3+$0xB0];
	v4 =	vmul.f32 v18, v30;
	[tilespmem:$0x1FEB0] =	vst v6;
	v6 =	vperm.xlane v33, v63  }
0x380: {  	v41 =	vperm.xlane v11, v63;
	v2 =	vmul.f32 v18, v31;
	v3 =	vld [tilespmem:s29+$0x40];
	[tilespmem:s0+$0xFFFFFF80] =	vst v1  }
0x381: {  	v25 =	vmovc v7;
	v7 =	vld [tilespmem:s29+$0x50];
	[tilespmem:s0+$0x10] =	vst v4;
	v8 =	vmul.f32 v13, v19;
	v44 =	vmul.f32 v13, v21;
	v13 =	vmov v6  }
0x382: {  	v5 =	vld [tilespmem:s3+$0x90];
	v43 =	vunpack.i.u.bf16.f32 v20;
	v29 =	vmul.f32 v10, v23;
	v4 =	vunpack.i.l.bf16.f32 v20;
	[tilespmem:$0x1FEA0] =	vst v13  }
0x383: {  	v31 =	vld [tilespmem:s29+$0x70];
	v13 =	vperm.xlane v24, v56;
	[tilespmem:$0x1FE50] =	vst v4;
	v4 =	vmul.f32 v10, v22;
	v30 =	vunpack.i.u.bf16.f32 v0  }
0x384: {  	[tilespmem:s0+$0x0] =	vst v2;
	v10 =	vmovc v41;
	v0 =	vunpack.i.l.bf16.f32 v0;
	v38 =	vunpack.i.u.bf16.f32 v28;
	v28 =	vunpack.i.l.bf16.f32 v28  }
0x385: {  	v49 =	vld [tilespmem:s3+$0xFFFFFF20];
	v40 =	vunpack.i.u.bf16.f32 v45;
	v1 =	vunpack.i.l.bf16.f32 v45;
	[tilespmem:$0x1FEC0] =	vst v10;
	v10 =	vperm.xlane v33, v56  }
0x386: {  	v50 =	vld [tilespmem:s29+$0xFFFFFFA0];
	[tilespmem:$0x1FE60] =	vst v43;
	v46 =	vunpack.i.u.bf16.f32 v3;
	v3 =	vunpack.i.l.bf16.f32 v3;
	v48 =	vunpack.i.u.bf16.f32 v7  }
0x387: {  	v6 =	vld [tilespmem:s29+$0x60];
	[tilespmem:s26+$0xFFFFFFB0] =	vst v8;
	v7 =	vunpack.i.l.bf16.f32 v7;
	v47 =	vunpack.i.u.bf16.f32 v5;
	v5 =	vunpack.i.l.bf16.f32 v5  }
0x388: {  	[tilespmem:s26+$0x40] =	vst v29;
	v0 =	vmul.f32 v3, v0;
	v2 =	vmul.f32 v46, v30;
	v30 =	vunpack.i.u.bf16.f32 v31  }
0x389: {  	v8 =	vld [tilespmem:s29+$0xFFFFFF80];
	v31 =	vunpack.i.l.bf16.f32 v31;
	[tilespmem:$0x1FE80] =	vst v10;
	v10 =	vperm.xlane v11, v56;
	v5 =	vmul.f32 v7, v5  }
0x38a: {  	v29 =	vld [tilespmem:s3+$0xFFFFFF10];
	[tilespmem:s26+$0x50] =	vst v4;
	v43 =	vunpack.i.u.bf16.f32 v49;
	v7 =	vmul.f32 v48, v47;
	v1 =	vmul.f32 v31, v1  }
0x38b: {  	[tilespmem:s24+$0x70] =	vst v37;
	v30 =	vmul.f32 v30, v40;
	v37 =	vunpack.i.l.bf16.f32 v49;
	v40 =	vunpack.i.u.bf16.f32 v50  }
0x38c: {  	[tilespmem:s26+$0xFFFFFFC0] =	vst v44;
	v4 =	vld [tilespmem:s29+$0xFFFFFF90];
	v39 =	vunpack.i.u.bf16.f32 v6;
	v6 =	vunpack.i.l.bf16.f32 v6;
	v43 =	vmul.f32 v40, v43  }
0x38d: {  	v0 =	vadd.f32 v0, v2;
	[tilespmem:$0x1FE90] =	vst v10;
	v10 =	vperm.xlane v24, v57;
	v6 =	vmul.f32 v6, v28  }
0x38e: {  	v53 =	vld [tilespmem:s3+$0xFFFFFF80];
	v52 =	vmul.f32 v39, v38;
	v54 =	vadd.f32 v5, v7;
	v1 =	vadd.f32 v1, v30  }
0x38f: {  	v61 =	vld [tilespmem:s29+$0xFFFFFFE0];
	v28 =	vunpack.i.u.bf16.f32 v8;
	v8 =	vunpack.i.l.bf16.f32 v8;
	v17 =	vunpack.i.u.bf16.f32 v29  }
0x390: {  	[tilespmem:s0+$0x110] =	vst v35;
	v35 =	vld [tilespmem:s29+$0xFFFFFFF0];
	v29 =	vunpack.i.l.bf16.f32 v29;
	v55 =	vperm.xlane v0, v58;
	v6 =	vadd.f32 v6, v52  }
0x391: {  	[tilespmem:$0x1FE30] =	vst v10;
	v10 =	vperm.xlane v33, v57;
	v56 =	vperm.xlane v54, v58;
	v38 =	vunpack.i.u.bf16.f32 v4  }
0x392: {  	[tilespmem:s0+$0xF0] =	vst v36;
	v36 =	vld [tilespmem:s3+$0x0];
	v41 =	vperm.xlane v1, v58;
	v5 =	vunpack.i.l.bf16.f32 v4;
	v60 =	vperm.xlane v6, v58  }
0x393: {  	s24 =	smov.u32 s26;
	v3 =	vld [tilespmem:s29+$0x0];
	v48 =	vunpack.i.u.bf16.f32 v53;
	v0 =	vadd.f32 v55, v0;
	v2 =	vadd.f32 v56, v54  }
0x394: {  	[tilespmem:s24+$0xFFFFFF60] =	vst v32;
	v49 =	vld [tilespmem:s29+$0x10];
	v34 =	vunpack.i.l.bf16.f32 v53;
	v1 =	vadd.f32 v41, v1;
	v6 =	vadd.f32 v60, v6  }
0x395: {  	v23 =	vmovc v42;
	v22 =	vmovc v9;
	v51 =	vld [tilespmem:s3+$0xFFFFFF30];
	v42 =	vunpack.i.l.bf16.f32 v61;
	v9 =	vunpack.i.u.bf16.f32 v35;
	v5 =	vmul.f32 v5, v29  }
0x396: {  	v32 =	vld [tilespmem:s29+$0xFFFFFFB0];
	v17 =	vmul.f32 v38, v17;
	v0 =	vsel vm0, v0, v2;
	v1 =	vsel vm0, v6, v1  }
0x397: {  	v30 =	vld [tilespmem:s29+$0xFFFFFFD0];
	v41 =	vunpack.i.l.bf16.f32 v50;
	v6 =	vperm.xlane v0, v59;
	v45 =	vperm.xlane v1, v59  }
0x398: {  	v7 =	vld [tilespmem:s3+$0xFFFFFF90];
	[tilespmem:$0x1FE40] =	vst v10;
	v56 =	vunpack.i.u.bf16.f32 v61;
	v19 =	vunpack.i.u.bf16.f32 v36;
	v10 =	vunpack.i.l.bf16.f32 v36  }
0x399: {  	v24 =	vmovc v11;
	v11 =	vunpack.i.u.bf16.f32 v3;
	v0 =	vadd.f32 v6, v0;
	v1 =	vadd.f32 v45, v1  }
0x39a: {  	v63 =	vld [tilespmem:s3+$0xFFFFFFB0];
	v3 =	vunpack.i.l.bf16.f32 v3;
	v15 =	vunpack.i.u.bf16.f32 v49;
	v49 =	vunpack.i.l.bf16.f32 v49  }
0x39b: {  	v57 =	vld [tilespmem:s3+$0xFFFFFFA0];
	v44 =	vunpack.i.u.bf16.f32 v51;
	v4 =	vunpack.i.l.bf16.f32 v51;
	v0 =	vsel vm1, v0, v1  }
0x39c: {  	v53 =	vld [tilespmem:s29+$0x20];
	v52 =	vunpack.i.u.bf16.f32 v30;
	v27 =	vunpack.i.l.bf16.f32 v30;
	v30 =	vperm.xlane v0, v62  }
0x39d: {  	v55 =	vld [tilespmem:s3+$0x30];
	v46 =	vunpack.i.u.bf16.f32 v32;
	v47 =	vunpack.i.l.bf16.f32 v32;
	v50 =	vunpack.i.u.bf16.f32 v7  }
0x39e: {  	v31 =	vld [tilespmem:s29+$0xFFFFFFC0];
	v7 =	vunpack.i.l.bf16.f32 v7;
	v3 =	vmul.f32 v3, v10;
	v0 =	vadd.f32 v0, v30  }
0x39f: {  	v61 =	vld [tilespmem:s3+$0xFFFFFF40];
	v5 =	vadd.f32 v5, v17;
	v4 =	vmul.f32 v47, v4;
	v17 =	vmul.f32 v46, v44  }
0x3a0: {  	v32 =	vld [tilespmem:s3+$0x10];
	v60 =	vunpack.i.l.bf16.f32 v63;
	v7 =	vmul.f32 v27, v7;
	v0 =	vmul.f32 $2.500000000e-01, v0  }
0x3a1: {  	v20 =	vmovc v14;
	v51 =	vld [tilespmem:s3+$0x20];
	v54 =	vunpack.i.u.bf16.f32 v57;
	v39 =	vunpack.i.l.bf16.f32 v57;
	v14 =	vunpack.i.l.bf16.f32 v53  }
0x3a2: {  	v18 =	vunpack.i.u.bf16.f32 v55;
	v55 =	vunpack.i.l.bf16.f32 v55;
	v0 =	vmax.f32 v0, $-5.000000000e+00  }
0x3a3: {  	v58 =	vld [tilespmem:s3+$0xFFFFFF00];
	v4 =	vadd.f32 v4, v17;
	v17 =	vmul.f32 v52, v50;
	v0 =	vmin.f32 v0, $5.000000000e+00  }
0x3a4: {  	v59 =	vunpack.i.u.bf16.f32 v63;
	v63 =	vunpack.i.l.bf16.f32 v35;
	v0 =	vmul.f32 $1.442695020e+00, v0  }
0x3a5: {  	v21 =	vmovc v12;
	v57 =	vld [tilespmem:s29+$0x30];
	v29 =	vunpack.i.u.bf16.f32 v61;
	v6 =	vunpack.i.u.bf16.f32 v31;
	v12 =	vunpack.i.u.bf16.f32 v32  }
0x3a6: {  	[tilespmem:$0x1FE70] =	vst v13;
	v52 =	vld [tilespmem:s3+$0xC0];
	v13 =	vunpack.i.l.bf16.f32 v32;
	v2 =	vunpack.i.u.bf16.f32 v51;
	(erf) = vpow2.f32 v0  }
0x3a7: {  	v35 =	vld [tilespmem:s28+$0xFFFFFFD0];
	v32 =	vunpack.i.u.bf16.f32 v53;
	v7 =	vadd.f32 v7, v17;
	v17 =	vmul.f32 v63, v60  }
0x3a8: {  	v53 =	vld [tilespmem:s25+$0xFFFFFFF0];
	v6 =	vmul.f32 v6, v48;
	v1 =	vmovc v16;
	v16 =	vunpack.i.u.bf16.f32 v58;
	v58 =	vunpack.i.l.bf16.f32 v58  }
0x3a9: {  	v51 =	vunpack.i.l.bf16.f32 v51;
	v8 =	vmul.f32 v8, v58;
	v58 =	vld [tilespmem:$0x1FF80];
	v16 =	vmul.f32 v28, v16  }
0x3aa: {  	v60 =	vld [tilespmem:$0x1FF90];
	v45 =	vunpack.i.l.bf16.f32 v31;
	v12 =	vmul.f32 v15, v12;
	v14 =	vmul.f32 v14, v51  }
0x3ab: {  	v30 =	vld [tilespmem:s3+$0xFFFFFFC0];
	[tilespmem:s24+$0xFFFFFFF0] =	vst v1;
	v1 =	vunpack.i.u.bf16.f32 v57;
	v8 =	vadd.f32 v8, v16;
	v16 =	vmul.f32 v41, v37  }
0x3ac: {  	v34 =	vmul.f32 v45, v34;
	v15 =	vunpack.i.l.bf16.f32 v52;
	v1 =	vmul.f32 v1, v18  }
0x3ad: {  	v33 =	vld [tilespmem:s28+$0x50];
	v16 =	vadd.f32 v16, v43;
	v43 =	vmul.f32 v9, v59;
	v9 =	vmul.f32 v11, v19  }
0x3ae: {  	v31 =	vld [tilespmem:s3+$0x40];
	v6 =	vadd.f32 v34, v6;
	v11 =	vmul.f32 v49, v13;
	v44 =	vperm.xlane v8, v58  }
0x3af: {  	v10 =	vadd.f32 v17, v43;
	v17 =	vmul.f32 v32, v2;
	v0 =	vld [tilespmem:s25+$0x70];
	[tilespmem:s24+$0x80] =	vst v26;
	v26 =	vmul.f32 v42, v39;
	v27 =	vpop (erf)  }
0x3b0: {  	v28 =	vunpack.i.l.bf16.f32 v57;
	v42 =	vmul.f32 v56, v54;
	v13 =	vperm.xlane v27, v60  }
0x3b1: {  	v3 =	vadd.f32 v3, v9;
	v9 =	vmul.f32 v28, v55;
	v11 =	vadd.f32 v11, v12  }
0x3b2: {  	v39 =	vadd.f32 v26, v42;
	v26 =	vunpack.i.u.bf16.f32 v52;
	v15 =	vmul.f32 v13, v15  }
0x3b3: {  	s26 =	smov.u32 s0;
	s0 =	sadd.s32 $0x240, s0;
	v12 =	vadd.f32 v14, v17;
	v14 =	vperm.xlane v5, v58;
	v13 =	vmul.f32 v13, v26  }
0x3b4: {  	v59 =	vld [tilespmem:$0x1FFA0];
	v2 =	vadd.f32 v44, v8;
	v8 =	vperm.xlane v6, v58;
	v1 =	vadd.f32 v9, v1;
	[tilespmem:s0+$0x90] =	vst v15  }
0x3b5: {  	v45 =	vunpack.i.l.bf16.f32 v61;
	v61 =	vld [tilespmem:$0x1FFB0];
	v17 =	vperm.xlane v7, v58;
	v5 =	vadd.f32 v14, v5;
	[tilespmem:s0+$0xA0] =	vst v13  }
0x3b6: {  	v28 =	vperm.xlane v11, v58;
	v6 =	vadd.f32 v8, v6;
	v8 =	vperm.xlane v1, v58;
	v9 =	vld [tilespmem:s3+$0xD0]  }
0x3b7: {  	v7 =	vadd.f32 v17, v7;
	v14 =	vperm.xlane v39, v58;
	v2 =	vsel vm0, v2, v5  }
0x3b8: {  	v5 =	vadd.f32 v28, v11;
	v1 =	vadd.f32 v8, v1;
	v13 =	vperm.xlane v16, v58  }
0x3b9: {  	v6 =	vsel vm0, v6, v7;
	v8 =	vperm.xlane v2, v59;
	v15 =	vperm.xlane v4, v58  }
0x3ba: {  	v46 =	vperm.xlane v27, v61;
	v26 =	vperm.xlane v10, v58;
	v13 =	vadd.f32 v13, v16  }
0x3bb: {  	v16 =	vperm.xlane v3, v58;
	v4 =	vadd.f32 v15, v4;
	v47 =	vunpack.i.l.bf16.f32 v9  }
0x3bc: {  	v15 =	vperm.xlane v12, v58;
	v9 =	vunpack.i.u.bf16.f32 v9;
	v17 =	vmul.f32 v46, v47  }
0x3bd: {  	v14 =	vadd.f32 v14, v39;
	v10 =	vadd.f32 v26, v10;
	v9 =	vmul.f32 v46, v9  }
0x3be: {  	v3 =	vadd.f32 v16, v3;
	v4 =	vsel vm0, v13, v4;
	v11 =	vadd.f32 v15, v12;
	[tilespmem:s0+$0xB0] =	vst v17  }
0x3bf: {  	v63 =	vld [tilespmem:$0x1FFC0];
	v7 =	vsel vm0, v14, v10;
	v10 =	vperm.xlane v6, v59;
	[tilespmem:s0+$0xC0] =	vst v9;
	v9 =	vperm.xlane v4, v59  }
0x3c0: {  	v3 =	vsel vm0, v3, v5;
	v1 =	vsel vm0, v11, v1;
	v11 =	vperm.xlane v7, v59;
	v5 =	vld [tilespmem:s3+$0xE0]  }
0x3c1: {  	v2 =	vadd.f32 v8, v2;
	v8 =	vperm.xlane v3, v59;
	v4 =	vadd.f32 v9, v4  }
0x3c2: {  	v6 =	vadd.f32 v10, v6;
	v7 =	vadd.f32 v11, v7  }
0x3c3: {  	v12 =	vperm.xlane v1, v59;
	v3 =	vadd.f32 v8, v3;
	v2 =	vsel vm1, v2, v4  }
0x3c4: {  	v9 =	vperm.xlane v27, v63;
	v4 =	vsel vm1, v6, v7;
	v6 =	vperm.xlane v2, v62  }
0x3c5: {  	v1 =	vadd.f32 v12, v1;
	v7 =	vperm.xlane v4, v62;
	v8 =	vunpack.i.l.bf16.f32 v5  }
0x3c6: {  	v8 =	vmul.f32 v9, v8;
	v2 =	vadd.f32 v2, v6  }
0x3c7: {  	v1 =	vsel vm1, v3, v1;
	v4 =	vadd.f32 v4, v7  }
0x3c8: {  	[tilespmem:s0+$0xD0] =	vst v8;
	v8 =	vperm.xlane v1, v62;
	v2 =	vmul.f32 $2.500000000e-01, v2  }
0x3c9: {  	v4 =	vmul.f32 $2.500000000e-01, v4  }
0x3ca: {  	v1 =	vadd.f32 v1, v8;
	v2 =	vmax.f32 v2, $-5.000000000e+00  }
0x3cb: {  	v8 =	vunpack.i.u.bf16.f32 v35;
	v4 =	vmax.f32 v4, $-5.000000000e+00;
	v2 =	vmin.f32 v2, $5.000000000e+00  }
0x3cc: {  	v4 =	vmin.f32 v4, $5.000000000e+00;
	v50 =	vmul.f32 v20, v8;
	v8 =	vld [tilespmem:$0x1FE20];
	v2 =	vmul.f32 $1.442695020e+00, v2  }
0x3cd: {  	v5 =	vunpack.i.u.bf16.f32 v5;
	v4 =	vmul.f32 $1.442695020e+00, v4  }
0x3ce: {  	v36 =	vld [tilespmem:s28+$0xFFFFFF50];
	v5 =	vmul.f32 v9, v5;
	v9 =	vunpack.i.l.bf16.f32 v35;
	(erf) = vpow2.f32 v2  }
0x3cf: {  	(erf) = vpow2.f32 v4;
	v4 =	vmul.f32 v20, v9  }
0x3d0: {  	v13 =	vunpack.i.l.bf16.f32 v33;
	[tilespmem:s0+$0xE0] =	vst v5  }
0x3d1: {  	[tilespmem:s26+$0xFFFFFF90] =	vst v4;
	v4 =	vmul.f32 v8, v13  }
0x3d2: {  	v5 =	vld [tilespmem:s3+$0xF0]  }
0x3d3: {  	v7 =	vunpack.i.l.bf16.f32 v36;
	[tilespmem:s26+$0x20] =	vst v4;
	v4 =	vld [tilespmem:$0x1FE50]  }
0x3d4: {  	v6 =	vunpack.i.u.bf16.f32 v36;
	v7 =	vmul.f32 v25, v7  }
0x3d5: {  	v49 =	vmul.f32 v25, v6  }
0x3d6: {  	v57 =	vld [tilespmem:$0x1FFE0];
	[tilespmem:s26+$0xFFFFFF00] =	vst v7  }
0x3d7: {  	s25 =	smov.u32 s28;
	v56 =	vld [tilespmem:$0x1FFD0];
	[tilespmem:s26+$0xFFFFFF10] =	vst v49;
	v1 =	vmul.f32 $2.500000000e-01, v1  }
0x3d8: {  	v12 =	vunpack.i.u.bf16.f32 v5;
	v51 =	vunpack.i.l.bf16.f32 v5;
	v5 =	vld [tilespmem:s25+$0xFFFFFF60];
	v4 =	vmul.f32 v23, v4  }
0x3d9: {  	v13 =	vld [tilespmem:$0x1FE40]  }
0x3da: {  	v48 =	vunpack.i.l.bf16.f32 v30;
	v10 =	vunpack.i.u.bf16.f32 v33;
	v1 =	vmax.f32 v1, $-5.000000000e+00;
	[tilespmem:s24+$0xFFFFFF40] =	vst v4;
	v4 =	vld [tilespmem:$0x1FE90]  }
0x3db: {  	v52 =	vperm.xlane v24, v57;
	v1 =	vmin.f32 v1, $5.000000000e+00;
	v8 =	vmul.f32 v8, v10  }
0x3dc: {  	v28 =	vunpack.i.u.bf16.f32 v30;
	v11 =	vperm.xlane v27, v56;
	v1 =	vmul.f32 $1.442695020e+00, v1;
	v10 =	vld [tilespmem:$0x1FE30]  }
0x3dd: {  	v15 =	vperm.xlane v27, v57;
	v6 =	vunpack.i.l.bf16.f32 v53;
	v7 =	vunpack.i.u.bf16.f32 v0;
	[tilespmem:s26+$0x30] =	vst v8;
	v8 =	vld [tilespmem:$0x1FE80]  }
0x3de: {  	v12 =	vmul.f32 v11, v12;
	(erf) = vpow2.f32 v1;
	v16 =	vnsel vm2, $0x0, v13;
	v13 =	vld [tilespmem:$0x1FE60]  }
0x3df: {  	v0 =	vunpack.i.l.bf16.f32 v0;
	[tilespmem:s26+$0xFFFFFFA0] =	vst v50;
	v54 =	vunpack.i.u.bf16.f32 v5;
	v9 =	vmovc v4;
	v4 =	vunpack.i.l.bf16.f32 v5;
	v5 =	vld [tilespmem:$0x1FEB0]  }
0x3e0: {  	v14 =	vld [tilespmem:$0x1FE70];
	v0 =	vmul.f32 v22, v0;
	v37 =	vmul.f32 v22, v7;
	[tilespmem:s0+$0x100] =	vst v12;
	v12 =	vunpack.i.u.bf16.f32 v53  }
0x3e1: {  	v36 =	vmul.f32 v11, v51;
	v53 =	vmul.f32 v21, v6;
	v32 =	vnsel vm2, $0x0, v10;
	v10 =	vld [tilespmem:s25+$0xFFFFFFE0];
	v24 =	vpop (erf)  }
0x3e2: {  	s30 =	sadd.s32 $0x4, s30;
	v30 =	vunpack.i.u.bf16.f32 v31;
	v6 =	vmul.f32 v21, v12;
	v55 =	vperm.xlane v24, v60  }
0x3e3: {  	p0 =	slt.u32 s30, $0x2C;
	[tilespmem:s24+$0xFFFFFFD0] =	vst v53;
	v12 =	vmov v8;
	v8 =	vld [tilespmem:s25+$0x60];
	v7 =	vperm.xlane v24, v61;
	v33 =	vpop (erf);
	v13 =	vmul.f32 v23, v13  }
.Ltmp2:
0x3e4: {  	v31 =	vunpack.i.l.bf16.f32 v31;
	[tilespmem:s24+$0xFFFFFFE0] =	vst v6;
	v17 =	vperm.xlane v33, v60;
	v4 =	vmul.f32 v5, v4;
	(pc) =	sbr.rel @p0 .LBB2_7-.Ltmp2, $4  }
0x3e5: {  	v26 =	vnsel vm2, $0x0, v52;
	v42 =	vmovc v14;
	v14 =	vperm.xlane v33, v61;
	[tilespmem:s24+$0xFFFFFF50] =	vst v13;
	v2 =	vmul.f32 v5, v54  }
0x3e6: {  	v34 =	vmul.f32 v55, v45;
	v21 =	vunpack.i.u.bf16.f32 v10;
	v19 =	vunpack.i.l.bf16.f32 v10;
	v10 =	vld [tilespmem:$0x1FEC0];
	[tilespmem:s26+$0xFFFFFF20] =	vst v4  }
0x3e7: {  	v35 =	vnsel vm2, $0x0, v15;
	v29 =	vmul.f32 v55, v29;
	v11 =	vpop (erf);
	v25 =	vmul.f32 v17, v48;
	v13 =	vld [tilespmem:$0x1FEA0];
	[tilespmem:s26+$0xFFFFFF30] =	vst v2  }
0x3e8: {  	s28 =	smov.u32 s3;
	s3 =	sadd.s32 $0x200, s3;
	[tilespmem:s24+$0x60] =	vst v0;
	v18 =	vperm.xlane v11, v60;
	v22 =	vunpack.i.u.bf16.f32 v8;
	v23 =	vunpack.i.l.bf16.f32 v8;
	v20 =	vld [tilespmem:s25+$0xFFFFFF70]  }
0x3e9: {  	[tilespmem:s0+$0xFFFFFEE0] =	vst v34  }
0x3ea: {  	[tilespmem:s0+$0xFFFFFEF0] =	vst v29  }
0x3eb: {  	[tilespmem:s0+$0xFFFFFF70] =	vst v25  }
0x3ec: {  	[tilespmem:s24+$0x70] =	vst v37  }
0x3ed: {  	[tilespmem:s0+$0xF0] =	vst v36  }
0x3ee: {  	v0 =	vmul.f32 v17, v28;
	[tilespmem:s26+$0xFFFFFF60] =	vst v32  }
0x3ef: {  	[tilespmem:s0+$0x110] =	vst v35;
	v1 =	vmul.f32 v18, v31  }
0x3f0: {  	v2 =	vmul.f32 v18, v30;
	[tilespmem:s0+$0xFFFFFF80] =	vst v0  }
0x3f1: {  	v51 =	vmul.f32 v10, v23;
	[tilespmem:s0+$0x0] =	vst v1  }
0x3f2: {  	v53 =	vld [tilespmem:s28+$0xFFFFFF50];
	v52 =	vmul.f32 v10, v22;
	[tilespmem:s0+$0x10] =	vst v2  }
0x3f3: {  	v49 =	vmul.f32 v13, v19;
	[tilespmem:s26+$0x40] =	vst v51  }
0x3f4: {  	v50 =	vmul.f32 v13, v21;
	v54 =	vld [tilespmem:s28+$0xFFFFFFD0];
	[tilespmem:s26+$0x50] =	vst v52  }
0x3f5: {  	[tilespmem:s26+$0xFFFFFFB0] =	vst v49  }
0x3f6: {  	v55 =	vld [tilespmem:s28+$0x50];
	v19 =	vunpack.i.l.bf16.f32 v20;
	[tilespmem:s26+$0xFFFFFFC0] =	vst v50  }
0x3f7: {  	v5 =	vld [tilespmem:s25+$0x70];
	[tilespmem:s26+$0x80] =	vst v26;
	v22 =	vmul.f32 v42, v19;
	v4 =	vunpack.i.l.bf16.f32 v53  }
0x3f8: {  	v3 =	vld [tilespmem:s25+$0xFFFFFFF0];
	[tilespmem:s26+$0xFFFFFFF0] =	vst v16;
	v1 =	vunpack.i.u.bf16.f32 v53;
	v4 =	vmul.f32 v7, v4  }
0x3f9: {  	v1 =	vmul.f32 v7, v1;
	[tilespmem:s26+$0xFFFFFF40] =	vst v22;
	v6 =	vunpack.i.l.bf16.f32 v54  }
0x3fa: {  	v10 =	vperm.xlane v11, v61;
	v0 =	vunpack.i.u.bf16.f32 v54;
	[tilespmem:s0+$0xFFFFFF00] =	vst v4;
	v13 =	vmul.f32 v14, v6  }
0x3fb: {  	v15 =	vunpack.i.l.bf16.f32 v55;
	[tilespmem:s0+$0xFFFFFF10] =	vst v1;
	v0 =	vmul.f32 v14, v0  }
0x3fc: {  	v16 =	vunpack.i.u.bf16.f32 v55;
	v17 =	vld [tilespmem:s28+$0xFFFFFF60];
	v18 =	vmul.f32 v10, v15;
	[tilespmem:s0+$0xFFFFFF90] =	vst v13  }
0x3fd: {  	v21 =	vunpack.i.u.bf16.f32 v20;
	v1 =	vmul.f32 v10, v16;
	[tilespmem:s0+$0xFFFFFFA0] =	vst v0  }
0x3fe: {  	v31 =	vunpack.i.l.bf16.f32 v5;
	v0 =	vmul.f32 v42, v21;
	[tilespmem:s0+$0x20] =	vst v18;
	v25 =	vld [tilespmem:s28+$0xFFFFFFE0]  }
0x3ff: {  	v23 =	vunpack.i.l.bf16.f32 v3;
	v32 =	vmul.f32 v9, v31;
	[tilespmem:s0+$0x30] =	vst v1  }
0x400: {  	v26 =	vperm.xlane v24, v63;
	v3 =	vunpack.i.u.bf16.f32 v3;
	v6 =	vmul.f32 v12, v23;
	v27 =	vld [tilespmem:s28+$0x60];
	[tilespmem:s26+$0xFFFFFF50] =	vst v0  }
0x401: {  	v3 =	vmul.f32 v12, v3;
	[tilespmem:s26+$0x60] =	vst v32;
	v8 =	vunpack.i.l.bf16.f32 v17  }
0x402: {  	v30 =	vperm.xlane v33, v63;
	[tilespmem:s26+$0xFFFFFFD0] =	vst v6;
	v28 =	vunpack.i.u.bf16.f32 v17;
	v29 =	vmul.f32 v26, v8  }
0x403: {  	[tilespmem:s26+$0xFFFFFFE0] =	vst v3;
	v0 =	vmul.f32 v26, v28;
	v34 =	vunpack.i.l.bf16.f32 v25  }
0x404: {  	v35 =	vperm.xlane v11, v63;
	v7 =	vunpack.i.u.bf16.f32 v25;
	[tilespmem:s0+$0xFFFFFF20] =	vst v29;
	v36 =	vmul.f32 v30, v34  }
0x405: {  	[tilespmem:s0+$0xFFFFFF30] =	vst v0;
	v37 =	vunpack.i.l.bf16.f32 v27;
	v38 =	vmul.f32 v30, v7  }
0x406: {  	v4 =	vunpack.i.u.bf16.f32 v27;
	v39 =	vld [tilespmem:s28+$0xFFFFFF70];
	v2 =	vmul.f32 v35, v37;
	[tilespmem:s0+$0xFFFFFFB0] =	vst v36  }
0x407: {  	v41 =	vperm.xlane v24, v57;
	v3 =	vmul.f32 v35, v4;
	[tilespmem:s0+$0xFFFFFFC0] =	vst v38  }
0x408: {  	v40 =	vunpack.i.u.bf16.f32 v5;
	[tilespmem:s0+$0x40] =	vst v2;
	v42 =	vld [tilespmem:s28+$0xFFFFFFF0]  }
0x409: {  	v43 =	vperm.xlane v33, v57;
	v1 =	vnsel vm2, $0x0, v41;
	v0 =	vmul.f32 v9, v40;
	[tilespmem:s0+$0x50] =	vst v3  }
0x40a: {  	v44 =	vperm.xlane v24, v56;
	v45 =	vperm.xlane v11, v57;
	[tilespmem:s0+$0xFFFFFF60] =	vst v1;
	v46 =	vld [tilespmem:s28+$0x70]  }
0x40b: {  	v47 =	vperm.xlane v33, v56;
	v4 =	vnsel vm2, $0x0, v43;
	[tilespmem:s26+$0x70] =	vst v0;
	v48 =	vunpack.i.l.bf16.f32 v39  }
0x40c: {  	v49 =	vnsel vm2, $0x0, v45;
	[tilespmem:s0+$0xFFFFFFF0] =	vst v4;
	v50 =	vunpack.i.u.bf16.f32 v39;
	v51 =	vmul.f32 v44, v48  }
0x40d: {  	[tilespmem:s0+$0x80] =	vst v49;
	v3 =	vmul.f32 v44, v50;
	v52 =	vunpack.i.l.bf16.f32 v42  }
0x40e: {  	s23 =	sadd.s32 $0x1, s23;
	v53 =	vperm.xlane v11, v56;
	v2 =	vunpack.i.u.bf16.f32 v42;
	v1 =	vmul.f32 v47, v52;
	[tilespmem:s0+$0xFFFFFF40] =	vst v51  }
0x40f: {  	p0 =	sne.s32 s23, s16;
	v54 =	vunpack.i.l.bf16.f32 v46;
	v2 =	vmul.f32 v47, v2;
	[tilespmem:s0+$0xFFFFFF50] =	vst v3  }
.Ltmp3:
0x410: {  	v0 =	vunpack.i.u.bf16.f32 v46;
	v55 =	vmul.f32 v53, v54;
	[tilespmem:s0+$0xFFFFFFD0] =	vst v1;
	(pc) =	sbr.rel @p0 .LBB2_4-.Ltmp3, $4  }
0x411: {  	v0 =	vmul.f32 v53, v0;
	[tilespmem:s0+$0xFFFFFFE0] =	vst v2  }
0x412: {  	[tilespmem:s0+$0x60] =	vst v55  }
0x413: {  	[tilespmem:s0+$0x70] =	vst v0  }
0x414: {  	[spmem:s2] =	stream.indirect.scatter.add.f32 [tilespmem:s21], [sflag:$0x4], $0x90, s20, s13, $0xb8;
	[tilespmem:$0x1E2A0] =	vst v63  }
0x415: {  	_ =	swait.ge [sflag:s22], $0x1B00  }
0x416: {  	[sflag:s22] =	ssyncset.done $0x0  }
0x417: {  	[sflag:s22] =	ssyncadd.s32 $0xFFFFE500  }
0x418: {  	s0 =	stileid.u32;
	[bflag:$0x0] =	sbarrier.arrive $0xFFFF  }
0x419: {  	s0 =	sshll.u32 s0, $0x6;
	s3 =	rddreg [dreg:$0x9]  }
0x41a: {  	s0 =	sor.u32 $0x1C07, s0;
	s23 =	rddreg [dreg:$0x10]  }
0x41b: {  	[hbm:s3], [sflag:s0] =	dma.local [spmem:s23], $0x2C70  }
0x41c: {  	_ =	swait.ge [sflag:s12], $0x2C70  }
0x41d: {  	s4 =	sadd.s32 $0x1, s4;
	s31 =	rddreg [dreg:$0xa]  }
0x41e: {  	p0 =	sne.s32 s4, s31  }
.Ltmp4:
0x41f: {  	_ = 	snop;
	(pc) =	sbr.rel @p0 .LBB2_1-.Ltmp4, $3  }
0x420: {  	_ =	sdelay $0x1  }
0x421: {  	[sflag:s12] =	ssyncset.done $0x0  }
0x422: {  	v0 =	vimm.f32 $0.0e+00;
	[sflag:s12] =	ssyncadd.s32 $0xFFFFD390  }
0x423: {  	_ =	sfence.sel $0x180000  }
0x424: {  	[bflag:$0x0] =	sbarrier.arrive $0xFFFF  }
0x425: {  	_ =	strace $0x90000047  }
0x426: {  	s0 =	stileid.u32;
	[bflag:$0x2] =	sbarrier.arrive $0xFFFF  }
0x427: {  	p0 =	sne.s32 s0, $0x0;
	s0 =	rddreg [dreg:$0x3]  }
0x428: {  	s0 =	sadd.s32 @!p0 $0x100000, s0  }
0x429: {  	[sflag:s0] =	ssyncadd.tile.s32 @!p0 $0x1;
	_ =	shalt  }
.Lfunc_end2:
_tile_overlayer_lowered:
.L_overlay_start_2:
0x42a: {  	(tag) =	ssettag $0x2  }
0x42b: {  	s0 =	rddreg [dreg:$0x0];
	s2 =	stileid.u32  }
0x42c: {  	s1 =	rddreg [dreg:$0x1];
	p0 =	sne.s32 s2, $0x0  }
0x42d: {  	s3 =	rddreg [dreg:$0x2];
	[bflag:$0x3] =	sbarrier.arrive $0xFFFF;
	s2 =	simm.s32 @!p0 $0x1C07  }
0x42e: {  	[timem:s3], [sflag:s2] =	dma.local @!p0 [hbm:s0], s1  }
0x42f: {  	s0 =	simm.s32 @!p0 $0x7  }
0x430: {  	_ =	swait.ge @!p0 [sflag:s0], s1  }
0x431: {  	s1 =	ssub.s32 @!p0 $0x0, s1;
	[sflag:s0] =	ssyncset.done @!p0 $0x0  }
0x432: {  	[sflag:s0] =	ssyncadd.s32 @!p0 s1  }
0x433: {  	[bflag:$0x3] =	sbarrier.arrive $0xFFFF  }
0x434: {  	_ =	shalt  }

</sc_bundles>
